<compile_context>
chip_gen: v7x
topology: tpu7x:2x2x1
jax: 0.10.2.dev20260603
libtpu: 0.0.44.dev20260713+nightly
codegen_flags: <defaults>
</compile_context>

<pallas_src>
import dataclasses
import functools

import jax
import jax.numpy as jnp
from jax import lax
from jax.experimental import pallas as pl
from jax.experimental.pallas import tpu as pltpu
from jax.experimental.pallas import tpu_sc as plsc

N_SUB = 10000
N_EDGES = 320000
D = 128
C_OUT = 47
C_PAD = 48

NC, NS = 2, 16
NW = NC * NS
NP = 10240
RPS = NP // NS
CH = 128
E_PAD = 327680
N_CHUNK = E_PAD // CH
CPW = N_CHUNK // NW
CPC = N_CHUNK // NC
IBLK = 32
NL_BIG, NL_SMALL = 4, 1
CPW_BIG = IBLK * NL_BIG
CPW_SMALL = IBLK * NL_SMALL
BIG_CHUNKS = CPW_BIG * NS
BIG_CORE = 0
GW = 64
NPW = NP // NW

@functools.cache
def _sc_params():
    cp = pltpu.CompilerParams()
    if "needs_layout_passes" in pltpu.CompilerParams.__dataclass_fields__:
        cp = dataclasses.replace(cp, needs_layout_passes=False)
    return cp


@functools.cache
def _mesh():
    return plsc.VectorSubcoreMesh(core_axis_name="core", subcore_axis_name="subcore",
                                  num_cores=NC, num_subcores=NS)


def _sc_gather_deg(emb, inp_p, dst2d):

    @functools.partial(
        pl.kernel,
        out_type=(
            jax.ShapeDtypeStruct((NP, D), jnp.float32),
            jax.ShapeDtypeStruct((NW, NP), jnp.float32),
        ),
        mesh=_mesh(),
        compiler_params=_sc_params(),
        scratch_types=[
            pltpu.VMEM((NP,), jnp.float32),
            pltpu.VMEM((NPW,), jnp.int32),
            pltpu.VMEM((GW, D), jnp.float32),
            pltpu.VMEM((CPW, CH), jnp.int32),
            pltpu.SemaphoreType.DMA,
        ],
    )
    def k(emb_hbm, inp_hbm, dst_hbm, h0_hbm, deg_hbm,
          deg_loc, gidx, grow, didx, sem):
        cid = lax.axis_index("core")
        sid = lax.axis_index("subcore")
        wid = cid * NS + sid

        @pl.loop(0, NP // 16)
        def _(i):
            deg_loc[pl.ds(i * 16, 16)] = jnp.zeros((16,), jnp.float32)

        pltpu.sync_copy(inp_hbm.at[pl.ds(wid * NPW, NPW)], gidx)

        @pl.loop(0, NPW // GW)
        def _(j):
            r0 = wid * NPW + j * GW
            pltpu.async_copy(emb_hbm.at[gidx.at[pl.ds(j * GW, GW)]], grow, sem).wait()
            pltpu.sync_copy(grow, h0_hbm.at[pl.ds(r0, GW)])

        pltpu.sync_copy(dst_hbm.at[pl.ds(cid * CPC + sid * CPW, CPW)], didx)

        ones16 = jnp.full((16,), 1.0, jnp.float32)

        @pl.loop(0, CPW)
        def _(j):
            for g in range(CH // 16):
                idx16 = didx[j, pl.ds(g * 16, 16)]
                plsc.addupdate_scatter(deg_loc, [idx16], ones16)

        pltpu.sync_copy(deg_loc, deg_hbm.at[wid])

    return k(emb, inp_p, dst2d)


def _sc_edge_agg(h, src2d, dst2d):

    @functools.partial(
        pl.kernel,
        out_type=jax.ShapeDtypeStruct((NC, NP, D), jnp.float32),
        mesh=_mesh(),
        scratch_types=[
            pltpu.VMEM_SHARED((NP, D), jnp.float32),
            pltpu.VMEM((IBLK, CH), jnp.int32),
            pltpu.VMEM((IBLK, CH), jnp.int32),
            pltpu.VMEM((CH, D), jnp.float32),
            pltpu.VMEM((CH, D), jnp.float32),
            pltpu.SemaphoreType.DMA,
            pltpu.SemaphoreType.DMA,
        ],
    )
    def k(h_hbm, src_hbm, dst_hbm, out_hbm, acc_sh, sidx, didx,
          rows0, rows1, sem0, sem1):
        cid = lax.axis_index("core")
        sid = lax.axis_index("subcore")

        @pl.loop(0, CH)
        def _(i):
            for c16 in range(D // 16):
                rows0[i, pl.ds(c16 * 16, 16)] = jnp.zeros((16,), jnp.float32)

        @pl.loop(0, RPS // CH)
        def _(kk):
            pltpu.sync_copy(rows0, acc_sh.at[pl.ds(sid * RPS + kk * CH, CH)])

        plsc.subcore_barrier()

        def run_block(c0):
            pltpu.sync_copy(src_hbm.at[pl.ds(c0, IBLK)], sidx)
            pltpu.sync_copy(dst_hbm.at[pl.ds(c0, IBLK)], didx)
            pltpu.async_copy(h_hbm.at[sidx.at[0]], rows0, sem0)

            @pl.loop(0, IBLK // 2)
            def _(p):
                j0 = 2 * p
                pltpu.async_copy(h_hbm.at[sidx.at[j0 + 1]], rows1, sem1)
                pltpu.make_async_copy(h_hbm.at[sidx.at[j0]], rows0, sem0).wait()
                pltpu.sync_copy(rows0, acc_sh.at[didx.at[j0]], add=True)

                @pl.when(p + 1 < IBLK // 2)
                def _():
                    pltpu.async_copy(h_hbm.at[sidx.at[j0 + 2]], rows0, sem0)

                pltpu.make_async_copy(h_hbm.at[sidx.at[j0 + 1]], rows1, sem1).wait()
                pltpu.sync_copy(rows1, acc_sh.at[didx.at[j0 + 1]], add=True)

        @pl.when(cid == BIG_CORE)
        def _():
            for L in range(NL_BIG):
                run_block(sid * CPW_BIG + L * IBLK)

        @pl.when(cid != BIG_CORE)
        def _():
            for L in range(NL_SMALL):
                run_block(BIG_CHUNKS + sid * CPW_SMALL + L * IBLK)

        plsc.subcore_barrier()

        @pl.loop(0, RPS // CH)
        def _(kk):
            r0 = sid * RPS + kk * CH
            pltpu.sync_copy(acc_sh.at[pl.ds(r0, CH)], out_hbm.at[cid, pl.ds(r0, CH)])

    return k(h, src2d, dst2d)


_TC_R = 1024


def _tc_layer(h, acc, degp, Ws, Wn, b, dout, relu):

    def body(h_ref, acc_ref, deg_ref, ws_ref, wn_ref, b_ref, o_ref):
        deg_col = lax.dot_general(deg_ref[...], jnp.ones((NW, 1), jnp.float32),
                                  (((0,), (0,)), ((), ())),
                                  preferred_element_type=jnp.float32)
        invd = 1.0 / jnp.maximum(deg_col, 1.0)
        accs = acc_ref[...]
        hne = (accs[0] + accs[1]) * invd
        o = (jnp.dot(h_ref[...], ws_ref[...], preferred_element_type=jnp.float32)
             + jnp.dot(hne, wn_ref[...], preferred_element_type=jnp.float32)
             + b_ref[...])
        if relu:
            o = jnp.maximum(o, 0.0)
        o_ref[...] = o

    return pl.pallas_call(
        body,
        grid=(NP // _TC_R,),
        in_specs=[
            pl.BlockSpec((_TC_R, D), lambda i: (i, 0)),
            pl.BlockSpec((NC, _TC_R, D), lambda i: (0, i, 0)),
            pl.BlockSpec((NW, _TC_R), lambda i: (0, i)),
            pl.BlockSpec((D, dout), lambda i: (0, 0)),
            pl.BlockSpec((D, dout), lambda i: (0, 0)),
            pl.BlockSpec((1, dout), lambda i: (0, 0)),
        ],
        out_specs=pl.BlockSpec((_TC_R, dout), lambda i: (i, 0)),
        out_shape=jax.ShapeDtypeStruct((NP, dout), jnp.float32),
    )(h, acc, degp, Ws, Wn, b)


def kernel(input_nodes, edge_index, emb,
           W_self0, W_neigh0, b0,
           W_self1, W_neigh1, b1,
           W_self2, W_neigh2, b2):
    inp = input_nodes.astype(jnp.int32)
    src = edge_index[0].astype(jnp.int32)
    dst = edge_index[1].astype(jnp.int32)

    inp_p = jnp.concatenate([inp, jnp.zeros((NP - N_SUB,), jnp.int32)])
    src2d = jnp.concatenate(
        [src, jnp.zeros((E_PAD - N_EDGES,), jnp.int32)]).reshape(N_CHUNK, CH)
    dst2d = jnp.concatenate(
        [dst, jnp.full((E_PAD - N_EDGES,), N_SUB, jnp.int32)]).reshape(N_CHUNK, CH)

    h0, degp = _sc_gather_deg(emb, inp_p, dst2d)

    agg0 = _sc_edge_agg(h0, src2d, dst2d)
    h1 = _tc_layer(h0, agg0, degp, W_self0, W_neigh0, b0.reshape(1, D), D, True)

    agg1 = _sc_edge_agg(h1, src2d, dst2d)
    h2 = _tc_layer(h1, agg1, degp, W_self1, W_neigh1, b1.reshape(1, D), D, True)

    agg2 = _sc_edge_agg(h2, src2d, dst2d)
    Ws2p = jnp.pad(W_self2, ((0, 0), (0, C_PAD - C_OUT)))
    Wn2p = jnp.pad(W_neigh2, ((0, 0), (0, C_PAD - C_OUT)))
    b2p = jnp.pad(b2, (0, C_PAD - C_OUT)).reshape(1, C_PAD)
    out = _tc_layer(h2, agg2, degp, Ws2p, Wn2p, b2p, C_PAD, False)

    return out[:N_SUB, :C_OUT]

# --- scband reference (transcript-rebuilt; emitter-appended) ---
"""Pipeline reference for scband-sage-30837865185714 (READ-ONLY COPY).

The authoritative reference and input builder live on the scoring server;
editing this copy changes nothing except your own understanding.
"""

import jax, jax.numpy as jnp
import numpy as np

N_SUB = 10000      # nodes in the sampled subgraph / blocks
N_EDGES = 320000   # avg_degree 32
NUM_EMB = 100000   # full-graph node count (embedding table rows)
D_IN = 128
D_HID = 128
N_CLASSES = 47


def setup_inputs(seed: int = 0) -> dict:
    key = jax.random.key(seed)
    ks = jax.random.split(key, 12)

    input_nodes = jax.random.randint(ks[0], (N_SUB,), 0, NUM_EMB)
    edge_index = jax.random.randint(ks[1], (2, N_EDGES), 0, N_SUB)

    emb = jax.random.normal(ks[2], (NUM_EMB, D_IN), dtype=jnp.float32) * 0.02

    def lin(k, fan_in, fan_out):
        return jax.random.normal(k, (fan_in, fan_out), dtype=jnp.float32) / np.sqrt(fan_in)

    W_self0 = lin(ks[3], D_IN, D_HID)
    W_neigh0 = lin(ks[4], D_IN, D_HID)
    b0 = jnp.zeros((D_HID,), dtype=jnp.float32)

    W_self1 = lin(ks[5], D_HID, D_HID)
    W_neigh1 = lin(ks[6], D_HID, D_HID)
    b1 = jnp.zeros((D_HID,), dtype=jnp.float32)

    W_self2 = lin(ks[7], D_HID, N_CLASSES)
    W_neigh2 = lin(ks[8], D_HID, N_CLASSES)
    b2 = jnp.zeros((N_CLASSES,), dtype=jnp.float32)

    return {
        "input_nodes": input_nodes,
        "edge_index": edge_index,
        "emb": emb,
        "W_self0": W_self0, "W_neigh0": W_neigh0, "b0": b0,
        "W_self1": W_self1, "W_neigh1": W_neigh1, "b1": b1,
        "W_self2": W_self2, "W_neigh2": W_neigh2, "b2": b2,
    }


def reference(input_nodes, edge_index, emb,
              W_self0, W_neigh0, b0,
              W_self1, W_neigh1, b1,
              W_self2, W_neigh2, b2):
    src = edge_index[0]
    dst = edge_index[1]

    def sage_layer(h, Ws, Wn, b):
        # DGL SAGEConv with 'mean' aggregator:
        # out = fc_self(h_dst) + fc_neigh(mean_{src in N(dst)} h_src) + bias
        msg = h[src]                                  # gather
        agg = jax.ops.segment_sum(msg, dst, num_segments=N_SUB)   # scatter-add
        deg = jax.ops.segment_sum(jnp.ones_like(src, dtype=h.dtype), dst,
                                  num_segments=N_SUB)
        h_neigh = agg / jnp.maximum(deg, 1.0)[:, None]
        return h @ Ws + h_neigh @ Wn + b

    # embedding lookup for input nodes
    h = jnp.take(emb, input_nodes, axis=0)

    h = sage_layer(h, W_self0, W_neigh0, b0)
    h = jax.nn.relu(h)  # dropout is identity in eval mode
    h = sage_layer(h, W_self1, W_neigh1, b1)
    h = jax.nn.relu(h)
    h = sage_layer(h, W_self2, W_neigh2, b2)
    return h

if __name__ == "__main__":
    import jax
    _d = setup_inputs()
    print(jax.jit(kernel)(*tuple(_d.values())))

</pallas_src>

<mosaic_0001>
#map = affine_map<(d0, d1) -> (0, 0)>
#map1 = affine_map<(d0, d1) -> (0, 0, 0)>
module attributes {stable_mosaic.version = 14 : i64} {
  func.func @k(%arg0: i32, %arg1: i32, %arg2: memref<10240x128xf32, #tpu.memory_space<hbm>>, %arg3: memref<2560x128xi32, #tpu.memory_space<hbm>>, %arg4: memref<2560x128xi32, #tpu.memory_space<hbm>>, %arg5: memref<2x10240x128xf32, #tpu.memory_space<hbm>>, %arg6: memref<10240x128xf32, #tpu.memory_space<vmem_shared>>, %arg7: memref<32x128xi32, #tpu.memory_space<vmem>>, %arg8: memref<32x128xi32, #tpu.memory_space<vmem>>, %arg9: memref<128x128xf32, #tpu.memory_space<vmem>>, %arg10: memref<128x128xf32, #tpu.memory_space<vmem>>, %arg11: memref<!tpu.dma_semaphore, #tpu.memory_space<semaphore_mem>>, %arg12: memref<!tpu.dma_semaphore, #tpu.memory_space<semaphore_mem>>) attributes {dimension_semantics = [#tpu.dimension_semantics<core_parallel>, #tpu.dimension_semantics<subcore_parallel>], iteration_bounds = array<i64: 2, 16>, scalar_prefetch = 0 : i64, scratch_operands = 7 : i64, tpu.core_type = #tpu.core_type<sc_vector_subcore>, window_params = [{transform_indices = #map}, {transform_indices = #map}, {transform_indices = #map}, {transform_indices = #map1}]} {
    %scan3A = arith.constant 0 : i32
    %scan3A_0 = arith.constant 128 : i32
    %scan3A_1 = arith.addi %scan3A, %scan3A_0 : i32
    %scan3A_2 = arith.constant 1 : i32
    scf.for %scan3A_21 = %scan3A to %scan3A_1 step %scan3A_2  : i32 {
      %mul3A = arith.constant 1 : i32
      %mul3A_22 = arith.muli %scan3A_21, %mul3A : i32
      %add3A = arith.constant 0 : i32
      %add3A_23 = arith.addi %add3A, %mul3A_22 : i32
      %broadcast_in_dim3A = arith.constant 0.000000e+00 : f32
      %broadcast_in_dim3A_24 = vector.broadcast %broadcast_in_dim3A : f32 to vector<16xf32>
      %swap3A = arith.index_cast %add3A_23 : i32 to index
      %swap3A_25 = arith.constant 0 : index
      %swap3A_26 = tpu.vector_load %arg9[%swap3A, %swap3A_25] {strides = array<i32>} : memref<128x128xf32, #tpu.memory_space<vmem>>, vector<1x16xf32>,
      %swap3A_27 = vector.shape_cast %swap3A_26 : vector<1x16xf32> to vector<16xf32>
      %swap3A_28 = vector.shape_cast %broadcast_in_dim3A_24 : vector<16xf32> to vector<1x16xf32>
      tpu.vector_store %arg9[%swap3A, %swap3A_25], %swap3A_28 {strides = array<i32>} : memref<128x128xf32, #tpu.memory_space<vmem>>, vector<1x16xf32>,
      %broadcast_in_dim3A_29 = arith.constant 0.000000e+00 : f32
      %broadcast_in_dim3A_30 = vector.broadcast %broadcast_in_dim3A_29 : f32 to vector<16xf32>
      %swap3A_31 = arith.index_cast %add3A_23 : i32 to index
      %swap3A_32 = arith.constant 16 : index
      %swap3A_33 = tpu.vector_load %arg9[%swap3A_31, %swap3A_32] {strides = array<i32>} : memref<128x128xf32, #tpu.memory_space<vmem>>, vector<1x16xf32>,
      %swap3A_34 = vector.shape_cast %swap3A_33 : vector<1x16xf32> to vector<16xf32>
      %swap3A_35 = vector.shape_cast %broadcast_in_dim3A_30 : vector<16xf32> to vector<1x16xf32>
      tpu.vector_store %arg9[%swap3A_31, %swap3A_32], %swap3A_35 {strides = array<i32>} : memref<128x128xf32, #tpu.memory_space<vmem>>, vector<1x16xf32>,
      %broadcast_in_dim3A_36 = arith.constant 0.000000e+00 : f32
      %broadcast_in_dim3A_37 = vector.broadcast %broadcast_in_dim3A_36 : f32 to vector<16xf32>
      %swap3A_38 = arith.index_cast %add3A_23 : i32 to index
      %swap3A_39 = arith.constant 32 : index
      %swap3A_40 = tpu.vector_load %arg9[%swap3A_38, %swap3A_39] {strides = array<i32>} : memref<128x128xf32, #tpu.memory_space<vmem>>, vector<1x16xf32>,
      %swap3A_41 = vector.shape_cast %swap3A_40 : vector<1x16xf32> to vector<16xf32>
      %swap3A_42 = vector.shape_cast %broadcast_in_dim3A_37 : vector<16xf32> to vector<1x16xf32>
      tpu.vector_store %arg9[%swap3A_38, %swap3A_39], %swap3A_42 {strides = array<i32>} : memref<128x128xf32, #tpu.memory_space<vmem>>, vector<1x16xf32>,
      %broadcast_in_dim3A_43 = arith.constant 0.000000e+00 : f32
      %broadcast_in_dim3A_44 = vector.broadcast %broadcast_in_dim3A_43 : f32 to vector<16xf32>
      %swap3A_45 = arith.index_cast %add3A_23 : i32 to index
      %swap3A_46 = arith.constant 48 : index
      %swap3A_47 = tpu.vector_load %arg9[%swap3A_45, %swap3A_46] {strides = array<i32>} : memref<128x128xf32, #tpu.memory_space<vmem>>, vector<1x16xf32>,
      %swap3A_48 = vector.shape_cast %swap3A_47 : vector<1x16xf32> to vector<16xf32>
      %swap3A_49 = vector.shape_cast %broadcast_in_dim3A_44 : vector<16xf32> to vector<1x16xf32>
      tpu.vector_store %arg9[%swap3A_45, %swap3A_46], %swap3A_49 {strides = array<i32>} : memref<128x128xf32, #tpu.memory_space<vmem>>, vector<1x16xf32>,
      %broadcast_in_dim3A_50 = arith.constant 0.000000e+00 : f32
      %broadcast_in_dim3A_51 = vector.broadcast %broadcast_in_dim3A_50 : f32 to vector<16xf32>
      %swap3A_52 = arith.index_cast %add3A_23 : i32 to index
      %swap3A_53 = arith.constant 64 : index
      %swap3A_54 = tpu.vector_load %arg9[%swap3A_52, %swap3A_53] {strides = array<i32>} : memref<128x128xf32, #tpu.memory_space<vmem>>, vector<1x16xf32>,
      %swap3A_55 = vector.shape_cast %swap3A_54 : vector<1x16xf32> to vector<16xf32>
      %swap3A_56 = vector.shape_cast %broadcast_in_dim3A_51 : vector<16xf32> to vector<1x16xf32>
      tpu.vector_store %arg9[%swap3A_52, %swap3A_53], %swap3A_56 {strides = array<i32>} : memref<128x128xf32, #tpu.memory_space<vmem>>, vector<1x16xf32>,
      %broadcast_in_dim3A_57 = arith.constant 0.000000e+00 : f32
      %broadcast_in_dim3A_58 = vector.broadcast %broadcast_in_dim3A_57 : f32 to vector<16xf32>
      %swap3A_59 = arith.index_cast %add3A_23 : i32 to index
      %swap3A_60 = arith.constant 80 : index
      %swap3A_61 = tpu.vector_load %arg9[%swap3A_59, %swap3A_60] {strides = array<i32>} : memref<128x128xf32, #tpu.memory_space<vmem>>, vector<1x16xf32>,
      %swap3A_62 = vector.shape_cast %swap3A_61 : vector<1x16xf32> to vector<16xf32>
      %swap3A_63 = vector.shape_cast %broadcast_in_dim3A_58 : vector<16xf32> to vector<1x16xf32>
      tpu.vector_store %arg9[%swap3A_59, %swap3A_60], %swap3A_63 {strides = array<i32>} : memref<128x128xf32, #tpu.memory_space<vmem>>, vector<1x16xf32>,
      %broadcast_in_dim3A_64 = arith.constant 0.000000e+00 : f32
      %broadcast_in_dim3A_65 = vector.broadcast %broadcast_in_dim3A_64 : f32 to vector<16xf32>
      %swap3A_66 = arith.index_cast %add3A_23 : i32 to index
      %swap3A_67 = arith.constant 96 : index
      %swap3A_68 = tpu.vector_load %arg9[%swap3A_66, %swap3A_67] {strides = array<i32>} : memref<128x128xf32, #tpu.memory_space<vmem>>, vector<1x16xf32>,
      %swap3A_69 = vector.shape_cast %swap3A_68 : vector<1x16xf32> to vector<16xf32>
      %swap3A_70 = vector.shape_cast %broadcast_in_dim3A_65 : vector<16xf32> to vector<1x16xf32>
      tpu.vector_store %arg9[%swap3A_66, %swap3A_67], %swap3A_70 {strides = array<i32>} : memref<128x128xf32, #tpu.memory_space<vmem>>, vector<1x16xf32>,
      %broadcast_in_dim3A_71 = arith.constant 0.000000e+00 : f32
      %broadcast_in_dim3A_72 = vector.broadcast %broadcast_in_dim3A_71 : f32 to vector<16xf32>
      %swap3A_73 = arith.index_cast %add3A_23 : i32 to index
      %swap3A_74 = arith.constant 112 : index
      %swap3A_75 = tpu.vector_load %arg9[%swap3A_73, %swap3A_74] {strides = array<i32>} : memref<128x128xf32, #tpu.memory_space<vmem>>, vector<1x16xf32>,
      %swap3A_76 = vector.shape_cast %swap3A_75 : vector<1x16xf32> to vector<16xf32>
      %swap3A_77 = vector.shape_cast %broadcast_in_dim3A_72 : vector<16xf32> to vector<1x16xf32>
      tpu.vector_store %arg9[%swap3A_73, %swap3A_74], %swap3A_77 {strides = array<i32>} : memref<128x128xf32, #tpu.memory_space<vmem>>, vector<1x16xf32>,
    }
    %scan3A_3 = arith.constant 128 : i32
    %scan3A_4 = arith.constant 0 : i32
    %scan3A_5 = arith.constant 5 : i32
    %scan3A_6 = arith.addi %scan3A_4, %scan3A_5 : i32
    %scan3A_7 = arith.constant 1 : i32
    scf.for %scan3A_21 = %scan3A_4 to %scan3A_6 step %scan3A_7  : i32 {
      %mul3A = arith.constant 1 : i32
      %mul3A_22 = arith.muli %scan3A_21, %mul3A : i32
      %add3A = arith.constant 0 : i32
      %add3A_23 = arith.addi %add3A, %mul3A_22 : i32
      %mul3A_24 = arith.constant 640 : i32
      %mul3A_25 = arith.muli %arg1, %mul3A_24 : i32
      %mul3A_26 = arith.constant 128 : i32
      %mul3A_27 = arith.muli %add3A_23, %mul3A_26 : i32
      %add3A_28 = arith.addi %mul3A_25, %mul3A_27 : i32
      "tpu.region"() ({
        %run_scoped3A = tpu.sem_alloc : memref<!tpu.dma_semaphore, #tpu.memory_space<semaphore_mem>>
        %dma_start3A = arith.constant 0 : i32
        %dma_start3A_29 = tpu.memref_slice %arg6[%add3A_28, %dma_start3A] : memref<10240x128xf32, #tpu.memory_space<vmem_shared>> -> memref<128x128xf32, #tpu.memory_space<vmem_shared>>
        %dma_start3A_30 = arith.constant 0 : i32
        %dma_start3A_31 = tpu.memref_slice %arg6[%add3A_28, %dma_start3A_30] : memref<10240x128xf32, #tpu.memory_space<vmem_shared>> -> memref<128x128xf32, #tpu.memory_space<vmem_shared>>
        tpu.enqueue_dma source(%arg9 : memref<128x128xf32, #tpu.memory_space<vmem>>) target(%dma_start3A_31 : memref<128x128xf32, #tpu.memory_space<vmem_shared>>) target_semaphore(%run_scoped3A : memref<!tpu.dma_semaphore, #tpu.memory_space<semaphore_mem>>)
        %dma_wait3A = arith.constant 0 : i32
        %dma_wait3A_32 = tpu.memref_slice %arg6[%add3A_28, %dma_wait3A] : memref<10240x128xf32, #tpu.memory_space<vmem_shared>> -> memref<128x128xf32, #tpu.memory_space<vmem_shared>>
        %dma_wait3A_33 = arith.constant 0 : i32
        %dma_wait3A_34 = tpu.memref_slice %arg6[%add3A_28, %dma_wait3A_33] : memref<10240x128xf32, #tpu.memory_space<vmem_shared>> -> memref<128x128xf32, #tpu.memory_space<vmem_shared>>
        tpu.wait_dma2 semaphore(%run_scoped3A : memref<!tpu.dma_semaphore, #tpu.memory_space<semaphore_mem>>) src(%arg9 : memref<128x128xf32, #tpu.memory_space<vmem>>) dst(%dma_wait3A_34 : memref<128x128xf32, #tpu.memory_space<vmem_shared>>)
        tpu.yield
      }) : () -> ()
    }
    %scan3A_8 = arith.constant 5 : i32
    %barrier3A = arith.constant 0 : index
    tpu.barrier barrier_id(%barrier3A)
    %eq3A = arith.constant 0 : i32
    %eq3A_9 = arith.cmpi eq, %arg0, %eq3A : i32
    %convert_element_type3A = arith.extui %eq3A_9 : i1 to i32
    %cond3A = arith.constant 0 : i32
    %cond3A_10 = arith.cmpi ne, %convert_element_type3A, %cond3A : i32
    scf.if %cond3A_10 {
      %mul3A = arith.constant 128 : i32
      %mul3A_21 = arith.muli %arg1, %mul3A : i32
      %add3A = arith.constant 0 : i32
      %add3A_22 = arith.addi %mul3A_21, %add3A : i32
      "tpu.region"() ({
        %run_scoped3A = tpu.sem_alloc : memref<!tpu.dma_semaphore, #tpu.memory_space<semaphore_mem>>
        %dma_start3A_82 = arith.constant 0 : i32
        %dma_start3A_83 = tpu.memref_slice %arg3[%add3A_22, %dma_start3A_82] : memref<2560x128xi32, #tpu.memory_space<hbm>> -> memref<32x128xi32, #tpu.memory_space<hbm>>
        %dma_start3A_84 = arith.constant 0 : i32
        %dma_start3A_85 = tpu.memref_slice %arg3[%add3A_22, %dma_start3A_84] : memref<2560x128xi32, #tpu.memory_space<hbm>> -> memref<32x128xi32, #tpu.memory_space<hbm>>
        tpu.enqueue_dma source(%dma_start3A_85 : memref<32x128xi32, #tpu.memory_space<hbm>>) target(%arg7 : memref<32x128xi32, #tpu.memory_space<vmem>>) target_semaphore(%run_scoped3A : memref<!tpu.dma_semaphore, #tpu.memory_space<semaphore_mem>>)
        %dma_wait3A = arith.constant 0 : i32
        %dma_wait3A_86 = tpu.memref_slice %arg3[%add3A_22, %dma_wait3A] : memref<2560x128xi32, #tpu.memory_space<hbm>> -> memref<32x128xi32, #tpu.memory_space<hbm>>
        %dma_wait3A_87 = arith.constant 0 : i32
        %dma_wait3A_88 = tpu.memref_slice %arg3[%add3A_22, %dma_wait3A_87] : memref<2560x128xi32, #tpu.memory_space<hbm>> -> memref<32x128xi32, #tpu.memory_space<hbm>>
        tpu.wait_dma2 semaphore(%run_scoped3A : memref<!tpu.dma_semaphore, #tpu.memory_space<semaphore_mem>>) src(%dma_wait3A_88 : memref<32x128xi32, #tpu.memory_space<hbm>>) dst(%arg7 : memref<32x128xi32, #tpu.memory_space<vmem>>)
        tpu.yield
      }) : () -> ()
      "tpu.region"() ({
        %run_scoped3A = tpu.sem_alloc : memref<!tpu.dma_semaphore, #tpu.memory_space<semaphore_mem>>
        %dma_start3A_82 = arith.constant 0 : i32
        %dma_start3A_83 = tpu.memref_slice %arg4[%add3A_22, %dma_start3A_82] : memref<2560x128xi32, #tpu.memory_space<hbm>> -> memref<32x128xi32, #tpu.memory_space<hbm>>
        %dma_start3A_84 = arith.constant 0 : i32
        %dma_start3A_85 = tpu.memref_slice %arg4[%add3A_22, %dma_start3A_84] : memref<2560x128xi32, #tpu.memory_space<hbm>> -> memref<32x128xi32, #tpu.memory_space<hbm>>
        tpu.enqueue_dma source(%dma_start3A_85 : memref<32x128xi32, #tpu.memory_space<hbm>>) target(%arg8 : memref<32x128xi32, #tpu.memory_space<vmem>>) target_semaphore(%run_scoped3A : memref<!tpu.dma_semaphore, #tpu.memory_space<semaphore_mem>>)
        %dma_wait3A = arith.constant 0 : i32
        %dma_wait3A_86 = tpu.memref_slice %arg4[%add3A_22, %dma_wait3A] : memref<2560x128xi32, #tpu.memory_space<hbm>> -> memref<32x128xi32, #tpu.memory_space<hbm>>
        %dma_wait3A_87 = arith.constant 0 : i32
        %dma_wait3A_88 = tpu.memref_slice %arg4[%add3A_22, %dma_wait3A_87] : memref<2560x128xi32, #tpu.memory_space<hbm>> -> memref<32x128xi32, #tpu.memory_space<hbm>>
        tpu.wait_dma2 semaphore(%run_scoped3A : memref<!tpu.dma_semaphore, #tpu.memory_space<semaphore_mem>>) src(%dma_wait3A_88 : memref<32x128xi32, #tpu.memory_space<hbm>>) dst(%arg8 : memref<32x128xi32, #tpu.memory_space<vmem>>)
        tpu.yield
      }) : () -> ()
      %dma_start3A = arith.constant 0 : i32
      %dma_start3A_23 = arith.constant 0 : i32
      %dma_start3A_24 = tpu.memref_slice %arg7[%dma_start3A, %dma_start3A_23] : memref<32x128xi32, #tpu.memory_space<vmem>> -> memref<1x128xi32, #tpu.memory_space<vmem>>
      %dma_start3A_25 = tpu.memref_squeeze %dma_start3A_24 : memref<1x128xi32, #tpu.memory_space<vmem>> -> memref<128xi32, #tpu.memory_space<vmem>>
      %dma_start3A_26 = arith.constant 0 : i32
      %dma_start3A_27 = arith.constant 0 : i32
      %dma_start3A_28 = tpu.memref_slice %arg2[%dma_start3A_26, %dma_start3A_27] : memref<10240x128xf32, #tpu.memory_space<hbm>> -> memref<10240x128xf32, #tpu.memory_space<hbm>>
      tpu.enqueue_indirect_dma source(%dma_start3A_28 : memref<10240x128xf32, #tpu.memory_space<hbm>>) target(%arg9 : memref<128x128xf32, #tpu.memory_space<vmem>>) offsets(%dma_start3A_25 : memref<128xi32, #tpu.memory_space<vmem>>) semaphore(%arg11 : memref<!tpu.dma_semaphore, #tpu.memory_space<semaphore_mem>>)
      %scan3A_29 = arith.constant 0 : i32
      %scan3A_30 = arith.constant 16 : i32
      %scan3A_31 = arith.addi %scan3A_29, %scan3A_30 : i32
      %scan3A_32 = arith.constant 1 : i32
      scf.for %scan3A_82 = %scan3A_29 to %scan3A_31 step %scan3A_32  : i32 {
        %mul3A_83 = arith.constant 1 : i32
        %mul3A_84 = arith.muli %scan3A_82, %mul3A_83 : i32
        %add3A_85 = arith.constant 0 : i32
        %add3A_86 = arith.addi %add3A_85, %mul3A_84 : i32
        %mul3A_87 = arith.constant 2 : i32
        %mul3A_88 = arith.muli %mul3A_87, %add3A_86 : i32
        %add3A_89 = arith.constant 1 : i32
        %add3A_90 = arith.addi %mul3A_88, %add3A_89 : i32
        %dma_start3A_91 = arith.constant 0 : i32
        %dma_start3A_92 = tpu.memref_slice %arg7[%add3A_90, %dma_start3A_91] : memref<32x128xi32, #tpu.memory_space<vmem>> -> memref<1x128xi32, #tpu.memory_space<vmem>>
        %dma_start3A_93 = tpu.memref_squeeze %dma_start3A_92 : memref<1x128xi32, #tpu.memory_space<vmem>> -> memref<128xi32, #tpu.memory_space<vmem>>
        %dma_start3A_94 = arith.constant 0 : i32
        %dma_start3A_95 = arith.constant 0 : i32
        %dma_start3A_96 = tpu.memref_slice %arg2[%dma_start3A_94, %dma_start3A_95] : memref<10240x128xf32, #tpu.memory_space<hbm>> -> memref<10240x128xf32, #tpu.memory_space<hbm>>
        tpu.enqueue_indirect_dma source(%dma_start3A_96 : memref<10240x128xf32, #tpu.memory_space<hbm>>) target(%arg10 : memref<128x128xf32, #tpu.memory_space<vmem>>) offsets(%dma_start3A_93 : memref<128xi32, #tpu.memory_space<vmem>>) semaphore(%arg12 : memref<!tpu.dma_semaphore, #tpu.memory_space<semaphore_mem>>)
        %dma_wait3A = arith.constant 0 : i32
        %dma_wait3A_97 = tpu.memref_slice %arg7[%mul3A_88, %dma_wait3A] : memref<32x128xi32, #tpu.memory_space<vmem>> -> memref<1x128xi32, #tpu.memory_space<vmem>>
        %dma_wait3A_98 = tpu.memref_squeeze %dma_wait3A_97 : memref<1x128xi32, #tpu.memory_space<vmem>> -> memref<128xi32, #tpu.memory_space<vmem>>
        %dma_wait3A_99 = arith.constant 0 : i32
        %dma_wait3A_100 = arith.constant 0 : i32
        %dma_wait3A_101 = tpu.memref_slice %arg2[%dma_wait3A_99, %dma_wait3A_100] : memref<10240x128xf32, #tpu.memory_space<hbm>> -> memref<10240x128xf32, #tpu.memory_space<hbm>>
        tpu.wait_indirect_dma semaphore(%arg11 : memref<!tpu.dma_semaphore, #tpu.memory_space<semaphore_mem>>) src(%dma_wait3A_101 : memref<10240x128xf32, #tpu.memory_space<hbm>>) dst(%arg9 : memref<128x128xf32, #tpu.memory_space<vmem>>)
        "tpu.region"() ({
          %run_scoped3A = tpu.sem_alloc : memref<!tpu.dma_semaphore, #tpu.memory_space<semaphore_mem>>
          %dma_start3A_118 = arith.constant 0 : i32
          %dma_start3A_119 = tpu.memref_slice %arg8[%mul3A_88, %dma_start3A_118] : memref<32x128xi32, #tpu.memory_space<vmem>> -> memref<1x128xi32, #tpu.memory_space<vmem>>
          %dma_start3A_120 = tpu.memref_squeeze %dma_start3A_119 : memref<1x128xi32, #tpu.memory_space<vmem>> -> memref<128xi32, #tpu.memory_space<vmem>>
          %dma_start3A_121 = arith.constant 0 : i32
          %dma_start3A_122 = arith.constant 0 : i32
          %dma_start3A_123 = tpu.memref_slice %arg6[%dma_start3A_121, %dma_start3A_122] : memref<10240x128xf32, #tpu.memory_space<vmem_shared>> -> memref<10240x128xf32, #tpu.memory_space<vmem_shared>>
          tpu.enqueue_indirect_dma source(%arg9 : memref<128x128xf32, #tpu.memory_space<vmem>>) target(%dma_start3A_123 : memref<10240x128xf32, #tpu.memory_space<vmem_shared>>) offsets(%dma_start3A_120 : memref<128xi32, #tpu.memory_space<vmem>>) semaphore(%run_scoped3A : memref<!tpu.dma_semaphore, #tpu.memory_space<semaphore_mem>>) {add = true}
          %dma_wait3A_124 = arith.constant 0 : i32
          %dma_wait3A_125 = tpu.memref_slice %arg8[%mul3A_88, %dma_wait3A_124] : memref<32x128xi32, #tpu.memory_space<vmem>> -> memref<1x128xi32, #tpu.memory_space<vmem>>
          %dma_wait3A_126 = tpu.memref_squeeze %dma_wait3A_125 : memref<1x128xi32, #tpu.memory_space<vmem>> -> memref<128xi32, #tpu.memory_space<vmem>>
          %dma_wait3A_127 = arith.constant 0 : i32
          %dma_wait3A_128 = arith.constant 0 : i32
          %dma_wait3A_129 = tpu.memref_slice %arg6[%dma_wait3A_127, %dma_wait3A_128] : memref<10240x128xf32, #tpu.memory_space<vmem_shared>> -> memref<10240x128xf32, #tpu.memory_space<vmem_shared>>
          tpu.wait_indirect_dma semaphore(%run_scoped3A : memref<!tpu.dma_semaphore, #tpu.memory_space<semaphore_mem>>) src(%arg9 : memref<128x128xf32, #tpu.memory_space<vmem>>) dst(%dma_wait3A_129 : memref<10240x128xf32, #tpu.memory_space<vmem_shared>>)
          tpu.yield
        }) : () -> ()
        %add3A_102 = arith.constant 1 : i32
        %add3A_103 = arith.addi %add3A_86, %add3A_102 : i32
        %lt3A = arith.constant 16 : i32
        %lt3A_104 = arith.cmpi slt, %add3A_103, %lt3A : i32
        %convert_element_type3A_105 = arith.extui %lt3A_104 : i1 to i32
        %cond3A_106 = arith.constant 0 : i32
        %cond3A_107 = arith.cmpi ne, %convert_element_type3A_105, %cond3A_106 : i32
        scf.if %cond3A_107 {
          %add3A_118 = arith.constant 2 : i32
          %add3A_119 = arith.addi %mul3A_88, %add3A_118 : i32
          %dma_start3A_120 = arith.constant 0 : i32
          %dma_start3A_121 = tpu.memref_slice %arg7[%add3A_119, %dma_start3A_120] : memref<32x128xi32, #tpu.memory_space<vmem>> -> memref<1x128xi32, #tpu.memory_space<vmem>>
          %dma_start3A_122 = tpu.memref_squeeze %dma_start3A_121 : memref<1x128xi32, #tpu.memory_space<vmem>> -> memref<128xi32, #tpu.memory_space<vmem>>
          %dma_start3A_123 = arith.constant 0 : i32
          %dma_start3A_124 = arith.constant 0 : i32
          %dma_start3A_125 = tpu.memref_slice %arg2[%dma_start3A_123, %dma_start3A_124] : memref<10240x128xf32, #tpu.memory_space<hbm>> -> memref<10240x128xf32, #tpu.memory_space<hbm>>
          tpu.enqueue_indirect_dma source(%dma_start3A_125 : memref<10240x128xf32, #tpu.memory_space<hbm>>) target(%arg9 : memref<128x128xf32, #tpu.memory_space<vmem>>) offsets(%dma_start3A_122 : memref<128xi32, #tpu.memory_space<vmem>>) semaphore(%arg11 : memref<!tpu.dma_semaphore, #tpu.memory_space<semaphore_mem>>)
        } else {
        }
        %add3A_108 = arith.constant 1 : i32
        %add3A_109 = arith.addi %mul3A_88, %add3A_108 : i32
        %dma_wait3A_110 = arith.constant 0 : i32
        %dma_wait3A_111 = tpu.memref_slice %arg7[%add3A_109, %dma_wait3A_110] : memref<32x128xi32, #tpu.memory_space<vmem>> -> memref<1x128xi32, #tpu.memory_space<vmem>>
        %dma_wait3A_112 = tpu.memref_squeeze %dma_wait3A_111 : memref<1x128xi32, #tpu.memory_space<vmem>> -> memref<128xi32, #tpu.memory_space<vmem>>
        %dma_wait3A_113 = arith.constant 0 : i32
        %dma_wait3A_114 = arith.constant 0 : i32
        %dma_wait3A_115 = tpu.memref_slice %arg2[%dma_wait3A_113, %dma_wait3A_114] : memref<10240x128xf32, #tpu.memory_space<hbm>> -> memref<10240x128xf32, #tpu.memory_space<hbm>>
        tpu.wait_indirect_dma semaphore(%arg12 : memref<!tpu.dma_semaphore, #tpu.memory_space<semaphore_mem>>) src(%dma_wait3A_115 : memref<10240x128xf32, #tpu.memory_space<hbm>>) dst(%arg10 : memref<128x128xf32, #tpu.memory_space<vmem>>)
        %add3A_116 = arith.constant 1 : i32
        %add3A_117 = arith.addi %mul3A_88, %add3A_116 : i32
        "tpu.region"() ({
          %run_scoped3A = tpu.sem_alloc : memref<!tpu.dma_semaphore, #tpu.memory_space<semaphore_mem>>
          %dma_start3A_118 = arith.constant 0 : i32
          %dma_start3A_119 = tpu.memref_slice %arg8[%add3A_117, %dma_start3A_118] : memref<32x128xi32, #tpu.memory_space<vmem>> -> memref<1x128xi32, #tpu.memory_space<vmem>>
          %dma_start3A_120 = tpu.memref_squeeze %dma_start3A_119 : memref<1x128xi32, #tpu.memory_space<vmem>> -> memref<128xi32, #tpu.memory_space<vmem>>
          %dma_start3A_121 = arith.constant 0 : i32
          %dma_start3A_122 = arith.constant 0 : i32
          %dma_start3A_123 = tpu.memref_slice %arg6[%dma_start3A_121, %dma_start3A_122] : memref<10240x128xf32, #tpu.memory_space<vmem_shared>> -> memref<10240x128xf32, #tpu.memory_space<vmem_shared>>
          tpu.enqueue_indirect_dma source(%arg10 : memref<128x128xf32, #tpu.memory_space<vmem>>) target(%dma_start3A_123 : memref<10240x128xf32, #tpu.memory_space<vmem_shared>>) offsets(%dma_start3A_120 : memref<128xi32, #tpu.memory_space<vmem>>) semaphore(%run_scoped3A : memref<!tpu.dma_semaphore, #tpu.memory_space<semaphore_mem>>) {add = true}
          %dma_wait3A_124 = arith.constant 0 : i32
          %dma_wait3A_125 = tpu.memref_slice %arg8[%add3A_117, %dma_wait3A_124] : memref<32x128xi32, #tpu.memory_space<vmem>> -> memref<1x128xi32, #tpu.memory_space<vmem>>
          %dma_wait3A_126 = tpu.memref_squeeze %dma_wait3A_125 : memref<1x128xi32, #tpu.memory_space<vmem>> -> memref<128xi32, #tpu.memory_space<vmem>>
          %dma_wait3A_127 = arith.constant 0 : i32
          %dma_wait3A_128 = arith.constant 0 : i32
          %dma_wait3A_129 = tpu.memref_slice %arg6[%dma_wait3A_127, %dma_wait3A_128] : memref<10240x128xf32, #tpu.memory_space<vmem_shared>> -> memref<10240x128xf32, #tpu.memory_space<vmem_shared>>
          tpu.wait_indirect_dma semaphore(%run_scoped3A : memref<!tpu.dma_semaphore, #tpu.memory_space<semaphore_mem>>) src(%arg10 : memref<128x128xf32, #tpu.memory_space<vmem>>) dst(%dma_wait3A_129 : memref<10240x128xf32, #tpu.memory_space<vmem_shared>>)
          tpu.yield
        }) : () -> ()
      }
      %scan3A_33 = arith.constant 16 : i32
      %mul3A_34 = arith.constant 128 : i32
      %mul3A_35 = arith.muli %arg1, %mul3A_34 : i32
      %add3A_36 = arith.constant 32 : i32
      %add3A_37 = arith.addi %mul3A_35, %add3A_36 : i32
      "tpu.region"() ({
        %run_scoped3A = tpu.sem_alloc : memref<!tpu.dma_semaphore, #tpu.memory_space<semaphore_mem>>
        %dma_start3A_82 = arith.constant 0 : i32
        %dma_start3A_83 = tpu.memref_slice %arg3[%add3A_37, %dma_start3A_82] : memref<2560x128xi32, #tpu.memory_space<hbm>> -> memref<32x128xi32, #tpu.memory_space<hbm>>
        %dma_start3A_84 = arith.constant 0 : i32
        %dma_start3A_85 = tpu.memref_slice %arg3[%add3A_37, %dma_start3A_84] : memref<2560x128xi32, #tpu.memory_space<hbm>> -> memref<32x128xi32, #tpu.memory_space<hbm>>
        tpu.enqueue_dma source(%dma_start3A_85 : memref<32x128xi32, #tpu.memory_space<hbm>>) target(%arg7 : memref<32x128xi32, #tpu.memory_space<vmem>>) target_semaphore(%run_scoped3A : memref<!tpu.dma_semaphore, #tpu.memory_space<semaphore_mem>>)
        %dma_wait3A = arith.constant 0 : i32
        %dma_wait3A_86 = tpu.memref_slice %arg3[%add3A_37, %dma_wait3A] : memref<2560x128xi32, #tpu.memory_space<hbm>> -> memref<32x128xi32, #tpu.memory_space<hbm>>
        %dma_wait3A_87 = arith.constant 0 : i32
        %dma_wait3A_88 = tpu.memref_slice %arg3[%add3A_37, %dma_wait3A_87] : memref<2560x128xi32, #tpu.memory_space<hbm>> -> memref<32x128xi32, #tpu.memory_space<hbm>>
        tpu.wait_dma2 semaphore(%run_scoped3A : memref<!tpu.dma_semaphore, #tpu.memory_space<semaphore_mem>>) src(%dma_wait3A_88 : memref<32x128xi32, #tpu.memory_space<hbm>>) dst(%arg7 : memref<32x128xi32, #tpu.memory_space<vmem>>)
        tpu.yield
      }) : () -> ()
      "tpu.region"() ({
        %run_scoped3A = tpu.sem_alloc : memref<!tpu.dma_semaphore, #tpu.memory_space<semaphore_mem>>
        %dma_start3A_82 = arith.constant 0 : i32
        %dma_start3A_83 = tpu.memref_slice %arg4[%add3A_37, %dma_start3A_82] : memref<2560x128xi32, #tpu.memory_space<hbm>> -> memref<32x128xi32, #tpu.memory_space<hbm>>
        %dma_start3A_84 = arith.constant 0 : i32
        %dma_start3A_85 = tpu.memref_slice %arg4[%add3A_37, %dma_start3A_84] : memref<2560x128xi32, #tpu.memory_space<hbm>> -> memref<32x128xi32, #tpu.memory_space<hbm>>
        tpu.enqueue_dma source(%dma_start3A_85 : memref<32x128xi32, #tpu.memory_space<hbm>>) target(%arg8 : memref<32x128xi32, #tpu.memory_space<vmem>>) target_semaphore(%run_scoped3A : memref<!tpu.dma_semaphore, #tpu.memory_space<semaphore_mem>>)
        %dma_wait3A = arith.constant 0 : i32
        %dma_wait3A_86 = tpu.memref_slice %arg4[%add3A_37, %dma_wait3A] : memref<2560x128xi32, #tpu.memory_space<hbm>> -> memref<32x128xi32, #tpu.memory_space<hbm>>
        %dma_wait3A_87 = arith.constant 0 : i32
        %dma_wait3A_88 = tpu.memref_slice %arg4[%add3A_37, %dma_wait3A_87] : memref<2560x128xi32, #tpu.memory_space<hbm>> -> memref<32x128xi32, #tpu.memory_space<hbm>>
        tpu.wait_dma2 semaphore(%run_scoped3A : memref<!tpu.dma_semaphore, #tpu.memory_space<semaphore_mem>>) src(%dma_wait3A_88 : memref<32x128xi32, #tpu.memory_space<hbm>>) dst(%arg8 : memref<32x128xi32, #tpu.memory_space<vmem>>)
        tpu.yield
      }) : () -> ()
      %dma_start3A_38 = arith.constant 0 : i32
      %dma_start3A_39 = arith.constant 0 : i32
      %dma_start3A_40 = tpu.memref_slice %arg7[%dma_start3A_38, %dma_start3A_39] : memref<32x128xi32, #tpu.memory_space<vmem>> -> memref<1x128xi32, #tpu.memory_space<vmem>>
      %dma_start3A_41 = tpu.memref_squeeze %dma_start3A_40 : memref<1x128xi32, #tpu.memory_space<vmem>> -> memref<128xi32, #tpu.memory_space<vmem>>
      %dma_start3A_42 = arith.constant 0 : i32
      %dma_start3A_43 = arith.constant 0 : i32
      %dma_start3A_44 = tpu.memref_slice %arg2[%dma_start3A_42, %dma_start3A_43] : memref<10240x128xf32, #tpu.memory_space<hbm>> -> memref<10240x128xf32, #tpu.memory_space<hbm>>
      tpu.enqueue_indirect_dma source(%dma_start3A_44 : memref<10240x128xf32, #tpu.memory_space<hbm>>) target(%arg9 : memref<128x128xf32, #tpu.memory_space<vmem>>) offsets(%dma_start3A_41 : memref<128xi32, #tpu.memory_space<vmem>>) semaphore(%arg11 : memref<!tpu.dma_semaphore, #tpu.memory_space<semaphore_mem>>)
      %scan3A_45 = arith.constant 0 : i32
      %scan3A_46 = arith.constant 16 : i32
      %scan3A_47 = arith.addi %scan3A_45, %scan3A_46 : i32
      %scan3A_48 = arith.constant 1 : i32
      scf.for %scan3A_82 = %scan3A_45 to %scan3A_47 step %scan3A_48  : i32 {
        %mul3A_83 = arith.constant 1 : i32
        %mul3A_84 = arith.muli %scan3A_82, %mul3A_83 : i32
        %add3A_85 = arith.constant 0 : i32
        %add3A_86 = arith.addi %add3A_85, %mul3A_84 : i32
        %mul3A_87 = arith.constant 2 : i32
        %mul3A_88 = arith.muli %mul3A_87, %add3A_86 : i32
        %add3A_89 = arith.constant 1 : i32
        %add3A_90 = arith.addi %mul3A_88, %add3A_89 : i32
        %dma_start3A_91 = arith.constant 0 : i32
        %dma_start3A_92 = tpu.memref_slice %arg7[%add3A_90, %dma_start3A_91] : memref<32x128xi32, #tpu.memory_space<vmem>> -> memref<1x128xi32, #tpu.memory_space<vmem>>
        %dma_start3A_93 = tpu.memref_squeeze %dma_start3A_92 : memref<1x128xi32, #tpu.memory_space<vmem>> -> memref<128xi32, #tpu.memory_space<vmem>>
        %dma_start3A_94 = arith.constant 0 : i32
        %dma_start3A_95 = arith.constant 0 : i32
        %dma_start3A_96 = tpu.memref_slice %arg2[%dma_start3A_94, %dma_start3A_95] : memref<10240x128xf32, #tpu.memory_space<hbm>> -> memref<10240x128xf32, #tpu.memory_space<hbm>>
        tpu.enqueue_indirect_dma source(%dma_start3A_96 : memref<10240x128xf32, #tpu.memory_space<hbm>>) target(%arg10 : memref<128x128xf32, #tpu.memory_space<vmem>>) offsets(%dma_start3A_93 : memref<128xi32, #tpu.memory_space<vmem>>) semaphore(%arg12 : memref<!tpu.dma_semaphore, #tpu.memory_space<semaphore_mem>>)
        %dma_wait3A = arith.constant 0 : i32
        %dma_wait3A_97 = tpu.memref_slice %arg7[%mul3A_88, %dma_wait3A] : memref<32x128xi32, #tpu.memory_space<vmem>> -> memref<1x128xi32, #tpu.memory_space<vmem>>
        %dma_wait3A_98 = tpu.memref_squeeze %dma_wait3A_97 : memref<1x128xi32, #tpu.memory_space<vmem>> -> memref<128xi32, #tpu.memory_space<vmem>>
        %dma_wait3A_99 = arith.constant 0 : i32
        %dma_wait3A_100 = arith.constant 0 : i32
        %dma_wait3A_101 = tpu.memref_slice %arg2[%dma_wait3A_99, %dma_wait3A_100] : memref<10240x128xf32, #tpu.memory_space<hbm>> -> memref<10240x128xf32, #tpu.memory_space<hbm>>
        tpu.wait_indirect_dma semaphore(%arg11 : memref<!tpu.dma_semaphore, #tpu.memory_space<semaphore_mem>>) src(%dma_wait3A_101 : memref<10240x128xf32, #tpu.memory_space<hbm>>) dst(%arg9 : memref<128x128xf32, #tpu.memory_space<vmem>>)
        "tpu.region"() ({
          %run_scoped3A = tpu.sem_alloc : memref<!tpu.dma_semaphore, #tpu.memory_space<semaphore_mem>>
          %dma_start3A_118 = arith.constant 0 : i32
          %dma_start3A_119 = tpu.memref_slice %arg8[%mul3A_88, %dma_start3A_118] : memref<32x128xi32, #tpu.memory_space<vmem>> -> memref<1x128xi32, #tpu.memory_space<vmem>>
          %dma_start3A_120 = tpu.memref_squeeze %dma_start3A_119 : memref<1x128xi32, #tpu.memory_space<vmem>> -> memref<128xi32, #tpu.memory_space<vmem>>
          %dma_start3A_121 = arith.constant 0 : i32
          %dma_start3A_122 = arith.constant 0 : i32
          %dma_start3A_123 = tpu.memref_slice %arg6[%dma_start3A_121, %dma_start3A_122] : memref<10240x128xf32, #tpu.memory_space<vmem_shared>> -> memref<10240x128xf32, #tpu.memory_space<vmem_shared>>
          tpu.enqueue_indirect_dma source(%arg9 : memref<128x128xf32, #tpu.memory_space<vmem>>) target(%dma_start3A_123 : memref<10240x128xf32, #tpu.memory_space<vmem_shared>>) offsets(%dma_start3A_120 : memref<128xi32, #tpu.memory_space<vmem>>) semaphore(%run_scoped3A : memref<!tpu.dma_semaphore, #tpu.memory_space<semaphore_mem>>) {add = true}
          %dma_wait3A_124 = arith.constant 0 : i32
          %dma_wait3A_125 = tpu.memref_slice %arg8[%mul3A_88, %dma_wait3A_124] : memref<32x128xi32, #tpu.memory_space<vmem>> -> memref<1x128xi32, #tpu.memory_space<vmem>>
          %dma_wait3A_126 = tpu.memref_squeeze %dma_wait3A_125 : memref<1x128xi32, #tpu.memory_space<vmem>> -> memref<128xi32, #tpu.memory_space<vmem>>
          %dma_wait3A_127 = arith.constant 0 : i32
          %dma_wait3A_128 = arith.constant 0 : i32
          %dma_wait3A_129 = tpu.memref_slice %arg6[%dma_wait3A_127, %dma_wait3A_128] : memref<10240x128xf32, #tpu.memory_space<vmem_shared>> -> memref<10240x128xf32, #tpu.memory_space<vmem_shared>>
          tpu.wait_indirect_dma semaphore(%run_scoped3A : memref<!tpu.dma_semaphore, #tpu.memory_space<semaphore_mem>>) src(%arg9 : memref<128x128xf32, #tpu.memory_space<vmem>>) dst(%dma_wait3A_129 : memref<10240x128xf32, #tpu.memory_space<vmem_shared>>)
          tpu.yield
        }) : () -> ()
        %add3A_102 = arith.constant 1 : i32
        %add3A_103 = arith.addi %add3A_86, %add3A_102 : i32
        %lt3A = arith.constant 16 : i32
        %lt3A_104 = arith.cmpi slt, %add3A_103, %lt3A : i32
        %convert_element_type3A_105 = arith.extui %lt3A_104 : i1 to i32
        %cond3A_106 = arith.constant 0 : i32
        %cond3A_107 = arith.cmpi ne, %convert_element_type3A_105, %cond3A_106 : i32
        scf.if %cond3A_107 {
          %add3A_118 = arith.constant 2 : i32
          %add3A_119 = arith.addi %mul3A_88, %add3A_118 : i32
          %dma_start3A_120 = arith.constant 0 : i32
          %dma_start3A_121 = tpu.memref_slice %arg7[%add3A_119, %dma_start3A_120] : memref<32x128xi32, #tpu.memory_space<vmem>> -> memref<1x128xi32, #tpu.memory_space<vmem>>
          %dma_start3A_122 = tpu.memref_squeeze %dma_start3A_121 : memref<1x128xi32, #tpu.memory_space<vmem>> -> memref<128xi32, #tpu.memory_space<vmem>>
          %dma_start3A_123 = arith.constant 0 : i32
          %dma_start3A_124 = arith.constant 0 : i32
          %dma_start3A_125 = tpu.memref_slice %arg2[%dma_start3A_123, %dma_start3A_124] : memref<10240x128xf32, #tpu.memory_space<hbm>> -> memref<10240x128xf32, #tpu.memory_space<hbm>>
          tpu.enqueue_indirect_dma source(%dma_start3A_125 : memref<10240x128xf32, #tpu.memory_space<hbm>>) target(%arg9 : memref<128x128xf32, #tpu.memory_space<vmem>>) offsets(%dma_start3A_122 : memref<128xi32, #tpu.memory_space<vmem>>) semaphore(%arg11 : memref<!tpu.dma_semaphore, #tpu.memory_space<semaphore_mem>>)
        } else {
        }
        %add3A_108 = arith.constant 1 : i32
        %add3A_109 = arith.addi %mul3A_88, %add3A_108 : i32
        %dma_wait3A_110 = arith.constant 0 : i32
        %dma_wait3A_111 = tpu.memref_slice %arg7[%add3A_109, %dma_wait3A_110] : memref<32x128xi32, #tpu.memory_space<vmem>> -> memref<1x128xi32, #tpu.memory_space<vmem>>
        %dma_wait3A_112 = tpu.memref_squeeze %dma_wait3A_111 : memref<1x128xi32, #tpu.memory_space<vmem>> -> memref<128xi32, #tpu.memory_space<vmem>>
        %dma_wait3A_113 = arith.constant 0 : i32
        %dma_wait3A_114 = arith.constant 0 : i32
        %dma_wait3A_115 = tpu.memref_slice %arg2[%dma_wait3A_113, %dma_wait3A_114] : memref<10240x128xf32, #tpu.memory_space<hbm>> -> memref<10240x128xf32, #tpu.memory_space<hbm>>
        tpu.wait_indirect_dma semaphore(%arg12 : memref<!tpu.dma_semaphore, #tpu.memory_space<semaphore_mem>>) src(%dma_wait3A_115 : memref<10240x128xf32, #tpu.memory_space<hbm>>) dst(%arg10 : memref<128x128xf32, #tpu.memory_space<vmem>>)
        %add3A_116 = arith.constant 1 : i32
        %add3A_117 = arith.addi %mul3A_88, %add3A_116 : i32
        "tpu.region"() ({
          %run_scoped3A = tpu.sem_alloc : memref<!tpu.dma_semaphore, #tpu.memory_space<semaphore_mem>>
          %dma_start3A_118 = arith.constant 0 : i32
          %dma_start3A_119 = tpu.memref_slice %arg8[%add3A_117, %dma_start3A_118] : memref<32x128xi32, #tpu.memory_space<vmem>> -> memref<1x128xi32, #tpu.memory_space<vmem>>
          %dma_start3A_120 = tpu.memref_squeeze %dma_start3A_119 : memref<1x128xi32, #tpu.memory_space<vmem>> -> memref<128xi32, #tpu.memory_space<vmem>>
          %dma_start3A_121 = arith.constant 0 : i32
          %dma_start3A_122 = arith.constant 0 : i32
          %dma_start3A_123 = tpu.memref_slice %arg6[%dma_start3A_121, %dma_start3A_122] : memref<10240x128xf32, #tpu.memory_space<vmem_shared>> -> memref<10240x128xf32, #tpu.memory_space<vmem_shared>>
          tpu.enqueue_indirect_dma source(%arg10 : memref<128x128xf32, #tpu.memory_space<vmem>>) target(%dma_start3A_123 : memref<10240x128xf32, #tpu.memory_space<vmem_shared>>) offsets(%dma_start3A_120 : memref<128xi32, #tpu.memory_space<vmem>>) semaphore(%run_scoped3A : memref<!tpu.dma_semaphore, #tpu.memory_space<semaphore_mem>>) {add = true}
          %dma_wait3A_124 = arith.constant 0 : i32
          %dma_wait3A_125 = tpu.memref_slice %arg8[%add3A_117, %dma_wait3A_124] : memref<32x128xi32, #tpu.memory_space<vmem>> -> memref<1x128xi32, #tpu.memory_space<vmem>>
          %dma_wait3A_126 = tpu.memref_squeeze %dma_wait3A_125 : memref<1x128xi32, #tpu.memory_space<vmem>> -> memref<128xi32, #tpu.memory_space<vmem>>
          %dma_wait3A_127 = arith.constant 0 : i32
          %dma_wait3A_128 = arith.constant 0 : i32
          %dma_wait3A_129 = tpu.memref_slice %arg6[%dma_wait3A_127, %dma_wait3A_128] : memref<10240x128xf32, #tpu.memory_space<vmem_shared>> -> memref<10240x128xf32, #tpu.memory_space<vmem_shared>>
          tpu.wait_indirect_dma semaphore(%run_scoped3A : memref<!tpu.dma_semaphore, #tpu.memory_space<semaphore_mem>>) src(%arg10 : memref<128x128xf32, #tpu.memory_space<vmem>>) dst(%dma_wait3A_129 : memref<10240x128xf32, #tpu.memory_space<vmem_shared>>)
          tpu.yield
        }) : () -> ()
      }
      %scan3A_49 = arith.constant 16 : i32
      %mul3A_50 = arith.constant 128 : i32
      %mul3A_51 = arith.muli %arg1, %mul3A_50 : i32
      %add3A_52 = arith.constant 64 : i32
      %add3A_53 = arith.addi %mul3A_51, %add3A_52 : i32
      "tpu.region"() ({
        %run_scoped3A = tpu.sem_alloc : memref<!tpu.dma_semaphore, #tpu.memory_space<semaphore_mem>>
        %dma_start3A_82 = arith.constant 0 : i32
        %dma_start3A_83 = tpu.memref_slice %arg3[%add3A_53, %dma_start3A_82] : memref<2560x128xi32, #tpu.memory_space<hbm>> -> memref<32x128xi32, #tpu.memory_space<hbm>>
        %dma_start3A_84 = arith.constant 0 : i32
        %dma_start3A_85 = tpu.memref_slice %arg3[%add3A_53, %dma_start3A_84] : memref<2560x128xi32, #tpu.memory_space<hbm>> -> memref<32x128xi32, #tpu.memory_space<hbm>>
        tpu.enqueue_dma source(%dma_start3A_85 : memref<32x128xi32, #tpu.memory_space<hbm>>) target(%arg7 : memref<32x128xi32, #tpu.memory_space<vmem>>) target_semaphore(%run_scoped3A : memref<!tpu.dma_semaphore, #tpu.memory_space<semaphore_mem>>)
        %dma_wait3A = arith.constant 0 : i32
        %dma_wait3A_86 = tpu.memref_slice %arg3[%add3A_53, %dma_wait3A] : memref<2560x128xi32, #tpu.memory_space<hbm>> -> memref<32x128xi32, #tpu.memory_space<hbm>>
        %dma_wait3A_87 = arith.constant 0 : i32
        %dma_wait3A_88 = tpu.memref_slice %arg3[%add3A_53, %dma_wait3A_87] : memref<2560x128xi32, #tpu.memory_space<hbm>> -> memref<32x128xi32, #tpu.memory_space<hbm>>
        tpu.wait_dma2 semaphore(%run_scoped3A : memref<!tpu.dma_semaphore, #tpu.memory_space<semaphore_mem>>) src(%dma_wait3A_88 : memref<32x128xi32, #tpu.memory_space<hbm>>) dst(%arg7 : memref<32x128xi32, #tpu.memory_space<vmem>>)
        tpu.yield
      }) : () -> ()
      "tpu.region"() ({
        %run_scoped3A = tpu.sem_alloc : memref<!tpu.dma_semaphore, #tpu.memory_space<semaphore_mem>>
        %dma_start3A_82 = arith.constant 0 : i32
        %dma_start3A_83 = tpu.memref_slice %arg4[%add3A_53, %dma_start3A_82] : memref<2560x128xi32, #tpu.memory_space<hbm>> -> memref<32x128xi32, #tpu.memory_space<hbm>>
        %dma_start3A_84 = arith.constant 0 : i32
        %dma_start3A_85 = tpu.memref_slice %arg4[%add3A_53, %dma_start3A_84] : memref<2560x128xi32, #tpu.memory_space<hbm>> -> memref<32x128xi32, #tpu.memory_space<hbm>>
        tpu.enqueue_dma source(%dma_start3A_85 : memref<32x128xi32, #tpu.memory_space<hbm>>) target(%arg8 : memref<32x128xi32, #tpu.memory_space<vmem>>) target_semaphore(%run_scoped3A : memref<!tpu.dma_semaphore, #tpu.memory_space<semaphore_mem>>)
        %dma_wait3A = arith.constant 0 : i32
        %dma_wait3A_86 = tpu.memref_slice %arg4[%add3A_53, %dma_wait3A] : memref<2560x128xi32, #tpu.memory_space<hbm>> -> memref<32x128xi32, #tpu.memory_space<hbm>>
        %dma_wait3A_87 = arith.constant 0 : i32
        %dma_wait3A_88 = tpu.memref_slice %arg4[%add3A_53, %dma_wait3A_87] : memref<2560x128xi32, #tpu.memory_space<hbm>> -> memref<32x128xi32, #tpu.memory_space<hbm>>
        tpu.wait_dma2 semaphore(%run_scoped3A : memref<!tpu.dma_semaphore, #tpu.memory_space<semaphore_mem>>) src(%dma_wait3A_88 : memref<32x128xi32, #tpu.memory_space<hbm>>) dst(%arg8 : memref<32x128xi32, #tpu.memory_space<vmem>>)
        tpu.yield
      }) : () -> ()
      %dma_start3A_54 = arith.constant 0 : i32
      %dma_start3A_55 = arith.constant 0 : i32
      %dma_start3A_56 = tpu.memref_slice %arg7[%dma_start3A_54, %dma_start3A_55] : memref<32x128xi32, #tpu.memory_space<vmem>> -> memref<1x128xi32, #tpu.memory_space<vmem>>
      %dma_start3A_57 = tpu.memref_squeeze %dma_start3A_56 : memref<1x128xi32, #tpu.memory_space<vmem>> -> memref<128xi32, #tpu.memory_space<vmem>>
      %dma_start3A_58 = arith.constant 0 : i32
      %dma_start3A_59 = arith.constant 0 : i32
      %dma_start3A_60 = tpu.memref_slice %arg2[%dma_start3A_58, %dma_start3A_59] : memref<10240x128xf32, #tpu.memory_space<hbm>> -> memref<10240x128xf32, #tpu.memory_space<hbm>>
      tpu.enqueue_indirect_dma source(%dma_start3A_60 : memref<10240x128xf32, #tpu.memory_space<hbm>>) target(%arg9 : memref<128x128xf32, #tpu.memory_space<vmem>>) offsets(%dma_start3A_57 : memref<128xi32, #tpu.memory_space<vmem>>) semaphore(%arg11 : memref<!tpu.dma_semaphore, #tpu.memory_space<semaphore_mem>>)
      %scan3A_61 = arith.constant 0 : i32
      %scan3A_62 = arith.constant 16 : i32
      %scan3A_63 = arith.addi %scan3A_61, %scan3A_62 : i32
      %scan3A_64 = arith.constant 1 : i32
      scf.for %scan3A_82 = %scan3A_61 to %scan3A_63 step %scan3A_64  : i32 {
        %mul3A_83 = arith.constant 1 : i32
        %mul3A_84 = arith.muli %scan3A_82, %mul3A_83 : i32
        %add3A_85 = arith.constant 0 : i32
        %add3A_86 = arith.addi %add3A_85, %mul3A_84 : i32
        %mul3A_87 = arith.constant 2 : i32
        %mul3A_88 = arith.muli %mul3A_87, %add3A_86 : i32
        %add3A_89 = arith.constant 1 : i32
        %add3A_90 = arith.addi %mul3A_88, %add3A_89 : i32
        %dma_start3A_91 = arith.constant 0 : i32
        %dma_start3A_92 = tpu.memref_slice %arg7[%add3A_90, %dma_start3A_91] : memref<32x128xi32, #tpu.memory_space<vmem>> -> memref<1x128xi32, #tpu.memory_space<vmem>>
        %dma_start3A_93 = tpu.memref_squeeze %dma_start3A_92 : memref<1x128xi32, #tpu.memory_space<vmem>> -> memref<128xi32, #tpu.memory_space<vmem>>
        %dma_start3A_94 = arith.constant 0 : i32
        %dma_start3A_95 = arith.constant 0 : i32
        %dma_start3A_96 = tpu.memref_slice %arg2[%dma_start3A_94, %dma_start3A_95] : memref<10240x128xf32, #tpu.memory_space<hbm>> -> memref<10240x128xf32, #tpu.memory_space<hbm>>
        tpu.enqueue_indirect_dma source(%dma_start3A_96 : memref<10240x128xf32, #tpu.memory_space<hbm>>) target(%arg10 : memref<128x128xf32, #tpu.memory_space<vmem>>) offsets(%dma_start3A_93 : memref<128xi32, #tpu.memory_space<vmem>>) semaphore(%arg12 : memref<!tpu.dma_semaphore, #tpu.memory_space<semaphore_mem>>)
        %dma_wait3A = arith.constant 0 : i32
        %dma_wait3A_97 = tpu.memref_slice %arg7[%mul3A_88, %dma_wait3A] : memref<32x128xi32, #tpu.memory_space<vmem>> -> memref<1x128xi32, #tpu.memory_space<vmem>>
        %dma_wait3A_98 = tpu.memref_squeeze %dma_wait3A_97 : memref<1x128xi32, #tpu.memory_space<vmem>> -> memref<128xi32, #tpu.memory_space<vmem>>
        %dma_wait3A_99 = arith.constant 0 : i32
        %dma_wait3A_100 = arith.constant 0 : i32
        %dma_wait3A_101 = tpu.memref_slice %arg2[%dma_wait3A_99, %dma_wait3A_100] : memref<10240x128xf32, #tpu.memory_space<hbm>> -> memref<10240x128xf32, #tpu.memory_space<hbm>>
        tpu.wait_indirect_dma semaphore(%arg11 : memref<!tpu.dma_semaphore, #tpu.memory_space<semaphore_mem>>) src(%dma_wait3A_101 : memref<10240x128xf32, #tpu.memory_space<hbm>>) dst(%arg9 : memref<128x128xf32, #tpu.memory_space<vmem>>)
        "tpu.region"() ({
          %run_scoped3A = tpu.sem_alloc : memref<!tpu.dma_semaphore, #tpu.memory_space<semaphore_mem>>
          %dma_start3A_118 = arith.constant 0 : i32
          %dma_start3A_119 = tpu.memref_slice %arg8[%mul3A_88, %dma_start3A_118] : memref<32x128xi32, #tpu.memory_space<vmem>> -> memref<1x128xi32, #tpu.memory_space<vmem>>
          %dma_start3A_120 = tpu.memref_squeeze %dma_start3A_119 : memref<1x128xi32, #tpu.memory_space<vmem>> -> memref<128xi32, #tpu.memory_space<vmem>>
          %dma_start3A_121 = arith.constant 0 : i32
          %dma_start3A_122 = arith.constant 0 : i32
          %dma_start3A_123 = tpu.memref_slice %arg6[%dma_start3A_121, %dma_start3A_122] : memref<10240x128xf32, #tpu.memory_space<vmem_shared>> -> memref<10240x128xf32, #tpu.memory_space<vmem_shared>>
          tpu.enqueue_indirect_dma source(%arg9 : memref<128x128xf32, #tpu.memory_space<vmem>>) target(%dma_start3A_123 : memref<10240x128xf32, #tpu.memory_space<vmem_shared>>) offsets(%dma_start3A_120 : memref<128xi32, #tpu.memory_space<vmem>>) semaphore(%run_scoped3A : memref<!tpu.dma_semaphore, #tpu.memory_space<semaphore_mem>>) {add = true}
          %dma_wait3A_124 = arith.constant 0 : i32
          %dma_wait3A_125 = tpu.memref_slice %arg8[%mul3A_88, %dma_wait3A_124] : memref<32x128xi32, #tpu.memory_space<vmem>> -> memref<1x128xi32, #tpu.memory_space<vmem>>
          %dma_wait3A_126 = tpu.memref_squeeze %dma_wait3A_125 : memref<1x128xi32, #tpu.memory_space<vmem>> -> memref<128xi32, #tpu.memory_space<vmem>>
          %dma_wait3A_127 = arith.constant 0 : i32
          %dma_wait3A_128 = arith.constant 0 : i32
          %dma_wait3A_129 = tpu.memref_slice %arg6[%dma_wait3A_127, %dma_wait3A_128] : memref<10240x128xf32, #tpu.memory_space<vmem_shared>> -> memref<10240x128xf32, #tpu.memory_space<vmem_shared>>
          tpu.wait_indirect_dma semaphore(%run_scoped3A : memref<!tpu.dma_semaphore, #tpu.memory_space<semaphore_mem>>) src(%arg9 : memref<128x128xf32, #tpu.memory_space<vmem>>) dst(%dma_wait3A_129 : memref<10240x128xf32, #tpu.memory_space<vmem_shared>>)
          tpu.yield
        }) : () -> ()
        %add3A_102 = arith.constant 1 : i32
        %add3A_103 = arith.addi %add3A_86, %add3A_102 : i32
        %lt3A = arith.constant 16 : i32
        %lt3A_104 = arith.cmpi slt, %add3A_103, %lt3A : i32
        %convert_element_type3A_105 = arith.extui %lt3A_104 : i1 to i32
        %cond3A_106 = arith.constant 0 : i32
        %cond3A_107 = arith.cmpi ne, %convert_element_type3A_105, %cond3A_106 : i32
        scf.if %cond3A_107 {
          %add3A_118 = arith.constant 2 : i32
          %add3A_119 = arith.addi %mul3A_88, %add3A_118 : i32
          %dma_start3A_120 = arith.constant 0 : i32
          %dma_start3A_121 = tpu.memref_slice %arg7[%add3A_119, %dma_start3A_120] : memref<32x128xi32, #tpu.memory_space<vmem>> -> memref<1x128xi32, #tpu.memory_space<vmem>>
          %dma_start3A_122 = tpu.memref_squeeze %dma_start3A_121 : memref<1x128xi32, #tpu.memory_space<vmem>> -> memref<128xi32, #tpu.memory_space<vmem>>
          %dma_start3A_123 = arith.constant 0 : i32
          %dma_start3A_124 = arith.constant 0 : i32
          %dma_start3A_125 = tpu.memref_slice %arg2[%dma_start3A_123, %dma_start3A_124] : memref<10240x128xf32, #tpu.memory_space<hbm>> -> memref<10240x128xf32, #tpu.memory_space<hbm>>
          tpu.enqueue_indirect_dma source(%dma_start3A_125 : memref<10240x128xf32, #tpu.memory_space<hbm>>) target(%arg9 : memref<128x128xf32, #tpu.memory_space<vmem>>) offsets(%dma_start3A_122 : memref<128xi32, #tpu.memory_space<vmem>>) semaphore(%arg11 : memref<!tpu.dma_semaphore, #tpu.memory_space<semaphore_mem>>)
        } else {
        }
        %add3A_108 = arith.constant 1 : i32
        %add3A_109 = arith.addi %mul3A_88, %add3A_108 : i32
        %dma_wait3A_110 = arith.constant 0 : i32
        %dma_wait3A_111 = tpu.memref_slice %arg7[%add3A_109, %dma_wait3A_110] : memref<32x128xi32, #tpu.memory_space<vmem>> -> memref<1x128xi32, #tpu.memory_space<vmem>>
        %dma_wait3A_112 = tpu.memref_squeeze %dma_wait3A_111 : memref<1x128xi32, #tpu.memory_space<vmem>> -> memref<128xi32, #tpu.memory_space<vmem>>
        %dma_wait3A_113 = arith.constant 0 : i32
        %dma_wait3A_114 = arith.constant 0 : i32
        %dma_wait3A_115 = tpu.memref_slice %arg2[%dma_wait3A_113, %dma_wait3A_114] : memref<10240x128xf32, #tpu.memory_space<hbm>> -> memref<10240x128xf32, #tpu.memory_space<hbm>>
        tpu.wait_indirect_dma semaphore(%arg12 : memref<!tpu.dma_semaphore, #tpu.memory_space<semaphore_mem>>) src(%dma_wait3A_115 : memref<10240x128xf32, #tpu.memory_space<hbm>>) dst(%arg10 : memref<128x128xf32, #tpu.memory_space<vmem>>)
        %add3A_116 = arith.constant 1 : i32
        %add3A_117 = arith.addi %mul3A_88, %add3A_116 : i32
        "tpu.region"() ({
          %run_scoped3A = tpu.sem_alloc : memref<!tpu.dma_semaphore, #tpu.memory_space<semaphore_mem>>
          %dma_start3A_118 = arith.constant 0 : i32
          %dma_start3A_119 = tpu.memref_slice %arg8[%add3A_117, %dma_start3A_118] : memref<32x128xi32, #tpu.memory_space<vmem>> -> memref<1x128xi32, #tpu.memory_space<vmem>>
          %dma_start3A_120 = tpu.memref_squeeze %dma_start3A_119 : memref<1x128xi32, #tpu.memory_space<vmem>> -> memref<128xi32, #tpu.memory_space<vmem>>
          %dma_start3A_121 = arith.constant 0 : i32
          %dma_start3A_122 = arith.constant 0 : i32
          %dma_start3A_123 = tpu.memref_slice %arg6[%dma_start3A_121, %dma_start3A_122] : memref<10240x128xf32, #tpu.memory_space<vmem_shared>> -> memref<10240x128xf32, #tpu.memory_space<vmem_shared>>
          tpu.enqueue_indirect_dma source(%arg10 : memref<128x128xf32, #tpu.memory_space<vmem>>) target(%dma_start3A_123 : memref<10240x128xf32, #tpu.memory_space<vmem_shared>>) offsets(%dma_start3A_120 : memref<128xi32, #tpu.memory_space<vmem>>) semaphore(%run_scoped3A : memref<!tpu.dma_semaphore, #tpu.memory_space<semaphore_mem>>) {add = true}
          %dma_wait3A_124 = arith.constant 0 : i32
          %dma_wait3A_125 = tpu.memref_slice %arg8[%add3A_117, %dma_wait3A_124] : memref<32x128xi32, #tpu.memory_space<vmem>> -> memref<1x128xi32, #tpu.memory_space<vmem>>
          %dma_wait3A_126 = tpu.memref_squeeze %dma_wait3A_125 : memref<1x128xi32, #tpu.memory_space<vmem>> -> memref<128xi32, #tpu.memory_space<vmem>>
          %dma_wait3A_127 = arith.constant 0 : i32
          %dma_wait3A_128 = arith.constant 0 : i32
          %dma_wait3A_129 = tpu.memref_slice %arg6[%dma_wait3A_127, %dma_wait3A_128] : memref<10240x128xf32, #tpu.memory_space<vmem_shared>> -> memref<10240x128xf32, #tpu.memory_space<vmem_shared>>
          tpu.wait_indirect_dma semaphore(%run_scoped3A : memref<!tpu.dma_semaphore, #tpu.memory_space<semaphore_mem>>) src(%arg10 : memref<128x128xf32, #tpu.memory_space<vmem>>) dst(%dma_wait3A_129 : memref<10240x128xf32, #tpu.memory_space<vmem_shared>>)
          tpu.yield
        }) : () -> ()
      }
      %scan3A_65 = arith.constant 16 : i32
      %mul3A_66 = arith.constant 128 : i32
      %mul3A_67 = arith.muli %arg1, %mul3A_66 : i32
      %add3A_68 = arith.constant 96 : i32
      %add3A_69 = arith.addi %mul3A_67, %add3A_68 : i32
      "tpu.region"() ({
        %run_scoped3A = tpu.sem_alloc : memref<!tpu.dma_semaphore, #tpu.memory_space<semaphore_mem>>
        %dma_start3A_82 = arith.constant 0 : i32
        %dma_start3A_83 = tpu.memref_slice %arg3[%add3A_69, %dma_start3A_82] : memref<2560x128xi32, #tpu.memory_space<hbm>> -> memref<32x128xi32, #tpu.memory_space<hbm>>
        %dma_start3A_84 = arith.constant 0 : i32
        %dma_start3A_85 = tpu.memref_slice %arg3[%add3A_69, %dma_start3A_84] : memref<2560x128xi32, #tpu.memory_space<hbm>> -> memref<32x128xi32, #tpu.memory_space<hbm>>
        tpu.enqueue_dma source(%dma_start3A_85 : memref<32x128xi32, #tpu.memory_space<hbm>>) target(%arg7 : memref<32x128xi32, #tpu.memory_space<vmem>>) target_semaphore(%run_scoped3A : memref<!tpu.dma_semaphore, #tpu.memory_space<semaphore_mem>>)
        %dma_wait3A = arith.constant 0 : i32
        %dma_wait3A_86 = tpu.memref_slice %arg3[%add3A_69, %dma_wait3A] : memref<2560x128xi32, #tpu.memory_space<hbm>> -> memref<32x128xi32, #tpu.memory_space<hbm>>
        %dma_wait3A_87 = arith.constant 0 : i32
        %dma_wait3A_88 = tpu.memref_slice %arg3[%add3A_69, %dma_wait3A_87] : memref<2560x128xi32, #tpu.memory_space<hbm>> -> memref<32x128xi32, #tpu.memory_space<hbm>>
        tpu.wait_dma2 semaphore(%run_scoped3A : memref<!tpu.dma_semaphore, #tpu.memory_space<semaphore_mem>>) src(%dma_wait3A_88 : memref<32x128xi32, #tpu.memory_space<hbm>>) dst(%arg7 : memref<32x128xi32, #tpu.memory_space<vmem>>)
        tpu.yield
      }) : () -> ()
      "tpu.region"() ({
        %run_scoped3A = tpu.sem_alloc : memref<!tpu.dma_semaphore, #tpu.memory_space<semaphore_mem>>
        %dma_start3A_82 = arith.constant 0 : i32
        %dma_start3A_83 = tpu.memref_slice %arg4[%add3A_69, %dma_start3A_82] : memref<2560x128xi32, #tpu.memory_space<hbm>> -> memref<32x128xi32, #tpu.memory_space<hbm>>
        %dma_start3A_84 = arith.constant 0 : i32
        %dma_start3A_85 = tpu.memref_slice %arg4[%add3A_69, %dma_start3A_84] : memref<2560x128xi32, #tpu.memory_space<hbm>> -> memref<32x128xi32, #tpu.memory_space<hbm>>
        tpu.enqueue_dma source(%dma_start3A_85 : memref<32x128xi32, #tpu.memory_space<hbm>>) target(%arg8 : memref<32x128xi32, #tpu.memory_space<vmem>>) target_semaphore(%run_scoped3A : memref<!tpu.dma_semaphore, #tpu.memory_space<semaphore_mem>>)
        %dma_wait3A = arith.constant 0 : i32
        %dma_wait3A_86 = tpu.memref_slice %arg4[%add3A_69, %dma_wait3A] : memref<2560x128xi32, #tpu.memory_space<hbm>> -> memref<32x128xi32, #tpu.memory_space<hbm>>
        %dma_wait3A_87 = arith.constant 0 : i32
        %dma_wait3A_88 = tpu.memref_slice %arg4[%add3A_69, %dma_wait3A_87] : memref<2560x128xi32, #tpu.memory_space<hbm>> -> memref<32x128xi32, #tpu.memory_space<hbm>>
        tpu.wait_dma2 semaphore(%run_scoped3A : memref<!tpu.dma_semaphore, #tpu.memory_space<semaphore_mem>>) src(%dma_wait3A_88 : memref<32x128xi32, #tpu.memory_space<hbm>>) dst(%arg8 : memref<32x128xi32, #tpu.memory_space<vmem>>)
        tpu.yield
      }) : () -> ()
      %dma_start3A_70 = arith.constant 0 : i32
      %dma_start3A_71 = arith.constant 0 : i32
      %dma_start3A_72 = tpu.memref_slice %arg7[%dma_start3A_70, %dma_start3A_71] : memref<32x128xi32, #tpu.memory_space<vmem>> -> memref<1x128xi32, #tpu.memory_space<vmem>>
      %dma_start3A_73 = tpu.memref_squeeze %dma_start3A_72 : memref<1x128xi32, #tpu.memory_space<vmem>> -> memref<128xi32, #tpu.memory_space<vmem>>
      %dma_start3A_74 = arith.constant 0 : i32
      %dma_start3A_75 = arith.constant 0 : i32
      %dma_start3A_76 = tpu.memref_slice %arg2[%dma_start3A_74, %dma_start3A_75] : memref<10240x128xf32, #tpu.memory_space<hbm>> -> memref<10240x128xf32, #tpu.memory_space<hbm>>
      tpu.enqueue_indirect_dma source(%dma_start3A_76 : memref<10240x128xf32, #tpu.memory_space<hbm>>) target(%arg9 : memref<128x128xf32, #tpu.memory_space<vmem>>) offsets(%dma_start3A_73 : memref<128xi32, #tpu.memory_space<vmem>>) semaphore(%arg11 : memref<!tpu.dma_semaphore, #tpu.memory_space<semaphore_mem>>)
      %scan3A_77 = arith.constant 0 : i32
      %scan3A_78 = arith.constant 16 : i32
      %scan3A_79 = arith.addi %scan3A_77, %scan3A_78 : i32
      %scan3A_80 = arith.constant 1 : i32
      scf.for %scan3A_82 = %scan3A_77 to %scan3A_79 step %scan3A_80  : i32 {
        %mul3A_83 = arith.constant 1 : i32
        %mul3A_84 = arith.muli %scan3A_82, %mul3A_83 : i32
        %add3A_85 = arith.constant 0 : i32
        %add3A_86 = arith.addi %add3A_85, %mul3A_84 : i32
        %mul3A_87 = arith.constant 2 : i32
        %mul3A_88 = arith.muli %mul3A_87, %add3A_86 : i32
        %add3A_89 = arith.constant 1 : i32
        %add3A_90 = arith.addi %mul3A_88, %add3A_89 : i32
        %dma_start3A_91 = arith.constant 0 : i32
        %dma_start3A_92 = tpu.memref_slice %arg7[%add3A_90, %dma_start3A_91] : memref<32x128xi32, #tpu.memory_space<vmem>> -> memref<1x128xi32, #tpu.memory_space<vmem>>
        %dma_start3A_93 = tpu.memref_squeeze %dma_start3A_92 : memref<1x128xi32, #tpu.memory_space<vmem>> -> memref<128xi32, #tpu.memory_space<vmem>>
        %dma_start3A_94 = arith.constant 0 : i32
        %dma_start3A_95 = arith.constant 0 : i32
        %dma_start3A_96 = tpu.memref_slice %arg2[%dma_start3A_94, %dma_start3A_95] : memref<10240x128xf32, #tpu.memory_space<hbm>> -> memref<10240x128xf32, #tpu.memory_space<hbm>>
        tpu.enqueue_indirect_dma source(%dma_start3A_96 : memref<10240x128xf32, #tpu.memory_space<hbm>>) target(%arg10 : memref<128x128xf32, #tpu.memory_space<vmem>>) offsets(%dma_start3A_93 : memref<128xi32, #tpu.memory_space<vmem>>) semaphore(%arg12 : memref<!tpu.dma_semaphore, #tpu.memory_space<semaphore_mem>>)
        %dma_wait3A = arith.constant 0 : i32
        %dma_wait3A_97 = tpu.memref_slice %arg7[%mul3A_88, %dma_wait3A] : memref<32x128xi32, #tpu.memory_space<vmem>> -> memref<1x128xi32, #tpu.memory_space<vmem>>
        %dma_wait3A_98 = tpu.memref_squeeze %dma_wait3A_97 : memref<1x128xi32, #tpu.memory_space<vmem>> -> memref<128xi32, #tpu.memory_space<vmem>>
        %dma_wait3A_99 = arith.constant 0 : i32
        %dma_wait3A_100 = arith.constant 0 : i32
        %dma_wait3A_101 = tpu.memref_slice %arg2[%dma_wait3A_99, %dma_wait3A_100] : memref<10240x128xf32, #tpu.memory_space<hbm>> -> memref<10240x128xf32, #tpu.memory_space<hbm>>
        tpu.wait_indirect_dma semaphore(%arg11 : memref<!tpu.dma_semaphore, #tpu.memory_space<semaphore_mem>>) src(%dma_wait3A_101 : memref<10240x128xf32, #tpu.memory_space<hbm>>) dst(%arg9 : memref<128x128xf32, #tpu.memory_space<vmem>>)
        "tpu.region"() ({
          %run_scoped3A = tpu.sem_alloc : memref<!tpu.dma_semaphore, #tpu.memory_space<semaphore_mem>>
          %dma_start3A_118 = arith.constant 0 : i32
          %dma_start3A_119 = tpu.memref_slice %arg8[%mul3A_88, %dma_start3A_118] : memref<32x128xi32, #tpu.memory_space<vmem>> -> memref<1x128xi32, #tpu.memory_space<vmem>>
          %dma_start3A_120 = tpu.memref_squeeze %dma_start3A_119 : memref<1x128xi32, #tpu.memory_space<vmem>> -> memref<128xi32, #tpu.memory_space<vmem>>
          %dma_start3A_121 = arith.constant 0 : i32
          %dma_start3A_122 = arith.constant 0 : i32
          %dma_start3A_123 = tpu.memref_slice %arg6[%dma_start3A_121, %dma_start3A_122] : memref<10240x128xf32, #tpu.memory_space<vmem_shared>> -> memref<10240x128xf32, #tpu.memory_space<vmem_shared>>
          tpu.enqueue_indirect_dma source(%arg9 : memref<128x128xf32, #tpu.memory_space<vmem>>) target(%dma_start3A_123 : memref<10240x128xf32, #tpu.memory_space<vmem_shared>>) offsets(%dma_start3A_120 : memref<128xi32, #tpu.memory_space<vmem>>) semaphore(%run_scoped3A : memref<!tpu.dma_semaphore, #tpu.memory_space<semaphore_mem>>) {add = true}
          %dma_wait3A_124 = arith.constant 0 : i32
          %dma_wait3A_125 = tpu.memref_slice %arg8[%mul3A_88, %dma_wait3A_124] : memref<32x128xi32, #tpu.memory_space<vmem>> -> memref<1x128xi32, #tpu.memory_space<vmem>>
          %dma_wait3A_126 = tpu.memref_squeeze %dma_wait3A_125 : memref<1x128xi32, #tpu.memory_space<vmem>> -> memref<128xi32, #tpu.memory_space<vmem>>
          %dma_wait3A_127 = arith.constant 0 : i32
          %dma_wait3A_128 = arith.constant 0 : i32
          %dma_wait3A_129 = tpu.memref_slice %arg6[%dma_wait3A_127, %dma_wait3A_128] : memref<10240x128xf32, #tpu.memory_space<vmem_shared>> -> memref<10240x128xf32, #tpu.memory_space<vmem_shared>>
          tpu.wait_indirect_dma semaphore(%run_scoped3A : memref<!tpu.dma_semaphore, #tpu.memory_space<semaphore_mem>>) src(%arg9 : memref<128x128xf32, #tpu.memory_space<vmem>>) dst(%dma_wait3A_129 : memref<10240x128xf32, #tpu.memory_space<vmem_shared>>)
          tpu.yield
        }) : () -> ()
        %add3A_102 = arith.constant 1 : i32
        %add3A_103 = arith.addi %add3A_86, %add3A_102 : i32
        %lt3A = arith.constant 16 : i32
        %lt3A_104 = arith.cmpi slt, %add3A_103, %lt3A : i32
        %convert_element_type3A_105 = arith.extui %lt3A_104 : i1 to i32
        %cond3A_106 = arith.constant 0 : i32
        %cond3A_107 = arith.cmpi ne, %convert_element_type3A_105, %cond3A_106 : i32
        scf.if %cond3A_107 {
          %add3A_118 = arith.constant 2 : i32
          %add3A_119 = arith.addi %mul3A_88, %add3A_118 : i32
          %dma_start3A_120 = arith.constant 0 : i32
          %dma_start3A_121 = tpu.memref_slice %arg7[%add3A_119, %dma_start3A_120] : memref<32x128xi32, #tpu.memory_space<vmem>> -> memref<1x128xi32, #tpu.memory_space<vmem>>
          %dma_start3A_122 = tpu.memref_squeeze %dma_start3A_121 : memref<1x128xi32, #tpu.memory_space<vmem>> -> memref<128xi32, #tpu.memory_space<vmem>>
          %dma_start3A_123 = arith.constant 0 : i32
          %dma_start3A_124 = arith.constant 0 : i32
          %dma_start3A_125 = tpu.memref_slice %arg2[%dma_start3A_123, %dma_start3A_124] : memref<10240x128xf32, #tpu.memory_space<hbm>> -> memref<10240x128xf32, #tpu.memory_space<hbm>>
          tpu.enqueue_indirect_dma source(%dma_start3A_125 : memref<10240x128xf32, #tpu.memory_space<hbm>>) target(%arg9 : memref<128x128xf32, #tpu.memory_space<vmem>>) offsets(%dma_start3A_122 : memref<128xi32, #tpu.memory_space<vmem>>) semaphore(%arg11 : memref<!tpu.dma_semaphore, #tpu.memory_space<semaphore_mem>>)
        } else {
        }
        %add3A_108 = arith.constant 1 : i32
        %add3A_109 = arith.addi %mul3A_88, %add3A_108 : i32
        %dma_wait3A_110 = arith.constant 0 : i32
        %dma_wait3A_111 = tpu.memref_slice %arg7[%add3A_109, %dma_wait3A_110] : memref<32x128xi32, #tpu.memory_space<vmem>> -> memref<1x128xi32, #tpu.memory_space<vmem>>
        %dma_wait3A_112 = tpu.memref_squeeze %dma_wait3A_111 : memref<1x128xi32, #tpu.memory_space<vmem>> -> memref<128xi32, #tpu.memory_space<vmem>>
        %dma_wait3A_113 = arith.constant 0 : i32
        %dma_wait3A_114 = arith.constant 0 : i32
        %dma_wait3A_115 = tpu.memref_slice %arg2[%dma_wait3A_113, %dma_wait3A_114] : memref<10240x128xf32, #tpu.memory_space<hbm>> -> memref<10240x128xf32, #tpu.memory_space<hbm>>
        tpu.wait_indirect_dma semaphore(%arg12 : memref<!tpu.dma_semaphore, #tpu.memory_space<semaphore_mem>>) src(%dma_wait3A_115 : memref<10240x128xf32, #tpu.memory_space<hbm>>) dst(%arg10 : memref<128x128xf32, #tpu.memory_space<vmem>>)
        %add3A_116 = arith.constant 1 : i32
        %add3A_117 = arith.addi %mul3A_88, %add3A_116 : i32
        "tpu.region"() ({
          %run_scoped3A = tpu.sem_alloc : memref<!tpu.dma_semaphore, #tpu.memory_space<semaphore_mem>>
          %dma_start3A_118 = arith.constant 0 : i32
          %dma_start3A_119 = tpu.memref_slice %arg8[%add3A_117, %dma_start3A_118] : memref<32x128xi32, #tpu.memory_space<vmem>> -> memref<1x128xi32, #tpu.memory_space<vmem>>
          %dma_start3A_120 = tpu.memref_squeeze %dma_start3A_119 : memref<1x128xi32, #tpu.memory_space<vmem>> -> memref<128xi32, #tpu.memory_space<vmem>>
          %dma_start3A_121 = arith.constant 0 : i32
          %dma_start3A_122 = arith.constant 0 : i32
          %dma_start3A_123 = tpu.memref_slice %arg6[%dma_start3A_121, %dma_start3A_122] : memref<10240x128xf32, #tpu.memory_space<vmem_shared>> -> memref<10240x128xf32, #tpu.memory_space<vmem_shared>>
          tpu.enqueue_indirect_dma source(%arg10 : memref<128x128xf32, #tpu.memory_space<vmem>>) target(%dma_start3A_123 : memref<10240x128xf32, #tpu.memory_space<vmem_shared>>) offsets(%dma_start3A_120 : memref<128xi32, #tpu.memory_space<vmem>>) semaphore(%run_scoped3A : memref<!tpu.dma_semaphore, #tpu.memory_space<semaphore_mem>>) {add = true}
          %dma_wait3A_124 = arith.constant 0 : i32
          %dma_wait3A_125 = tpu.memref_slice %arg8[%add3A_117, %dma_wait3A_124] : memref<32x128xi32, #tpu.memory_space<vmem>> -> memref<1x128xi32, #tpu.memory_space<vmem>>
          %dma_wait3A_126 = tpu.memref_squeeze %dma_wait3A_125 : memref<1x128xi32, #tpu.memory_space<vmem>> -> memref<128xi32, #tpu.memory_space<vmem>>
          %dma_wait3A_127 = arith.constant 0 : i32
          %dma_wait3A_128 = arith.constant 0 : i32
          %dma_wait3A_129 = tpu.memref_slice %arg6[%dma_wait3A_127, %dma_wait3A_128] : memref<10240x128xf32, #tpu.memory_space<vmem_shared>> -> memref<10240x128xf32, #tpu.memory_space<vmem_shared>>
          tpu.wait_indirect_dma semaphore(%run_scoped3A : memref<!tpu.dma_semaphore, #tpu.memory_space<semaphore_mem>>) src(%arg10 : memref<128x128xf32, #tpu.memory_space<vmem>>) dst(%dma_wait3A_129 : memref<10240x128xf32, #tpu.memory_space<vmem_shared>>)
          tpu.yield
        }) : () -> ()
      }
      %scan3A_81 = arith.constant 16 : i32
    } else {
    }
    %ne3A = arith.constant 0 : i32
    %ne3A_11 = arith.cmpi ne, %arg0, %ne3A : i32
    %convert_element_type3A_12 = arith.extui %ne3A_11 : i1 to i32
    %cond3A_13 = arith.constant 0 : i32
    %cond3A_14 = arith.cmpi ne, %convert_element_type3A_12, %cond3A_13 : i32
    scf.if %cond3A_14 {
      %mul3A = arith.constant 32 : i32
      %mul3A_21 = arith.muli %arg1, %mul3A : i32
      %add3A = arith.constant 2048 : i32
      %add3A_22 = arith.addi %add3A, %mul3A_21 : i32
      %add3A_23 = arith.constant 0 : i32
      %add3A_24 = arith.addi %add3A_22, %add3A_23 : i32
      "tpu.region"() ({
        %run_scoped3A = tpu.sem_alloc : memref<!tpu.dma_semaphore, #tpu.memory_space<semaphore_mem>>
        %dma_start3A_36 = arith.constant 0 : i32
        %dma_start3A_37 = tpu.memref_slice %arg3[%add3A_24, %dma_start3A_36] : memref<2560x128xi32, #tpu.memory_space<hbm>> -> memref<32x128xi32, #tpu.memory_space<hbm>>
        %dma_start3A_38 = arith.constant 0 : i32
        %dma_start3A_39 = tpu.memref_slice %arg3[%add3A_24, %dma_start3A_38] : memref<2560x128xi32, #tpu.memory_space<hbm>> -> memref<32x128xi32, #tpu.memory_space<hbm>>
        tpu.enqueue_dma source(%dma_start3A_39 : memref<32x128xi32, #tpu.memory_space<hbm>>) target(%arg7 : memref<32x128xi32, #tpu.memory_space<vmem>>) target_semaphore(%run_scoped3A : memref<!tpu.dma_semaphore, #tpu.memory_space<semaphore_mem>>)
        %dma_wait3A = arith.constant 0 : i32
        %dma_wait3A_40 = tpu.memref_slice %arg3[%add3A_24, %dma_wait3A] : memref<2560x128xi32, #tpu.memory_space<hbm>> -> memref<32x128xi32, #tpu.memory_space<hbm>>
        %dma_wait3A_41 = arith.constant 0 : i32
        %dma_wait3A_42 = tpu.memref_slice %arg3[%add3A_24, %dma_wait3A_41] : memref<2560x128xi32, #tpu.memory_space<hbm>> -> memref<32x128xi32, #tpu.memory_space<hbm>>
        tpu.wait_dma2 semaphore(%run_scoped3A : memref<!tpu.dma_semaphore, #tpu.memory_space<semaphore_mem>>) src(%dma_wait3A_42 : memref<32x128xi32, #tpu.memory_space<hbm>>) dst(%arg7 : memref<32x128xi32, #tpu.memory_space<vmem>>)
        tpu.yield
      }) : () -> ()
      "tpu.region"() ({
        %run_scoped3A = tpu.sem_alloc : memref<!tpu.dma_semaphore, #tpu.memory_space<semaphore_mem>>
        %dma_start3A_36 = arith.constant 0 : i32
        %dma_start3A_37 = tpu.memref_slice %arg4[%add3A_24, %dma_start3A_36] : memref<2560x128xi32, #tpu.memory_space<hbm>> -> memref<32x128xi32, #tpu.memory_space<hbm>>
        %dma_start3A_38 = arith.constant 0 : i32
        %dma_start3A_39 = tpu.memref_slice %arg4[%add3A_24, %dma_start3A_38] : memref<2560x128xi32, #tpu.memory_space<hbm>> -> memref<32x128xi32, #tpu.memory_space<hbm>>
        tpu.enqueue_dma source(%dma_start3A_39 : memref<32x128xi32, #tpu.memory_space<hbm>>) target(%arg8 : memref<32x128xi32, #tpu.memory_space<vmem>>) target_semaphore(%run_scoped3A : memref<!tpu.dma_semaphore, #tpu.memory_space<semaphore_mem>>)
        %dma_wait3A = arith.constant 0 : i32
        %dma_wait3A_40 = tpu.memref_slice %arg4[%add3A_24, %dma_wait3A] : memref<2560x128xi32, #tpu.memory_space<hbm>> -> memref<32x128xi32, #tpu.memory_space<hbm>>
        %dma_wait3A_41 = arith.constant 0 : i32
        %dma_wait3A_42 = tpu.memref_slice %arg4[%add3A_24, %dma_wait3A_41] : memref<2560x128xi32, #tpu.memory_space<hbm>> -> memref<32x128xi32, #tpu.memory_space<hbm>>
        tpu.wait_dma2 semaphore(%run_scoped3A : memref<!tpu.dma_semaphore, #tpu.memory_space<semaphore_mem>>) src(%dma_wait3A_42 : memref<32x128xi32, #tpu.memory_space<hbm>>) dst(%arg8 : memref<32x128xi32, #tpu.memory_space<vmem>>)
        tpu.yield
      }) : () -> ()
      %dma_start3A = arith.constant 0 : i32
      %dma_start3A_25 = arith.constant 0 : i32
      %dma_start3A_26 = tpu.memref_slice %arg7[%dma_start3A, %dma_start3A_25] : memref<32x128xi32, #tpu.memory_space<vmem>> -> memref<1x128xi32, #tpu.memory_space<vmem>>
      %dma_start3A_27 = tpu.memref_squeeze %dma_start3A_26 : memref<1x128xi32, #tpu.memory_space<vmem>> -> memref<128xi32, #tpu.memory_space<vmem>>
      %dma_start3A_28 = arith.constant 0 : i32
      %dma_start3A_29 = arith.constant 0 : i32
      %dma_start3A_30 = tpu.memref_slice %arg2[%dma_start3A_28, %dma_start3A_29] : memref<10240x128xf32, #tpu.memory_space<hbm>> -> memref<10240x128xf32, #tpu.memory_space<hbm>>
      tpu.enqueue_indirect_dma source(%dma_start3A_30 : memref<10240x128xf32, #tpu.memory_space<hbm>>) target(%arg9 : memref<128x128xf32, #tpu.memory_space<vmem>>) offsets(%dma_start3A_27 : memref<128xi32, #tpu.memory_space<vmem>>) semaphore(%arg11 : memref<!tpu.dma_semaphore, #tpu.memory_space<semaphore_mem>>)
      %scan3A_31 = arith.constant 0 : i32
      %scan3A_32 = arith.constant 16 : i32
      %scan3A_33 = arith.addi %scan3A_31, %scan3A_32 : i32
      %scan3A_34 = arith.constant 1 : i32
      scf.for %scan3A_36 = %scan3A_31 to %scan3A_33 step %scan3A_34  : i32 {
        %mul3A_37 = arith.constant 1 : i32
        %mul3A_38 = arith.muli %scan3A_36, %mul3A_37 : i32
        %add3A_39 = arith.constant 0 : i32
        %add3A_40 = arith.addi %add3A_39, %mul3A_38 : i32
        %mul3A_41 = arith.constant 2 : i32
        %mul3A_42 = arith.muli %mul3A_41, %add3A_40 : i32
        %add3A_43 = arith.constant 1 : i32
        %add3A_44 = arith.addi %mul3A_42, %add3A_43 : i32
        %dma_start3A_45 = arith.constant 0 : i32
        %dma_start3A_46 = tpu.memref_slice %arg7[%add3A_44, %dma_start3A_45] : memref<32x128xi32, #tpu.memory_space<vmem>> -> memref<1x128xi32, #tpu.memory_space<vmem>>
        %dma_start3A_47 = tpu.memref_squeeze %dma_start3A_46 : memref<1x128xi32, #tpu.memory_space<vmem>> -> memref<128xi32, #tpu.memory_space<vmem>>
        %dma_start3A_48 = arith.constant 0 : i32
        %dma_start3A_49 = arith.constant 0 : i32
        %dma_start3A_50 = tpu.memref_slice %arg2[%dma_start3A_48, %dma_start3A_49] : memref<10240x128xf32, #tpu.memory_space<hbm>> -> memref<10240x128xf32, #tpu.memory_space<hbm>>
        tpu.enqueue_indirect_dma source(%dma_start3A_50 : memref<10240x128xf32, #tpu.memory_space<hbm>>) target(%arg10 : memref<128x128xf32, #tpu.memory_space<vmem>>) offsets(%dma_start3A_47 : memref<128xi32, #tpu.memory_space<vmem>>) semaphore(%arg12 : memref<!tpu.dma_semaphore, #tpu.memory_space<semaphore_mem>>)
        %dma_wait3A = arith.constant 0 : i32
        %dma_wait3A_51 = tpu.memref_slice %arg7[%mul3A_42, %dma_wait3A] : memref<32x128xi32, #tpu.memory_space<vmem>> -> memref<1x128xi32, #tpu.memory_space<vmem>>
        %dma_wait3A_52 = tpu.memref_squeeze %dma_wait3A_51 : memref<1x128xi32, #tpu.memory_space<vmem>> -> memref<128xi32, #tpu.memory_space<vmem>>
        %dma_wait3A_53 = arith.constant 0 : i32
        %dma_wait3A_54 = arith.constant 0 : i32
        %dma_wait3A_55 = tpu.memref_slice %arg2[%dma_wait3A_53, %dma_wait3A_54] : memref<10240x128xf32, #tpu.memory_space<hbm>> -> memref<10240x128xf32, #tpu.memory_space<hbm>>
        tpu.wait_indirect_dma semaphore(%arg11 : memref<!tpu.dma_semaphore, #tpu.memory_space<semaphore_mem>>) src(%dma_wait3A_55 : memref<10240x128xf32, #tpu.memory_space<hbm>>) dst(%arg9 : memref<128x128xf32, #tpu.memory_space<vmem>>)
        "tpu.region"() ({
          %run_scoped3A = tpu.sem_alloc : memref<!tpu.dma_semaphore, #tpu.memory_space<semaphore_mem>>
          %dma_start3A_72 = arith.constant 0 : i32
          %dma_start3A_73 = tpu.memref_slice %arg8[%mul3A_42, %dma_start3A_72] : memref<32x128xi32, #tpu.memory_space<vmem>> -> memref<1x128xi32, #tpu.memory_space<vmem>>
          %dma_start3A_74 = tpu.memref_squeeze %dma_start3A_73 : memref<1x128xi32, #tpu.memory_space<vmem>> -> memref<128xi32, #tpu.memory_space<vmem>>
          %dma_start3A_75 = arith.constant 0 : i32
          %dma_start3A_76 = arith.constant 0 : i32
          %dma_start3A_77 = tpu.memref_slice %arg6[%dma_start3A_75, %dma_start3A_76] : memref<10240x128xf32, #tpu.memory_space<vmem_shared>> -> memref<10240x128xf32, #tpu.memory_space<vmem_shared>>
          tpu.enqueue_indirect_dma source(%arg9 : memref<128x128xf32, #tpu.memory_space<vmem>>) target(%dma_start3A_77 : memref<10240x128xf32, #tpu.memory_space<vmem_shared>>) offsets(%dma_start3A_74 : memref<128xi32, #tpu.memory_space<vmem>>) semaphore(%run_scoped3A : memref<!tpu.dma_semaphore, #tpu.memory_space<semaphore_mem>>) {add = true}
          %dma_wait3A_78 = arith.constant 0 : i32
          %dma_wait3A_79 = tpu.memref_slice %arg8[%mul3A_42, %dma_wait3A_78] : memref<32x128xi32, #tpu.memory_space<vmem>> -> memref<1x128xi32, #tpu.memory_space<vmem>>
          %dma_wait3A_80 = tpu.memref_squeeze %dma_wait3A_79 : memref<1x128xi32, #tpu.memory_space<vmem>> -> memref<128xi32, #tpu.memory_space<vmem>>
          %dma_wait3A_81 = arith.constant 0 : i32
          %dma_wait3A_82 = arith.constant 0 : i32
          %dma_wait3A_83 = tpu.memref_slice %arg6[%dma_wait3A_81, %dma_wait3A_82] : memref<10240x128xf32, #tpu.memory_space<vmem_shared>> -> memref<10240x128xf32, #tpu.memory_space<vmem_shared>>
          tpu.wait_indirect_dma semaphore(%run_scoped3A : memref<!tpu.dma_semaphore, #tpu.memory_space<semaphore_mem>>) src(%arg9 : memref<128x128xf32, #tpu.memory_space<vmem>>) dst(%dma_wait3A_83 : memref<10240x128xf32, #tpu.memory_space<vmem_shared>>)
          tpu.yield
        }) : () -> ()
        %add3A_56 = arith.constant 1 : i32
        %add3A_57 = arith.addi %add3A_40, %add3A_56 : i32
        %lt3A = arith.constant 16 : i32
        %lt3A_58 = arith.cmpi slt, %add3A_57, %lt3A : i32
        %convert_element_type3A_59 = arith.extui %lt3A_58 : i1 to i32
        %cond3A_60 = arith.constant 0 : i32
        %cond3A_61 = arith.cmpi ne, %convert_element_type3A_59, %cond3A_60 : i32
        scf.if %cond3A_61 {
          %add3A_72 = arith.constant 2 : i32
          %add3A_73 = arith.addi %mul3A_42, %add3A_72 : i32
          %dma_start3A_74 = arith.constant 0 : i32
          %dma_start3A_75 = tpu.memref_slice %arg7[%add3A_73, %dma_start3A_74] : memref<32x128xi32, #tpu.memory_space<vmem>> -> memref<1x128xi32, #tpu.memory_space<vmem>>
          %dma_start3A_76 = tpu.memref_squeeze %dma_start3A_75 : memref<1x128xi32, #tpu.memory_space<vmem>> -> memref<128xi32, #tpu.memory_space<vmem>>
          %dma_start3A_77 = arith.constant 0 : i32
          %dma_start3A_78 = arith.constant 0 : i32
          %dma_start3A_79 = tpu.memref_slice %arg2[%dma_start3A_77, %dma_start3A_78] : memref<10240x128xf32, #tpu.memory_space<hbm>> -> memref<10240x128xf32, #tpu.memory_space<hbm>>
          tpu.enqueue_indirect_dma source(%dma_start3A_79 : memref<10240x128xf32, #tpu.memory_space<hbm>>) target(%arg9 : memref<128x128xf32, #tpu.memory_space<vmem>>) offsets(%dma_start3A_76 : memref<128xi32, #tpu.memory_space<vmem>>) semaphore(%arg11 : memref<!tpu.dma_semaphore, #tpu.memory_space<semaphore_mem>>)
        } else {
        }
        %add3A_62 = arith.constant 1 : i32
        %add3A_63 = arith.addi %mul3A_42, %add3A_62 : i32
        %dma_wait3A_64 = arith.constant 0 : i32
        %dma_wait3A_65 = tpu.memref_slice %arg7[%add3A_63, %dma_wait3A_64] : memref<32x128xi32, #tpu.memory_space<vmem>> -> memref<1x128xi32, #tpu.memory_space<vmem>>
        %dma_wait3A_66 = tpu.memref_squeeze %dma_wait3A_65 : memref<1x128xi32, #tpu.memory_space<vmem>> -> memref<128xi32, #tpu.memory_space<vmem>>
        %dma_wait3A_67 = arith.constant 0 : i32
        %dma_wait3A_68 = arith.constant 0 : i32
        %dma_wait3A_69 = tpu.memref_slice %arg2[%dma_wait3A_67, %dma_wait3A_68] : memref<10240x128xf32, #tpu.memory_space<hbm>> -> memref<10240x128xf32, #tpu.memory_space<hbm>>
        tpu.wait_indirect_dma semaphore(%arg12 : memref<!tpu.dma_semaphore, #tpu.memory_space<semaphore_mem>>) src(%dma_wait3A_69 : memref<10240x128xf32, #tpu.memory_space<hbm>>) dst(%arg10 : memref<128x128xf32, #tpu.memory_space<vmem>>)
        %add3A_70 = arith.constant 1 : i32
        %add3A_71 = arith.addi %mul3A_42, %add3A_70 : i32
        "tpu.region"() ({
          %run_scoped3A = tpu.sem_alloc : memref<!tpu.dma_semaphore, #tpu.memory_space<semaphore_mem>>
          %dma_start3A_72 = arith.constant 0 : i32
          %dma_start3A_73 = tpu.memref_slice %arg8[%add3A_71, %dma_start3A_72] : memref<32x128xi32, #tpu.memory_space<vmem>> -> memref<1x128xi32, #tpu.memory_space<vmem>>
          %dma_start3A_74 = tpu.memref_squeeze %dma_start3A_73 : memref<1x128xi32, #tpu.memory_space<vmem>> -> memref<128xi32, #tpu.memory_space<vmem>>
          %dma_start3A_75 = arith.constant 0 : i32
          %dma_start3A_76 = arith.constant 0 : i32
          %dma_start3A_77 = tpu.memref_slice %arg6[%dma_start3A_75, %dma_start3A_76] : memref<10240x128xf32, #tpu.memory_space<vmem_shared>> -> memref<10240x128xf32, #tpu.memory_space<vmem_shared>>
          tpu.enqueue_indirect_dma source(%arg10 : memref<128x128xf32, #tpu.memory_space<vmem>>) target(%dma_start3A_77 : memref<10240x128xf32, #tpu.memory_space<vmem_shared>>) offsets(%dma_start3A_74 : memref<128xi32, #tpu.memory_space<vmem>>) semaphore(%run_scoped3A : memref<!tpu.dma_semaphore, #tpu.memory_space<semaphore_mem>>) {add = true}
          %dma_wait3A_78 = arith.constant 0 : i32
          %dma_wait3A_79 = tpu.memref_slice %arg8[%add3A_71, %dma_wait3A_78] : memref<32x128xi32, #tpu.memory_space<vmem>> -> memref<1x128xi32, #tpu.memory_space<vmem>>
          %dma_wait3A_80 = tpu.memref_squeeze %dma_wait3A_79 : memref<1x128xi32, #tpu.memory_space<vmem>> -> memref<128xi32, #tpu.memory_space<vmem>>
          %dma_wait3A_81 = arith.constant 0 : i32
          %dma_wait3A_82 = arith.constant 0 : i32
          %dma_wait3A_83 = tpu.memref_slice %arg6[%dma_wait3A_81, %dma_wait3A_82] : memref<10240x128xf32, #tpu.memory_space<vmem_shared>> -> memref<10240x128xf32, #tpu.memory_space<vmem_shared>>
          tpu.wait_indirect_dma semaphore(%run_scoped3A : memref<!tpu.dma_semaphore, #tpu.memory_space<semaphore_mem>>) src(%arg10 : memref<128x128xf32, #tpu.memory_space<vmem>>) dst(%dma_wait3A_83 : memref<10240x128xf32, #tpu.memory_space<vmem_shared>>)
          tpu.yield
        }) : () -> ()
      }
      %scan3A_35 = arith.constant 16 : i32
    } else {
    }
    %barrier3A_15 = arith.constant 0 : index
    tpu.barrier barrier_id(%barrier3A_15)
    %scan3A_16 = arith.constant 0 : i32
    %scan3A_17 = arith.constant 5 : i32
    %scan3A_18 = arith.addi %scan3A_16, %scan3A_17 : i32
    %scan3A_19 = arith.constant 1 : i32
    scf.for %scan3A_21 = %scan3A_16 to %scan3A_18 step %scan3A_19  : i32 {
      %mul3A = arith.constant 1 : i32
      %mul3A_22 = arith.muli %scan3A_21, %mul3A : i32
      %add3A = arith.constant 0 : i32
      %add3A_23 = arith.addi %add3A, %mul3A_22 : i32
      %mul3A_24 = arith.constant 640 : i32
      %mul3A_25 = arith.muli %arg1, %mul3A_24 : i32
      %mul3A_26 = arith.constant 128 : i32
      %mul3A_27 = arith.muli %add3A_23, %mul3A_26 : i32
      %add3A_28 = arith.addi %mul3A_25, %mul3A_27 : i32
      "tpu.region"() ({
        %run_scoped3A = tpu.sem_alloc : memref<!tpu.dma_semaphore, #tpu.memory_space<semaphore_mem>>
        %dma_start3A = arith.constant 0 : i32
        %dma_start3A_29 = tpu.memref_slice %arg5[%arg0, %add3A_28, %dma_start3A] : memref<2x10240x128xf32, #tpu.memory_space<hbm>> -> memref<1x128x128xf32, #tpu.memory_space<hbm>>
        %dma_start3A_30 = tpu.memref_squeeze %dma_start3A_29 : memref<1x128x128xf32, #tpu.memory_space<hbm>> -> memref<128x128xf32, #tpu.memory_space<hbm>>
        %dma_start3A_31 = arith.constant 0 : i32
        %dma_start3A_32 = tpu.memref_slice %arg6[%add3A_28, %dma_start3A_31] : memref<10240x128xf32, #tpu.memory_space<vmem_shared>> -> memref<128x128xf32, #tpu.memory_space<vmem_shared>>
        tpu.enqueue_dma source(%dma_start3A_32 : memref<128x128xf32, #tpu.memory_space<vmem_shared>>) target(%dma_start3A_30 : memref<128x128xf32, #tpu.memory_space<hbm>>) target_semaphore(%run_scoped3A : memref<!tpu.dma_semaphore, #tpu.memory_space<semaphore_mem>>)
        %dma_wait3A = arith.constant 0 : i32
        %dma_wait3A_33 = tpu.memref_slice %arg5[%arg0, %add3A_28, %dma_wait3A] : memref<2x10240x128xf32, #tpu.memory_space<hbm>> -> memref<1x128x128xf32, #tpu.memory_space<hbm>>
        %dma_wait3A_34 = tpu.memref_squeeze %dma_wait3A_33 : memref<1x128x128xf32, #tpu.memory_space<hbm>> -> memref<128x128xf32, #tpu.memory_space<hbm>>
        %dma_wait3A_35 = arith.constant 0 : i32
        %dma_wait3A_36 = tpu.memref_slice %arg6[%add3A_28, %dma_wait3A_35] : memref<10240x128xf32, #tpu.memory_space<vmem_shared>> -> memref<128x128xf32, #tpu.memory_space<vmem_shared>>
        tpu.wait_dma2 semaphore(%run_scoped3A : memref<!tpu.dma_semaphore, #tpu.memory_space<semaphore_mem>>) src(%dma_wait3A_36 : memref<128x128xf32, #tpu.memory_space<vmem_shared>>) dst(%dma_wait3A_34 : memref<128x128xf32, #tpu.memory_space<hbm>>)
        tpu.yield
      }) : () -> ()
    }
    %scan3A_20 = arith.constant 5 : i32
    return
  }
}

#map = affine_map<(d0, d1) -> (0, 0)>
#map1 = affine_map<(d0, d1) -> (0, 0, 0)>
module attributes {stable_mosaic.version = 14 : i64} {
  func.func @k(%arg0: i32, %arg1: i32, %arg2: memref<10240x128xf32, #tpu.memory_space<hbm>>, %arg3: memref<2560x128xi32, #tpu.memory_space<hbm>>, %arg4: memref<2560x128xi32, #tpu.memory_space<hbm>>, %arg5: memref<2x10240x128xf32, #tpu.memory_space<hbm>>, %arg6: memref<10240x128xf32, #tpu.memory_space<vmem_shared>>, %arg7: memref<32x128xi32, #tpu.memory_space<vmem>>, %arg8: memref<32x128xi32, #tpu.memory_space<vmem>>, %arg9: memref<128x128xf32, #tpu.memory_space<vmem>>, %arg10: memref<128x128xf32, #tpu.memory_space<vmem>>, %arg11: memref<!tpu.dma_semaphore, #tpu.memory_space<semaphore_mem>>, %arg12: memref<!tpu.dma_semaphore, #tpu.memory_space<semaphore_mem>>) attributes {dimension_semantics = [#tpu.dimension_semantics<core_parallel>, #tpu.dimension_semantics<subcore_parallel>], iteration_bounds = array<i64: 2, 16>, scalar_prefetch = 0 : i64, scratch_operands = 7 : i64, tpu.core_type = #tpu.core_type<sc_vector_subcore>, window_params = [{transform_indices = #map}, {transform_indices = #map}, {transform_indices = #map}, {transform_indices = #map1}]} {
    %scan3A = arith.constant 0 : i32
    %scan3A_0 = arith.constant 128 : i32
    %scan3A_1 = arith.addi %scan3A, %scan3A_0 : i32
    %scan3A_2 = arith.constant 1 : i32
    scf.for %scan3A_21 = %scan3A to %scan3A_1 step %scan3A_2  : i32 {
      %mul3A = arith.constant 1 : i32
      %mul3A_22 = arith.muli %scan3A_21, %mul3A : i32
      %add3A = arith.constant 0 : i32
      %add3A_23 = arith.addi %add3A, %mul3A_22 : i32
      %broadcast_in_dim3A = arith.constant 0.000000e+00 : f32
      %broadcast_in_dim3A_24 = vector.broadcast %broadcast_in_dim3A : f32 to vector<16xf32>
      %swap3A = arith.index_cast %add3A_23 : i32 to index
      %swap3A_25 = arith.constant 0 : index
      %swap3A_26 = tpu.vector_load %arg9[%swap3A, %swap3A_25] {strides = array<i32>} : memref<128x128xf32, #tpu.memory_space<vmem>>, vector<1x16xf32>,
      %swap3A_27 = vector.shape_cast %swap3A_26 : vector<1x16xf32> to vector<16xf32>
      %swap3A_28 = vector.shape_cast %broadcast_in_dim3A_24 : vector<16xf32> to vector<1x16xf32>
      tpu.vector_store %arg9[%swap3A, %swap3A_25], %swap3A_28 {strides = array<i32>} : memref<128x128xf32, #tpu.memory_space<vmem>>, vector<1x16xf32>,
      %broadcast_in_dim3A_29 = arith.constant 0.000000e+00 : f32
      %broadcast_in_dim3A_30 = vector.broadcast %broadcast_in_dim3A_29 : f32 to vector<16xf32>
      %swap3A_31 = arith.index_cast %add3A_23 : i32 to index
      %swap3A_32 = arith.constant 16 : index
      %swap3A_33 = tpu.vector_load %arg9[%swap3A_31, %swap3A_32] {strides = array<i32>} : memref<128x128xf32, #tpu.memory_space<vmem>>, vector<1x16xf32>,
      %swap3A_34 = vector.shape_cast %swap3A_33 : vector<1x16xf32> to vector<16xf32>
      %swap3A_35 = vector.shape_cast %broadcast_in_dim3A_30 : vector<16xf32> to vector<1x16xf32>
      tpu.vector_store %arg9[%swap3A_31, %swap3A_32], %swap3A_35 {strides = array<i32>} : memref<128x128xf32, #tpu.memory_space<vmem>>, vector<1x16xf32>,
      %broadcast_in_dim3A_36 = arith.constant 0.000000e+00 : f32
      %broadcast_in_dim3A_37 = vector.broadcast %broadcast_in_dim3A_36 : f32 to vector<16xf32>
      %swap3A_38 = arith.index_cast %add3A_23 : i32 to index
      %swap3A_39 = arith.constant 32 : index
      %swap3A_40 = tpu.vector_load %arg9[%swap3A_38, %swap3A_39] {strides = array<i32>} : memref<128x128xf32, #tpu.memory_space<vmem>>, vector<1x16xf32>,
      %swap3A_41 = vector.shape_cast %swap3A_40 : vector<1x16xf32> to vector<16xf32>
      %swap3A_42 = vector.shape_cast %broadcast_in_dim3A_37 : vector<16xf32> to vector<1x16xf32>
      tpu.vector_store %arg9[%swap3A_38, %swap3A_39], %swap3A_42 {strides = array<i32>} : memref<128x128xf32, #tpu.memory_space<vmem>>, vector<1x16xf32>,
      %broadcast_in_dim3A_43 = arith.constant 0.000000e+00 : f32
      %broadcast_in_dim3A_44 = vector.broadcast %broadcast_in_dim3A_43 : f32 to vector<16xf32>
      %swap3A_45 = arith.index_cast %add3A_23 : i32 to index
      %swap3A_46 = arith.constant 48 : index
      %swap3A_47 = tpu.vector_load %arg9[%swap3A_45, %swap3A_46] {strides = array<i32>} : memref<128x128xf32, #tpu.memory_space<vmem>>, vector<1x16xf32>,
      %swap3A_48 = vector.shape_cast %swap3A_47 : vector<1x16xf32> to vector<16xf32>
      %swap3A_49 = vector.shape_cast %broadcast_in_dim3A_44 : vector<16xf32> to vector<1x16xf32>
      tpu.vector_store %arg9[%swap3A_45, %swap3A_46], %swap3A_49 {strides = array<i32>} : memref<128x128xf32, #tpu.memory_space<vmem>>, vector<1x16xf32>,
      %broadcast_in_dim3A_50 = arith.constant 0.000000e+00 : f32
      %broadcast_in_dim3A_51 = vector.broadcast %broadcast_in_dim3A_50 : f32 to vector<16xf32>
      %swap3A_52 = arith.index_cast %add3A_23 : i32 to index
      %swap3A_53 = arith.constant 64 : index
      %swap3A_54 = tpu.vector_load %arg9[%swap3A_52, %swap3A_53] {strides = array<i32>} : memref<128x128xf32, #tpu.memory_space<vmem>>, vector<1x16xf32>,
      %swap3A_55 = vector.shape_cast %swap3A_54 : vector<1x16xf32> to vector<16xf32>
      %swap3A_56 = vector.shape_cast %broadcast_in_dim3A_51 : vector<16xf32> to vector<1x16xf32>
      tpu.vector_store %arg9[%swap3A_52, %swap3A_53], %swap3A_56 {strides = array<i32>} : memref<128x128xf32, #tpu.memory_space<vmem>>, vector<1x16xf32>,
      %broadcast_in_dim3A_57 = arith.constant 0.000000e+00 : f32
      %broadcast_in_dim3A_58 = vector.broadcast %broadcast_in_dim3A_57 : f32 to vector<16xf32>
      %swap3A_59 = arith.index_cast %add3A_23 : i32 to index
      %swap3A_60 = arith.constant 80 : index
      %swap3A_61 = tpu.vector_load %arg9[%swap3A_59, %swap3A_60] {strides = array<i32>} : memref<128x128xf32, #tpu.memory_space<vmem>>, vector<1x16xf32>,
      %swap3A_62 = vector.shape_cast %swap3A_61 : vector<1x16xf32> to vector<16xf32>
      %swap3A_63 = vector.shape_cast %broadcast_in_dim3A_58 : vector<16xf32> to vector<1x16xf32>
      tpu.vector_store %arg9[%swap3A_59, %swap3A_60], %swap3A_63 {strides = array<i32>} : memref<128x128xf32, #tpu.memory_space<vmem>>, vector<1x16xf32>,
      %broadcast_in_dim3A_64 = arith.constant 0.000000e+00 : f32
      %broadcast_in_dim3A_65 = vector.broadcast %broadcast_in_dim3A_64 : f32 to vector<16xf32>
      %swap3A_66 = arith.index_cast %add3A_23 : i32 to index
      %swap3A_67 = arith.constant 96 : index
      %swap3A_68 = tpu.vector_load %arg9[%swap3A_66, %swap3A_67] {strides = array<i32>} : memref<128x128xf32, #tpu.memory_space<vmem>>, vector<1x16xf32>,
      %swap3A_69 = vector.shape_cast %swap3A_68 : vector<1x16xf32> to vector<16xf32>
      %swap3A_70 = vector.shape_cast %broadcast_in_dim3A_65 : vector<16xf32> to vector<1x16xf32>
      tpu.vector_store %arg9[%swap3A_66, %swap3A_67], %swap3A_70 {strides = array<i32>} : memref<128x128xf32, #tpu.memory_space<vmem>>, vector<1x16xf32>,
      %broadcast_in_dim3A_71 = arith.constant 0.000000e+00 : f32
      %broadcast_in_dim3A_72 = vector.broadcast %broadcast_in_dim3A_71 : f32 to vector<16xf32>
      %swap3A_73 = arith.index_cast %add3A_23 : i32 to index
      %swap3A_74 = arith.constant 112 : index
      %swap3A_75 = tpu.vector_load %arg9[%swap3A_73, %swap3A_74] {strides = array<i32>} : memref<128x128xf32, #tpu.memory_space<vmem>>, vector<1x16xf32>,
      %swap3A_76 = vector.shape_cast %swap3A_75 : vector<1x16xf32> to vector<16xf32>
      %swap3A_77 = vector.shape_cast %broadcast_in_dim3A_72 : vector<16xf32> to vector<1x16xf32>
      tpu.vector_store %arg9[%swap3A_73, %swap3A_74], %swap3A_77 {strides = array<i32>} : memref<128x128xf32, #tpu.memory_space<vmem>>, vector<1x16xf32>,
    }
    %scan3A_3 = arith.constant 128 : i32
    %scan3A_4 = arith.constant 0 : i32
    %scan3A_5 = arith.constant 5 : i32
    %scan3A_6 = arith.addi %scan3A_4, %scan3A_5 : i32
    %scan3A_7 = arith.constant 1 : i32
    scf.for %scan3A_21 = %scan3A_4 to %scan3A_6 step %scan3A_7  : i32 {
      %mul3A = arith.constant 1 : i32
      %mul3A_22 = arith.muli %scan3A_21, %mul3A : i32
      %add3A = arith.constant 0 : i32
      %add3A_23 = arith.addi %add3A, %mul3A_22 : i32
      %mul3A_24 = arith.constant 640 : i32
      %mul3A_25 = arith.muli %arg1, %mul3A_24 : i32
      %mul3A_26 = arith.constant 128 : i32
      %mul3A_27 = arith.muli %add3A_23, %mul3A_26 : i32
      %add3A_28 = arith.addi %mul3A_25, %mul3A_27 : i32
      "tpu.region"() ({
        %run_scoped3A = tpu.sem_alloc : memref<!tpu.dma_semaphore, #tpu.memory_space<semaphore_mem>>
        %dma_start3A = arith.constant 0 : i32
        %dma_start3A_29 = tpu.memref_slice %arg6[%add3A_28, %dma_start3A] : memref<10240x128xf32, #tpu.memory_space<vmem_shared>> -> memref<128x128xf32, #tpu.memory_space<vmem_shared>>
        %dma_start3A_30 = arith.constant 0 : i32
        %dma_start3A_31 = tpu.memref_slice %arg6[%add3A_28, %dma_start3A_30] : memref<10240x128xf32, #tpu.memory_space<vmem_shared>> -> memref<128x128xf32, #tpu.memory_space<vmem_shared>>
        tpu.enqueue_dma source(%arg9 : memref<128x128xf32, #tpu.memory_space<vmem>>) target(%dma_start3A_31 : memref<128x128xf32, #tpu.memory_space<vmem_shared>>) target_semaphore(%run_scoped3A : memref<!tpu.dma_semaphore, #tpu.memory_space<semaphore_mem>>)
        %dma_wait3A = arith.constant 0 : i32
        %dma_wait3A_32 = tpu.memref_slice %arg6[%add3A_28, %dma_wait3A] : memref<10240x128xf32, #tpu.memory_space<vmem_shared>> -> memref<128x128xf32, #tpu.memory_space<vmem_shared>>
        %dma_wait3A_33 = arith.constant 0 : i32
        %dma_wait3A_34 = tpu.memref_slice %arg6[%add3A_28, %dma_wait3A_33] : memref<10240x128xf32, #tpu.memory_space<vmem_shared>> -> memref<128x128xf32, #tpu.memory_space<vmem_shared>>
        tpu.wait_dma2 semaphore(%run_scoped3A : memref<!tpu.dma_semaphore, #tpu.memory_space<semaphore_mem>>) src(%arg9 : memref<128x128xf32, #tpu.memory_space<vmem>>) dst(%dma_wait3A_34 : memref<128x128xf32, #tpu.memory_space<vmem_shared>>)
        tpu.yield
      }) : () -> ()
    }
    %scan3A_8 = arith.constant 5 : i32
    %barrier3A = arith.constant 0 : index
    tpu.barrier barrier_id(%barrier3A)
    %eq3A = arith.constant 0 : i32
    %eq3A_9 = arith.cmpi eq, %arg0, %eq3A : i32
    %convert_element_type3A = arith.extui %eq3A_9 : i1 to i32
    %cond3A = arith.constant 0 : i32
    %cond3A_10 = arith.cmpi ne, %convert_element_type3A, %cond3A : i32
    scf.if %cond3A_10 {
      %mul3A = arith.constant 128 : i32
      %mul3A_21 = arith.muli %arg1, %mul3A : i32
      %add3A = arith.constant 0 : i32
      %add3A_22 = arith.addi %mul3A_21, %add3A : i32
      "tpu.region"() ({
        %run_scoped3A = tpu.sem_alloc : memref<!tpu.dma_semaphore, #tpu.memory_space<semaphore_mem>>
        %dma_start3A_82 = arith.constant 0 : i32
        %dma_start3A_83 = tpu.memref_slice %arg3[%add3A_22, %dma_start3A_82] : memref<2560x128xi32, #tpu.memory_space<hbm>> -> memref<32x128xi32, #tpu.memory_space<hbm>>
        %dma_start3A_84 = arith.constant 0 : i32
        %dma_start3A_85 = tpu.memref_slice %arg3[%add3A_22, %dma_start3A_84] : memref<2560x128xi32, #tpu.memory_space<hbm>> -> memref<32x128xi32, #tpu.memory_space<hbm>>
        tpu.enqueue_dma source(%dma_start3A_85 : memref<32x128xi32, #tpu.memory_space<hbm>>) target(%arg7 : memref<32x128xi32, #tpu.memory_space<vmem>>) target_semaphore(%run_scoped3A : memref<!tpu.dma_semaphore, #tpu.memory_space<semaphore_mem>>)
        %dma_wait3A = arith.constant 0 : i32
        %dma_wait3A_86 = tpu.memref_slice %arg3[%add3A_22, %dma_wait3A] : memref<2560x128xi32, #tpu.memory_space<hbm>> -> memref<32x128xi32, #tpu.memory_space<hbm>>
        %dma_wait3A_87 = arith.constant 0 : i32
        %dma_wait3A_88 = tpu.memref_slice %arg3[%add3A_22, %dma_wait3A_87] : memref<2560x128xi32, #tpu.memory_space<hbm>> -> memref<32x128xi32, #tpu.memory_space<hbm>>
        tpu.wait_dma2 semaphore(%run_scoped3A : memref<!tpu.dma_semaphore, #tpu.memory_space<semaphore_mem>>) src(%dma_wait3A_88 : memref<32x128xi32, #tpu.memory_space<hbm>>) dst(%arg7 : memref<32x128xi32, #tpu.memory_space<vmem>>)
        tpu.yield
      }) : () -> ()
      "tpu.region"() ({
        %run_scoped3A = tpu.sem_alloc : memref<!tpu.dma_semaphore, #tpu.memory_space<semaphore_mem>>
        %dma_start3A_82 = arith.constant 0 : i32
        %dma_start3A_83 = tpu.memref_slice %arg4[%add3A_22, %dma_start3A_82] : memref<2560x128xi32, #tpu.memory_space<hbm>> -> memref<32x128xi32, #tpu.memory_space<hbm>>
        %dma_start3A_84 = arith.constant 0 : i32
        %dma_start3A_85 = tpu.memref_slice %arg4[%add3A_22, %dma_start3A_84] : memref<2560x128xi32, #tpu.memory_space<hbm>> -> memref<32x128xi32, #tpu.memory_space<hbm>>
        tpu.enqueue_dma source(%dma_start3A_85 : memref<32x128xi32, #tpu.memory_space<hbm>>) target(%arg8 : memref<32x128xi32, #tpu.memory_space<vmem>>) target_semaphore(%run_scoped3A : memref<!tpu.dma_semaphore, #tpu.memory_space<semaphore_mem>>)
        %dma_wait3A = arith.constant 0 : i32
        %dma_wait3A_86 = tpu.memref_slice %arg4[%add3A_22, %dma_wait3A] : memref<2560x128xi32, #tpu.memory_space<hbm>> -> memref<32x128xi32, #tpu.memory_space<hbm>>
        %dma_wait3A_87 = arith.constant 0 : i32
        %dma_wait3A_88 = tpu.memref_slice %arg4[%add3A_22, %dma_wait3A_87] : memref<2560x128xi32, #tpu.memory_space<hbm>> -> memref<32x128xi32, #tpu.memory_space<hbm>>
        tpu.wait_dma2 semaphore(%run_scoped3A : memref<!tpu.dma_semaphore, #tpu.memory_space<semaphore_mem>>) src(%dma_wait3A_88 : memref<32x128xi32, #tpu.memory_space<hbm>>) dst(%arg8 : memref<32x128xi32, #tpu.memory_space<vmem>>)
        tpu.yield
      }) : () -> ()
      %dma_start3A = arith.constant 0 : i32
      %dma_start3A_23 = arith.constant 0 : i32
      %dma_start3A_24 = tpu.memref_slice %arg7[%dma_start3A, %dma_start3A_23] : memref<32x128xi32, #tpu.memory_space<vmem>> -> memref<1x128xi32, #tpu.memory_space<vmem>>
      %dma_start3A_25 = tpu.memref_squeeze %dma_start3A_24 : memref<1x128xi32, #tpu.memory_space<vmem>> -> memref<128xi32, #tpu.memory_space<vmem>>
      %dma_start3A_26 = arith.constant 0 : i32
      %dma_start3A_27 = arith.constant 0 : i32
      %dma_start3A_28 = tpu.memref_slice %arg2[%dma_start3A_26, %dma_start3A_27] : memref<10240x128xf32, #tpu.memory_space<hbm>> -> memref<10240x128xf32, #tpu.memory_space<hbm>>
      tpu.enqueue_indirect_dma source(%dma_start3A_28 : memref<10240x128xf32, #tpu.memory_space<hbm>>) target(%arg9 : memref<128x128xf32, #tpu.memory_space<vmem>>) offsets(%dma_start3A_25 : memref<128xi32, #tpu.memory_space<vmem>>) semaphore(%arg11 : memref<!tpu.dma_semaphore, #tpu.memory_space<semaphore_mem>>)
      %scan3A_29 = arith.constant 0 : i32
      %scan3A_30 = arith.constant 16 : i32
      %scan3A_31 = arith.addi %scan3A_29, %scan3A_30 : i32
      %scan3A_32 = arith.constant 1 : i32
      scf.for %scan3A_82 = %scan3A_29 to %scan3A_31 step %scan3A_32  : i32 {
        %mul3A_83 = arith.constant 1 : i32
        %mul3A_84 = arith.muli %scan3A_82, %mul3A_83 : i32
        %add3A_85 = arith.constant 0 : i32
        %add3A_86 = arith.addi %add3A_85, %mul3A_84 : i32
        %mul3A_87 = arith.constant 2 : i32
        %mul3A_88 = arith.muli %mul3A_87, %add3A_86 : i32
        %add3A_89 = arith.constant 1 : i32
        %add3A_90 = arith.addi %mul3A_88, %add3A_89 : i32
        %dma_start3A_91 = arith.constant 0 : i32
        %dma_start3A_92 = tpu.memref_slice %arg7[%add3A_90, %dma_start3A_91] : memref<32x128xi32, #tpu.memory_space<vmem>> -> memref<1x128xi32, #tpu.memory_space<vmem>>
        %dma_start3A_93 = tpu.memref_squeeze %dma_start3A_92 : memref<1x128xi32, #tpu.memory_space<vmem>> -> memref<128xi32, #tpu.memory_space<vmem>>
        %dma_start3A_94 = arith.constant 0 : i32
        %dma_start3A_95 = arith.constant 0 : i32
        %dma_start3A_96 = tpu.memref_slice %arg2[%dma_start3A_94, %dma_start3A_95] : memref<10240x128xf32, #tpu.memory_space<hbm>> -> memref<10240x128xf32, #tpu.memory_space<hbm>>
        tpu.enqueue_indirect_dma source(%dma_start3A_96 : memref<10240x128xf32, #tpu.memory_space<hbm>>) target(%arg10 : memref<128x128xf32, #tpu.memory_space<vmem>>) offsets(%dma_start3A_93 : memref<128xi32, #tpu.memory_space<vmem>>) semaphore(%arg12 : memref<!tpu.dma_semaphore, #tpu.memory_space<semaphore_mem>>)
        %dma_wait3A = arith.constant 0 : i32
        %dma_wait3A_97 = tpu.memref_slice %arg7[%mul3A_88, %dma_wait3A] : memref<32x128xi32, #tpu.memory_space<vmem>> -> memref<1x128xi32, #tpu.memory_space<vmem>>
        %dma_wait3A_98 = tpu.memref_squeeze %dma_wait3A_97 : memref<1x128xi32, #tpu.memory_space<vmem>> -> memref<128xi32, #tpu.memory_space<vmem>>
        %dma_wait3A_99 = arith.constant 0 : i32
        %dma_wait3A_100 = arith.constant 0 : i32
        %dma_wait3A_101 = tpu.memref_slice %arg2[%dma_wait3A_99, %dma_wait3A_100] : memref<10240x128xf32, #tpu.memory_space<hbm>> -> memref<10240x128xf32, #tpu.memory_space<hbm>>
        tpu.wait_indirect_dma semaphore(%arg11 : memref<!tpu.dma_semaphore, #tpu.memory_space<semaphore_mem>>) src(%dma_wait3A_101 : memref<10240x128xf32, #tpu.memory_space<hbm>>) dst(%arg9 : memref<128x128xf32, #tpu.memory_space<vmem>>)
        "tpu.region"() ({
          %run_scoped3A = tpu.sem_alloc : memref<!tpu.dma_semaphore, #tpu.memory_space<semaphore_mem>>
          %dma_start3A_118 = arith.constant 0 : i32
          %dma_start3A_119 = tpu.memref_slice %arg8[%mul3A_88, %dma_start3A_118] : memref<32x128xi32, #tpu.memory_space<vmem>> -> memref<1x128xi32, #tpu.memory_space<vmem>>
          %dma_start3A_120 = tpu.memref_squeeze %dma_start3A_119 : memref<1x128xi32, #tpu.memory_space<vmem>> -> memref<128xi32, #tpu.memory_space<vmem>>
          %dma_start3A_121 = arith.constant 0 : i32
          %dma_start3A_122 = arith.constant 0 : i32
          %dma_start3A_123 = tpu.memref_slice %arg6[%dma_start3A_121, %dma_start3A_122] : memref<10240x128xf32, #tpu.memory_space<vmem_shared>> -> memref<10240x128xf32, #tpu.memory_space<vmem_shared>>
          tpu.enqueue_indirect_dma source(%arg9 : memref<128x128xf32, #tpu.memory_space<vmem>>) target(%dma_start3A_123 : memref<10240x128xf32, #tpu.memory_space<vmem_shared>>) offsets(%dma_start3A_120 : memref<128xi32, #tpu.memory_space<vmem>>) semaphore(%run_scoped3A : memref<!tpu.dma_semaphore, #tpu.memory_space<semaphore_mem>>) {add = true}
          %dma_wait3A_124 = arith.constant 0 : i32
          %dma_wait3A_125 = tpu.memref_slice %arg8[%mul3A_88, %dma_wait3A_124] : memref<32x128xi32, #tpu.memory_space<vmem>> -> memref<1x128xi32, #tpu.memory_space<vmem>>
          %dma_wait3A_126 = tpu.memref_squeeze %dma_wait3A_125 : memref<1x128xi32, #tpu.memory_space<vmem>> -> memref<128xi32, #tpu.memory_space<vmem>>
          %dma_wait3A_127 = arith.constant 0 : i32
          %dma_wait3A_128 = arith.constant 0 : i32
          %dma_wait3A_129 = tpu.memref_slice %arg6[%dma_wait3A_127, %dma_wait3A_128] : memref<10240x128xf32, #tpu.memory_space<vmem_shared>> -> memref<10240x128xf32, #tpu.memory_space<vmem_shared>>
          tpu.wait_indirect_dma semaphore(%run_scoped3A : memref<!tpu.dma_semaphore, #tpu.memory_space<semaphore_mem>>) src(%arg9 : memref<128x128xf32, #tpu.memory_space<vmem>>) dst(%dma_wait3A_129 : memref<10240x128xf32, #tpu.memory_space<vmem_shared>>)
          tpu.yield
        }) : () -> ()
        %add3A_102 = arith.constant 1 : i32
        %add3A_103 = arith.addi %add3A_86, %add3A_102 : i32
        %lt3A = arith.constant 16 : i32
        %lt3A_104 = arith.cmpi slt, %add3A_103, %lt3A : i32
        %convert_element_type3A_105 = arith.extui %lt3A_104 : i1 to i32
        %cond3A_106 = arith.constant 0 : i32
        %cond3A_107 = arith.cmpi ne, %convert_element_type3A_105, %cond3A_106 : i32
        scf.if %cond3A_107 {
          %add3A_118 = arith.constant 2 : i32
          %add3A_119 = arith.addi %mul3A_88, %add3A_118 : i32
          %dma_start3A_120 = arith.constant 0 : i32
          %dma_start3A_121 = tpu.memref_slice %arg7[%add3A_119, %dma_start3A_120] : memref<32x128xi32, #tpu.memory_space<vmem>> -> memref<1x128xi32, #tpu.memory_space<vmem>>
          %dma_start3A_122 = tpu.memref_squeeze %dma_start3A_121 : memref<1x128xi32, #tpu.memory_space<vmem>> -> memref<128xi32, #tpu.memory_space<vmem>>
          %dma_start3A_123 = arith.constant 0 : i32
          %dma_start3A_124 = arith.constant 0 : i32
          %dma_start3A_125 = tpu.memref_slice %arg2[%dma_start3A_123, %dma_start3A_124] : memref<10240x128xf32, #tpu.memory_space<hbm>> -> memref<10240x128xf32, #tpu.memory_space<hbm>>
          tpu.enqueue_indirect_dma source(%dma_start3A_125 : memref<10240x128xf32, #tpu.memory_space<hbm>>) target(%arg9 : memref<128x128xf32, #tpu.memory_space<vmem>>) offsets(%dma_start3A_122 : memref<128xi32, #tpu.memory_space<vmem>>) semaphore(%arg11 : memref<!tpu.dma_semaphore, #tpu.memory_space<semaphore_mem>>)
        } else {
        }
        %add3A_108 = arith.constant 1 : i32
        %add3A_109 = arith.addi %mul3A_88, %add3A_108 : i32
        %dma_wait3A_110 = arith.constant 0 : i32
        %dma_wait3A_111 = tpu.memref_slice %arg7[%add3A_109, %dma_wait3A_110] : memref<32x128xi32, #tpu.memory_space<vmem>> -> memref<1x128xi32, #tpu.memory_space<vmem>>
        %dma_wait3A_112 = tpu.memref_squeeze %dma_wait3A_111 : memref<1x128xi32, #tpu.memory_space<vmem>> -> memref<128xi32, #tpu.memory_space<vmem>>
        %dma_wait3A_113 = arith.constant 0 : i32
        %dma_wait3A_114 = arith.constant 0 : i32
        %dma_wait3A_115 = tpu.memref_slice %arg2[%dma_wait3A_113, %dma_wait3A_114] : memref<10240x128xf32, #tpu.memory_space<hbm>> -> memref<10240x128xf32, #tpu.memory_space<hbm>>
        tpu.wait_indirect_dma semaphore(%arg12 : memref<!tpu.dma_semaphore, #tpu.memory_space<semaphore_mem>>) src(%dma_wait3A_115 : memref<10240x128xf32, #tpu.memory_space<hbm>>) dst(%arg10 : memref<128x128xf32, #tpu.memory_space<vmem>>)
        %add3A_116 = arith.constant 1 : i32
        %add3A_117 = arith.addi %mul3A_88, %add3A_116 : i32
        "tpu.region"() ({
          %run_scoped3A = tpu.sem_alloc : memref<!tpu.dma_semaphore, #tpu.memory_space<semaphore_mem>>
          %dma_start3A_118 = arith.constant 0 : i32
          %dma_start3A_119 = tpu.memref_slice %arg8[%add3A_117, %dma_start3A_118] : memref<32x128xi32, #tpu.memory_space<vmem>> -> memref<1x128xi32, #tpu.memory_space<vmem>>
          %dma_start3A_120 = tpu.memref_squeeze %dma_start3A_119 : memref<1x128xi32, #tpu.memory_space<vmem>> -> memref<128xi32, #tpu.memory_space<vmem>>
          %dma_start3A_121 = arith.constant 0 : i32
          %dma_start3A_122 = arith.constant 0 : i32
          %dma_start3A_123 = tpu.memref_slice %arg6[%dma_start3A_121, %dma_start3A_122] : memref<10240x128xf32, #tpu.memory_space<vmem_shared>> -> memref<10240x128xf32, #tpu.memory_space<vmem_shared>>
          tpu.enqueue_indirect_dma source(%arg10 : memref<128x128xf32, #tpu.memory_space<vmem>>) target(%dma_start3A_123 : memref<10240x128xf32, #tpu.memory_space<vmem_shared>>) offsets(%dma_start3A_120 : memref<128xi32, #tpu.memory_space<vmem>>) semaphore(%run_scoped3A : memref<!tpu.dma_semaphore, #tpu.memory_space<semaphore_mem>>) {add = true}
          %dma_wait3A_124 = arith.constant 0 : i32
          %dma_wait3A_125 = tpu.memref_slice %arg8[%add3A_117, %dma_wait3A_124] : memref<32x128xi32, #tpu.memory_space<vmem>> -> memref<1x128xi32, #tpu.memory_space<vmem>>
          %dma_wait3A_126 = tpu.memref_squeeze %dma_wait3A_125 : memref<1x128xi32, #tpu.memory_space<vmem>> -> memref<128xi32, #tpu.memory_space<vmem>>
          %dma_wait3A_127 = arith.constant 0 : i32
          %dma_wait3A_128 = arith.constant 0 : i32
          %dma_wait3A_129 = tpu.memref_slice %arg6[%dma_wait3A_127, %dma_wait3A_128] : memref<10240x128xf32, #tpu.memory_space<vmem_shared>> -> memref<10240x128xf32, #tpu.memory_space<vmem_shared>>
          tpu.wait_indirect_dma semaphore(%run_scoped3A : memref<!tpu.dma_semaphore, #tpu.memory_space<semaphore_mem>>) src(%arg10 : memref<128x128xf32, #tpu.memory_space<vmem>>) dst(%dma_wait3A_129 : memref<10240x128xf32, #tpu.memory_space<vmem_shared>>)
          tpu.yield
        }) : () -> ()
      }
      %scan3A_33 = arith.constant 16 : i32
      %mul3A_34 = arith.constant 128 : i32
      %mul3A_35 = arith.muli %arg1, %mul3A_34 : i32
      %add3A_36 = arith.constant 32 : i32
      %add3A_37 = arith.addi %mul3A_35, %add3A_36 : i32
      "tpu.region"() ({
        %run_scoped3A = tpu.sem_alloc : memref<!tpu.dma_semaphore, #tpu.memory_space<semaphore_mem>>
        %dma_start3A_82 = arith.constant 0 : i32
        %dma_start3A_83 = tpu.memref_slice %arg3[%add3A_37, %dma_start3A_82] : memref<2560x128xi32, #tpu.memory_space<hbm>> -> memref<32x128xi32, #tpu.memory_space<hbm>>
        %dma_start3A_84 = arith.constant 0 : i32
        %dma_start3A_85 = tpu.memref_slice %arg3[%add3A_37, %dma_start3A_84] : memref<2560x128xi32, #tpu.memory_space<hbm>> -> memref<32x128xi32, #tpu.memory_space<hbm>>
        tpu.enqueue_dma source(%dma_start3A_85 : memref<32x128xi32, #tpu.memory_space<hbm>>) target(%arg7 : memref<32x128xi32, #tpu.memory_space<vmem>>) target_semaphore(%run_scoped3A : memref<!tpu.dma_semaphore, #tpu.memory_space<semaphore_mem>>)
        %dma_wait3A = arith.constant 0 : i32
        %dma_wait3A_86 = tpu.memref_slice %arg3[%add3A_37, %dma_wait3A] : memref<2560x128xi32, #tpu.memory_space<hbm>> -> memref<32x128xi32, #tpu.memory_space<hbm>>
        %dma_wait3A_87 = arith.constant 0 : i32
        %dma_wait3A_88 = tpu.memref_slice %arg3[%add3A_37, %dma_wait3A_87] : memref<2560x128xi32, #tpu.memory_space<hbm>> -> memref<32x128xi32, #tpu.memory_space<hbm>>
        tpu.wait_dma2 semaphore(%run_scoped3A : memref<!tpu.dma_semaphore, #tpu.memory_space<semaphore_mem>>) src(%dma_wait3A_88 : memref<32x128xi32, #tpu.memory_space<hbm>>) dst(%arg7 : memref<32x128xi32, #tpu.memory_space<vmem>>)
        tpu.yield
      }) : () -> ()
      "tpu.region"() ({
        %run_scoped3A = tpu.sem_alloc : memref<!tpu.dma_semaphore, #tpu.memory_space<semaphore_mem>>
        %dma_start3A_82 = arith.constant 0 : i32
        %dma_start3A_83 = tpu.memref_slice %arg4[%add3A_37, %dma_start3A_82] : memref<2560x128xi32, #tpu.memory_space<hbm>> -> memref<32x128xi32, #tpu.memory_space<hbm>>
        %dma_start3A_84 = arith.constant 0 : i32
        %dma_start3A_85 = tpu.memref_slice %arg4[%add3A_37, %dma_start3A_84] : memref<2560x128xi32, #tpu.memory_space<hbm>> -> memref<32x128xi32, #tpu.memory_space<hbm>>
        tpu.enqueue_dma source(%dma_start3A_85 : memref<32x128xi32, #tpu.memory_space<hbm>>) target(%arg8 : memref<32x128xi32, #tpu.memory_space<vmem>>) target_semaphore(%run_scoped3A : memref<!tpu.dma_semaphore, #tpu.memory_space<semaphore_mem>>)
        %dma_wait3A = arith.constant 0 : i32
        %dma_wait3A_86 = tpu.memref_slice %arg4[%add3A_37, %dma_wait3A] : memref<2560x128xi32, #tpu.memory_space<hbm>> -> memref<32x128xi32, #tpu.memory_space<hbm>>
        %dma_wait3A_87 = arith.constant 0 : i32
        %dma_wait3A_88 = tpu.memref_slice %arg4[%add3A_37, %dma_wait3A_87] : memref<2560x128xi32, #tpu.memory_space<hbm>> -> memref<32x128xi32, #tpu.memory_space<hbm>>
        tpu.wait_dma2 semaphore(%run_scoped3A : memref<!tpu.dma_semaphore, #tpu.memory_space<semaphore_mem>>) src(%dma_wait3A_88 : memref<32x128xi32, #tpu.memory_space<hbm>>) dst(%arg8 : memref<32x128xi32, #tpu.memory_space<vmem>>)
        tpu.yield
      }) : () -> ()
      %dma_start3A_38 = arith.constant 0 : i32
      %dma_start3A_39 = arith.constant 0 : i32
      %dma_start3A_40 = tpu.memref_slice %arg7[%dma_start3A_38, %dma_start3A_39] : memref<32x128xi32, #tpu.memory_space<vmem>> -> memref<1x128xi32, #tpu.memory_space<vmem>>
      %dma_start3A_41 = tpu.memref_squeeze %dma_start3A_40 : memref<1x128xi32, #tpu.memory_space<vmem>> -> memref<128xi32, #tpu.memory_space<vmem>>
      %dma_start3A_42 = arith.constant 0 : i32
      %dma_start3A_43 = arith.constant 0 : i32
      %dma_start3A_44 = tpu.memref_slice %arg2[%dma_start3A_42, %dma_start3A_43] : memref<10240x128xf32, #tpu.memory_space<hbm>> -> memref<10240x128xf32, #tpu.memory_space<hbm>>
      tpu.enqueue_indirect_dma source(%dma_start3A_44 : memref<10240x128xf32, #tpu.memory_space<hbm>>) target(%arg9 : memref<128x128xf32, #tpu.memory_space<vmem>>) offsets(%dma_start3A_41 : memref<128xi32, #tpu.memory_space<vmem>>) semaphore(%arg11 : memref<!tpu.dma_semaphore, #tpu.memory_space<semaphore_mem>>)
      %scan3A_45 = arith.constant 0 : i32
      %scan3A_46 = arith.constant 16 : i32
      %scan3A_47 = arith.addi %scan3A_45, %scan3A_46 : i32
      %scan3A_48 = arith.constant 1 : i32
      scf.for %scan3A_82 = %scan3A_45 to %scan3A_47 step %scan3A_48  : i32 {
        %mul3A_83 = arith.constant 1 : i32
        %mul3A_84 = arith.muli %scan3A_82, %mul3A_83 : i32
        %add3A_85 = arith.constant 0 : i32
        %add3A_86 = arith.addi %add3A_85, %mul3A_84 : i32
        %mul3A_87 = arith.constant 2 : i32
        %mul3A_88 = arith.muli %mul3A_87, %add3A_86 : i32
        %add3A_89 = arith.constant 1 : i32
        %add3A_90 = arith.addi %mul3A_88, %add3A_89 : i32
        %dma_start3A_91 = arith.constant 0 : i32
        %dma_start3A_92 = tpu.memref_slice %arg7[%add3A_90, %dma_start3A_91] : memref<32x128xi32, #tpu.memory_space<vmem>> -> memref<1x128xi32, #tpu.memory_space<vmem>>
        %dma_start3A_93 = tpu.memref_squeeze %dma_start3A_92 : memref<1x128xi32, #tpu.memory_space<vmem>> -> memref<128xi32, #tpu.memory_space<vmem>>
        %dma_start3A_94 = arith.constant 0 : i32
        %dma_start3A_95 = arith.constant 0 : i32
        %dma_start3A_96 = tpu.memref_slice %arg2[%dma_start3A_94, %dma_start3A_95] : memref<10240x128xf32, #tpu.memory_space<hbm>> -> memref<10240x128xf32, #tpu.memory_space<hbm>>
        tpu.enqueue_indirect_dma source(%dma_start3A_96 : memref<10240x128xf32, #tpu.memory_space<hbm>>) target(%arg10 : memref<128x128xf32, #tpu.memory_space<vmem>>) offsets(%dma_start3A_93 : memref<128xi32, #tpu.memory_space<vmem>>) semaphore(%arg12 : memref<!tpu.dma_semaphore, #tpu.memory_space<semaphore_mem>>)
        %dma_wait3A = arith.constant 0 : i32
        %dma_wait3A_97 = tpu.memref_slice %arg7[%mul3A_88, %dma_wait3A] : memref<32x128xi32, #tpu.memory_space<vmem>> -> memref<1x128xi32, #tpu.memory_space<vmem>>
        %dma_wait3A_98 = tpu.memref_squeeze %dma_wait3A_97 : memref<1x128xi32, #tpu.memory_space<vmem>> -> memref<128xi32, #tpu.memory_space<vmem>>
        %dma_wait3A_99 = arith.constant 0 : i32
        %dma_wait3A_100 = arith.constant 0 : i32
        %dma_wait3A_101 = tpu.memref_slice %arg2[%dma_wait3A_99, %dma_wait3A_100] : memref<10240x128xf32, #tpu.memory_space<hbm>> -> memref<10240x128xf32, #tpu.memory_space<hbm>>
        tpu.wait_indirect_dma semaphore(%arg11 : memref<!tpu.dma_semaphore, #tpu.memory_space<semaphore_mem>>) src(%dma_wait3A_101 : memref<10240x128xf32, #tpu.memory_space<hbm>>) dst(%arg9 : memref<128x128xf32, #tpu.memory_space<vmem>>)
        "tpu.region"() ({
          %run_scoped3A = tpu.sem_alloc : memref<!tpu.dma_semaphore, #tpu.memory_space<semaphore_mem>>
          %dma_start3A_118 = arith.constant 0 : i32
          %dma_start3A_119 = tpu.memref_slice %arg8[%mul3A_88, %dma_start3A_118] : memref<32x128xi32, #tpu.memory_space<vmem>> -> memref<1x128xi32, #tpu.memory_space<vmem>>
          %dma_start3A_120 = tpu.memref_squeeze %dma_start3A_119 : memref<1x128xi32, #tpu.memory_space<vmem>> -> memref<128xi32, #tpu.memory_space<vmem>>
          %dma_start3A_121 = arith.constant 0 : i32
          %dma_start3A_122 = arith.constant 0 : i32
          %dma_start3A_123 = tpu.memref_slice %arg6[%dma_start3A_121, %dma_start3A_122] : memref<10240x128xf32, #tpu.memory_space<vmem_shared>> -> memref<10240x128xf32, #tpu.memory_space<vmem_shared>>
          tpu.enqueue_indirect_dma source(%arg9 : memref<128x128xf32, #tpu.memory_space<vmem>>) target(%dma_start3A_123 : memref<10240x128xf32, #tpu.memory_space<vmem_shared>>) offsets(%dma_start3A_120 : memref<128xi32, #tpu.memory_space<vmem>>) semaphore(%run_scoped3A : memref<!tpu.dma_semaphore, #tpu.memory_space<semaphore_mem>>) {add = true}
          %dma_wait3A_124 = arith.constant 0 : i32
          %dma_wait3A_125 = tpu.memref_slice %arg8[%mul3A_88, %dma_wait3A_124] : memref<32x128xi32, #tpu.memory_space<vmem>> -> memref<1x128xi32, #tpu.memory_space<vmem>>
          %dma_wait3A_126 = tpu.memref_squeeze %dma_wait3A_125 : memref<1x128xi32, #tpu.memory_space<vmem>> -> memref<128xi32, #tpu.memory_space<vmem>>
          %dma_wait3A_127 = arith.constant 0 : i32
          %dma_wait3A_128 = arith.constant 0 : i32
          %dma_wait3A_129 = tpu.memref_slice %arg6[%dma_wait3A_127, %dma_wait3A_128] : memref<10240x128xf32, #tpu.memory_space<vmem_shared>> -> memref<10240x128xf32, #tpu.memory_space<vmem_shared>>
          tpu.wait_indirect_dma semaphore(%run_scoped3A : memref<!tpu.dma_semaphore, #tpu.memory_space<semaphore_mem>>) src(%arg9 : memref<128x128xf32, #tpu.memory_space<vmem>>) dst(%dma_wait3A_129 : memref<10240x128xf32, #tpu.memory_space<vmem_shared>>)
          tpu.yield
        }) : () -> ()
        %add3A_102 = arith.constant 1 : i32
        %add3A_103 = arith.addi %add3A_86, %add3A_102 : i32
        %lt3A = arith.constant 16 : i32
        %lt3A_104 = arith.cmpi slt, %add3A_103, %lt3A : i32
        %convert_element_type3A_105 = arith.extui %lt3A_104 : i1 to i32
        %cond3A_106 = arith.constant 0 : i32
        %cond3A_107 = arith.cmpi ne, %convert_element_type3A_105, %cond3A_106 : i32
        scf.if %cond3A_107 {
          %add3A_118 = arith.constant 2 : i32
          %add3A_119 = arith.addi %mul3A_88, %add3A_118 : i32
          %dma_start3A_120 = arith.constant 0 : i32
          %dma_start3A_121 = tpu.memref_slice %arg7[%add3A_119, %dma_start3A_120] : memref<32x128xi32, #tpu.memory_space<vmem>> -> memref<1x128xi32, #tpu.memory_space<vmem>>
          %dma_start3A_122 = tpu.memref_squeeze %dma_start3A_121 : memref<1x128xi32, #tpu.memory_space<vmem>> -> memref<128xi32, #tpu.memory_space<vmem>>
          %dma_start3A_123 = arith.constant 0 : i32
          %dma_start3A_124 = arith.constant 0 : i32
          %dma_start3A_125 = tpu.memref_slice %arg2[%dma_start3A_123, %dma_start3A_124] : memref<10240x128xf32, #tpu.memory_space<hbm>> -> memref<10240x128xf32, #tpu.memory_space<hbm>>
          tpu.enqueue_indirect_dma source(%dma_start3A_125 : memref<10240x128xf32, #tpu.memory_space<hbm>>) target(%arg9 : memref<128x128xf32, #tpu.memory_space<vmem>>) offsets(%dma_start3A_122 : memref<128xi32, #tpu.memory_space<vmem>>) semaphore(%arg11 : memref<!tpu.dma_semaphore, #tpu.memory_space<semaphore_mem>>)
        } else {
        }
        %add3A_108 = arith.constant 1 : i32
        %add3A_109 = arith.addi %mul3A_88, %add3A_108 : i32
        %dma_wait3A_110 = arith.constant 0 : i32
        %dma_wait3A_111 = tpu.memref_slice %arg7[%add3A_109, %dma_wait3A_110] : memref<32x128xi32, #tpu.memory_space<vmem>> -> memref<1x128xi32, #tpu.memory_space<vmem>>
        %dma_wait3A_112 = tpu.memref_squeeze %dma_wait3A_111 : memref<1x128xi32, #tpu.memory_space<vmem>> -> memref<128xi32, #tpu.memory_space<vmem>>
        %dma_wait3A_113 = arith.constant 0 : i32
        %dma_wait3A_114 = arith.constant 0 : i32
        %dma_wait3A_115 = tpu.memref_slice %arg2[%dma_wait3A_113, %dma_wait3A_114] : memref<10240x128xf32, #tpu.memory_space<hbm>> -> memref<10240x128xf32, #tpu.memory_space<hbm>>
        tpu.wait_indirect_dma semaphore(%arg12 : memref<!tpu.dma_semaphore, #tpu.memory_space<semaphore_mem>>) src(%dma_wait3A_115 : memref<10240x128xf32, #tpu.memory_space<hbm>>) dst(%arg10 : memref<128x128xf32, #tpu.memory_space<vmem>>)
        %add3A_116 = arith.constant 1 : i32
        %add3A_117 = arith.addi %mul3A_88, %add3A_116 : i32
        "tpu.region"() ({
          %run_scoped3A = tpu.sem_alloc : memref<!tpu.dma_semaphore, #tpu.memory_space<semaphore_mem>>
          %dma_start3A_118 = arith.constant 0 : i32
          %dma_start3A_119 = tpu.memref_slice %arg8[%add3A_117, %dma_start3A_118] : memref<32x128xi32, #tpu.memory_space<vmem>> -> memref<1x128xi32, #tpu.memory_space<vmem>>
          %dma_start3A_120 = tpu.memref_squeeze %dma_start3A_119 : memref<1x128xi32, #tpu.memory_space<vmem>> -> memref<128xi32, #tpu.memory_space<vmem>>
          %dma_start3A_121 = arith.constant 0 : i32
          %dma_start3A_122 = arith.constant 0 : i32
          %dma_start3A_123 = tpu.memref_slice %arg6[%dma_start3A_121, %dma_start3A_122] : memref<10240x128xf32, #tpu.memory_space<vmem_shared>> -> memref<10240x128xf32, #tpu.memory_space<vmem_shared>>
          tpu.enqueue_indirect_dma source(%arg10 : memref<128x128xf32, #tpu.memory_space<vmem>>) target(%dma_start3A_123 : memref<10240x128xf32, #tpu.memory_space<vmem_shared>>) offsets(%dma_start3A_120 : memref<128xi32, #tpu.memory_space<vmem>>) semaphore(%run_scoped3A : memref<!tpu.dma_semaphore, #tpu.memory_space<semaphore_mem>>) {add = true}
          %dma_wait3A_124 = arith.constant 0 : i32
          %dma_wait3A_125 = tpu.memref_slice %arg8[%add3A_117, %dma_wait3A_124] : memref<32x128xi32, #tpu.memory_space<vmem>> -> memref<1x128xi32, #tpu.memory_space<vmem>>
          %dma_wait3A_126 = tpu.memref_squeeze %dma_wait3A_125 : memref<1x128xi32, #tpu.memory_space<vmem>> -> memref<128xi32, #tpu.memory_space<vmem>>
          %dma_wait3A_127 = arith.constant 0 : i32
          %dma_wait3A_128 = arith.constant 0 : i32
          %dma_wait3A_129 = tpu.memref_slice %arg6[%dma_wait3A_127, %dma_wait3A_128] : memref<10240x128xf32, #tpu.memory_space<vmem_shared>> -> memref<10240x128xf32, #tpu.memory_space<vmem_shared>>
          tpu.wait_indirect_dma semaphore(%run_scoped3A : memref<!tpu.dma_semaphore, #tpu.memory_space<semaphore_mem>>) src(%arg10 : memref<128x128xf32, #tpu.memory_space<vmem>>) dst(%dma_wait3A_129 : memref<10240x128xf32, #tpu.memory_space<vmem_shared>>)
          tpu.yield
        }) : () -> ()
      }
      %scan3A_49 = arith.constant 16 : i32
      %mul3A_50 = arith.constant 128 : i32
      %mul3A_51 = arith.muli %arg1, %mul3A_50 : i32
      %add3A_52 = arith.constant 64 : i32
      %add3A_53 = arith.addi %mul3A_51, %add3A_52 : i32
      "tpu.region"() ({
        %run_scoped3A = tpu.sem_alloc : memref<!tpu.dma_semaphore, #tpu.memory_space<semaphore_mem>>
        %dma_start3A_82 = arith.constant 0 : i32
        %dma_start3A_83 = tpu.memref_slice %arg3[%add3A_53, %dma_start3A_82] : memref<2560x128xi32, #tpu.memory_space<hbm>> -> memref<32x128xi32, #tpu.memory_space<hbm>>
        %dma_start3A_84 = arith.constant 0 : i32
        %dma_start3A_85 = tpu.memref_slice %arg3[%add3A_53, %dma_start3A_84] : memref<2560x128xi32, #tpu.memory_space<hbm>> -> memref<32x128xi32, #tpu.memory_space<hbm>>
        tpu.enqueue_dma source(%dma_start3A_85 : memref<32x128xi32, #tpu.memory_space<hbm>>) target(%arg7 : memref<32x128xi32, #tpu.memory_space<vmem>>) target_semaphore(%run_scoped3A : memref<!tpu.dma_semaphore, #tpu.memory_space<semaphore_mem>>)
        %dma_wait3A = arith.constant 0 : i32
        %dma_wait3A_86 = tpu.memref_slice %arg3[%add3A_53, %dma_wait3A] : memref<2560x128xi32, #tpu.memory_space<hbm>> -> memref<32x128xi32, #tpu.memory_space<hbm>>
        %dma_wait3A_87 = arith.constant 0 : i32
        %dma_wait3A_88 = tpu.memref_slice %arg3[%add3A_53, %dma_wait3A_87] : memref<2560x128xi32, #tpu.memory_space<hbm>> -> memref<32x128xi32, #tpu.memory_space<hbm>>
        tpu.wait_dma2 semaphore(%run_scoped3A : memref<!tpu.dma_semaphore, #tpu.memory_space<semaphore_mem>>) src(%dma_wait3A_88 : memref<32x128xi32, #tpu.memory_space<hbm>>) dst(%arg7 : memref<32x128xi32, #tpu.memory_space<vmem>>)
        tpu.yield
      }) : () -> ()
      "tpu.region"() ({
        %run_scoped3A = tpu.sem_alloc : memref<!tpu.dma_semaphore, #tpu.memory_space<semaphore_mem>>
        %dma_start3A_82 = arith.constant 0 : i32
        %dma_start3A_83 = tpu.memref_slice %arg4[%add3A_53, %dma_start3A_82] : memref<2560x128xi32, #tpu.memory_space<hbm>> -> memref<32x128xi32, #tpu.memory_space<hbm>>
        %dma_start3A_84 = arith.constant 0 : i32
        %dma_start3A_85 = tpu.memref_slice %arg4[%add3A_53, %dma_start3A_84] : memref<2560x128xi32, #tpu.memory_space<hbm>> -> memref<32x128xi32, #tpu.memory_space<hbm>>
        tpu.enqueue_dma source(%dma_start3A_85 : memref<32x128xi32, #tpu.memory_space<hbm>>) target(%arg8 : memref<32x128xi32, #tpu.memory_space<vmem>>) target_semaphore(%run_scoped3A : memref<!tpu.dma_semaphore, #tpu.memory_space<semaphore_mem>>)
        %dma_wait3A = arith.constant 0 : i32
        %dma_wait3A_86 = tpu.memref_slice %arg4[%add3A_53, %dma_wait3A] : memref<2560x128xi32, #tpu.memory_space<hbm>> -> memref<32x128xi32, #tpu.memory_space<hbm>>
        %dma_wait3A_87 = arith.constant 0 : i32
        %dma_wait3A_88 = tpu.memref_slice %arg4[%add3A_53, %dma_wait3A_87] : memref<2560x128xi32, #tpu.memory_space<hbm>> -> memref<32x128xi32, #tpu.memory_space<hbm>>
        tpu.wait_dma2 semaphore(%run_scoped3A : memref<!tpu.dma_semaphore, #tpu.memory_space<semaphore_mem>>) src(%dma_wait3A_88 : memref<32x128xi32, #tpu.memory_space<hbm>>) dst(%arg8 : memref<32x128xi32, #tpu.memory_space<vmem>>)
        tpu.yield
      }) : () -> ()
      %dma_start3A_54 = arith.constant 0 : i32
      %dma_start3A_55 = arith.constant 0 : i32
      %dma_start3A_56 = tpu.memref_slice %arg7[%dma_start3A_54, %dma_start3A_55] : memref<32x128xi32, #tpu.memory_space<vmem>> -> memref<1x128xi32, #tpu.memory_space<vmem>>
      %dma_start3A_57 = tpu.memref_squeeze %dma_start3A_56 : memref<1x128xi32, #tpu.memory_space<vmem>> -> memref<128xi32, #tpu.memory_space<vmem>>
      %dma_start3A_58 = arith.constant 0 : i32
      %dma_start3A_59 = arith.constant 0 : i32
      %dma_start3A_60 = tpu.memref_slice %arg2[%dma_start3A_58, %dma_start3A_59] : memref<10240x128xf32, #tpu.memory_space<hbm>> -> memref<10240x128xf32, #tpu.memory_space<hbm>>
      tpu.enqueue_indirect_dma source(%dma_start3A_60 : memref<10240x128xf32, #tpu.memory_space<hbm>>) target(%arg9 : memref<128x128xf32, #tpu.memory_space<vmem>>) offsets(%dma_start3A_57 : memref<128xi32, #tpu.memory_space<vmem>>) semaphore(%arg11 : memref<!tpu.dma_semaphore, #tpu.memory_space<semaphore_mem>>)
      %scan3A_61 = arith.constant 0 : i32
      %scan3A_62 = arith.constant 16 : i32
      %scan3A_63 = arith.addi %scan3A_61, %scan3A_62 : i32
      %scan3A_64 = arith.constant 1 : i32
      scf.for %scan3A_82 = %scan3A_61 to %scan3A_63 step %scan3A_64  : i32 {
        %mul3A_83 = arith.constant 1 : i32
        %mul3A_84 = arith.muli %scan3A_82, %mul3A_83 : i32
        %add3A_85 = arith.constant 0 : i32
        %add3A_86 = arith.addi %add3A_85, %mul3A_84 : i32
        %mul3A_87 = arith.constant 2 : i32
        %mul3A_88 = arith.muli %mul3A_87, %add3A_86 : i32
        %add3A_89 = arith.constant 1 : i32
        %add3A_90 = arith.addi %mul3A_88, %add3A_89 : i32
        %dma_start3A_91 = arith.constant 0 : i32
        %dma_start3A_92 = tpu.memref_slice %arg7[%add3A_90, %dma_start3A_91] : memref<32x128xi32, #tpu.memory_space<vmem>> -> memref<1x128xi32, #tpu.memory_space<vmem>>
        %dma_start3A_93 = tpu.memref_squeeze %dma_start3A_92 : memref<1x128xi32, #tpu.memory_space<vmem>> -> memref<128xi32, #tpu.memory_space<vmem>>
        %dma_start3A_94 = arith.constant 0 : i32
        %dma_start3A_95 = arith.constant 0 : i32
        %dma_start3A_96 = tpu.memref_slice %arg2[%dma_start3A_94, %dma_start3A_95] : memref<10240x128xf32, #tpu.memory_space<hbm>> -> memref<10240x128xf32, #tpu.memory_space<hbm>>
        tpu.enqueue_indirect_dma source(%dma_start3A_96 : memref<10240x128xf32, #tpu.memory_space<hbm>>) target(%arg10 : memref<128x128xf32, #tpu.memory_space<vmem>>) offsets(%dma_start3A_93 : memref<128xi32, #tpu.memory_space<vmem>>) semaphore(%arg12 : memref<!tpu.dma_semaphore, #tpu.memory_space<semaphore_mem>>)
        %dma_wait3A = arith.constant 0 : i32
        %dma_wait3A_97 = tpu.memref_slice %arg7[%mul3A_88, %dma_wait3A] : memref<32x128xi32, #tpu.memory_space<vmem>> -> memref<1x128xi32, #tpu.memory_space<vmem>>
        %dma_wait3A_98 = tpu.memref_squeeze %dma_wait3A_97 : memref<1x128xi32, #tpu.memory_space<vmem>> -> memref<128xi32, #tpu.memory_space<vmem>>
        %dma_wait3A_99 = arith.constant 0 : i32
        %dma_wait3A_100 = arith.constant 0 : i32
        %dma_wait3A_101 = tpu.memref_slice %arg2[%dma_wait3A_99, %dma_wait3A_100] : memref<10240x128xf32, #tpu.memory_space<hbm>> -> memref<10240x128xf32, #tpu.memory_space<hbm>>
        tpu.wait_indirect_dma semaphore(%arg11 : memref<!tpu.dma_semaphore, #tpu.memory_space<semaphore_mem>>) src(%dma_wait3A_101 : memref<10240x128xf32, #tpu.memory_space<hbm>>) dst(%arg9 : memref<128x128xf32, #tpu.memory_space<vmem>>)
        "tpu.region"() ({
          %run_scoped3A = tpu.sem_alloc : memref<!tpu.dma_semaphore, #tpu.memory_space<semaphore_mem>>
          %dma_start3A_118 = arith.constant 0 : i32
          %dma_start3A_119 = tpu.memref_slice %arg8[%mul3A_88, %dma_start3A_118] : memref<32x128xi32, #tpu.memory_space<vmem>> -> memref<1x128xi32, #tpu.memory_space<vmem>>
          %dma_start3A_120 = tpu.memref_squeeze %dma_start3A_119 : memref<1x128xi32, #tpu.memory_space<vmem>> -> memref<128xi32, #tpu.memory_space<vmem>>
          %dma_start3A_121 = arith.constant 0 : i32
          %dma_start3A_122 = arith.constant 0 : i32
          %dma_start3A_123 = tpu.memref_slice %arg6[%dma_start3A_121, %dma_start3A_122] : memref<10240x128xf32, #tpu.memory_space<vmem_shared>> -> memref<10240x128xf32, #tpu.memory_space<vmem_shared>>
          tpu.enqueue_indirect_dma source(%arg9 : memref<128x128xf32, #tpu.memory_space<vmem>>) target(%dma_start3A_123 : memref<10240x128xf32, #tpu.memory_space<vmem_shared>>) offsets(%dma_start3A_120 : memref<128xi32, #tpu.memory_space<vmem>>) semaphore(%run_scoped3A : memref<!tpu.dma_semaphore, #tpu.memory_space<semaphore_mem>>) {add = true}
          %dma_wait3A_124 = arith.constant 0 : i32
          %dma_wait3A_125 = tpu.memref_slice %arg8[%mul3A_88, %dma_wait3A_124] : memref<32x128xi32, #tpu.memory_space<vmem>> -> memref<1x128xi32, #tpu.memory_space<vmem>>
          %dma_wait3A_126 = tpu.memref_squeeze %dma_wait3A_125 : memref<1x128xi32, #tpu.memory_space<vmem>> -> memref<128xi32, #tpu.memory_space<vmem>>
          %dma_wait3A_127 = arith.constant 0 : i32
          %dma_wait3A_128 = arith.constant 0 : i32
          %dma_wait3A_129 = tpu.memref_slice %arg6[%dma_wait3A_127, %dma_wait3A_128] : memref<10240x128xf32, #tpu.memory_space<vmem_shared>> -> memref<10240x128xf32, #tpu.memory_space<vmem_shared>>
          tpu.wait_indirect_dma semaphore(%run_scoped3A : memref<!tpu.dma_semaphore, #tpu.memory_space<semaphore_mem>>) src(%arg9 : memref<128x128xf32, #tpu.memory_space<vmem>>) dst(%dma_wait3A_129 : memref<10240x128xf32, #tpu.memory_space<vmem_shared>>)
          tpu.yield
        }) : () -> ()
        %add3A_102 = arith.constant 1 : i32
        %add3A_103 = arith.addi %add3A_86, %add3A_102 : i32
        %lt3A = arith.constant 16 : i32
        %lt3A_104 = arith.cmpi slt, %add3A_103, %lt3A : i32
        %convert_element_type3A_105 = arith.extui %lt3A_104 : i1 to i32
        %cond3A_106 = arith.constant 0 : i32
        %cond3A_107 = arith.cmpi ne, %convert_element_type3A_105, %cond3A_106 : i32
        scf.if %cond3A_107 {
          %add3A_118 = arith.constant 2 : i32
          %add3A_119 = arith.addi %mul3A_88, %add3A_118 : i32
          %dma_start3A_120 = arith.constant 0 : i32
          %dma_start3A_121 = tpu.memref_slice %arg7[%add3A_119, %dma_start3A_120] : memref<32x128xi32, #tpu.memory_space<vmem>> -> memref<1x128xi32, #tpu.memory_space<vmem>>
          %dma_start3A_122 = tpu.memref_squeeze %dma_start3A_121 : memref<1x128xi32, #tpu.memory_space<vmem>> -> memref<128xi32, #tpu.memory_space<vmem>>
          %dma_start3A_123 = arith.constant 0 : i32
          %dma_start3A_124 = arith.constant 0 : i32
          %dma_start3A_125 = tpu.memref_slice %arg2[%dma_start3A_123, %dma_start3A_124] : memref<10240x128xf32, #tpu.memory_space<hbm>> -> memref<10240x128xf32, #tpu.memory_space<hbm>>
          tpu.enqueue_indirect_dma source(%dma_start3A_125 : memref<10240x128xf32, #tpu.memory_space<hbm>>) target(%arg9 : memref<128x128xf32, #tpu.memory_space<vmem>>) offsets(%dma_start3A_122 : memref<128xi32, #tpu.memory_space<vmem>>) semaphore(%arg11 : memref<!tpu.dma_semaphore, #tpu.memory_space<semaphore_mem>>)
        } else {
        }
        %add3A_108 = arith.constant 1 : i32
        %add3A_109 = arith.addi %mul3A_88, %add3A_108 : i32
        %dma_wait3A_110 = arith.constant 0 : i32
        %dma_wait3A_111 = tpu.memref_slice %arg7[%add3A_109, %dma_wait3A_110] : memref<32x128xi32, #tpu.memory_space<vmem>> -> memref<1x128xi32, #tpu.memory_space<vmem>>
        %dma_wait3A_112 = tpu.memref_squeeze %dma_wait3A_111 : memref<1x128xi32, #tpu.memory_space<vmem>> -> memref<128xi32, #tpu.memory_space<vmem>>
        %dma_wait3A_113 = arith.constant 0 : i32
        %dma_wait3A_114 = arith.constant 0 : i32
        %dma_wait3A_115 = tpu.memref_slice %arg2[%dma_wait3A_113, %dma_wait3A_114] : memref<10240x128xf32, #tpu.memory_space<hbm>> -> memref<10240x128xf32, #tpu.memory_space<hbm>>
        tpu.wait_indirect_dma semaphore(%arg12 : memref<!tpu.dma_semaphore, #tpu.memory_space<semaphore_mem>>) src(%dma_wait3A_115 : memref<10240x128xf32, #tpu.memory_space<hbm>>) dst(%arg10 : memref<128x128xf32, #tpu.memory_space<vmem>>)
        %add3A_116 = arith.constant 1 : i32
        %add3A_117 = arith.addi %mul3A_88, %add3A_116 : i32
        "tpu.region"() ({
          %run_scoped3A = tpu.sem_alloc : memref<!tpu.dma_semaphore, #tpu.memory_space<semaphore_mem>>
          %dma_start3A_118 = arith.constant 0 : i32
          %dma_start3A_119 = tpu.memref_slice %arg8[%add3A_117, %dma_start3A_118] : memref<32x128xi32, #tpu.memory_space<vmem>> -> memref<1x128xi32, #tpu.memory_space<vmem>>
          %dma_start3A_120 = tpu.memref_squeeze %dma_start3A_119 : memref<1x128xi32, #tpu.memory_space<vmem>> -> memref<128xi32, #tpu.memory_space<vmem>>
          %dma_start3A_121 = arith.constant 0 : i32
          %dma_start3A_122 = arith.constant 0 : i32
          %dma_start3A_123 = tpu.memref_slice %arg6[%dma_start3A_121, %dma_start3A_122] : memref<10240x128xf32, #tpu.memory_space<vmem_shared>> -> memref<10240x128xf32, #tpu.memory_space<vmem_shared>>
          tpu.enqueue_indirect_dma source(%arg10 : memref<128x128xf32, #tpu.memory_space<vmem>>) target(%dma_start3A_123 : memref<10240x128xf32, #tpu.memory_space<vmem_shared>>) offsets(%dma_start3A_120 : memref<128xi32, #tpu.memory_space<vmem>>) semaphore(%run_scoped3A : memref<!tpu.dma_semaphore, #tpu.memory_space<semaphore_mem>>) {add = true}
          %dma_wait3A_124 = arith.constant 0 : i32
          %dma_wait3A_125 = tpu.memref_slice %arg8[%add3A_117, %dma_wait3A_124] : memref<32x128xi32, #tpu.memory_space<vmem>> -> memref<1x128xi32, #tpu.memory_space<vmem>>
          %dma_wait3A_126 = tpu.memref_squeeze %dma_wait3A_125 : memref<1x128xi32, #tpu.memory_space<vmem>> -> memref<128xi32, #tpu.memory_space<vmem>>
          %dma_wait3A_127 = arith.constant 0 : i32
          %dma_wait3A_128 = arith.constant 0 : i32
          %dma_wait3A_129 = tpu.memref_slice %arg6[%dma_wait3A_127, %dma_wait3A_128] : memref<10240x128xf32, #tpu.memory_space<vmem_shared>> -> memref<10240x128xf32, #tpu.memory_space<vmem_shared>>
          tpu.wait_indirect_dma semaphore(%run_scoped3A : memref<!tpu.dma_semaphore, #tpu.memory_space<semaphore_mem>>) src(%arg10 : memref<128x128xf32, #tpu.memory_space<vmem>>) dst(%dma_wait3A_129 : memref<10240x128xf32, #tpu.memory_space<vmem_shared>>)
          tpu.yield
        }) : () -> ()
      }
      %scan3A_65 = arith.constant 16 : i32
      %mul3A_66 = arith.constant 128 : i32
      %mul3A_67 = arith.muli %arg1, %mul3A_66 : i32
      %add3A_68 = arith.constant 96 : i32
      %add3A_69 = arith.addi %mul3A_67, %add3A_68 : i32
      "tpu.region"() ({
        %run_scoped3A = tpu.sem_alloc : memref<!tpu.dma_semaphore, #tpu.memory_space<semaphore_mem>>
        %dma_start3A_82 = arith.constant 0 : i32
        %dma_start3A_83 = tpu.memref_slice %arg3[%add3A_69, %dma_start3A_82] : memref<2560x128xi32, #tpu.memory_space<hbm>> -> memref<32x128xi32, #tpu.memory_space<hbm>>
        %dma_start3A_84 = arith.constant 0 : i32
        %dma_start3A_85 = tpu.memref_slice %arg3[%add3A_69, %dma_start3A_84] : memref<2560x128xi32, #tpu.memory_space<hbm>> -> memref<32x128xi32, #tpu.memory_space<hbm>>
        tpu.enqueue_dma source(%dma_start3A_85 : memref<32x128xi32, #tpu.memory_space<hbm>>) target(%arg7 : memref<32x128xi32, #tpu.memory_space<vmem>>) target_semaphore(%run_scoped3A : memref<!tpu.dma_semaphore, #tpu.memory_space<semaphore_mem>>)
        %dma_wait3A = arith.constant 0 : i32
        %dma_wait3A_86 = tpu.memref_slice %arg3[%add3A_69, %dma_wait3A] : memref<2560x128xi32, #tpu.memory_space<hbm>> -> memref<32x128xi32, #tpu.memory_space<hbm>>
        %dma_wait3A_87 = arith.constant 0 : i32
        %dma_wait3A_88 = tpu.memref_slice %arg3[%add3A_69, %dma_wait3A_87] : memref<2560x128xi32, #tpu.memory_space<hbm>> -> memref<32x128xi32, #tpu.memory_space<hbm>>
        tpu.wait_dma2 semaphore(%run_scoped3A : memref<!tpu.dma_semaphore, #tpu.memory_space<semaphore_mem>>) src(%dma_wait3A_88 : memref<32x128xi32, #tpu.memory_space<hbm>>) dst(%arg7 : memref<32x128xi32, #tpu.memory_space<vmem>>)
        tpu.yield
      }) : () -> ()
      "tpu.region"() ({
        %run_scoped3A = tpu.sem_alloc : memref<!tpu.dma_semaphore, #tpu.memory_space<semaphore_mem>>
        %dma_start3A_82 = arith.constant 0 : i32
        %dma_start3A_83 = tpu.memref_slice %arg4[%add3A_69, %dma_start3A_82] : memref<2560x128xi32, #tpu.memory_space<hbm>> -> memref<32x128xi32, #tpu.memory_space<hbm>>
        %dma_start3A_84 = arith.constant 0 : i32
        %dma_start3A_85 = tpu.memref_slice %arg4[%add3A_69, %dma_start3A_84] : memref<2560x128xi32, #tpu.memory_space<hbm>> -> memref<32x128xi32, #tpu.memory_space<hbm>>
        tpu.enqueue_dma source(%dma_start3A_85 : memref<32x128xi32, #tpu.memory_space<hbm>>) target(%arg8 : memref<32x128xi32, #tpu.memory_space<vmem>>) target_semaphore(%run_scoped3A : memref<!tpu.dma_semaphore, #tpu.memory_space<semaphore_mem>>)
        %dma_wait3A = arith.constant 0 : i32
        %dma_wait3A_86 = tpu.memref_slice %arg4[%add3A_69, %dma_wait3A] : memref<2560x128xi32, #tpu.memory_space<hbm>> -> memref<32x128xi32, #tpu.memory_space<hbm>>
        %dma_wait3A_87 = arith.constant 0 : i32
        %dma_wait3A_88 = tpu.memref_slice %arg4[%add3A_69, %dma_wait3A_87] : memref<2560x128xi32, #tpu.memory_space<hbm>> -> memref<32x128xi32, #tpu.memory_space<hbm>>
        tpu.wait_dma2 semaphore(%run_scoped3A : memref<!tpu.dma_semaphore, #tpu.memory_space<semaphore_mem>>) src(%dma_wait3A_88 : memref<32x128xi32, #tpu.memory_space<hbm>>) dst(%arg8 : memref<32x128xi32, #tpu.memory_space<vmem>>)
        tpu.yield
      }) : () -> ()
      %dma_start3A_70 = arith.constant 0 : i32
      %dma_start3A_71 = arith.constant 0 : i32
      %dma_start3A_72 = tpu.memref_slice %arg7[%dma_start3A_70, %dma_start3A_71] : memref<32x128xi32, #tpu.memory_space<vmem>> -> memref<1x128xi32, #tpu.memory_space<vmem>>
      %dma_start3A_73 = tpu.memref_squeeze %dma_start3A_72 : memref<1x128xi32, #tpu.memory_space<vmem>> -> memref<128xi32, #tpu.memory_space<vmem>>
      %dma_start3A_74 = arith.constant 0 : i32
      %dma_start3A_75 = arith.constant 0 : i32
      %dma_start3A_76 = tpu.memref_slice %arg2[%dma_start3A_74, %dma_start3A_75] : memref<10240x128xf32, #tpu.memory_space<hbm>> -> memref<10240x128xf32, #tpu.memory_space<hbm>>
      tpu.enqueue_indirect_dma source(%dma_start3A_76 : memref<10240x128xf32, #tpu.memory_space<hbm>>) target(%arg9 : memref<128x128xf32, #tpu.memory_space<vmem>>) offsets(%dma_start3A_73 : memref<128xi32, #tpu.memory_space<vmem>>) semaphore(%arg11 : memref<!tpu.dma_semaphore, #tpu.memory_space<semaphore_mem>>)
      %scan3A_77 = arith.constant 0 : i32
      %scan3A_78 = arith.constant 16 : i32
      %scan3A_79 = arith.addi %scan3A_77, %scan3A_78 : i32
      %scan3A_80 = arith.constant 1 : i32
      scf.for %scan3A_82 = %scan3A_77 to %scan3A_79 step %scan3A_80  : i32 {
        %mul3A_83 = arith.constant 1 : i32
        %mul3A_84 = arith.muli %scan3A_82, %mul3A_83 : i32
        %add3A_85 = arith.constant 0 : i32
        %add3A_86 = arith.addi %add3A_85, %mul3A_84 : i32
        %mul3A_87 = arith.constant 2 : i32
        %mul3A_88 = arith.muli %mul3A_87, %add3A_86 : i32
        %add3A_89 = arith.constant 1 : i32
        %add3A_90 = arith.addi %mul3A_88, %add3A_89 : i32
        %dma_start3A_91 = arith.constant 0 : i32
        %dma_start3A_92 = tpu.memref_slice %arg7[%add3A_90, %dma_start3A_91] : memref<32x128xi32, #tpu.memory_space<vmem>> -> memref<1x128xi32, #tpu.memory_space<vmem>>
        %dma_start3A_93 = tpu.memref_squeeze %dma_start3A_92 : memref<1x128xi32, #tpu.memory_space<vmem>> -> memref<128xi32, #tpu.memory_space<vmem>>
        %dma_start3A_94 = arith.constant 0 : i32
        %dma_start3A_95 = arith.constant 0 : i32
        %dma_start3A_96 = tpu.memref_slice %arg2[%dma_start3A_94, %dma_start3A_95] : memref<10240x128xf32, #tpu.memory_space<hbm>> -> memref<10240x128xf32, #tpu.memory_space<hbm>>
        tpu.enqueue_indirect_dma source(%dma_start3A_96 : memref<10240x128xf32, #tpu.memory_space<hbm>>) target(%arg10 : memref<128x128xf32, #tpu.memory_space<vmem>>) offsets(%dma_start3A_93 : memref<128xi32, #tpu.memory_space<vmem>>) semaphore(%arg12 : memref<!tpu.dma_semaphore, #tpu.memory_space<semaphore_mem>>)
        %dma_wait3A = arith.constant 0 : i32
        %dma_wait3A_97 = tpu.memref_slice %arg7[%mul3A_88, %dma_wait3A] : memref<32x128xi32, #tpu.memory_space<vmem>> -> memref<1x128xi32, #tpu.memory_space<vmem>>
        %dma_wait3A_98 = tpu.memref_squeeze %dma_wait3A_97 : memref<1x128xi32, #tpu.memory_space<vmem>> -> memref<128xi32, #tpu.memory_space<vmem>>
        %dma_wait3A_99 = arith.constant 0 : i32
        %dma_wait3A_100 = arith.constant 0 : i32
        %dma_wait3A_101 = tpu.memref_slice %arg2[%dma_wait3A_99, %dma_wait3A_100] : memref<10240x128xf32, #tpu.memory_space<hbm>> -> memref<10240x128xf32, #tpu.memory_space<hbm>>
        tpu.wait_indirect_dma semaphore(%arg11 : memref<!tpu.dma_semaphore, #tpu.memory_space<semaphore_mem>>) src(%dma_wait3A_101 : memref<10240x128xf32, #tpu.memory_space<hbm>>) dst(%arg9 : memref<128x128xf32, #tpu.memory_space<vmem>>)
        "tpu.region"() ({
          %run_scoped3A = tpu.sem_alloc : memref<!tpu.dma_semaphore, #tpu.memory_space<semaphore_mem>>
          %dma_start3A_118 = arith.constant 0 : i32
          %dma_start3A_119 = tpu.memref_slice %arg8[%mul3A_88, %dma_start3A_118] : memref<32x128xi32, #tpu.memory_space<vmem>> -> memref<1x128xi32, #tpu.memory_space<vmem>>
          %dma_start3A_120 = tpu.memref_squeeze %dma_start3A_119 : memref<1x128xi32, #tpu.memory_space<vmem>> -> memref<128xi32, #tpu.memory_space<vmem>>
          %dma_start3A_121 = arith.constant 0 : i32
          %dma_start3A_122 = arith.constant 0 : i32
          %dma_start3A_123 = tpu.memref_slice %arg6[%dma_start3A_121, %dma_start3A_122] : memref<10240x128xf32, #tpu.memory_space<vmem_shared>> -> memref<10240x128xf32, #tpu.memory_space<vmem_shared>>
          tpu.enqueue_indirect_dma source(%arg9 : memref<128x128xf32, #tpu.memory_space<vmem>>) target(%dma_start3A_123 : memref<10240x128xf32, #tpu.memory_space<vmem_shared>>) offsets(%dma_start3A_120 : memref<128xi32, #tpu.memory_space<vmem>>) semaphore(%run_scoped3A : memref<!tpu.dma_semaphore, #tpu.memory_space<semaphore_mem>>) {add = true}
          %dma_wait3A_124 = arith.constant 0 : i32
          %dma_wait3A_125 = tpu.memref_slice %arg8[%mul3A_88, %dma_wait3A_124] : memref<32x128xi32, #tpu.memory_space<vmem>> -> memref<1x128xi32, #tpu.memory_space<vmem>>
          %dma_wait3A_126 = tpu.memref_squeeze %dma_wait3A_125 : memref<1x128xi32, #tpu.memory_space<vmem>> -> memref<128xi32, #tpu.memory_space<vmem>>
          %dma_wait3A_127 = arith.constant 0 : i32
          %dma_wait3A_128 = arith.constant 0 : i32
          %dma_wait3A_129 = tpu.memref_slice %arg6[%dma_wait3A_127, %dma_wait3A_128] : memref<10240x128xf32, #tpu.memory_space<vmem_shared>> -> memref<10240x128xf32, #tpu.memory_space<vmem_shared>>
          tpu.wait_indirect_dma semaphore(%run_scoped3A : memref<!tpu.dma_semaphore, #tpu.memory_space<semaphore_mem>>) src(%arg9 : memref<128x128xf32, #tpu.memory_space<vmem>>) dst(%dma_wait3A_129 : memref<10240x128xf32, #tpu.memory_space<vmem_shared>>)
          tpu.yield
        }) : () -> ()
        %add3A_102 = arith.constant 1 : i32
        %add3A_103 = arith.addi %add3A_86, %add3A_102 : i32
        %lt3A = arith.constant 16 : i32
        %lt3A_104 = arith.cmpi slt, %add3A_103, %lt3A : i32
        %convert_element_type3A_105 = arith.extui %lt3A_104 : i1 to i32
        %cond3A_106 = arith.constant 0 : i32
        %cond3A_107 = arith.cmpi ne, %convert_element_type3A_105, %cond3A_106 : i32
        scf.if %cond3A_107 {
          %add3A_118 = arith.constant 2 : i32
          %add3A_119 = arith.addi %mul3A_88, %add3A_118 : i32
          %dma_start3A_120 = arith.constant 0 : i32
          %dma_start3A_121 = tpu.memref_slice %arg7[%add3A_119, %dma_start3A_120] : memref<32x128xi32, #tpu.memory_space<vmem>> -> memref<1x128xi32, #tpu.memory_space<vmem>>
          %dma_start3A_122 = tpu.memref_squeeze %dma_start3A_121 : memref<1x128xi32, #tpu.memory_space<vmem>> -> memref<128xi32, #tpu.memory_space<vmem>>
          %dma_start3A_123 = arith.constant 0 : i32
          %dma_start3A_124 = arith.constant 0 : i32
          %dma_start3A_125 = tpu.memref_slice %arg2[%dma_start3A_123, %dma_start3A_124] : memref<10240x128xf32, #tpu.memory_space<hbm>> -> memref<10240x128xf32, #tpu.memory_space<hbm>>
          tpu.enqueue_indirect_dma source(%dma_start3A_125 : memref<10240x128xf32, #tpu.memory_space<hbm>>) target(%arg9 : memref<128x128xf32, #tpu.memory_space<vmem>>) offsets(%dma_start3A_122 : memref<128xi32, #tpu.memory_space<vmem>>) semaphore(%arg11 : memref<!tpu.dma_semaphore, #tpu.memory_space<semaphore_mem>>)
        } else {
        }
        %add3A_108 = arith.constant 1 : i32
        %add3A_109 = arith.addi %mul3A_88, %add3A_108 : i32
        %dma_wait3A_110 = arith.constant 0 : i32
        %dma_wait3A_111 = tpu.memref_slice %arg7[%add3A_109, %dma_wait3A_110] : memref<32x128xi32, #tpu.memory_space<vmem>> -> memref<1x128xi32, #tpu.memory_space<vmem>>
        %dma_wait3A_112 = tpu.memref_squeeze %dma_wait3A_111 : memref<1x128xi32, #tpu.memory_space<vmem>> -> memref<128xi32, #tpu.memory_space<vmem>>
        %dma_wait3A_113 = arith.constant 0 : i32
        %dma_wait3A_114 = arith.constant 0 : i32
        %dma_wait3A_115 = tpu.memref_slice %arg2[%dma_wait3A_113, %dma_wait3A_114] : memref<10240x128xf32, #tpu.memory_space<hbm>> -> memref<10240x128xf32, #tpu.memory_space<hbm>>
        tpu.wait_indirect_dma semaphore(%arg12 : memref<!tpu.dma_semaphore, #tpu.memory_space<semaphore_mem>>) src(%dma_wait3A_115 : memref<10240x128xf32, #tpu.memory_space<hbm>>) dst(%arg10 : memref<128x128xf32, #tpu.memory_space<vmem>>)
        %add3A_116 = arith.constant 1 : i32
        %add3A_117 = arith.addi %mul3A_88, %add3A_116 : i32
        "tpu.region"() ({
          %run_scoped3A = tpu.sem_alloc : memref<!tpu.dma_semaphore, #tpu.memory_space<semaphore_mem>>
          %dma_start3A_118 = arith.constant 0 : i32
          %dma_start3A_119 = tpu.memref_slice %arg8[%add3A_117, %dma_start3A_118] : memref<32x128xi32, #tpu.memory_space<vmem>> -> memref<1x128xi32, #tpu.memory_space<vmem>>
          %dma_start3A_120 = tpu.memref_squeeze %dma_start3A_119 : memref<1x128xi32, #tpu.memory_space<vmem>> -> memref<128xi32, #tpu.memory_space<vmem>>
          %dma_start3A_121 = arith.constant 0 : i32
          %dma_start3A_122 = arith.constant 0 : i32
          %dma_start3A_123 = tpu.memref_slice %arg6[%dma_start3A_121, %dma_start3A_122] : memref<10240x128xf32, #tpu.memory_space<vmem_shared>> -> memref<10240x128xf32, #tpu.memory_space<vmem_shared>>
          tpu.enqueue_indirect_dma source(%arg10 : memref<128x128xf32, #tpu.memory_space<vmem>>) target(%dma_start3A_123 : memref<10240x128xf32, #tpu.memory_space<vmem_shared>>) offsets(%dma_start3A_120 : memref<128xi32, #tpu.memory_space<vmem>>) semaphore(%run_scoped3A : memref<!tpu.dma_semaphore, #tpu.memory_space<semaphore_mem>>) {add = true}
          %dma_wait3A_124 = arith.constant 0 : i32
          %dma_wait3A_125 = tpu.memref_slice %arg8[%add3A_117, %dma_wait3A_124] : memref<32x128xi32, #tpu.memory_space<vmem>> -> memref<1x128xi32, #tpu.memory_space<vmem>>
          %dma_wait3A_126 = tpu.memref_squeeze %dma_wait3A_125 : memref<1x128xi32, #tpu.memory_space<vmem>> -> memref<128xi32, #tpu.memory_space<vmem>>
          %dma_wait3A_127 = arith.constant 0 : i32
          %dma_wait3A_128 = arith.constant 0 : i32
          %dma_wait3A_129 = tpu.memref_slice %arg6[%dma_wait3A_127, %dma_wait3A_128] : memref<10240x128xf32, #tpu.memory_space<vmem_shared>> -> memref<10240x128xf32, #tpu.memory_space<vmem_shared>>
          tpu.wait_indirect_dma semaphore(%run_scoped3A : memref<!tpu.dma_semaphore, #tpu.memory_space<semaphore_mem>>) src(%arg10 : memref<128x128xf32, #tpu.memory_space<vmem>>) dst(%dma_wait3A_129 : memref<10240x128xf32, #tpu.memory_space<vmem_shared>>)
          tpu.yield
        }) : () -> ()
      }
      %scan3A_81 = arith.constant 16 : i32
    } else {
    }
    %ne3A = arith.constant 0 : i32
    %ne3A_11 = arith.cmpi ne, %arg0, %ne3A : i32
    %convert_element_type3A_12 = arith.extui %ne3A_11 : i1 to i32
    %cond3A_13 = arith.constant 0 : i32
    %cond3A_14 = arith.cmpi ne, %convert_element_type3A_12, %cond3A_13 : i32
    scf.if %cond3A_14 {
      %mul3A = arith.constant 32 : i32
      %mul3A_21 = arith.muli %arg1, %mul3A : i32
      %add3A = arith.constant 2048 : i32
      %add3A_22 = arith.addi %add3A, %mul3A_21 : i32
      %add3A_23 = arith.constant 0 : i32
      %add3A_24 = arith.addi %add3A_22, %add3A_23 : i32
      "tpu.region"() ({
        %run_scoped3A = tpu.sem_alloc : memref<!tpu.dma_semaphore, #tpu.memory_space<semaphore_mem>>
        %dma_start3A_36 = arith.constant 0 : i32
        %dma_start3A_37 = tpu.memref_slice %arg3[%add3A_24, %dma_start3A_36] : memref<2560x128xi32, #tpu.memory_space<hbm>> -> memref<32x128xi32, #tpu.memory_space<hbm>>
        %dma_start3A_38 = arith.constant 0 : i32
        %dma_start3A_39 = tpu.memref_slice %arg3[%add3A_24, %dma_start3A_38] : memref<2560x128xi32, #tpu.memory_space<hbm>> -> memref<32x128xi32, #tpu.memory_space<hbm>>
        tpu.enqueue_dma source(%dma_start3A_39 : memref<32x128xi32, #tpu.memory_space<hbm>>) target(%arg7 : memref<32x128xi32, #tpu.memory_space<vmem>>) target_semaphore(%run_scoped3A : memref<!tpu.dma_semaphore, #tpu.memory_space<semaphore_mem>>)
        %dma_wait3A = arith.constant 0 : i32
        %dma_wait3A_40 = tpu.memref_slice %arg3[%add3A_24, %dma_wait3A] : memref<2560x128xi32, #tpu.memory_space<hbm>> -> memref<32x128xi32, #tpu.memory_space<hbm>>
        %dma_wait3A_41 = arith.constant 0 : i32
        %dma_wait3A_42 = tpu.memref_slice %arg3[%add3A_24, %dma_wait3A_41] : memref<2560x128xi32, #tpu.memory_space<hbm>> -> memref<32x128xi32, #tpu.memory_space<hbm>>
        tpu.wait_dma2 semaphore(%run_scoped3A : memref<!tpu.dma_semaphore, #tpu.memory_space<semaphore_mem>>) src(%dma_wait3A_42 : memref<32x128xi32, #tpu.memory_space<hbm>>) dst(%arg7 : memref<32x128xi32, #tpu.memory_space<vmem>>)
        tpu.yield
      }) : () -> ()
      "tpu.region"() ({
        %run_scoped3A = tpu.sem_alloc : memref<!tpu.dma_semaphore, #tpu.memory_space<semaphore_mem>>
        %dma_start3A_36 = arith.constant 0 : i32
        %dma_start3A_37 = tpu.memref_slice %arg4[%add3A_24, %dma_start3A_36] : memref<2560x128xi32, #tpu.memory_space<hbm>> -> memref<32x128xi32, #tpu.memory_space<hbm>>
        %dma_start3A_38 = arith.constant 0 : i32
        %dma_start3A_39 = tpu.memref_slice %arg4[%add3A_24, %dma_start3A_38] : memref<2560x128xi32, #tpu.memory_space<hbm>> -> memref<32x128xi32, #tpu.memory_space<hbm>>
        tpu.enqueue_dma source(%dma_start3A_39 : memref<32x128xi32, #tpu.memory_space<hbm>>) target(%arg8 : memref<32x128xi32, #tpu.memory_space<vmem>>) target_semaphore(%run_scoped3A : memref<!tpu.dma_semaphore, #tpu.memory_space<semaphore_mem>>)
        %dma_wait3A = arith.constant 0 : i32
        %dma_wait3A_40 = tpu.memref_slice %arg4[%add3A_24, %dma_wait3A] : memref<2560x128xi32, #tpu.memory_space<hbm>> -> memref<32x128xi32, #tpu.memory_space<hbm>>
        %dma_wait3A_41 = arith.constant 0 : i32
        %dma_wait3A_42 = tpu.memref_slice %arg4[%add3A_24, %dma_wait3A_41] : memref<2560x128xi32, #tpu.memory_space<hbm>> -> memref<32x128xi32, #tpu.memory_space<hbm>>
        tpu.wait_dma2 semaphore(%run_scoped3A : memref<!tpu.dma_semaphore, #tpu.memory_space<semaphore_mem>>) src(%dma_wait3A_42 : memref<32x128xi32, #tpu.memory_space<hbm>>) dst(%arg8 : memref<32x128xi32, #tpu.memory_space<vmem>>)
        tpu.yield
      }) : () -> ()
      %dma_start3A = arith.constant 0 : i32
      %dma_start3A_25 = arith.constant 0 : i32
      %dma_start3A_26 = tpu.memref_slice %arg7[%dma_start3A, %dma_start3A_25] : memref<32x128xi32, #tpu.memory_space<vmem>> -> memref<1x128xi32, #tpu.memory_space<vmem>>
      %dma_start3A_27 = tpu.memref_squeeze %dma_start3A_26 : memref<1x128xi32, #tpu.memory_space<vmem>> -> memref<128xi32, #tpu.memory_space<vmem>>
      %dma_start3A_28 = arith.constant 0 : i32
      %dma_start3A_29 = arith.constant 0 : i32
      %dma_start3A_30 = tpu.memref_slice %arg2[%dma_start3A_28, %dma_start3A_29] : memref<10240x128xf32, #tpu.memory_space<hbm>> -> memref<10240x128xf32, #tpu.memory_space<hbm>>
      tpu.enqueue_indirect_dma source(%dma_start3A_30 : memref<10240x128xf32, #tpu.memory_space<hbm>>) target(%arg9 : memref<128x128xf32, #tpu.memory_space<vmem>>) offsets(%dma_start3A_27 : memref<128xi32, #tpu.memory_space<vmem>>) semaphore(%arg11 : memref<!tpu.dma_semaphore, #tpu.memory_space<semaphore_mem>>)
      %scan3A_31 = arith.constant 0 : i32
      %scan3A_32 = arith.constant 16 : i32
      %scan3A_33 = arith.addi %scan3A_31, %scan3A_32 : i32
      %scan3A_34 = arith.constant 1 : i32
      scf.for %scan3A_36 = %scan3A_31 to %scan3A_33 step %scan3A_34  : i32 {
        %mul3A_37 = arith.constant 1 : i32
        %mul3A_38 = arith.muli %scan3A_36, %mul3A_37 : i32
        %add3A_39 = arith.constant 0 : i32
        %add3A_40 = arith.addi %add3A_39, %mul3A_38 : i32
        %mul3A_41 = arith.constant 2 : i32
        %mul3A_42 = arith.muli %mul3A_41, %add3A_40 : i32
        %add3A_43 = arith.constant 1 : i32
        %add3A_44 = arith.addi %mul3A_42, %add3A_43 : i32
        %dma_start3A_45 = arith.constant 0 : i32
        %dma_start3A_46 = tpu.memref_slice %arg7[%add3A_44, %dma_start3A_45] : memref<32x128xi32, #tpu.memory_space<vmem>> -> memref<1x128xi32, #tpu.memory_space<vmem>>
        %dma_start3A_47 = tpu.memref_squeeze %dma_start3A_46 : memref<1x128xi32, #tpu.memory_space<vmem>> -> memref<128xi32, #tpu.memory_space<vmem>>
        %dma_start3A_48 = arith.constant 0 : i32
        %dma_start3A_49 = arith.constant 0 : i32
        %dma_start3A_50 = tpu.memref_slice %arg2[%dma_start3A_48, %dma_start3A_49] : memref<10240x128xf32, #tpu.memory_space<hbm>> -> memref<10240x128xf32, #tpu.memory_space<hbm>>
        tpu.enqueue_indirect_dma source(%dma_start3A_50 : memref<10240x128xf32, #tpu.memory_space<hbm>>) target(%arg10 : memref<128x128xf32, #tpu.memory_space<vmem>>) offsets(%dma_start3A_47 : memref<128xi32, #tpu.memory_space<vmem>>) semaphore(%arg12 : memref<!tpu.dma_semaphore, #tpu.memory_space<semaphore_mem>>)
        %dma_wait3A = arith.constant 0 : i32
        %dma_wait3A_51 = tpu.memref_slice %arg7[%mul3A_42, %dma_wait3A] : memref<32x128xi32, #tpu.memory_space<vmem>> -> memref<1x128xi32, #tpu.memory_space<vmem>>
        %dma_wait3A_52 = tpu.memref_squeeze %dma_wait3A_51 : memref<1x128xi32, #tpu.memory_space<vmem>> -> memref<128xi32, #tpu.memory_space<vmem>>
        %dma_wait3A_53 = arith.constant 0 : i32
        %dma_wait3A_54 = arith.constant 0 : i32
        %dma_wait3A_55 = tpu.memref_slice %arg2[%dma_wait3A_53, %dma_wait3A_54] : memref<10240x128xf32, #tpu.memory_space<hbm>> -> memref<10240x128xf32, #tpu.memory_space<hbm>>
        tpu.wait_indirect_dma semaphore(%arg11 : memref<!tpu.dma_semaphore, #tpu.memory_space<semaphore_mem>>) src(%dma_wait3A_55 : memref<10240x128xf32, #tpu.memory_space<hbm>>) dst(%arg9 : memref<128x128xf32, #tpu.memory_space<vmem>>)
        "tpu.region"() ({
          %run_scoped3A = tpu.sem_alloc : memref<!tpu.dma_semaphore, #tpu.memory_space<semaphore_mem>>
          %dma_start3A_72 = arith.constant 0 : i32
          %dma_start3A_73 = tpu.memref_slice %arg8[%mul3A_42, %dma_start3A_72] : memref<32x128xi32, #tpu.memory_space<vmem>> -> memref<1x128xi32, #tpu.memory_space<vmem>>
          %dma_start3A_74 = tpu.memref_squeeze %dma_start3A_73 : memref<1x128xi32, #tpu.memory_space<vmem>> -> memref<128xi32, #tpu.memory_space<vmem>>
          %dma_start3A_75 = arith.constant 0 : i32
          %dma_start3A_76 = arith.constant 0 : i32
          %dma_start3A_77 = tpu.memref_slice %arg6[%dma_start3A_75, %dma_start3A_76] : memref<10240x128xf32, #tpu.memory_space<vmem_shared>> -> memref<10240x128xf32, #tpu.memory_space<vmem_shared>>
          tpu.enqueue_indirect_dma source(%arg9 : memref<128x128xf32, #tpu.memory_space<vmem>>) target(%dma_start3A_77 : memref<10240x128xf32, #tpu.memory_space<vmem_shared>>) offsets(%dma_start3A_74 : memref<128xi32, #tpu.memory_space<vmem>>) semaphore(%run_scoped3A : memref<!tpu.dma_semaphore, #tpu.memory_space<semaphore_mem>>) {add = true}
          %dma_wait3A_78 = arith.constant 0 : i32
          %dma_wait3A_79 = tpu.memref_slice %arg8[%mul3A_42, %dma_wait3A_78] : memref<32x128xi32, #tpu.memory_space<vmem>> -> memref<1x128xi32, #tpu.memory_space<vmem>>
          %dma_wait3A_80 = tpu.memref_squeeze %dma_wait3A_79 : memref<1x128xi32, #tpu.memory_space<vmem>> -> memref<128xi32, #tpu.memory_space<vmem>>
          %dma_wait3A_81 = arith.constant 0 : i32
          %dma_wait3A_82 = arith.constant 0 : i32
          %dma_wait3A_83 = tpu.memref_slice %arg6[%dma_wait3A_81, %dma_wait3A_82] : memref<10240x128xf32, #tpu.memory_space<vmem_shared>> -> memref<10240x128xf32, #tpu.memory_space<vmem_shared>>
          tpu.wait_indirect_dma semaphore(%run_scoped3A : memref<!tpu.dma_semaphore, #tpu.memory_space<semaphore_mem>>) src(%arg9 : memref<128x128xf32, #tpu.memory_space<vmem>>) dst(%dma_wait3A_83 : memref<10240x128xf32, #tpu.memory_space<vmem_shared>>)
          tpu.yield
        }) : () -> ()
        %add3A_56 = arith.constant 1 : i32
        %add3A_57 = arith.addi %add3A_40, %add3A_56 : i32
        %lt3A = arith.constant 16 : i32
        %lt3A_58 = arith.cmpi slt, %add3A_57, %lt3A : i32
        %convert_element_type3A_59 = arith.extui %lt3A_58 : i1 to i32
        %cond3A_60 = arith.constant 0 : i32
        %cond3A_61 = arith.cmpi ne, %convert_element_type3A_59, %cond3A_60 : i32
        scf.if %cond3A_61 {
          %add3A_72 = arith.constant 2 : i32
          %add3A_73 = arith.addi %mul3A_42, %add3A_72 : i32
          %dma_start3A_74 = arith.constant 0 : i32
          %dma_start3A_75 = tpu.memref_slice %arg7[%add3A_73, %dma_start3A_74] : memref<32x128xi32, #tpu.memory_space<vmem>> -> memref<1x128xi32, #tpu.memory_space<vmem>>
          %dma_start3A_76 = tpu.memref_squeeze %dma_start3A_75 : memref<1x128xi32, #tpu.memory_space<vmem>> -> memref<128xi32, #tpu.memory_space<vmem>>
          %dma_start3A_77 = arith.constant 0 : i32
          %dma_start3A_78 = arith.constant 0 : i32
          %dma_start3A_79 = tpu.memref_slice %arg2[%dma_start3A_77, %dma_start3A_78] : memref<10240x128xf32, #tpu.memory_space<hbm>> -> memref<10240x128xf32, #tpu.memory_space<hbm>>
          tpu.enqueue_indirect_dma source(%dma_start3A_79 : memref<10240x128xf32, #tpu.memory_space<hbm>>) target(%arg9 : memref<128x128xf32, #tpu.memory_space<vmem>>) offsets(%dma_start3A_76 : memref<128xi32, #tpu.memory_space<vmem>>) semaphore(%arg11 : memref<!tpu.dma_semaphore, #tpu.memory_space<semaphore_mem>>)
        } else {
        }
        %add3A_62 = arith.constant 1 : i32
        %add3A_63 = arith.addi %mul3A_42, %add3A_62 : i32
        %dma_wait3A_64 = arith.constant 0 : i32
        %dma_wait3A_65 = tpu.memref_slice %arg7[%add3A_63, %dma_wait3A_64] : memref<32x128xi32, #tpu.memory_space<vmem>> -> memref<1x128xi32, #tpu.memory_space<vmem>>
        %dma_wait3A_66 = tpu.memref_squeeze %dma_wait3A_65 : memref<1x128xi32, #tpu.memory_space<vmem>> -> memref<128xi32, #tpu.memory_space<vmem>>
        %dma_wait3A_67 = arith.constant 0 : i32
        %dma_wait3A_68 = arith.constant 0 : i32
        %dma_wait3A_69 = tpu.memref_slice %arg2[%dma_wait3A_67, %dma_wait3A_68] : memref<10240x128xf32, #tpu.memory_space<hbm>> -> memref<10240x128xf32, #tpu.memory_space<hbm>>
        tpu.wait_indirect_dma semaphore(%arg12 : memref<!tpu.dma_semaphore, #tpu.memory_space<semaphore_mem>>) src(%dma_wait3A_69 : memref<10240x128xf32, #tpu.memory_space<hbm>>) dst(%arg10 : memref<128x128xf32, #tpu.memory_space<vmem>>)
        %add3A_70 = arith.constant 1 : i32
        %add3A_71 = arith.addi %mul3A_42, %add3A_70 : i32
        "tpu.region"() ({
          %run_scoped3A = tpu.sem_alloc : memref<!tpu.dma_semaphore, #tpu.memory_space<semaphore_mem>>
          %dma_start3A_72 = arith.constant 0 : i32
          %dma_start3A_73 = tpu.memref_slice %arg8[%add3A_71, %dma_start3A_72] : memref<32x128xi32, #tpu.memory_space<vmem>> -> memref<1x128xi32, #tpu.memory_space<vmem>>
          %dma_start3A_74 = tpu.memref_squeeze %dma_start3A_73 : memref<1x128xi32, #tpu.memory_space<vmem>> -> memref<128xi32, #tpu.memory_space<vmem>>
          %dma_start3A_75 = arith.constant 0 : i32
          %dma_start3A_76 = arith.constant 0 : i32
          %dma_start3A_77 = tpu.memref_slice %arg6[%dma_start3A_75, %dma_start3A_76] : memref<10240x128xf32, #tpu.memory_space<vmem_shared>> -> memref<10240x128xf32, #tpu.memory_space<vmem_shared>>
          tpu.enqueue_indirect_dma source(%arg10 : memref<128x128xf32, #tpu.memory_space<vmem>>) target(%dma_start3A_77 : memref<10240x128xf32, #tpu.memory_space<vmem_shared>>) offsets(%dma_start3A_74 : memref<128xi32, #tpu.memory_space<vmem>>) semaphore(%run_scoped3A : memref<!tpu.dma_semaphore, #tpu.memory_space<semaphore_mem>>) {add = true}
          %dma_wait3A_78 = arith.constant 0 : i32
          %dma_wait3A_79 = tpu.memref_slice %arg8[%add3A_71, %dma_wait3A_78] : memref<32x128xi32, #tpu.memory_space<vmem>> -> memref<1x128xi32, #tpu.memory_space<vmem>>
          %dma_wait3A_80 = tpu.memref_squeeze %dma_wait3A_79 : memref<1x128xi32, #tpu.memory_space<vmem>> -> memref<128xi32, #tpu.memory_space<vmem>>
          %dma_wait3A_81 = arith.constant 0 : i32
          %dma_wait3A_82 = arith.constant 0 : i32
          %dma_wait3A_83 = tpu.memref_slice %arg6[%dma_wait3A_81, %dma_wait3A_82] : memref<10240x128xf32, #tpu.memory_space<vmem_shared>> -> memref<10240x128xf32, #tpu.memory_space<vmem_shared>>
          tpu.wait_indirect_dma semaphore(%run_scoped3A : memref<!tpu.dma_semaphore, #tpu.memory_space<semaphore_mem>>) src(%arg10 : memref<128x128xf32, #tpu.memory_space<vmem>>) dst(%dma_wait3A_83 : memref<10240x128xf32, #tpu.memory_space<vmem_shared>>)
          tpu.yield
        }) : () -> ()
      }
      %scan3A_35 = arith.constant 16 : i32
    } else {
    }
    %barrier3A_15 = arith.constant 0 : index
    tpu.barrier barrier_id(%barrier3A_15)
    %scan3A_16 = arith.constant 0 : i32
    %scan3A_17 = arith.constant 5 : i32
    %scan3A_18 = arith.addi %scan3A_16, %scan3A_17 : i32
    %scan3A_19 = arith.constant 1 : i32
    scf.for %scan3A_21 = %scan3A_16 to %scan3A_18 step %scan3A_19  : i32 {
      %mul3A = arith.constant 1 : i32
      %mul3A_22 = arith.muli %scan3A_21, %mul3A : i32
      %add3A = arith.constant 0 : i32
      %add3A_23 = arith.addi %add3A, %mul3A_22 : i32
      %mul3A_24 = arith.constant 640 : i32
      %mul3A_25 = arith.muli %arg1, %mul3A_24 : i32
      %mul3A_26 = arith.constant 128 : i32
      %mul3A_27 = arith.muli %add3A_23, %mul3A_26 : i32
      %add3A_28 = arith.addi %mul3A_25, %mul3A_27 : i32
      "tpu.region"() ({
        %run_scoped3A = tpu.sem_alloc : memref<!tpu.dma_semaphore, #tpu.memory_space<semaphore_mem>>
        %dma_start3A = arith.constant 0 : i32
        %dma_start3A_29 = tpu.memref_slice %arg5[%arg0, %add3A_28, %dma_start3A] : memref<2x10240x128xf32, #tpu.memory_space<hbm>> -> memref<1x128x128xf32, #tpu.memory_space<hbm>>
        %dma_start3A_30 = tpu.memref_squeeze %dma_start3A_29 : memref<1x128x128xf32, #tpu.memory_space<hbm>> -> memref<128x128xf32, #tpu.memory_space<hbm>>
        %dma_start3A_31 = arith.constant 0 : i32
        %dma_start3A_32 = tpu.memref_slice %arg6[%add3A_28, %dma_start3A_31] : memref<10240x128xf32, #tpu.memory_space<vmem_shared>> -> memref<128x128xf32, #tpu.memory_space<vmem_shared>>
        tpu.enqueue_dma source(%dma_start3A_32 : memref<128x128xf32, #tpu.memory_space<vmem_shared>>) target(%dma_start3A_30 : memref<128x128xf32, #tpu.memory_space<hbm>>) target_semaphore(%run_scoped3A : memref<!tpu.dma_semaphore, #tpu.memory_space<semaphore_mem>>)
        %dma_wait3A = arith.constant 0 : i32
        %dma_wait3A_33 = tpu.memref_slice %arg5[%arg0, %add3A_28, %dma_wait3A] : memref<2x10240x128xf32, #tpu.memory_space<hbm>> -> memref<1x128x128xf32, #tpu.memory_space<hbm>>
        %dma_wait3A_34 = tpu.memref_squeeze %dma_wait3A_33 : memref<1x128x128xf32, #tpu.memory_space<hbm>> -> memref<128x128xf32, #tpu.memory_space<hbm>>
        %dma_wait3A_35 = arith.constant 0 : i32
        %dma_wait3A_36 = tpu.memref_slice %arg6[%add3A_28, %dma_wait3A_35] : memref<10240x128xf32, #tpu.memory_space<vmem_shared>> -> memref<128x128xf32, #tpu.memory_space<vmem_shared>>
        tpu.wait_dma2 semaphore(%run_scoped3A : memref<!tpu.dma_semaphore, #tpu.memory_space<semaphore_mem>>) src(%dma_wait3A_36 : memref<128x128xf32, #tpu.memory_space<vmem_shared>>) dst(%dma_wait3A_34 : memref<128x128xf32, #tpu.memory_space<hbm>>)
        tpu.yield
      }) : () -> ()
    }
    %scan3A_20 = arith.constant 5 : i32
    return
  }
}

#map = affine_map<(d0, d1) -> (0, 0)>
#map1 = affine_map<(d0, d1) -> (0, 0, 0)>
module attributes {stable_mosaic.version = 14 : i64} {
  func.func @k(%arg0: i32, %arg1: i32, %arg2: memref<10240x128xf32, #tpu.memory_space<hbm>>, %arg3: memref<2560x128xi32, #tpu.memory_space<hbm>>, %arg4: memref<2560x128xi32, #tpu.memory_space<hbm>>, %arg5: memref<2x10240x128xf32, #tpu.memory_space<hbm>>, %arg6: memref<10240x128xf32, #tpu.memory_space<vmem_shared>>, %arg7: memref<32x128xi32, #tpu.memory_space<vmem>>, %arg8: memref<32x128xi32, #tpu.memory_space<vmem>>, %arg9: memref<128x128xf32, #tpu.memory_space<vmem>>, %arg10: memref<128x128xf32, #tpu.memory_space<vmem>>, %arg11: memref<!tpu.dma_semaphore, #tpu.memory_space<semaphore_mem>>, %arg12: memref<!tpu.dma_semaphore, #tpu.memory_space<semaphore_mem>>) attributes {dimension_semantics = [#tpu.dimension_semantics<core_parallel>, #tpu.dimension_semantics<subcore_parallel>], iteration_bounds = array<i64: 2, 16>, scalar_prefetch = 0 : i64, scratch_operands = 7 : i64, tpu.core_type = #tpu.core_type<sc_vector_subcore>, window_params = [{transform_indices = #map}, {transform_indices = #map}, {transform_indices = #map}, {transform_indices = #map1}]} {
    %scan3A = arith.constant 0 : i32
    %scan3A_0 = arith.constant 128 : i32
    %scan3A_1 = arith.addi %scan3A, %scan3A_0 : i32
    %scan3A_2 = arith.constant 1 : i32
    scf.for %scan3A_21 = %scan3A to %scan3A_1 step %scan3A_2  : i32 {
      %mul3A = arith.constant 1 : i32
      %mul3A_22 = arith.muli %scan3A_21, %mul3A : i32
      %add3A = arith.constant 0 : i32
      %add3A_23 = arith.addi %add3A, %mul3A_22 : i32
      %broadcast_in_dim3A = arith.constant 0.000000e+00 : f32
      %broadcast_in_dim3A_24 = vector.broadcast %broadcast_in_dim3A : f32 to vector<16xf32>
      %swap3A = arith.index_cast %add3A_23 : i32 to index
      %swap3A_25 = arith.constant 0 : index
      %swap3A_26 = tpu.vector_load %arg9[%swap3A, %swap3A_25] {strides = array<i32>} : memref<128x128xf32, #tpu.memory_space<vmem>>, vector<1x16xf32>,
      %swap3A_27 = vector.shape_cast %swap3A_26 : vector<1x16xf32> to vector<16xf32>
      %swap3A_28 = vector.shape_cast %broadcast_in_dim3A_24 : vector<16xf32> to vector<1x16xf32>
      tpu.vector_store %arg9[%swap3A, %swap3A_25], %swap3A_28 {strides = array<i32>} : memref<128x128xf32, #tpu.memory_space<vmem>>, vector<1x16xf32>,
      %broadcast_in_dim3A_29 = arith.constant 0.000000e+00 : f32
      %broadcast_in_dim3A_30 = vector.broadcast %broadcast_in_dim3A_29 : f32 to vector<16xf32>
      %swap3A_31 = arith.index_cast %add3A_23 : i32 to index
      %swap3A_32 = arith.constant 16 : index
      %swap3A_33 = tpu.vector_load %arg9[%swap3A_31, %swap3A_32] {strides = array<i32>} : memref<128x128xf32, #tpu.memory_space<vmem>>, vector<1x16xf32>,
      %swap3A_34 = vector.shape_cast %swap3A_33 : vector<1x16xf32> to vector<16xf32>
      %swap3A_35 = vector.shape_cast %broadcast_in_dim3A_30 : vector<16xf32> to vector<1x16xf32>
      tpu.vector_store %arg9[%swap3A_31, %swap3A_32], %swap3A_35 {strides = array<i32>} : memref<128x128xf32, #tpu.memory_space<vmem>>, vector<1x16xf32>,
      %broadcast_in_dim3A_36 = arith.constant 0.000000e+00 : f32
      %broadcast_in_dim3A_37 = vector.broadcast %broadcast_in_dim3A_36 : f32 to vector<16xf32>
      %swap3A_38 = arith.index_cast %add3A_23 : i32 to index
      %swap3A_39 = arith.constant 32 : index
      %swap3A_40 = tpu.vector_load %arg9[%swap3A_38, %swap3A_39] {strides = array<i32>} : memref<128x128xf32, #tpu.memory_space<vmem>>, vector<1x16xf32>,
      %swap3A_41 = vector.shape_cast %swap3A_40 : vector<1x16xf32> to vector<16xf32>
      %swap3A_42 = vector.shape_cast %broadcast_in_dim3A_37 : vector<16xf32> to vector<1x16xf32>
      tpu.vector_store %arg9[%swap3A_38, %swap3A_39], %swap3A_42 {strides = array<i32>} : memref<128x128xf32, #tpu.memory_space<vmem>>, vector<1x16xf32>,
      %broadcast_in_dim3A_43 = arith.constant 0.000000e+00 : f32
      %broadcast_in_dim3A_44 = vector.broadcast %broadcast_in_dim3A_43 : f32 to vector<16xf32>
      %swap3A_45 = arith.index_cast %add3A_23 : i32 to index
      %swap3A_46 = arith.constant 48 : index
      %swap3A_47 = tpu.vector_load %arg9[%swap3A_45, %swap3A_46] {strides = array<i32>} : memref<128x128xf32, #tpu.memory_space<vmem>>, vector<1x16xf32>,
      %swap3A_48 = vector.shape_cast %swap3A_47 : vector<1x16xf32> to vector<16xf32>
      %swap3A_49 = vector.shape_cast %broadcast_in_dim3A_44 : vector<16xf32> to vector<1x16xf32>
      tpu.vector_store %arg9[%swap3A_45, %swap3A_46], %swap3A_49 {strides = array<i32>} : memref<128x128xf32, #tpu.memory_space<vmem>>, vector<1x16xf32>,
      %broadcast_in_dim3A_50 = arith.constant 0.000000e+00 : f32
      %broadcast_in_dim3A_51 = vector.broadcast %broadcast_in_dim3A_50 : f32 to vector<16xf32>
      %swap3A_52 = arith.index_cast %add3A_23 : i32 to index
      %swap3A_53 = arith.constant 64 : index
      %swap3A_54 = tpu.vector_load %arg9[%swap3A_52, %swap3A_53] {strides = array<i32>} : memref<128x128xf32, #tpu.memory_space<vmem>>, vector<1x16xf32>,
      %swap3A_55 = vector.shape_cast %swap3A_54 : vector<1x16xf32> to vector<16xf32>
      %swap3A_56 = vector.shape_cast %broadcast_in_dim3A_51 : vector<16xf32> to vector<1x16xf32>
      tpu.vector_store %arg9[%swap3A_52, %swap3A_53], %swap3A_56 {strides = array<i32>} : memref<128x128xf32, #tpu.memory_space<vmem>>, vector<1x16xf32>,
      %broadcast_in_dim3A_57 = arith.constant 0.000000e+00 : f32
      %broadcast_in_dim3A_58 = vector.broadcast %broadcast_in_dim3A_57 : f32 to vector<16xf32>
      %swap3A_59 = arith.index_cast %add3A_23 : i32 to index
      %swap3A_60 = arith.constant 80 : index
      %swap3A_61 = tpu.vector_load %arg9[%swap3A_59, %swap3A_60] {strides = array<i32>} : memref<128x128xf32, #tpu.memory_space<vmem>>, vector<1x16xf32>,
      %swap3A_62 = vector.shape_cast %swap3A_61 : vector<1x16xf32> to vector<16xf32>
      %swap3A_63 = vector.shape_cast %broadcast_in_dim3A_58 : vector<16xf32> to vector<1x16xf32>
      tpu.vector_store %arg9[%swap3A_59, %swap3A_60], %swap3A_63 {strides = array<i32>} : memref<128x128xf32, #tpu.memory_space<vmem>>, vector<1x16xf32>,
      %broadcast_in_dim3A_64 = arith.constant 0.000000e+00 : f32
      %broadcast_in_dim3A_65 = vector.broadcast %broadcast_in_dim3A_64 : f32 to vector<16xf32>
      %swap3A_66 = arith.index_cast %add3A_23 : i32 to index
      %swap3A_67 = arith.constant 96 : index
      %swap3A_68 = tpu.vector_load %arg9[%swap3A_66, %swap3A_67] {strides = array<i32>} : memref<128x128xf32, #tpu.memory_space<vmem>>, vector<1x16xf32>,
      %swap3A_69 = vector.shape_cast %swap3A_68 : vector<1x16xf32> to vector<16xf32>
      %swap3A_70 = vector.shape_cast %broadcast_in_dim3A_65 : vector<16xf32> to vector<1x16xf32>
      tpu.vector_store %arg9[%swap3A_66, %swap3A_67], %swap3A_70 {strides = array<i32>} : memref<128x128xf32, #tpu.memory_space<vmem>>, vector<1x16xf32>,
      %broadcast_in_dim3A_71 = arith.constant 0.000000e+00 : f32
      %broadcast_in_dim3A_72 = vector.broadcast %broadcast_in_dim3A_71 : f32 to vector<16xf32>
      %swap3A_73 = arith.index_cast %add3A_23 : i32 to index
      %swap3A_74 = arith.constant 112 : index
      %swap3A_75 = tpu.vector_load %arg9[%swap3A_73, %swap3A_74] {strides = array<i32>} : memref<128x128xf32, #tpu.memory_space<vmem>>, vector<1x16xf32>,
      %swap3A_76 = vector.shape_cast %swap3A_75 : vector<1x16xf32> to vector<16xf32>
      %swap3A_77 = vector.shape_cast %broadcast_in_dim3A_72 : vector<16xf32> to vector<1x16xf32>
      tpu.vector_store %arg9[%swap3A_73, %swap3A_74], %swap3A_77 {strides = array<i32>} : memref<128x128xf32, #tpu.memory_space<vmem>>, vector<1x16xf32>,
    }
    %scan3A_3 = arith.constant 128 : i32
    %scan3A_4 = arith.constant 0 : i32
    %scan3A_5 = arith.constant 5 : i32
    %scan3A_6 = arith.addi %scan3A_4, %scan3A_5 : i32
    %scan3A_7 = arith.constant 1 : i32
    scf.for %scan3A_21 = %scan3A_4 to %scan3A_6 step %scan3A_7  : i32 {
      %mul3A = arith.constant 1 : i32
      %mul3A_22 = arith.muli %scan3A_21, %mul3A : i32
      %add3A = arith.constant 0 : i32
      %add3A_23 = arith.addi %add3A, %mul3A_22 : i32
      %mul3A_24 = arith.constant 640 : i32
      %mul3A_25 = arith.muli %arg1, %mul3A_24 : i32
      %mul3A_26 = arith.constant 128 : i32
      %mul3A_27 = arith.muli %add3A_23, %mul3A_26 : i32
      %add3A_28 = arith.addi %mul3A_25, %mul3A_27 : i32
      "tpu.region"() ({
        %run_scoped3A = tpu.sem_alloc : memref<!tpu.dma_semaphore, #tpu.memory_space<semaphore_mem>>
        %dma_start3A = arith.constant 0 : i32
        %dma_start3A_29 = tpu.memref_slice %arg6[%add3A_28, %dma_start3A] : memref<10240x128xf32, #tpu.memory_space<vmem_shared>> -> memref<128x128xf32, #tpu.memory_space<vmem_shared>>
        %dma_start3A_30 = arith.constant 0 : i32
        %dma_start3A_31 = tpu.memref_slice %arg6[%add3A_28, %dma_start3A_30] : memref<10240x128xf32, #tpu.memory_space<vmem_shared>> -> memref<128x128xf32, #tpu.memory_space<vmem_shared>>
        tpu.enqueue_dma source(%arg9 : memref<128x128xf32, #tpu.memory_space<vmem>>) target(%dma_start3A_31 : memref<128x128xf32, #tpu.memory_space<vmem_shared>>) target_semaphore(%run_scoped3A : memref<!tpu.dma_semaphore, #tpu.memory_space<semaphore_mem>>)
        %dma_wait3A = arith.constant 0 : i32
        %dma_wait3A_32 = tpu.memref_slice %arg6[%add3A_28, %dma_wait3A] : memref<10240x128xf32, #tpu.memory_space<vmem_shared>> -> memref<128x128xf32, #tpu.memory_space<vmem_shared>>
        %dma_wait3A_33 = arith.constant 0 : i32
        %dma_wait3A_34 = tpu.memref_slice %arg6[%add3A_28, %dma_wait3A_33] : memref<10240x128xf32, #tpu.memory_space<vmem_shared>> -> memref<128x128xf32, #tpu.memory_space<vmem_shared>>
        tpu.wait_dma2 semaphore(%run_scoped3A : memref<!tpu.dma_semaphore, #tpu.memory_space<semaphore_mem>>) src(%arg9 : memref<128x128xf32, #tpu.memory_space<vmem>>) dst(%dma_wait3A_34 : memref<128x128xf32, #tpu.memory_space<vmem_shared>>)
        tpu.yield
      }) : () -> ()
    }
    %scan3A_8 = arith.constant 5 : i32
    %barrier3A = arith.constant 0 : index
    tpu.barrier barrier_id(%barrier3A)
    %eq3A = arith.constant 0 : i32
    %eq3A_9 = arith.cmpi eq, %arg0, %eq3A : i32
    %convert_element_type3A = arith.extui %eq3A_9 : i1 to i32
    %cond3A = arith.constant 0 : i32
    %cond3A_10 = arith.cmpi ne, %convert_element_type3A, %cond3A : i32
    scf.if %cond3A_10 {
      %mul3A = arith.constant 128 : i32
      %mul3A_21 = arith.muli %arg1, %mul3A : i32
      %add3A = arith.constant 0 : i32
      %add3A_22 = arith.addi %mul3A_21, %add3A : i32
      "tpu.region"() ({
        %run_scoped3A = tpu.sem_alloc : memref<!tpu.dma_semaphore, #tpu.memory_space<semaphore_mem>>
        %dma_start3A_82 = arith.constant 0 : i32
        %dma_start3A_83 = tpu.memref_slice %arg3[%add3A_22, %dma_start3A_82] : memref<2560x128xi32, #tpu.memory_space<hbm>> -> memref<32x128xi32, #tpu.memory_space<hbm>>
        %dma_start3A_84 = arith.constant 0 : i32
        %dma_start3A_85 = tpu.memref_slice %arg3[%add3A_22, %dma_start3A_84] : memref<2560x128xi32, #tpu.memory_space<hbm>> -> memref<32x128xi32, #tpu.memory_space<hbm>>
        tpu.enqueue_dma source(%dma_start3A_85 : memref<32x128xi32, #tpu.memory_space<hbm>>) target(%arg7 : memref<32x128xi32, #tpu.memory_space<vmem>>) target_semaphore(%run_scoped3A : memref<!tpu.dma_semaphore, #tpu.memory_space<semaphore_mem>>)
        %dma_wait3A = arith.constant 0 : i32
        %dma_wait3A_86 = tpu.memref_slice %arg3[%add3A_22, %dma_wait3A] : memref<2560x128xi32, #tpu.memory_space<hbm>> -> memref<32x128xi32, #tpu.memory_space<hbm>>
        %dma_wait3A_87 = arith.constant 0 : i32
        %dma_wait3A_88 = tpu.memref_slice %arg3[%add3A_22, %dma_wait3A_87] : memref<2560x128xi32, #tpu.memory_space<hbm>> -> memref<32x128xi32, #tpu.memory_space<hbm>>
        tpu.wait_dma2 semaphore(%run_scoped3A : memref<!tpu.dma_semaphore, #tpu.memory_space<semaphore_mem>>) src(%dma_wait3A_88 : memref<32x128xi32, #tpu.memory_space<hbm>>) dst(%arg7 : memref<32x128xi32, #tpu.memory_space<vmem>>)
        tpu.yield
      }) : () -> ()
      "tpu.region"() ({
        %run_scoped3A = tpu.sem_alloc : memref<!tpu.dma_semaphore, #tpu.memory_space<semaphore_mem>>
        %dma_start3A_82 = arith.constant 0 : i32
        %dma_start3A_83 = tpu.memref_slice %arg4[%add3A_22, %dma_start3A_82] : memref<2560x128xi32, #tpu.memory_space<hbm>> -> memref<32x128xi32, #tpu.memory_space<hbm>>
        %dma_start3A_84 = arith.constant 0 : i32
        %dma_start3A_85 = tpu.memref_slice %arg4[%add3A_22, %dma_start3A_84] : memref<2560x128xi32, #tpu.memory_space<hbm>> -> memref<32x128xi32, #tpu.memory_space<hbm>>
        tpu.enqueue_dma source(%dma_start3A_85 : memref<32x128xi32, #tpu.memory_space<hbm>>) target(%arg8 : memref<32x128xi32, #tpu.memory_space<vmem>>) target_semaphore(%run_scoped3A : memref<!tpu.dma_semaphore, #tpu.memory_space<semaphore_mem>>)
        %dma_wait3A = arith.constant 0 : i32
        %dma_wait3A_86 = tpu.memref_slice %arg4[%add3A_22, %dma_wait3A] : memref<2560x128xi32, #tpu.memory_space<hbm>> -> memref<32x128xi32, #tpu.memory_space<hbm>>
        %dma_wait3A_87 = arith.constant 0 : i32
        %dma_wait3A_88 = tpu.memref_slice %arg4[%add3A_22, %dma_wait3A_87] : memref<2560x128xi32, #tpu.memory_space<hbm>> -> memref<32x128xi32, #tpu.memory_space<hbm>>
        tpu.wait_dma2 semaphore(%run_scoped3A : memref<!tpu.dma_semaphore, #tpu.memory_space<semaphore_mem>>) src(%dma_wait3A_88 : memref<32x128xi32, #tpu.memory_space<hbm>>) dst(%arg8 : memref<32x128xi32, #tpu.memory_space<vmem>>)
        tpu.yield
      }) : () -> ()
      %dma_start3A = arith.constant 0 : i32
      %dma_start3A_23 = arith.constant 0 : i32
      %dma_start3A_24 = tpu.memref_slice %arg7[%dma_start3A, %dma_start3A_23] : memref<32x128xi32, #tpu.memory_space<vmem>> -> memref<1x128xi32, #tpu.memory_space<vmem>>
      %dma_start3A_25 = tpu.memref_squeeze %dma_start3A_24 : memref<1x128xi32, #tpu.memory_space<vmem>> -> memref<128xi32, #tpu.memory_space<vmem>>
      %dma_start3A_26 = arith.constant 0 : i32
      %dma_start3A_27 = arith.constant 0 : i32
      %dma_start3A_28 = tpu.memref_slice %arg2[%dma_start3A_26, %dma_start3A_27] : memref<10240x128xf32, #tpu.memory_space<hbm>> -> memref<10240x128xf32, #tpu.memory_space<hbm>>
      tpu.enqueue_indirect_dma source(%dma_start3A_28 : memref<10240x128xf32, #tpu.memory_space<hbm>>) target(%arg9 : memref<128x128xf32, #tpu.memory_space<vmem>>) offsets(%dma_start3A_25 : memref<128xi32, #tpu.memory_space<vmem>>) semaphore(%arg11 : memref<!tpu.dma_semaphore, #tpu.memory_space<semaphore_mem>>)
      %scan3A_29 = arith.constant 0 : i32
      %scan3A_30 = arith.constant 16 : i32
      %scan3A_31 = arith.addi %scan3A_29, %scan3A_30 : i32
      %scan3A_32 = arith.constant 1 : i32
      scf.for %scan3A_82 = %scan3A_29 to %scan3A_31 step %scan3A_32  : i32 {
        %mul3A_83 = arith.constant 1 : i32
        %mul3A_84 = arith.muli %scan3A_82, %mul3A_83 : i32
        %add3A_85 = arith.constant 0 : i32
        %add3A_86 = arith.addi %add3A_85, %mul3A_84 : i32
        %mul3A_87 = arith.constant 2 : i32
        %mul3A_88 = arith.muli %mul3A_87, %add3A_86 : i32
        %add3A_89 = arith.constant 1 : i32
        %add3A_90 = arith.addi %mul3A_88, %add3A_89 : i32
        %dma_start3A_91 = arith.constant 0 : i32
        %dma_start3A_92 = tpu.memref_slice %arg7[%add3A_90, %dma_start3A_91] : memref<32x128xi32, #tpu.memory_space<vmem>> -> memref<1x128xi32, #tpu.memory_space<vmem>>
        %dma_start3A_93 = tpu.memref_squeeze %dma_start3A_92 : memref<1x128xi32, #tpu.memory_space<vmem>> -> memref<128xi32, #tpu.memory_space<vmem>>
        %dma_start3A_94 = arith.constant 0 : i32
        %dma_start3A_95 = arith.constant 0 : i32
        %dma_start3A_96 = tpu.memref_slice %arg2[%dma_start3A_94, %dma_start3A_95] : memref<10240x128xf32, #tpu.memory_space<hbm>> -> memref<10240x128xf32, #tpu.memory_space<hbm>>
        tpu.enqueue_indirect_dma source(%dma_start3A_96 : memref<10240x128xf32, #tpu.memory_space<hbm>>) target(%arg10 : memref<128x128xf32, #tpu.memory_space<vmem>>) offsets(%dma_start3A_93 : memref<128xi32, #tpu.memory_space<vmem>>) semaphore(%arg12 : memref<!tpu.dma_semaphore, #tpu.memory_space<semaphore_mem>>)
        %dma_wait3A = arith.constant 0 : i32
        %dma_wait3A_97 = tpu.memref_slice %arg7[%mul3A_88, %dma_wait3A] : memref<32x128xi32, #tpu.memory_space<vmem>> -> memref<1x128xi32, #tpu.memory_space<vmem>>
        %dma_wait3A_98 = tpu.memref_squeeze %dma_wait3A_97 : memref<1x128xi32, #tpu.memory_space<vmem>> -> memref<128xi32, #tpu.memory_space<vmem>>
        %dma_wait3A_99 = arith.constant 0 : i32
        %dma_wait3A_100 = arith.constant 0 : i32
        %dma_wait3A_101 = tpu.memref_slice %arg2[%dma_wait3A_99, %dma_wait3A_100] : memref<10240x128xf32, #tpu.memory_space<hbm>> -> memref<10240x128xf32, #tpu.memory_space<hbm>>
        tpu.wait_indirect_dma semaphore(%arg11 : memref<!tpu.dma_semaphore, #tpu.memory_space<semaphore_mem>>) src(%dma_wait3A_101 : memref<10240x128xf32, #tpu.memory_space<hbm>>) dst(%arg9 : memref<128x128xf32, #tpu.memory_space<vmem>>)
        "tpu.region"() ({
          %run_scoped3A = tpu.sem_alloc : memref<!tpu.dma_semaphore, #tpu.memory_space<semaphore_mem>>
          %dma_start3A_118 = arith.constant 0 : i32
          %dma_start3A_119 = tpu.memref_slice %arg8[%mul3A_88, %dma_start3A_118] : memref<32x128xi32, #tpu.memory_space<vmem>> -> memref<1x128xi32, #tpu.memory_space<vmem>>
          %dma_start3A_120 = tpu.memref_squeeze %dma_start3A_119 : memref<1x128xi32, #tpu.memory_space<vmem>> -> memref<128xi32, #tpu.memory_space<vmem>>
          %dma_start3A_121 = arith.constant 0 : i32
          %dma_start3A_122 = arith.constant 0 : i32
          %dma_start3A_123 = tpu.memref_slice %arg6[%dma_start3A_121, %dma_start3A_122] : memref<10240x128xf32, #tpu.memory_space<vmem_shared>> -> memref<10240x128xf32, #tpu.memory_space<vmem_shared>>
          tpu.enqueue_indirect_dma source(%arg9 : memref<128x128xf32, #tpu.memory_space<vmem>>) target(%dma_start3A_123 : memref<10240x128xf32, #tpu.memory_space<vmem_shared>>) offsets(%dma_start3A_120 : memref<128xi32, #tpu.memory_space<vmem>>) semaphore(%run_scoped3A : memref<!tpu.dma_semaphore, #tpu.memory_space<semaphore_mem>>) {add = true}
          %dma_wait3A_124 = arith.constant 0 : i32
          %dma_wait3A_125 = tpu.memref_slice %arg8[%mul3A_88, %dma_wait3A_124] : memref<32x128xi32, #tpu.memory_space<vmem>> -> memref<1x128xi32, #tpu.memory_space<vmem>>
          %dma_wait3A_126 = tpu.memref_squeeze %dma_wait3A_125 : memref<1x128xi32, #tpu.memory_space<vmem>> -> memref<128xi32, #tpu.memory_space<vmem>>
          %dma_wait3A_127 = arith.constant 0 : i32
          %dma_wait3A_128 = arith.constant 0 : i32
          %dma_wait3A_129 = tpu.memref_slice %arg6[%dma_wait3A_127, %dma_wait3A_128] : memref<10240x128xf32, #tpu.memory_space<vmem_shared>> -> memref<10240x128xf32, #tpu.memory_space<vmem_shared>>
          tpu.wait_indirect_dma semaphore(%run_scoped3A : memref<!tpu.dma_semaphore, #tpu.memory_space<semaphore_mem>>) src(%arg9 : memref<128x128xf32, #tpu.memory_space<vmem>>) dst(%dma_wait3A_129 : memref<10240x128xf32, #tpu.memory_space<vmem_shared>>)
          tpu.yield
        }) : () -> ()
        %add3A_102 = arith.constant 1 : i32
        %add3A_103 = arith.addi %add3A_86, %add3A_102 : i32
        %lt3A = arith.constant 16 : i32
        %lt3A_104 = arith.cmpi slt, %add3A_103, %lt3A : i32
        %convert_element_type3A_105 = arith.extui %lt3A_104 : i1 to i32
        %cond3A_106 = arith.constant 0 : i32
        %cond3A_107 = arith.cmpi ne, %convert_element_type3A_105, %cond3A_106 : i32
        scf.if %cond3A_107 {
          %add3A_118 = arith.constant 2 : i32
          %add3A_119 = arith.addi %mul3A_88, %add3A_118 : i32
          %dma_start3A_120 = arith.constant 0 : i32
          %dma_start3A_121 = tpu.memref_slice %arg7[%add3A_119, %dma_start3A_120] : memref<32x128xi32, #tpu.memory_space<vmem>> -> memref<1x128xi32, #tpu.memory_space<vmem>>
          %dma_start3A_122 = tpu.memref_squeeze %dma_start3A_121 : memref<1x128xi32, #tpu.memory_space<vmem>> -> memref<128xi32, #tpu.memory_space<vmem>>
          %dma_start3A_123 = arith.constant 0 : i32
          %dma_start3A_124 = arith.constant 0 : i32
          %dma_start3A_125 = tpu.memref_slice %arg2[%dma_start3A_123, %dma_start3A_124] : memref<10240x128xf32, #tpu.memory_space<hbm>> -> memref<10240x128xf32, #tpu.memory_space<hbm>>
          tpu.enqueue_indirect_dma source(%dma_start3A_125 : memref<10240x128xf32, #tpu.memory_space<hbm>>) target(%arg9 : memref<128x128xf32, #tpu.memory_space<vmem>>) offsets(%dma_start3A_122 : memref<128xi32, #tpu.memory_space<vmem>>) semaphore(%arg11 : memref<!tpu.dma_semaphore, #tpu.memory_space<semaphore_mem>>)
        } else {
        }
        %add3A_108 = arith.constant 1 : i32
        %add3A_109 = arith.addi %mul3A_88, %add3A_108 : i32
        %dma_wait3A_110 = arith.constant 0 : i32
        %dma_wait3A_111 = tpu.memref_slice %arg7[%add3A_109, %dma_wait3A_110] : memref<32x128xi32, #tpu.memory_space<vmem>> -> memref<1x128xi32, #tpu.memory_space<vmem>>
        %dma_wait3A_112 = tpu.memref_squeeze %dma_wait3A_111 : memref<1x128xi32, #tpu.memory_space<vmem>> -> memref<128xi32, #tpu.memory_space<vmem>>
        %dma_wait3A_113 = arith.constant 0 : i32
        %dma_wait3A_114 = arith.constant 0 : i32
        %dma_wait3A_115 = tpu.memref_slice %arg2[%dma_wait3A_113, %dma_wait3A_114] : memref<10240x128xf32, #tpu.memory_space<hbm>> -> memref<10240x128xf32, #tpu.memory_space<hbm>>
        tpu.wait_indirect_dma semaphore(%arg12 : memref<!tpu.dma_semaphore, #tpu.memory_space<semaphore_mem>>) src(%dma_wait3A_115 : memref<10240x128xf32, #tpu.memory_space<hbm>>) dst(%arg10 : memref<128x128xf32, #tpu.memory_space<vmem>>)
        %add3A_116 = arith.constant 1 : i32
        %add3A_117 = arith.addi %mul3A_88, %add3A_116 : i32
        "tpu.region"() ({
          %run_scoped3A = tpu.sem_alloc : memref<!tpu.dma_semaphore, #tpu.memory_space<semaphore_mem>>
          %dma_start3A_118 = arith.constant 0 : i32
          %dma_start3A_119 = tpu.memref_slice %arg8[%add3A_117, %dma_start3A_118] : memref<32x128xi32, #tpu.memory_space<vmem>> -> memref<1x128xi32, #tpu.memory_space<vmem>>
          %dma_start3A_120 = tpu.memref_squeeze %dma_start3A_119 : memref<1x128xi32, #tpu.memory_space<vmem>> -> memref<128xi32, #tpu.memory_space<vmem>>
          %dma_start3A_121 = arith.constant 0 : i32
          %dma_start3A_122 = arith.constant 0 : i32
          %dma_start3A_123 = tpu.memref_slice %arg6[%dma_start3A_121, %dma_start3A_122] : memref<10240x128xf32, #tpu.memory_space<vmem_shared>> -> memref<10240x128xf32, #tpu.memory_space<vmem_shared>>
          tpu.enqueue_indirect_dma source(%arg10 : memref<128x128xf32, #tpu.memory_space<vmem>>) target(%dma_start3A_123 : memref<10240x128xf32, #tpu.memory_space<vmem_shared>>) offsets(%dma_start3A_120 : memref<128xi32, #tpu.memory_space<vmem>>) semaphore(%run_scoped3A : memref<!tpu.dma_semaphore, #tpu.memory_space<semaphore_mem>>) {add = true}
          %dma_wait3A_124 = arith.constant 0 : i32
          %dma_wait3A_125 = tpu.memref_slice %arg8[%add3A_117, %dma_wait3A_124] : memref<32x128xi32, #tpu.memory_space<vmem>> -> memref<1x128xi32, #tpu.memory_space<vmem>>
          %dma_wait3A_126 = tpu.memref_squeeze %dma_wait3A_125 : memref<1x128xi32, #tpu.memory_space<vmem>> -> memref<128xi32, #tpu.memory_space<vmem>>
          %dma_wait3A_127 = arith.constant 0 : i32
          %dma_wait3A_128 = arith.constant 0 : i32
          %dma_wait3A_129 = tpu.memref_slice %arg6[%dma_wait3A_127, %dma_wait3A_128] : memref<10240x128xf32, #tpu.memory_space<vmem_shared>> -> memref<10240x128xf32, #tpu.memory_space<vmem_shared>>
          tpu.wait_indirect_dma semaphore(%run_scoped3A : memref<!tpu.dma_semaphore, #tpu.memory_space<semaphore_mem>>) src(%arg10 : memref<128x128xf32, #tpu.memory_space<vmem>>) dst(%dma_wait3A_129 : memref<10240x128xf32, #tpu.memory_space<vmem_shared>>)
          tpu.yield
        }) : () -> ()
      }
      %scan3A_33 = arith.constant 16 : i32
      %mul3A_34 = arith.constant 128 : i32
      %mul3A_35 = arith.muli %arg1, %mul3A_34 : i32
      %add3A_36 = arith.constant 32 : i32
      %add3A_37 = arith.addi %mul3A_35, %add3A_36 : i32
      "tpu.region"() ({
        %run_scoped3A = tpu.sem_alloc : memref<!tpu.dma_semaphore, #tpu.memory_space<semaphore_mem>>
        %dma_start3A_82 = arith.constant 0 : i32
        %dma_start3A_83 = tpu.memref_slice %arg3[%add3A_37, %dma_start3A_82] : memref<2560x128xi32, #tpu.memory_space<hbm>> -> memref<32x128xi32, #tpu.memory_space<hbm>>
        %dma_start3A_84 = arith.constant 0 : i32
        %dma_start3A_85 = tpu.memref_slice %arg3[%add3A_37, %dma_start3A_84] : memref<2560x128xi32, #tpu.memory_space<hbm>> -> memref<32x128xi32, #tpu.memory_space<hbm>>
        tpu.enqueue_dma source(%dma_start3A_85 : memref<32x128xi32, #tpu.memory_space<hbm>>) target(%arg7 : memref<32x128xi32, #tpu.memory_space<vmem>>) target_semaphore(%run_scoped3A : memref<!tpu.dma_semaphore, #tpu.memory_space<semaphore_mem>>)
        %dma_wait3A = arith.constant 0 : i32
        %dma_wait3A_86 = tpu.memref_slice %arg3[%add3A_37, %dma_wait3A] : memref<2560x128xi32, #tpu.memory_space<hbm>> -> memref<32x128xi32, #tpu.memory_space<hbm>>
        %dma_wait3A_87 = arith.constant 0 : i32
        %dma_wait3A_88 = tpu.memref_slice %arg3[%add3A_37, %dma_wait3A_87] : memref<2560x128xi32, #tpu.memory_space<hbm>> -> memref<32x128xi32, #tpu.memory_space<hbm>>
        tpu.wait_dma2 semaphore(%run_scoped3A : memref<!tpu.dma_semaphore, #tpu.memory_space<semaphore_mem>>) src(%dma_wait3A_88 : memref<32x128xi32, #tpu.memory_space<hbm>>) dst(%arg7 : memref<32x128xi32, #tpu.memory_space<vmem>>)
        tpu.yield
      }) : () -> ()
      "tpu.region"() ({
        %run_scoped3A = tpu.sem_alloc : memref<!tpu.dma_semaphore, #tpu.memory_space<semaphore_mem>>
        %dma_start3A_82 = arith.constant 0 : i32
        %dma_start3A_83 = tpu.memref_slice %arg4[%add3A_37, %dma_start3A_82] : memref<2560x128xi32, #tpu.memory_space<hbm>> -> memref<32x128xi32, #tpu.memory_space<hbm>>
        %dma_start3A_84 = arith.constant 0 : i32
        %dma_start3A_85 = tpu.memref_slice %arg4[%add3A_37, %dma_start3A_84] : memref<2560x128xi32, #tpu.memory_space<hbm>> -> memref<32x128xi32, #tpu.memory_space<hbm>>
        tpu.enqueue_dma source(%dma_start3A_85 : memref<32x128xi32, #tpu.memory_space<hbm>>) target(%arg8 : memref<32x128xi32, #tpu.memory_space<vmem>>) target_semaphore(%run_scoped3A : memref<!tpu.dma_semaphore, #tpu.memory_space<semaphore_mem>>)
        %dma_wait3A = arith.constant 0 : i32
        %dma_wait3A_86 = tpu.memref_slice %arg4[%add3A_37, %dma_wait3A] : memref<2560x128xi32, #tpu.memory_space<hbm>> -> memref<32x128xi32, #tpu.memory_space<hbm>>
        %dma_wait3A_87 = arith.constant 0 : i32
        %dma_wait3A_88 = tpu.memref_slice %arg4[%add3A_37, %dma_wait3A_87] : memref<2560x128xi32, #tpu.memory_space<hbm>> -> memref<32x128xi32, #tpu.memory_space<hbm>>
        tpu.wait_dma2 semaphore(%run_scoped3A : memref<!tpu.dma_semaphore, #tpu.memory_space<semaphore_mem>>) src(%dma_wait3A_88 : memref<32x128xi32, #tpu.memory_space<hbm>>) dst(%arg8 : memref<32x128xi32, #tpu.memory_space<vmem>>)
        tpu.yield
      }) : () -> ()
      %dma_start3A_38 = arith.constant 0 : i32
      %dma_start3A_39 = arith.constant 0 : i32
      %dma_start3A_40 = tpu.memref_slice %arg7[%dma_start3A_38, %dma_start3A_39] : memref<32x128xi32, #tpu.memory_space<vmem>> -> memref<1x128xi32, #tpu.memory_space<vmem>>
      %dma_start3A_41 = tpu.memref_squeeze %dma_start3A_40 : memref<1x128xi32, #tpu.memory_space<vmem>> -> memref<128xi32, #tpu.memory_space<vmem>>
      %dma_start3A_42 = arith.constant 0 : i32
      %dma_start3A_43 = arith.constant 0 : i32
      %dma_start3A_44 = tpu.memref_slice %arg2[%dma_start3A_42, %dma_start3A_43] : memref<10240x128xf32, #tpu.memory_space<hbm>> -> memref<10240x128xf32, #tpu.memory_space<hbm>>
      tpu.enqueue_indirect_dma source(%dma_start3A_44 : memref<10240x128xf32, #tpu.memory_space<hbm>>) target(%arg9 : memref<128x128xf32, #tpu.memory_space<vmem>>) offsets(%dma_start3A_41 : memref<128xi32, #tpu.memory_space<vmem>>) semaphore(%arg11 : memref<!tpu.dma_semaphore, #tpu.memory_space<semaphore_mem>>)
      %scan3A_45 = arith.constant 0 : i32
      %scan3A_46 = arith.constant 16 : i32
      %scan3A_47 = arith.addi %scan3A_45, %scan3A_46 : i32
      %scan3A_48 = arith.constant 1 : i32
      scf.for %scan3A_82 = %scan3A_45 to %scan3A_47 step %scan3A_48  : i32 {
        %mul3A_83 = arith.constant 1 : i32
        %mul3A_84 = arith.muli %scan3A_82, %mul3A_83 : i32
        %add3A_85 = arith.constant 0 : i32
        %add3A_86 = arith.addi %add3A_85, %mul3A_84 : i32
        %mul3A_87 = arith.constant 2 : i32
        %mul3A_88 = arith.muli %mul3A_87, %add3A_86 : i32
        %add3A_89 = arith.constant 1 : i32
        %add3A_90 = arith.addi %mul3A_88, %add3A_89 : i32
        %dma_start3A_91 = arith.constant 0 : i32
        %dma_start3A_92 = tpu.memref_slice %arg7[%add3A_90, %dma_start3A_91] : memref<32x128xi32, #tpu.memory_space<vmem>> -> memref<1x128xi32, #tpu.memory_space<vmem>>
        %dma_start3A_93 = tpu.memref_squeeze %dma_start3A_92 : memref<1x128xi32, #tpu.memory_space<vmem>> -> memref<128xi32, #tpu.memory_space<vmem>>
        %dma_start3A_94 = arith.constant 0 : i32
        %dma_start3A_95 = arith.constant 0 : i32
        %dma_start3A_96 = tpu.memref_slice %arg2[%dma_start3A_94, %dma_start3A_95] : memref<10240x128xf32, #tpu.memory_space<hbm>> -> memref<10240x128xf32, #tpu.memory_space<hbm>>
        tpu.enqueue_indirect_dma source(%dma_start3A_96 : memref<10240x128xf32, #tpu.memory_space<hbm>>) target(%arg10 : memref<128x128xf32, #tpu.memory_space<vmem>>) offsets(%dma_start3A_93 : memref<128xi32, #tpu.memory_space<vmem>>) semaphore(%arg12 : memref<!tpu.dma_semaphore, #tpu.memory_space<semaphore_mem>>)
        %dma_wait3A = arith.constant 0 : i32
        %dma_wait3A_97 = tpu.memref_slice %arg7[%mul3A_88, %dma_wait3A] : memref<32x128xi32, #tpu.memory_space<vmem>> -> memref<1x128xi32, #tpu.memory_space<vmem>>
        %dma_wait3A_98 = tpu.memref_squeeze %dma_wait3A_97 : memref<1x128xi32, #tpu.memory_space<vmem>> -> memref<128xi32, #tpu.memory_space<vmem>>
        %dma_wait3A_99 = arith.constant 0 : i32
        %dma_wait3A_100 = arith.constant 0 : i32
        %dma_wait3A_101 = tpu.memref_slice %arg2[%dma_wait3A_99, %dma_wait3A_100] : memref<10240x128xf32, #tpu.memory_space<hbm>> -> memref<10240x128xf32, #tpu.memory_space<hbm>>
        tpu.wait_indirect_dma semaphore(%arg11 : memref<!tpu.dma_semaphore, #tpu.memory_space<semaphore_mem>>) src(%dma_wait3A_101 : memref<10240x128xf32, #tpu.memory_space<hbm>>) dst(%arg9 : memref<128x128xf32, #tpu.memory_space<vmem>>)
        "tpu.region"() ({
          %run_scoped3A = tpu.sem_alloc : memref<!tpu.dma_semaphore, #tpu.memory_space<semaphore_mem>>
          %dma_start3A_118 = arith.constant 0 : i32
          %dma_start3A_119 = tpu.memref_slice %arg8[%mul3A_88, %dma_start3A_118] : memref<32x128xi32, #tpu.memory_space<vmem>> -> memref<1x128xi32, #tpu.memory_space<vmem>>
          %dma_start3A_120 = tpu.memref_squeeze %dma_start3A_119 : memref<1x128xi32, #tpu.memory_space<vmem>> -> memref<128xi32, #tpu.memory_space<vmem>>
          %dma_start3A_121 = arith.constant 0 : i32
          %dma_start3A_122 = arith.constant 0 : i32
          %dma_start3A_123 = tpu.memref_slice %arg6[%dma_start3A_121, %dma_start3A_122] : memref<10240x128xf32, #tpu.memory_space<vmem_shared>> -> memref<10240x128xf32, #tpu.memory_space<vmem_shared>>
          tpu.enqueue_indirect_dma source(%arg9 : memref<128x128xf32, #tpu.memory_space<vmem>>) target(%dma_start3A_123 : memref<10240x128xf32, #tpu.memory_space<vmem_shared>>) offsets(%dma_start3A_120 : memref<128xi32, #tpu.memory_space<vmem>>) semaphore(%run_scoped3A : memref<!tpu.dma_semaphore, #tpu.memory_space<semaphore_mem>>) {add = true}
          %dma_wait3A_124 = arith.constant 0 : i32
          %dma_wait3A_125 = tpu.memref_slice %arg8[%mul3A_88, %dma_wait3A_124] : memref<32x128xi32, #tpu.memory_space<vmem>> -> memref<1x128xi32, #tpu.memory_space<vmem>>
          %dma_wait3A_126 = tpu.memref_squeeze %dma_wait3A_125 : memref<1x128xi32, #tpu.memory_space<vmem>> -> memref<128xi32, #tpu.memory_space<vmem>>
          %dma_wait3A_127 = arith.constant 0 : i32
          %dma_wait3A_128 = arith.constant 0 : i32
          %dma_wait3A_129 = tpu.memref_slice %arg6[%dma_wait3A_127, %dma_wait3A_128] : memref<10240x128xf32, #tpu.memory_space<vmem_shared>> -> memref<10240x128xf32, #tpu.memory_space<vmem_shared>>
          tpu.wait_indirect_dma semaphore(%run_scoped3A : memref<!tpu.dma_semaphore, #tpu.memory_space<semaphore_mem>>) src(%arg9 : memref<128x128xf32, #tpu.memory_space<vmem>>) dst(%dma_wait3A_129 : memref<10240x128xf32, #tpu.memory_space<vmem_shared>>)
          tpu.yield
        }) : () -> ()
        %add3A_102 = arith.constant 1 : i32
        %add3A_103 = arith.addi %add3A_86, %add3A_102 : i32
        %lt3A = arith.constant 16 : i32
        %lt3A_104 = arith.cmpi slt, %add3A_103, %lt3A : i32
        %convert_element_type3A_105 = arith.extui %lt3A_104 : i1 to i32
        %cond3A_106 = arith.constant 0 : i32
        %cond3A_107 = arith.cmpi ne, %convert_element_type3A_105, %cond3A_106 : i32
        scf.if %cond3A_107 {
          %add3A_118 = arith.constant 2 : i32
          %add3A_119 = arith.addi %mul3A_88, %add3A_118 : i32
          %dma_start3A_120 = arith.constant 0 : i32
          %dma_start3A_121 = tpu.memref_slice %arg7[%add3A_119, %dma_start3A_120] : memref<32x128xi32, #tpu.memory_space<vmem>> -> memref<1x128xi32, #tpu.memory_space<vmem>>
          %dma_start3A_122 = tpu.memref_squeeze %dma_start3A_121 : memref<1x128xi32, #tpu.memory_space<vmem>> -> memref<128xi32, #tpu.memory_space<vmem>>
          %dma_start3A_123 = arith.constant 0 : i32
          %dma_start3A_124 = arith.constant 0 : i32
          %dma_start3A_125 = tpu.memref_slice %arg2[%dma_start3A_123, %dma_start3A_124] : memref<10240x128xf32, #tpu.memory_space<hbm>> -> memref<10240x128xf32, #tpu.memory_space<hbm>>
          tpu.enqueue_indirect_dma source(%dma_start3A_125 : memref<10240x128xf32, #tpu.memory_space<hbm>>) target(%arg9 : memref<128x128xf32, #tpu.memory_space<vmem>>) offsets(%dma_start3A_122 : memref<128xi32, #tpu.memory_space<vmem>>) semaphore(%arg11 : memref<!tpu.dma_semaphore, #tpu.memory_space<semaphore_mem>>)
        } else {
        }
        %add3A_108 = arith.constant 1 : i32
        %add3A_109 = arith.addi %mul3A_88, %add3A_108 : i32
        %dma_wait3A_110 = arith.constant 0 : i32
        %dma_wait3A_111 = tpu.memref_slice %arg7[%add3A_109, %dma_wait3A_110] : memref<32x128xi32, #tpu.memory_space<vmem>> -> memref<1x128xi32, #tpu.memory_space<vmem>>
        %dma_wait3A_112 = tpu.memref_squeeze %dma_wait3A_111 : memref<1x128xi32, #tpu.memory_space<vmem>> -> memref<128xi32, #tpu.memory_space<vmem>>
        %dma_wait3A_113 = arith.constant 0 : i32
        %dma_wait3A_114 = arith.constant 0 : i32
        %dma_wait3A_115 = tpu.memref_slice %arg2[%dma_wait3A_113, %dma_wait3A_114] : memref<10240x128xf32, #tpu.memory_space<hbm>> -> memref<10240x128xf32, #tpu.memory_space<hbm>>
        tpu.wait_indirect_dma semaphore(%arg12 : memref<!tpu.dma_semaphore, #tpu.memory_space<semaphore_mem>>) src(%dma_wait3A_115 : memref<10240x128xf32, #tpu.memory_space<hbm>>) dst(%arg10 : memref<128x128xf32, #tpu.memory_space<vmem>>)
        %add3A_116 = arith.constant 1 : i32
        %add3A_117 = arith.addi %mul3A_88, %add3A_116 : i32
        "tpu.region"() ({
          %run_scoped3A = tpu.sem_alloc : memref<!tpu.dma_semaphore, #tpu.memory_space<semaphore_mem>>
          %dma_start3A_118 = arith.constant 0 : i32
          %dma_start3A_119 = tpu.memref_slice %arg8[%add3A_117, %dma_start3A_118] : memref<32x128xi32, #tpu.memory_space<vmem>> -> memref<1x128xi32, #tpu.memory_space<vmem>>
          %dma_start3A_120 = tpu.memref_squeeze %dma_start3A_119 : memref<1x128xi32, #tpu.memory_space<vmem>> -> memref<128xi32, #tpu.memory_space<vmem>>
          %dma_start3A_121 = arith.constant 0 : i32
          %dma_start3A_122 = arith.constant 0 : i32
          %dma_start3A_123 = tpu.memref_slice %arg6[%dma_start3A_121, %dma_start3A_122] : memref<10240x128xf32, #tpu.memory_space<vmem_shared>> -> memref<10240x128xf32, #tpu.memory_space<vmem_shared>>
          tpu.enqueue_indirect_dma source(%arg10 : memref<128x128xf32, #tpu.memory_space<vmem>>) target(%dma_start3A_123 : memref<10240x128xf32, #tpu.memory_space<vmem_shared>>) offsets(%dma_start3A_120 : memref<128xi32, #tpu.memory_space<vmem>>) semaphore(%run_scoped3A : memref<!tpu.dma_semaphore, #tpu.memory_space<semaphore_mem>>) {add = true}
          %dma_wait3A_124 = arith.constant 0 : i32
          %dma_wait3A_125 = tpu.memref_slice %arg8[%add3A_117, %dma_wait3A_124] : memref<32x128xi32, #tpu.memory_space<vmem>> -> memref<1x128xi32, #tpu.memory_space<vmem>>
          %dma_wait3A_126 = tpu.memref_squeeze %dma_wait3A_125 : memref<1x128xi32, #tpu.memory_space<vmem>> -> memref<128xi32, #tpu.memory_space<vmem>>
          %dma_wait3A_127 = arith.constant 0 : i32
          %dma_wait3A_128 = arith.constant 0 : i32
          %dma_wait3A_129 = tpu.memref_slice %arg6[%dma_wait3A_127, %dma_wait3A_128] : memref<10240x128xf32, #tpu.memory_space<vmem_shared>> -> memref<10240x128xf32, #tpu.memory_space<vmem_shared>>
          tpu.wait_indirect_dma semaphore(%run_scoped3A : memref<!tpu.dma_semaphore, #tpu.memory_space<semaphore_mem>>) src(%arg10 : memref<128x128xf32, #tpu.memory_space<vmem>>) dst(%dma_wait3A_129 : memref<10240x128xf32, #tpu.memory_space<vmem_shared>>)
          tpu.yield
        }) : () -> ()
      }
      %scan3A_49 = arith.constant 16 : i32
      %mul3A_50 = arith.constant 128 : i32
      %mul3A_51 = arith.muli %arg1, %mul3A_50 : i32
      %add3A_52 = arith.constant 64 : i32
      %add3A_53 = arith.addi %mul3A_51, %add3A_52 : i32
      "tpu.region"() ({
        %run_scoped3A = tpu.sem_alloc : memref<!tpu.dma_semaphore, #tpu.memory_space<semaphore_mem>>
        %dma_start3A_82 = arith.constant 0 : i32
        %dma_start3A_83 = tpu.memref_slice %arg3[%add3A_53, %dma_start3A_82] : memref<2560x128xi32, #tpu.memory_space<hbm>> -> memref<32x128xi32, #tpu.memory_space<hbm>>
        %dma_start3A_84 = arith.constant 0 : i32
        %dma_start3A_85 = tpu.memref_slice %arg3[%add3A_53, %dma_start3A_84] : memref<2560x128xi32, #tpu.memory_space<hbm>> -> memref<32x128xi32, #tpu.memory_space<hbm>>
        tpu.enqueue_dma source(%dma_start3A_85 : memref<32x128xi32, #tpu.memory_space<hbm>>) target(%arg7 : memref<32x128xi32, #tpu.memory_space<vmem>>) target_semaphore(%run_scoped3A : memref<!tpu.dma_semaphore, #tpu.memory_space<semaphore_mem>>)
        %dma_wait3A = arith.constant 0 : i32
        %dma_wait3A_86 = tpu.memref_slice %arg3[%add3A_53, %dma_wait3A] : memref<2560x128xi32, #tpu.memory_space<hbm>> -> memref<32x128xi32, #tpu.memory_space<hbm>>
        %dma_wait3A_87 = arith.constant 0 : i32
        %dma_wait3A_88 = tpu.memref_slice %arg3[%add3A_53, %dma_wait3A_87] : memref<2560x128xi32, #tpu.memory_space<hbm>> -> memref<32x128xi32, #tpu.memory_space<hbm>>
        tpu.wait_dma2 semaphore(%run_scoped3A : memref<!tpu.dma_semaphore, #tpu.memory_space<semaphore_mem>>) src(%dma_wait3A_88 : memref<32x128xi32, #tpu.memory_space<hbm>>) dst(%arg7 : memref<32x128xi32, #tpu.memory_space<vmem>>)
        tpu.yield
      }) : () -> ()
      "tpu.region"() ({
        %run_scoped3A = tpu.sem_alloc : memref<!tpu.dma_semaphore, #tpu.memory_space<semaphore_mem>>
        %dma_start3A_82 = arith.constant 0 : i32
        %dma_start3A_83 = tpu.memref_slice %arg4[%add3A_53, %dma_start3A_82] : memref<2560x128xi32, #tpu.memory_space<hbm>> -> memref<32x128xi32, #tpu.memory_space<hbm>>
        %dma_start3A_84 = arith.constant 0 : i32
        %dma_start3A_85 = tpu.memref_slice %arg4[%add3A_53, %dma_start3A_84] : memref<2560x128xi32, #tpu.memory_space<hbm>> -> memref<32x128xi32, #tpu.memory_space<hbm>>
        tpu.enqueue_dma source(%dma_start3A_85 : memref<32x128xi32, #tpu.memory_space<hbm>>) target(%arg8 : memref<32x128xi32, #tpu.memory_space<vmem>>) target_semaphore(%run_scoped3A : memref<!tpu.dma_semaphore, #tpu.memory_space<semaphore_mem>>)
        %dma_wait3A = arith.constant 0 : i32
        %dma_wait3A_86 = tpu.memref_slice %arg4[%add3A_53, %dma_wait3A] : memref<2560x128xi32, #tpu.memory_space<hbm>> -> memref<32x128xi32, #tpu.memory_space<hbm>>
        %dma_wait3A_87 = arith.constant 0 : i32
        %dma_wait3A_88 = tpu.memref_slice %arg4[%add3A_53, %dma_wait3A_87] : memref<2560x128xi32, #tpu.memory_space<hbm>> -> memref<32x128xi32, #tpu.memory_space<hbm>>
        tpu.wait_dma2 semaphore(%run_scoped3A : memref<!tpu.dma_semaphore, #tpu.memory_space<semaphore_mem>>) src(%dma_wait3A_88 : memref<32x128xi32, #tpu.memory_space<hbm>>) dst(%arg8 : memref<32x128xi32, #tpu.memory_space<vmem>>)
        tpu.yield
      }) : () -> ()
      %dma_start3A_54 = arith.constant 0 : i32
      %dma_start3A_55 = arith.constant 0 : i32
      %dma_start3A_56 = tpu.memref_slice %arg7[%dma_start3A_54, %dma_start3A_55] : memref<32x128xi32, #tpu.memory_space<vmem>> -> memref<1x128xi32, #tpu.memory_space<vmem>>
      %dma_start3A_57 = tpu.memref_squeeze %dma_start3A_56 : memref<1x128xi32, #tpu.memory_space<vmem>> -> memref<128xi32, #tpu.memory_space<vmem>>
      %dma_start3A_58 = arith.constant 0 : i32
      %dma_start3A_59 = arith.constant 0 : i32
      %dma_start3A_60 = tpu.memref_slice %arg2[%dma_start3A_58, %dma_start3A_59] : memref<10240x128xf32, #tpu.memory_space<hbm>> -> memref<10240x128xf32, #tpu.memory_space<hbm>>
      tpu.enqueue_indirect_dma source(%dma_start3A_60 : memref<10240x128xf32, #tpu.memory_space<hbm>>) target(%arg9 : memref<128x128xf32, #tpu.memory_space<vmem>>) offsets(%dma_start3A_57 : memref<128xi32, #tpu.memory_space<vmem>>) semaphore(%arg11 : memref<!tpu.dma_semaphore, #tpu.memory_space<semaphore_mem>>)
      %scan3A_61 = arith.constant 0 : i32
      %scan3A_62 = arith.constant 16 : i32
      %scan3A_63 = arith.addi %scan3A_61, %scan3A_62 : i32
      %scan3A_64 = arith.constant 1 : i32
      scf.for %scan3A_82 = %scan3A_61 to %scan3A_63 step %scan3A_64  : i32 {
        %mul3A_83 = arith.constant 1 : i32
        %mul3A_84 = arith.muli %scan3A_82, %mul3A_83 : i32
        %add3A_85 = arith.constant 0 : i32
        %add3A_86 = arith.addi %add3A_85, %mul3A_84 : i32
        %mul3A_87 = arith.constant 2 : i32
        %mul3A_88 = arith.muli %mul3A_87, %add3A_86 : i32
        %add3A_89 = arith.constant 1 : i32
        %add3A_90 = arith.addi %mul3A_88, %add3A_89 : i32
        %dma_start3A_91 = arith.constant 0 : i32
        %dma_start3A_92 = tpu.memref_slice %arg7[%add3A_90, %dma_start3A_91] : memref<32x128xi32, #tpu.memory_space<vmem>> -> memref<1x128xi32, #tpu.memory_space<vmem>>
        %dma_start3A_93 = tpu.memref_squeeze %dma_start3A_92 : memref<1x128xi32, #tpu.memory_space<vmem>> -> memref<128xi32, #tpu.memory_space<vmem>>
        %dma_start3A_94 = arith.constant 0 : i32
        %dma_start3A_95 = arith.constant 0 : i32
        %dma_start3A_96 = tpu.memref_slice %arg2[%dma_start3A_94, %dma_start3A_95] : memref<10240x128xf32, #tpu.memory_space<hbm>> -> memref<10240x128xf32, #tpu.memory_space<hbm>>
        tpu.enqueue_indirect_dma source(%dma_start3A_96 : memref<10240x128xf32, #tpu.memory_space<hbm>>) target(%arg10 : memref<128x128xf32, #tpu.memory_space<vmem>>) offsets(%dma_start3A_93 : memref<128xi32, #tpu.memory_space<vmem>>) semaphore(%arg12 : memref<!tpu.dma_semaphore, #tpu.memory_space<semaphore_mem>>)
        %dma_wait3A = arith.constant 0 : i32
        %dma_wait3A_97 = tpu.memref_slice %arg7[%mul3A_88, %dma_wait3A] : memref<32x128xi32, #tpu.memory_space<vmem>> -> memref<1x128xi32, #tpu.memory_space<vmem>>
        %dma_wait3A_98 = tpu.memref_squeeze %dma_wait3A_97 : memref<1x128xi32, #tpu.memory_space<vmem>> -> memref<128xi32, #tpu.memory_space<vmem>>
        %dma_wait3A_99 = arith.constant 0 : i32
        %dma_wait3A_100 = arith.constant 0 : i32
        %dma_wait3A_101 = tpu.memref_slice %arg2[%dma_wait3A_99, %dma_wait3A_100] : memref<10240x128xf32, #tpu.memory_space<hbm>> -> memref<10240x128xf32, #tpu.memory_space<hbm>>
        tpu.wait_indirect_dma semaphore(%arg11 : memref<!tpu.dma_semaphore, #tpu.memory_space<semaphore_mem>>) src(%dma_wait3A_101 : memref<10240x128xf32, #tpu.memory_space<hbm>>) dst(%arg9 : memref<128x128xf32, #tpu.memory_space<vmem>>)
        "tpu.region"() ({
          %run_scoped3A = tpu.sem_alloc : memref<!tpu.dma_semaphore, #tpu.memory_space<semaphore_mem>>
          %dma_start3A_118 = arith.constant 0 : i32
          %dma_start3A_119 = tpu.memref_slice %arg8[%mul3A_88, %dma_start3A_118] : memref<32x128xi32, #tpu.memory_space<vmem>> -> memref<1x128xi32, #tpu.memory_space<vmem>>
          %dma_start3A_120 = tpu.memref_squeeze %dma_start3A_119 : memref<1x128xi32, #tpu.memory_space<vmem>> -> memref<128xi32, #tpu.memory_space<vmem>>
          %dma_start3A_121 = arith.constant 0 : i32
          %dma_start3A_122 = arith.constant 0 : i32
          %dma_start3A_123 = tpu.memref_slice %arg6[%dma_start3A_121, %dma_start3A_122] : memref<10240x128xf32, #tpu.memory_space<vmem_shared>> -> memref<10240x128xf32, #tpu.memory_space<vmem_shared>>
          tpu.enqueue_indirect_dma source(%arg9 : memref<128x128xf32, #tpu.memory_space<vmem>>) target(%dma_start3A_123 : memref<10240x128xf32, #tpu.memory_space<vmem_shared>>) offsets(%dma_start3A_120 : memref<128xi32, #tpu.memory_space<vmem>>) semaphore(%run_scoped3A : memref<!tpu.dma_semaphore, #tpu.memory_space<semaphore_mem>>) {add = true}
          %dma_wait3A_124 = arith.constant 0 : i32
          %dma_wait3A_125 = tpu.memref_slice %arg8[%mul3A_88, %dma_wait3A_124] : memref<32x128xi32, #tpu.memory_space<vmem>> -> memref<1x128xi32, #tpu.memory_space<vmem>>
          %dma_wait3A_126 = tpu.memref_squeeze %dma_wait3A_125 : memref<1x128xi32, #tpu.memory_space<vmem>> -> memref<128xi32, #tpu.memory_space<vmem>>
          %dma_wait3A_127 = arith.constant 0 : i32
          %dma_wait3A_128 = arith.constant 0 : i32
          %dma_wait3A_129 = tpu.memref_slice %arg6[%dma_wait3A_127, %dma_wait3A_128] : memref<10240x128xf32, #tpu.memory_space<vmem_shared>> -> memref<10240x128xf32, #tpu.memory_space<vmem_shared>>
          tpu.wait_indirect_dma semaphore(%run_scoped3A : memref<!tpu.dma_semaphore, #tpu.memory_space<semaphore_mem>>) src(%arg9 : memref<128x128xf32, #tpu.memory_space<vmem>>) dst(%dma_wait3A_129 : memref<10240x128xf32, #tpu.memory_space<vmem_shared>>)
          tpu.yield
        }) : () -> ()
        %add3A_102 = arith.constant 1 : i32
        %add3A_103 = arith.addi %add3A_86, %add3A_102 : i32
        %lt3A = arith.constant 16 : i32
        %lt3A_104 = arith.cmpi slt, %add3A_103, %lt3A : i32
        %convert_element_type3A_105 = arith.extui %lt3A_104 : i1 to i32
        %cond3A_106 = arith.constant 0 : i32
        %cond3A_107 = arith.cmpi ne, %convert_element_type3A_105, %cond3A_106 : i32
        scf.if %cond3A_107 {
          %add3A_118 = arith.constant 2 : i32
          %add3A_119 = arith.addi %mul3A_88, %add3A_118 : i32
          %dma_start3A_120 = arith.constant 0 : i32
          %dma_start3A_121 = tpu.memref_slice %arg7[%add3A_119, %dma_start3A_120] : memref<32x128xi32, #tpu.memory_space<vmem>> -> memref<1x128xi32, #tpu.memory_space<vmem>>
          %dma_start3A_122 = tpu.memref_squeeze %dma_start3A_121 : memref<1x128xi32, #tpu.memory_space<vmem>> -> memref<128xi32, #tpu.memory_space<vmem>>
          %dma_start3A_123 = arith.constant 0 : i32
          %dma_start3A_124 = arith.constant 0 : i32
          %dma_start3A_125 = tpu.memref_slice %arg2[%dma_start3A_123, %dma_start3A_124] : memref<10240x128xf32, #tpu.memory_space<hbm>> -> memref<10240x128xf32, #tpu.memory_space<hbm>>
          tpu.enqueue_indirect_dma source(%dma_start3A_125 : memref<10240x128xf32, #tpu.memory_space<hbm>>) target(%arg9 : memref<128x128xf32, #tpu.memory_space<vmem>>) offsets(%dma_start3A_122 : memref<128xi32, #tpu.memory_space<vmem>>) semaphore(%arg11 : memref<!tpu.dma_semaphore, #tpu.memory_space<semaphore_mem>>)
        } else {
        }
        %add3A_108 = arith.constant 1 : i32
        %add3A_109 = arith.addi %mul3A_88, %add3A_108 : i32
        %dma_wait3A_110 = arith.constant 0 : i32
        %dma_wait3A_111 = tpu.memref_slice %arg7[%add3A_109, %dma_wait3A_110] : memref<32x128xi32, #tpu.memory_space<vmem>> -> memref<1x128xi32, #tpu.memory_space<vmem>>
        %dma_wait3A_112 = tpu.memref_squeeze %dma_wait3A_111 : memref<1x128xi32, #tpu.memory_space<vmem>> -> memref<128xi32, #tpu.memory_space<vmem>>
        %dma_wait3A_113 = arith.constant 0 : i32
        %dma_wait3A_114 = arith.constant 0 : i32
        %dma_wait3A_115 = tpu.memref_slice %arg2[%dma_wait3A_113, %dma_wait3A_114] : memref<10240x128xf32, #tpu.memory_space<hbm>> -> memref<10240x128xf32, #tpu.memory_space<hbm>>
        tpu.wait_indirect_dma semaphore(%arg12 : memref<!tpu.dma_semaphore, #tpu.memory_space<semaphore_mem>>) src(%dma_wait3A_115 : memref<10240x128xf32, #tpu.memory_space<hbm>>) dst(%arg10 : memref<128x128xf32, #tpu.memory_space<vmem>>)
        %add3A_116 = arith.constant 1 : i32
        %add3A_117 = arith.addi %mul3A_88, %add3A_116 : i32
        "tpu.region"() ({
          %run_scoped3A = tpu.sem_alloc : memref<!tpu.dma_semaphore, #tpu.memory_space<semaphore_mem>>
          %dma_start3A_118 = arith.constant 0 : i32
          %dma_start3A_119 = tpu.memref_slice %arg8[%add3A_117, %dma_start3A_118] : memref<32x128xi32, #tpu.memory_space<vmem>> -> memref<1x128xi32, #tpu.memory_space<vmem>>
          %dma_start3A_120 = tpu.memref_squeeze %dma_start3A_119 : memref<1x128xi32, #tpu.memory_space<vmem>> -> memref<128xi32, #tpu.memory_space<vmem>>
          %dma_start3A_121 = arith.constant 0 : i32
          %dma_start3A_122 = arith.constant 0 : i32
          %dma_start3A_123 = tpu.memref_slice %arg6[%dma_start3A_121, %dma_start3A_122] : memref<10240x128xf32, #tpu.memory_space<vmem_shared>> -> memref<10240x128xf32, #tpu.memory_space<vmem_shared>>
          tpu.enqueue_indirect_dma source(%arg10 : memref<128x128xf32, #tpu.memory_space<vmem>>) target(%dma_start3A_123 : memref<10240x128xf32, #tpu.memory_space<vmem_shared>>) offsets(%dma_start3A_120 : memref<128xi32, #tpu.memory_space<vmem>>) semaphore(%run_scoped3A : memref<!tpu.dma_semaphore, #tpu.memory_space<semaphore_mem>>) {add = true}
          %dma_wait3A_124 = arith.constant 0 : i32
          %dma_wait3A_125 = tpu.memref_slice %arg8[%add3A_117, %dma_wait3A_124] : memref<32x128xi32, #tpu.memory_space<vmem>> -> memref<1x128xi32, #tpu.memory_space<vmem>>
          %dma_wait3A_126 = tpu.memref_squeeze %dma_wait3A_125 : memref<1x128xi32, #tpu.memory_space<vmem>> -> memref<128xi32, #tpu.memory_space<vmem>>
          %dma_wait3A_127 = arith.constant 0 : i32
          %dma_wait3A_128 = arith.constant 0 : i32
          %dma_wait3A_129 = tpu.memref_slice %arg6[%dma_wait3A_127, %dma_wait3A_128] : memref<10240x128xf32, #tpu.memory_space<vmem_shared>> -> memref<10240x128xf32, #tpu.memory_space<vmem_shared>>
          tpu.wait_indirect_dma semaphore(%run_scoped3A : memref<!tpu.dma_semaphore, #tpu.memory_space<semaphore_mem>>) src(%arg10 : memref<128x128xf32, #tpu.memory_space<vmem>>) dst(%dma_wait3A_129 : memref<10240x128xf32, #tpu.memory_space<vmem_shared>>)
          tpu.yield
        }) : () -> ()
      }
      %scan3A_65 = arith.constant 16 : i32
      %mul3A_66 = arith.constant 128 : i32
      %mul3A_67 = arith.muli %arg1, %mul3A_66 : i32
      %add3A_68 = arith.constant 96 : i32
      %add3A_69 = arith.addi %mul3A_67, %add3A_68 : i32
      "tpu.region"() ({
        %run_scoped3A = tpu.sem_alloc : memref<!tpu.dma_semaphore, #tpu.memory_space<semaphore_mem>>
        %dma_start3A_82 = arith.constant 0 : i32
        %dma_start3A_83 = tpu.memref_slice %arg3[%add3A_69, %dma_start3A_82] : memref<2560x128xi32, #tpu.memory_space<hbm>> -> memref<32x128xi32, #tpu.memory_space<hbm>>
        %dma_start3A_84 = arith.constant 0 : i32
        %dma_start3A_85 = tpu.memref_slice %arg3[%add3A_69, %dma_start3A_84] : memref<2560x128xi32, #tpu.memory_space<hbm>> -> memref<32x128xi32, #tpu.memory_space<hbm>>
        tpu.enqueue_dma source(%dma_start3A_85 : memref<32x128xi32, #tpu.memory_space<hbm>>) target(%arg7 : memref<32x128xi32, #tpu.memory_space<vmem>>) target_semaphore(%run_scoped3A : memref<!tpu.dma_semaphore, #tpu.memory_space<semaphore_mem>>)
        %dma_wait3A = arith.constant 0 : i32
        %dma_wait3A_86 = tpu.memref_slice %arg3[%add3A_69, %dma_wait3A] : memref<2560x128xi32, #tpu.memory_space<hbm>> -> memref<32x128xi32, #tpu.memory_space<hbm>>
        %dma_wait3A_87 = arith.constant 0 : i32
        %dma_wait3A_88 = tpu.memref_slice %arg3[%add3A_69, %dma_wait3A_87] : memref<2560x128xi32, #tpu.memory_space<hbm>> -> memref<32x128xi32, #tpu.memory_space<hbm>>
        tpu.wait_dma2 semaphore(%run_scoped3A : memref<!tpu.dma_semaphore, #tpu.memory_space<semaphore_mem>>) src(%dma_wait3A_88 : memref<32x128xi32, #tpu.memory_space<hbm>>) dst(%arg7 : memref<32x128xi32, #tpu.memory_space<vmem>>)
        tpu.yield
      }) : () -> ()
      "tpu.region"() ({
        %run_scoped3A = tpu.sem_alloc : memref<!tpu.dma_semaphore, #tpu.memory_space<semaphore_mem>>
        %dma_start3A_82 = arith.constant 0 : i32
        %dma_start3A_83 = tpu.memref_slice %arg4[%add3A_69, %dma_start3A_82] : memref<2560x128xi32, #tpu.memory_space<hbm>> -> memref<32x128xi32, #tpu.memory_space<hbm>>
        %dma_start3A_84 = arith.constant 0 : i32
        %dma_start3A_85 = tpu.memref_slice %arg4[%add3A_69, %dma_start3A_84] : memref<2560x128xi32, #tpu.memory_space<hbm>> -> memref<32x128xi32, #tpu.memory_space<hbm>>
        tpu.enqueue_dma source(%dma_start3A_85 : memref<32x128xi32, #tpu.memory_space<hbm>>) target(%arg8 : memref<32x128xi32, #tpu.memory_space<vmem>>) target_semaphore(%run_scoped3A : memref<!tpu.dma_semaphore, #tpu.memory_space<semaphore_mem>>)
        %dma_wait3A = arith.constant 0 : i32
        %dma_wait3A_86 = tpu.memref_slice %arg4[%add3A_69, %dma_wait3A] : memref<2560x128xi32, #tpu.memory_space<hbm>> -> memref<32x128xi32, #tpu.memory_space<hbm>>
        %dma_wait3A_87 = arith.constant 0 : i32
        %dma_wait3A_88 = tpu.memref_slice %arg4[%add3A_69, %dma_wait3A_87] : memref<2560x128xi32, #tpu.memory_space<hbm>> -> memref<32x128xi32, #tpu.memory_space<hbm>>
        tpu.wait_dma2 semaphore(%run_scoped3A : memref<!tpu.dma_semaphore, #tpu.memory_space<semaphore_mem>>) src(%dma_wait3A_88 : memref<32x128xi32, #tpu.memory_space<hbm>>) dst(%arg8 : memref<32x128xi32, #tpu.memory_space<vmem>>)
        tpu.yield
      }) : () -> ()
      %dma_start3A_70 = arith.constant 0 : i32
      %dma_start3A_71 = arith.constant 0 : i32
      %dma_start3A_72 = tpu.memref_slice %arg7[%dma_start3A_70, %dma_start3A_71] : memref<32x128xi32, #tpu.memory_space<vmem>> -> memref<1x128xi32, #tpu.memory_space<vmem>>
      %dma_start3A_73 = tpu.memref_squeeze %dma_start3A_72 : memref<1x128xi32, #tpu.memory_space<vmem>> -> memref<128xi32, #tpu.memory_space<vmem>>
      %dma_start3A_74 = arith.constant 0 : i32
      %dma_start3A_75 = arith.constant 0 : i32
      %dma_start3A_76 = tpu.memref_slice %arg2[%dma_start3A_74, %dma_start3A_75] : memref<10240x128xf32, #tpu.memory_space<hbm>> -> memref<10240x128xf32, #tpu.memory_space<hbm>>
      tpu.enqueue_indirect_dma source(%dma_start3A_76 : memref<10240x128xf32, #tpu.memory_space<hbm>>) target(%arg9 : memref<128x128xf32, #tpu.memory_space<vmem>>) offsets(%dma_start3A_73 : memref<128xi32, #tpu.memory_space<vmem>>) semaphore(%arg11 : memref<!tpu.dma_semaphore, #tpu.memory_space<semaphore_mem>>)
      %scan3A_77 = arith.constant 0 : i32
      %scan3A_78 = arith.constant 16 : i32
      %scan3A_79 = arith.addi %scan3A_77, %scan3A_78 : i32
      %scan3A_80 = arith.constant 1 : i32
      scf.for %scan3A_82 = %scan3A_77 to %scan3A_79 step %scan3A_80  : i32 {
        %mul3A_83 = arith.constant 1 : i32
        %mul3A_84 = arith.muli %scan3A_82, %mul3A_83 : i32
        %add3A_85 = arith.constant 0 : i32
        %add3A_86 = arith.addi %add3A_85, %mul3A_84 : i32
        %mul3A_87 = arith.constant 2 : i32
        %mul3A_88 = arith.muli %mul3A_87, %add3A_86 : i32
        %add3A_89 = arith.constant 1 : i32
        %add3A_90 = arith.addi %mul3A_88, %add3A_89 : i32
        %dma_start3A_91 = arith.constant 0 : i32
        %dma_start3A_92 = tpu.memref_slice %arg7[%add3A_90, %dma_start3A_91] : memref<32x128xi32, #tpu.memory_space<vmem>> -> memref<1x128xi32, #tpu.memory_space<vmem>>
        %dma_start3A_93 = tpu.memref_squeeze %dma_start3A_92 : memref<1x128xi32, #tpu.memory_space<vmem>> -> memref<128xi32, #tpu.memory_space<vmem>>
        %dma_start3A_94 = arith.constant 0 : i32
        %dma_start3A_95 = arith.constant 0 : i32
        %dma_start3A_96 = tpu.memref_slice %arg2[%dma_start3A_94, %dma_start3A_95] : memref<10240x128xf32, #tpu.memory_space<hbm>> -> memref<10240x128xf32, #tpu.memory_space<hbm>>
        tpu.enqueue_indirect_dma source(%dma_start3A_96 : memref<10240x128xf32, #tpu.memory_space<hbm>>) target(%arg10 : memref<128x128xf32, #tpu.memory_space<vmem>>) offsets(%dma_start3A_93 : memref<128xi32, #tpu.memory_space<vmem>>) semaphore(%arg12 : memref<!tpu.dma_semaphore, #tpu.memory_space<semaphore_mem>>)
        %dma_wait3A = arith.constant 0 : i32
        %dma_wait3A_97 = tpu.memref_slice %arg7[%mul3A_88, %dma_wait3A] : memref<32x128xi32, #tpu.memory_space<vmem>> -> memref<1x128xi32, #tpu.memory_space<vmem>>
        %dma_wait3A_98 = tpu.memref_squeeze %dma_wait3A_97 : memref<1x128xi32, #tpu.memory_space<vmem>> -> memref<128xi32, #tpu.memory_space<vmem>>
        %dma_wait3A_99 = arith.constant 0 : i32
        %dma_wait3A_100 = arith.constant 0 : i32
        %dma_wait3A_101 = tpu.memref_slice %arg2[%dma_wait3A_99, %dma_wait3A_100] : memref<10240x128xf32, #tpu.memory_space<hbm>> -> memref<10240x128xf32, #tpu.memory_space<hbm>>
        tpu.wait_indirect_dma semaphore(%arg11 : memref<!tpu.dma_semaphore, #tpu.memory_space<semaphore_mem>>) src(%dma_wait3A_101 : memref<10240x128xf32, #tpu.memory_space<hbm>>) dst(%arg9 : memref<128x128xf32, #tpu.memory_space<vmem>>)
        "tpu.region"() ({
          %run_scoped3A = tpu.sem_alloc : memref<!tpu.dma_semaphore, #tpu.memory_space<semaphore_mem>>
          %dma_start3A_118 = arith.constant 0 : i32
          %dma_start3A_119 = tpu.memref_slice %arg8[%mul3A_88, %dma_start3A_118] : memref<32x128xi32, #tpu.memory_space<vmem>> -> memref<1x128xi32, #tpu.memory_space<vmem>>
          %dma_start3A_120 = tpu.memref_squeeze %dma_start3A_119 : memref<1x128xi32, #tpu.memory_space<vmem>> -> memref<128xi32, #tpu.memory_space<vmem>>
          %dma_start3A_121 = arith.constant 0 : i32
          %dma_start3A_122 = arith.constant 0 : i32
          %dma_start3A_123 = tpu.memref_slice %arg6[%dma_start3A_121, %dma_start3A_122] : memref<10240x128xf32, #tpu.memory_space<vmem_shared>> -> memref<10240x128xf32, #tpu.memory_space<vmem_shared>>
          tpu.enqueue_indirect_dma source(%arg9 : memref<128x128xf32, #tpu.memory_space<vmem>>) target(%dma_start3A_123 : memref<10240x128xf32, #tpu.memory_space<vmem_shared>>) offsets(%dma_start3A_120 : memref<128xi32, #tpu.memory_space<vmem>>) semaphore(%run_scoped3A : memref<!tpu.dma_semaphore, #tpu.memory_space<semaphore_mem>>) {add = true}
          %dma_wait3A_124 = arith.constant 0 : i32
          %dma_wait3A_125 = tpu.memref_slice %arg8[%mul3A_88, %dma_wait3A_124] : memref<32x128xi32, #tpu.memory_space<vmem>> -> memref<1x128xi32, #tpu.memory_space<vmem>>
          %dma_wait3A_126 = tpu.memref_squeeze %dma_wait3A_125 : memref<1x128xi32, #tpu.memory_space<vmem>> -> memref<128xi32, #tpu.memory_space<vmem>>
          %dma_wait3A_127 = arith.constant 0 : i32
          %dma_wait3A_128 = arith.constant 0 : i32
          %dma_wait3A_129 = tpu.memref_slice %arg6[%dma_wait3A_127, %dma_wait3A_128] : memref<10240x128xf32, #tpu.memory_space<vmem_shared>> -> memref<10240x128xf32, #tpu.memory_space<vmem_shared>>
          tpu.wait_indirect_dma semaphore(%run_scoped3A : memref<!tpu.dma_semaphore, #tpu.memory_space<semaphore_mem>>) src(%arg9 : memref<128x128xf32, #tpu.memory_space<vmem>>) dst(%dma_wait3A_129 : memref<10240x128xf32, #tpu.memory_space<vmem_shared>>)
          tpu.yield
        }) : () -> ()
        %add3A_102 = arith.constant 1 : i32
        %add3A_103 = arith.addi %add3A_86, %add3A_102 : i32
        %lt3A = arith.constant 16 : i32
        %lt3A_104 = arith.cmpi slt, %add3A_103, %lt3A : i32
        %convert_element_type3A_105 = arith.extui %lt3A_104 : i1 to i32
        %cond3A_106 = arith.constant 0 : i32
        %cond3A_107 = arith.cmpi ne, %convert_element_type3A_105, %cond3A_106 : i32
        scf.if %cond3A_107 {
          %add3A_118 = arith.constant 2 : i32
          %add3A_119 = arith.addi %mul3A_88, %add3A_118 : i32
          %dma_start3A_120 = arith.constant 0 : i32
          %dma_start3A_121 = tpu.memref_slice %arg7[%add3A_119, %dma_start3A_120] : memref<32x128xi32, #tpu.memory_space<vmem>> -> memref<1x128xi32, #tpu.memory_space<vmem>>
          %dma_start3A_122 = tpu.memref_squeeze %dma_start3A_121 : memref<1x128xi32, #tpu.memory_space<vmem>> -> memref<128xi32, #tpu.memory_space<vmem>>
          %dma_start3A_123 = arith.constant 0 : i32
          %dma_start3A_124 = arith.constant 0 : i32
          %dma_start3A_125 = tpu.memref_slice %arg2[%dma_start3A_123, %dma_start3A_124] : memref<10240x128xf32, #tpu.memory_space<hbm>> -> memref<10240x128xf32, #tpu.memory_space<hbm>>
          tpu.enqueue_indirect_dma source(%dma_start3A_125 : memref<10240x128xf32, #tpu.memory_space<hbm>>) target(%arg9 : memref<128x128xf32, #tpu.memory_space<vmem>>) offsets(%dma_start3A_122 : memref<128xi32, #tpu.memory_space<vmem>>) semaphore(%arg11 : memref<!tpu.dma_semaphore, #tpu.memory_space<semaphore_mem>>)
        } else {
        }
        %add3A_108 = arith.constant 1 : i32
        %add3A_109 = arith.addi %mul3A_88, %add3A_108 : i32
        %dma_wait3A_110 = arith.constant 0 : i32
        %dma_wait3A_111 = tpu.memref_slice %arg7[%add3A_109, %dma_wait3A_110] : memref<32x128xi32, #tpu.memory_space<vmem>> -> memref<1x128xi32, #tpu.memory_space<vmem>>
        %dma_wait3A_112 = tpu.memref_squeeze %dma_wait3A_111 : memref<1x128xi32, #tpu.memory_space<vmem>> -> memref<128xi32, #tpu.memory_space<vmem>>
        %dma_wait3A_113 = arith.constant 0 : i32
        %dma_wait3A_114 = arith.constant 0 : i32
        %dma_wait3A_115 = tpu.memref_slice %arg2[%dma_wait3A_113, %dma_wait3A_114] : memref<10240x128xf32, #tpu.memory_space<hbm>> -> memref<10240x128xf32, #tpu.memory_space<hbm>>
        tpu.wait_indirect_dma semaphore(%arg12 : memref<!tpu.dma_semaphore, #tpu.memory_space<semaphore_mem>>) src(%dma_wait3A_115 : memref<10240x128xf32, #tpu.memory_space<hbm>>) dst(%arg10 : memref<128x128xf32, #tpu.memory_space<vmem>>)
        %add3A_116 = arith.constant 1 : i32
        %add3A_117 = arith.addi %mul3A_88, %add3A_116 : i32
        "tpu.region"() ({
          %run_scoped3A = tpu.sem_alloc : memref<!tpu.dma_semaphore, #tpu.memory_space<semaphore_mem>>
          %dma_start3A_118 = arith.constant 0 : i32
          %dma_start3A_119 = tpu.memref_slice %arg8[%add3A_117, %dma_start3A_118] : memref<32x128xi32, #tpu.memory_space<vmem>> -> memref<1x128xi32, #tpu.memory_space<vmem>>
          %dma_start3A_120 = tpu.memref_squeeze %dma_start3A_119 : memref<1x128xi32, #tpu.memory_space<vmem>> -> memref<128xi32, #tpu.memory_space<vmem>>
          %dma_start3A_121 = arith.constant 0 : i32
          %dma_start3A_122 = arith.constant 0 : i32
          %dma_start3A_123 = tpu.memref_slice %arg6[%dma_start3A_121, %dma_start3A_122] : memref<10240x128xf32, #tpu.memory_space<vmem_shared>> -> memref<10240x128xf32, #tpu.memory_space<vmem_shared>>
          tpu.enqueue_indirect_dma source(%arg10 : memref<128x128xf32, #tpu.memory_space<vmem>>) target(%dma_start3A_123 : memref<10240x128xf32, #tpu.memory_space<vmem_shared>>) offsets(%dma_start3A_120 : memref<128xi32, #tpu.memory_space<vmem>>) semaphore(%run_scoped3A : memref<!tpu.dma_semaphore, #tpu.memory_space<semaphore_mem>>) {add = true}
          %dma_wait3A_124 = arith.constant 0 : i32
          %dma_wait3A_125 = tpu.memref_slice %arg8[%add3A_117, %dma_wait3A_124] : memref<32x128xi32, #tpu.memory_space<vmem>> -> memref<1x128xi32, #tpu.memory_space<vmem>>
          %dma_wait3A_126 = tpu.memref_squeeze %dma_wait3A_125 : memref<1x128xi32, #tpu.memory_space<vmem>> -> memref<128xi32, #tpu.memory_space<vmem>>
          %dma_wait3A_127 = arith.constant 0 : i32
          %dma_wait3A_128 = arith.constant 0 : i32
          %dma_wait3A_129 = tpu.memref_slice %arg6[%dma_wait3A_127, %dma_wait3A_128] : memref<10240x128xf32, #tpu.memory_space<vmem_shared>> -> memref<10240x128xf32, #tpu.memory_space<vmem_shared>>
          tpu.wait_indirect_dma semaphore(%run_scoped3A : memref<!tpu.dma_semaphore, #tpu.memory_space<semaphore_mem>>) src(%arg10 : memref<128x128xf32, #tpu.memory_space<vmem>>) dst(%dma_wait3A_129 : memref<10240x128xf32, #tpu.memory_space<vmem_shared>>)
          tpu.yield
        }) : () -> ()
      }
      %scan3A_81 = arith.constant 16 : i32
    } else {
    }
    %ne3A = arith.constant 0 : i32
    %ne3A_11 = arith.cmpi ne, %arg0, %ne3A : i32
    %convert_element_type3A_12 = arith.extui %ne3A_11 : i1 to i32
    %cond3A_13 = arith.constant 0 : i32
    %cond3A_14 = arith.cmpi ne, %convert_element_type3A_12, %cond3A_13 : i32
    scf.if %cond3A_14 {
      %mul3A = arith.constant 32 : i32
      %mul3A_21 = arith.muli %arg1, %mul3A : i32
      %add3A = arith.constant 2048 : i32
      %add3A_22 = arith.addi %add3A, %mul3A_21 : i32
      %add3A_23 = arith.constant 0 : i32
      %add3A_24 = arith.addi %add3A_22, %add3A_23 : i32
      "tpu.region"() ({
        %run_scoped3A = tpu.sem_alloc : memref<!tpu.dma_semaphore, #tpu.memory_space<semaphore_mem>>
        %dma_start3A_36 = arith.constant 0 : i32
        %dma_start3A_37 = tpu.memref_slice %arg3[%add3A_24, %dma_start3A_36] : memref<2560x128xi32, #tpu.memory_space<hbm>> -> memref<32x128xi32, #tpu.memory_space<hbm>>
        %dma_start3A_38 = arith.constant 0 : i32
        %dma_start3A_39 = tpu.memref_slice %arg3[%add3A_24, %dma_start3A_38] : memref<2560x128xi32, #tpu.memory_space<hbm>> -> memref<32x128xi32, #tpu.memory_space<hbm>>
        tpu.enqueue_dma source(%dma_start3A_39 : memref<32x128xi32, #tpu.memory_space<hbm>>) target(%arg7 : memref<32x128xi32, #tpu.memory_space<vmem>>) target_semaphore(%run_scoped3A : memref<!tpu.dma_semaphore, #tpu.memory_space<semaphore_mem>>)
        %dma_wait3A = arith.constant 0 : i32
        %dma_wait3A_40 = tpu.memref_slice %arg3[%add3A_24, %dma_wait3A] : memref<2560x128xi32, #tpu.memory_space<hbm>> -> memref<32x128xi32, #tpu.memory_space<hbm>>
        %dma_wait3A_41 = arith.constant 0 : i32
        %dma_wait3A_42 = tpu.memref_slice %arg3[%add3A_24, %dma_wait3A_41] : memref<2560x128xi32, #tpu.memory_space<hbm>> -> memref<32x128xi32, #tpu.memory_space<hbm>>
        tpu.wait_dma2 semaphore(%run_scoped3A : memref<!tpu.dma_semaphore, #tpu.memory_space<semaphore_mem>>) src(%dma_wait3A_42 : memref<32x128xi32, #tpu.memory_space<hbm>>) dst(%arg7 : memref<32x128xi32, #tpu.memory_space<vmem>>)
        tpu.yield
      }) : () -> ()
      "tpu.region"() ({
        %run_scoped3A = tpu.sem_alloc : memref<!tpu.dma_semaphore, #tpu.memory_space<semaphore_mem>>
        %dma_start3A_36 = arith.constant 0 : i32
        %dma_start3A_37 = tpu.memref_slice %arg4[%add3A_24, %dma_start3A_36] : memref<2560x128xi32, #tpu.memory_space<hbm>> -> memref<32x128xi32, #tpu.memory_space<hbm>>
        %dma_start3A_38 = arith.constant 0 : i32
        %dma_start3A_39 = tpu.memref_slice %arg4[%add3A_24, %dma_start3A_38] : memref<2560x128xi32, #tpu.memory_space<hbm>> -> memref<32x128xi32, #tpu.memory_space<hbm>>
        tpu.enqueue_dma source(%dma_start3A_39 : memref<32x128xi32, #tpu.memory_space<hbm>>) target(%arg8 : memref<32x128xi32, #tpu.memory_space<vmem>>) target_semaphore(%run_scoped3A : memref<!tpu.dma_semaphore, #tpu.memory_space<semaphore_mem>>)
        %dma_wait3A = arith.constant 0 : i32
        %dma_wait3A_40 = tpu.memref_slice %arg4[%add3A_24, %dma_wait3A] : memref<2560x128xi32, #tpu.memory_space<hbm>> -> memref<32x128xi32, #tpu.memory_space<hbm>>
        %dma_wait3A_41 = arith.constant 0 : i32
        %dma_wait3A_42 = tpu.memref_slice %arg4[%add3A_24, %dma_wait3A_41] : memref<2560x128xi32, #tpu.memory_space<hbm>> -> memref<32x128xi32, #tpu.memory_space<hbm>>
        tpu.wait_dma2 semaphore(%run_scoped3A : memref<!tpu.dma_semaphore, #tpu.memory_space<semaphore_mem>>) src(%dma_wait3A_42 : memref<32x128xi32, #tpu.memory_space<hbm>>) dst(%arg8 : memref<32x128xi32, #tpu.memory_space<vmem>>)
        tpu.yield
      }) : () -> ()
      %dma_start3A = arith.constant 0 : i32
      %dma_start3A_25 = arith.constant 0 : i32
      %dma_start3A_26 = tpu.memref_slice %arg7[%dma_start3A, %dma_start3A_25] : memref<32x128xi32, #tpu.memory_space<vmem>> -> memref<1x128xi32, #tpu.memory_space<vmem>>
      %dma_start3A_27 = tpu.memref_squeeze %dma_start3A_26 : memref<1x128xi32, #tpu.memory_space<vmem>> -> memref<128xi32, #tpu.memory_space<vmem>>
      %dma_start3A_28 = arith.constant 0 : i32
      %dma_start3A_29 = arith.constant 0 : i32
      %dma_start3A_30 = tpu.memref_slice %arg2[%dma_start3A_28, %dma_start3A_29] : memref<10240x128xf32, #tpu.memory_space<hbm>> -> memref<10240x128xf32, #tpu.memory_space<hbm>>
      tpu.enqueue_indirect_dma source(%dma_start3A_30 : memref<10240x128xf32, #tpu.memory_space<hbm>>) target(%arg9 : memref<128x128xf32, #tpu.memory_space<vmem>>) offsets(%dma_start3A_27 : memref<128xi32, #tpu.memory_space<vmem>>) semaphore(%arg11 : memref<!tpu.dma_semaphore, #tpu.memory_space<semaphore_mem>>)
      %scan3A_31 = arith.constant 0 : i32
      %scan3A_32 = arith.constant 16 : i32
      %scan3A_33 = arith.addi %scan3A_31, %scan3A_32 : i32
      %scan3A_34 = arith.constant 1 : i32
      scf.for %scan3A_36 = %scan3A_31 to %scan3A_33 step %scan3A_34  : i32 {
        %mul3A_37 = arith.constant 1 : i32
        %mul3A_38 = arith.muli %scan3A_36, %mul3A_37 : i32
        %add3A_39 = arith.constant 0 : i32
        %add3A_40 = arith.addi %add3A_39, %mul3A_38 : i32
        %mul3A_41 = arith.constant 2 : i32
        %mul3A_42 = arith.muli %mul3A_41, %add3A_40 : i32
        %add3A_43 = arith.constant 1 : i32
        %add3A_44 = arith.addi %mul3A_42, %add3A_43 : i32
        %dma_start3A_45 = arith.constant 0 : i32
        %dma_start3A_46 = tpu.memref_slice %arg7[%add3A_44, %dma_start3A_45] : memref<32x128xi32, #tpu.memory_space<vmem>> -> memref<1x128xi32, #tpu.memory_space<vmem>>
        %dma_start3A_47 = tpu.memref_squeeze %dma_start3A_46 : memref<1x128xi32, #tpu.memory_space<vmem>> -> memref<128xi32, #tpu.memory_space<vmem>>
        %dma_start3A_48 = arith.constant 0 : i32
        %dma_start3A_49 = arith.constant 0 : i32
        %dma_start3A_50 = tpu.memref_slice %arg2[%dma_start3A_48, %dma_start3A_49] : memref<10240x128xf32, #tpu.memory_space<hbm>> -> memref<10240x128xf32, #tpu.memory_space<hbm>>
        tpu.enqueue_indirect_dma source(%dma_start3A_50 : memref<10240x128xf32, #tpu.memory_space<hbm>>) target(%arg10 : memref<128x128xf32, #tpu.memory_space<vmem>>) offsets(%dma_start3A_47 : memref<128xi32, #tpu.memory_space<vmem>>) semaphore(%arg12 : memref<!tpu.dma_semaphore, #tpu.memory_space<semaphore_mem>>)
        %dma_wait3A = arith.constant 0 : i32
        %dma_wait3A_51 = tpu.memref_slice %arg7[%mul3A_42, %dma_wait3A] : memref<32x128xi32, #tpu.memory_space<vmem>> -> memref<1x128xi32, #tpu.memory_space<vmem>>
        %dma_wait3A_52 = tpu.memref_squeeze %dma_wait3A_51 : memref<1x128xi32, #tpu.memory_space<vmem>> -> memref<128xi32, #tpu.memory_space<vmem>>
        %dma_wait3A_53 = arith.constant 0 : i32
        %dma_wait3A_54 = arith.constant 0 : i32
        %dma_wait3A_55 = tpu.memref_slice %arg2[%dma_wait3A_53, %dma_wait3A_54] : memref<10240x128xf32, #tpu.memory_space<hbm>> -> memref<10240x128xf32, #tpu.memory_space<hbm>>
        tpu.wait_indirect_dma semaphore(%arg11 : memref<!tpu.dma_semaphore, #tpu.memory_space<semaphore_mem>>) src(%dma_wait3A_55 : memref<10240x128xf32, #tpu.memory_space<hbm>>) dst(%arg9 : memref<128x128xf32, #tpu.memory_space<vmem>>)
        "tpu.region"() ({
          %run_scoped3A = tpu.sem_alloc : memref<!tpu.dma_semaphore, #tpu.memory_space<semaphore_mem>>
          %dma_start3A_72 = arith.constant 0 : i32
          %dma_start3A_73 = tpu.memref_slice %arg8[%mul3A_42, %dma_start3A_72] : memref<32x128xi32, #tpu.memory_space<vmem>> -> memref<1x128xi32, #tpu.memory_space<vmem>>
          %dma_start3A_74 = tpu.memref_squeeze %dma_start3A_73 : memref<1x128xi32, #tpu.memory_space<vmem>> -> memref<128xi32, #tpu.memory_space<vmem>>
          %dma_start3A_75 = arith.constant 0 : i32
          %dma_start3A_76 = arith.constant 0 : i32
          %dma_start3A_77 = tpu.memref_slice %arg6[%dma_start3A_75, %dma_start3A_76] : memref<10240x128xf32, #tpu.memory_space<vmem_shared>> -> memref<10240x128xf32, #tpu.memory_space<vmem_shared>>
          tpu.enqueue_indirect_dma source(%arg9 : memref<128x128xf32, #tpu.memory_space<vmem>>) target(%dma_start3A_77 : memref<10240x128xf32, #tpu.memory_space<vmem_shared>>) offsets(%dma_start3A_74 : memref<128xi32, #tpu.memory_space<vmem>>) semaphore(%run_scoped3A : memref<!tpu.dma_semaphore, #tpu.memory_space<semaphore_mem>>) {add = true}
          %dma_wait3A_78 = arith.constant 0 : i32
          %dma_wait3A_79 = tpu.memref_slice %arg8[%mul3A_42, %dma_wait3A_78] : memref<32x128xi32, #tpu.memory_space<vmem>> -> memref<1x128xi32, #tpu.memory_space<vmem>>
          %dma_wait3A_80 = tpu.memref_squeeze %dma_wait3A_79 : memref<1x128xi32, #tpu.memory_space<vmem>> -> memref<128xi32, #tpu.memory_space<vmem>>
          %dma_wait3A_81 = arith.constant 0 : i32
          %dma_wait3A_82 = arith.constant 0 : i32
          %dma_wait3A_83 = tpu.memref_slice %arg6[%dma_wait3A_81, %dma_wait3A_82] : memref<10240x128xf32, #tpu.memory_space<vmem_shared>> -> memref<10240x128xf32, #tpu.memory_space<vmem_shared>>
          tpu.wait_indirect_dma semaphore(%run_scoped3A : memref<!tpu.dma_semaphore, #tpu.memory_space<semaphore_mem>>) src(%arg9 : memref<128x128xf32, #tpu.memory_space<vmem>>) dst(%dma_wait3A_83 : memref<10240x128xf32, #tpu.memory_space<vmem_shared>>)
          tpu.yield
        }) : () -> ()
        %add3A_56 = arith.constant 1 : i32
        %add3A_57 = arith.addi %add3A_40, %add3A_56 : i32
        %lt3A = arith.constant 16 : i32
        %lt3A_58 = arith.cmpi slt, %add3A_57, %lt3A : i32
        %convert_element_type3A_59 = arith.extui %lt3A_58 : i1 to i32
        %cond3A_60 = arith.constant 0 : i32
        %cond3A_61 = arith.cmpi ne, %convert_element_type3A_59, %cond3A_60 : i32
        scf.if %cond3A_61 {
          %add3A_72 = arith.constant 2 : i32
          %add3A_73 = arith.addi %mul3A_42, %add3A_72 : i32
          %dma_start3A_74 = arith.constant 0 : i32
          %dma_start3A_75 = tpu.memref_slice %arg7[%add3A_73, %dma_start3A_74] : memref<32x128xi32, #tpu.memory_space<vmem>> -> memref<1x128xi32, #tpu.memory_space<vmem>>
          %dma_start3A_76 = tpu.memref_squeeze %dma_start3A_75 : memref<1x128xi32, #tpu.memory_space<vmem>> -> memref<128xi32, #tpu.memory_space<vmem>>
          %dma_start3A_77 = arith.constant 0 : i32
          %dma_start3A_78 = arith.constant 0 : i32
          %dma_start3A_79 = tpu.memref_slice %arg2[%dma_start3A_77, %dma_start3A_78] : memref<10240x128xf32, #tpu.memory_space<hbm>> -> memref<10240x128xf32, #tpu.memory_space<hbm>>
          tpu.enqueue_indirect_dma source(%dma_start3A_79 : memref<10240x128xf32, #tpu.memory_space<hbm>>) target(%arg9 : memref<128x128xf32, #tpu.memory_space<vmem>>) offsets(%dma_start3A_76 : memref<128xi32, #tpu.memory_space<vmem>>) semaphore(%arg11 : memref<!tpu.dma_semaphore, #tpu.memory_space<semaphore_mem>>)
        } else {
        }
        %add3A_62 = arith.constant 1 : i32
        %add3A_63 = arith.addi %mul3A_42, %add3A_62 : i32
        %dma_wait3A_64 = arith.constant 0 : i32
        %dma_wait3A_65 = tpu.memref_slice %arg7[%add3A_63, %dma_wait3A_64] : memref<32x128xi32, #tpu.memory_space<vmem>> -> memref<1x128xi32, #tpu.memory_space<vmem>>
        %dma_wait3A_66 = tpu.memref_squeeze %dma_wait3A_65 : memref<1x128xi32, #tpu.memory_space<vmem>> -> memref<128xi32, #tpu.memory_space<vmem>>
        %dma_wait3A_67 = arith.constant 0 : i32
        %dma_wait3A_68 = arith.constant 0 : i32
        %dma_wait3A_69 = tpu.memref_slice %arg2[%dma_wait3A_67, %dma_wait3A_68] : memref<10240x128xf32, #tpu.memory_space<hbm>> -> memref<10240x128xf32, #tpu.memory_space<hbm>>
        tpu.wait_indirect_dma semaphore(%arg12 : memref<!tpu.dma_semaphore, #tpu.memory_space<semaphore_mem>>) src(%dma_wait3A_69 : memref<10240x128xf32, #tpu.memory_space<hbm>>) dst(%arg10 : memref<128x128xf32, #tpu.memory_space<vmem>>)
        %add3A_70 = arith.constant 1 : i32
        %add3A_71 = arith.addi %mul3A_42, %add3A_70 : i32
        "tpu.region"() ({
          %run_scoped3A = tpu.sem_alloc : memref<!tpu.dma_semaphore, #tpu.memory_space<semaphore_mem>>
          %dma_start3A_72 = arith.constant 0 : i32
          %dma_start3A_73 = tpu.memref_slice %arg8[%add3A_71, %dma_start3A_72] : memref<32x128xi32, #tpu.memory_space<vmem>> -> memref<1x128xi32, #tpu.memory_space<vmem>>
          %dma_start3A_74 = tpu.memref_squeeze %dma_start3A_73 : memref<1x128xi32, #tpu.memory_space<vmem>> -> memref<128xi32, #tpu.memory_space<vmem>>
          %dma_start3A_75 = arith.constant 0 : i32
          %dma_start3A_76 = arith.constant 0 : i32
          %dma_start3A_77 = tpu.memref_slice %arg6[%dma_start3A_75, %dma_start3A_76] : memref<10240x128xf32, #tpu.memory_space<vmem_shared>> -> memref<10240x128xf32, #tpu.memory_space<vmem_shared>>
          tpu.enqueue_indirect_dma source(%arg10 : memref<128x128xf32, #tpu.memory_space<vmem>>) target(%dma_start3A_77 : memref<10240x128xf32, #tpu.memory_space<vmem_shared>>) offsets(%dma_start3A_74 : memref<128xi32, #tpu.memory_space<vmem>>) semaphore(%run_scoped3A : memref<!tpu.dma_semaphore, #tpu.memory_space<semaphore_mem>>) {add = true}
          %dma_wait3A_78 = arith.constant 0 : i32
          %dma_wait3A_79 = tpu.memref_slice %arg8[%add3A_71, %dma_wait3A_78] : memref<32x128xi32, #tpu.memory_space<vmem>> -> memref<1x128xi32, #tpu.memory_space<vmem>>
          %dma_wait3A_80 = tpu.memref_squeeze %dma_wait3A_79 : memref<1x128xi32, #tpu.memory_space<vmem>> -> memref<128xi32, #tpu.memory_space<vmem>>
          %dma_wait3A_81 = arith.constant 0 : i32
          %dma_wait3A_82 = arith.constant 0 : i32
          %dma_wait3A_83 = tpu.memref_slice %arg6[%dma_wait3A_81, %dma_wait3A_82] : memref<10240x128xf32, #tpu.memory_space<vmem_shared>> -> memref<10240x128xf32, #tpu.memory_space<vmem_shared>>
          tpu.wait_indirect_dma semaphore(%run_scoped3A : memref<!tpu.dma_semaphore, #tpu.memory_space<semaphore_mem>>) src(%arg10 : memref<128x128xf32, #tpu.memory_space<vmem>>) dst(%dma_wait3A_83 : memref<10240x128xf32, #tpu.memory_space<vmem_shared>>)
          tpu.yield
        }) : () -> ()
      }
      %scan3A_35 = arith.constant 16 : i32
    } else {
    }
    %barrier3A_15 = arith.constant 0 : index
    tpu.barrier barrier_id(%barrier3A_15)
    %scan3A_16 = arith.constant 0 : i32
    %scan3A_17 = arith.constant 5 : i32
    %scan3A_18 = arith.addi %scan3A_16, %scan3A_17 : i32
    %scan3A_19 = arith.constant 1 : i32
    scf.for %scan3A_21 = %scan3A_16 to %scan3A_18 step %scan3A_19  : i32 {
      %mul3A = arith.constant 1 : i32
      %mul3A_22 = arith.muli %scan3A_21, %mul3A : i32
      %add3A = arith.constant 0 : i32
      %add3A_23 = arith.addi %add3A, %mul3A_22 : i32
      %mul3A_24 = arith.constant 640 : i32
      %mul3A_25 = arith.muli %arg1, %mul3A_24 : i32
      %mul3A_26 = arith.constant 128 : i32
      %mul3A_27 = arith.muli %add3A_23, %mul3A_26 : i32
      %add3A_28 = arith.addi %mul3A_25, %mul3A_27 : i32
      "tpu.region"() ({
        %run_scoped3A = tpu.sem_alloc : memref<!tpu.dma_semaphore, #tpu.memory_space<semaphore_mem>>
        %dma_start3A = arith.constant 0 : i32
        %dma_start3A_29 = tpu.memref_slice %arg5[%arg0, %add3A_28, %dma_start3A] : memref<2x10240x128xf32, #tpu.memory_space<hbm>> -> memref<1x128x128xf32, #tpu.memory_space<hbm>>
        %dma_start3A_30 = tpu.memref_squeeze %dma_start3A_29 : memref<1x128x128xf32, #tpu.memory_space<hbm>> -> memref<128x128xf32, #tpu.memory_space<hbm>>
        %dma_start3A_31 = arith.constant 0 : i32
        %dma_start3A_32 = tpu.memref_slice %arg6[%add3A_28, %dma_start3A_31] : memref<10240x128xf32, #tpu.memory_space<vmem_shared>> -> memref<128x128xf32, #tpu.memory_space<vmem_shared>>
        tpu.enqueue_dma source(%dma_start3A_32 : memref<128x128xf32, #tpu.memory_space<vmem_shared>>) target(%dma_start3A_30 : memref<128x128xf32, #tpu.memory_space<hbm>>) target_semaphore(%run_scoped3A : memref<!tpu.dma_semaphore, #tpu.memory_space<semaphore_mem>>)
        %dma_wait3A = arith.constant 0 : i32
        %dma_wait3A_33 = tpu.memref_slice %arg5[%arg0, %add3A_28, %dma_wait3A] : memref<2x10240x128xf32, #tpu.memory_space<hbm>> -> memref<1x128x128xf32, #tpu.memory_space<hbm>>
        %dma_wait3A_34 = tpu.memref_squeeze %dma_wait3A_33 : memref<1x128x128xf32, #tpu.memory_space<hbm>> -> memref<128x128xf32, #tpu.memory_space<hbm>>
        %dma_wait3A_35 = arith.constant 0 : i32
        %dma_wait3A_36 = tpu.memref_slice %arg6[%add3A_28, %dma_wait3A_35] : memref<10240x128xf32, #tpu.memory_space<vmem_shared>> -> memref<128x128xf32, #tpu.memory_space<vmem_shared>>
        tpu.wait_dma2 semaphore(%run_scoped3A : memref<!tpu.dma_semaphore, #tpu.memory_space<semaphore_mem>>) src(%dma_wait3A_36 : memref<128x128xf32, #tpu.memory_space<vmem_shared>>) dst(%dma_wait3A_34 : memref<128x128xf32, #tpu.memory_space<hbm>>)
        tpu.yield
      }) : () -> ()
    }
    %scan3A_20 = arith.constant 5 : i32
    return
  }
}

#map = affine_map<(d0, d1) -> (0, 0)>
#map1 = affine_map<(d0, d1) -> (0)>
module attributes {stable_mosaic.version = 14 : i64} {
  func.func @k(%arg0: i32, %arg1: i32, %arg2: memref<100000x128xf32, #tpu.memory_space<hbm>>, %arg3: memref<10240xi32, #tpu.memory_space<hbm>>, %arg4: memref<2560x128xi32, #tpu.memory_space<hbm>>, %arg5: memref<10240x128xf32, #tpu.memory_space<hbm>>, %arg6: memref<32x10240xf32, #tpu.memory_space<hbm>>, %arg7: memref<10240xf32, #tpu.memory_space<vmem>>, %arg8: memref<320xi32, #tpu.memory_space<vmem>>, %arg9: memref<64x128xf32, #tpu.memory_space<vmem>>, %arg10: memref<80x128xi32, #tpu.memory_space<vmem>>, %arg11: memref<!tpu.dma_semaphore, #tpu.memory_space<semaphore_mem>>) attributes {dimension_semantics = [#tpu.dimension_semantics<core_parallel>, #tpu.dimension_semantics<subcore_parallel>], iteration_bounds = array<i64: 2, 16>, scalar_prefetch = 0 : i64, scratch_operands = 5 : i64, tpu.core_type = #tpu.core_type<sc_vector_subcore>, window_params = [{transform_indices = #map}, {transform_indices = #map1}, {transform_indices = #map}, {transform_indices = #map}, {transform_indices = #map}]} {
    %mul3A = arith.constant 16 : i32
    %mul3A_0 = arith.muli %arg0, %mul3A : i32
    %add3A = arith.addi %mul3A_0, %arg1 : i32
    %scan3A = arith.constant 0 : i32
    %scan3A_1 = arith.constant 640 : i32
    %scan3A_2 = arith.addi %scan3A, %scan3A_1 : i32
    %scan3A_3 = arith.constant 1 : i32
    scf.for %scan3A_23 = %scan3A to %scan3A_2 step %scan3A_3  : i32 {
      %mul3A_24 = arith.constant 1 : i32
      %mul3A_25 = arith.muli %scan3A_23, %mul3A_24 : i32
      %add3A_26 = arith.constant 0 : i32
      %add3A_27 = arith.addi %add3A_26, %mul3A_25 : i32
      %broadcast_in_dim3A_28 = arith.constant 0.000000e+00 : f32
      %broadcast_in_dim3A_29 = vector.broadcast %broadcast_in_dim3A_28 : f32 to vector<16xf32>
      %mul3A_30 = arith.constant 16 : i32
      %mul3A_31 = arith.muli %add3A_27, %mul3A_30 : i32
      %swap3A = arith.index_cast %mul3A_31 : i32 to index
      %swap3A_32 = tpu.vector_load %arg7[%swap3A] {strides = array<i32>} : memref<10240xf32, #tpu.memory_space<vmem>>, vector<16xf32>,
      tpu.vector_store %arg7[%swap3A], %broadcast_in_dim3A_29 {strides = array<i32>} : memref<10240xf32, #tpu.memory_space<vmem>>, vector<16xf32>,
    }
    %scan3A_4 = arith.constant 640 : i32
    %mul3A_5 = arith.constant 320 : i32
    %mul3A_6 = arith.muli %add3A, %mul3A_5 : i32
    "tpu.region"() ({
      %run_scoped3A = tpu.sem_alloc : memref<!tpu.dma_semaphore, #tpu.memory_space<semaphore_mem>>
      %dma_start3A = tpu.memref_slice %arg3[%mul3A_6] : memref<10240xi32, #tpu.memory_space<hbm>> -> memref<320xi32, #tpu.memory_space<hbm>>
      %dma_start3A_23 = tpu.memref_slice %arg3[%mul3A_6] : memref<10240xi32, #tpu.memory_space<hbm>> -> memref<320xi32, #tpu.memory_space<hbm>>
      tpu.enqueue_dma source(%dma_start3A_23 : memref<320xi32, #tpu.memory_space<hbm>>) target(%arg8 : memref<320xi32, #tpu.memory_space<vmem>>) target_semaphore(%run_scoped3A : memref<!tpu.dma_semaphore, #tpu.memory_space<semaphore_mem>>)
      %dma_wait3A = tpu.memref_slice %arg3[%mul3A_6] : memref<10240xi32, #tpu.memory_space<hbm>> -> memref<320xi32, #tpu.memory_space<hbm>>
      %dma_wait3A_24 = tpu.memref_slice %arg3[%mul3A_6] : memref<10240xi32, #tpu.memory_space<hbm>> -> memref<320xi32, #tpu.memory_space<hbm>>
      tpu.wait_dma2 semaphore(%run_scoped3A : memref<!tpu.dma_semaphore, #tpu.memory_space<semaphore_mem>>) src(%dma_wait3A_24 : memref<320xi32, #tpu.memory_space<hbm>>) dst(%arg8 : memref<320xi32, #tpu.memory_space<vmem>>)
      tpu.yield
    }) : () -> ()
    %scan3A_7 = arith.constant 0 : i32
    %scan3A_8 = arith.constant 5 : i32
    %scan3A_9 = arith.addi %scan3A_7, %scan3A_8 : i32
    %scan3A_10 = arith.constant 1 : i32
    scf.for %scan3A_23 = %scan3A_7 to %scan3A_9 step %scan3A_10  : i32 {
      %mul3A_24 = arith.constant 1 : i32
      %mul3A_25 = arith.muli %scan3A_23, %mul3A_24 : i32
      %add3A_26 = arith.constant 0 : i32
      %add3A_27 = arith.addi %add3A_26, %mul3A_25 : i32
      %mul3A_28 = arith.constant 320 : i32
      %mul3A_29 = arith.muli %add3A, %mul3A_28 : i32
      %mul3A_30 = arith.constant 64 : i32
      %mul3A_31 = arith.muli %add3A_27, %mul3A_30 : i32
      %add3A_32 = arith.addi %mul3A_29, %mul3A_31 : i32
      %mul3A_33 = arith.constant 64 : i32
      %mul3A_34 = arith.muli %add3A_27, %mul3A_33 : i32
      %dma_start3A = tpu.memref_slice %arg8[%mul3A_34] : memref<320xi32, #tpu.memory_space<vmem>> -> memref<64xi32, #tpu.memory_space<vmem>>
      %dma_start3A_35 = arith.constant 0 : i32
      %dma_start3A_36 = arith.constant 0 : i32
      %dma_start3A_37 = tpu.memref_slice %arg2[%dma_start3A_35, %dma_start3A_36] : memref<100000x128xf32, #tpu.memory_space<hbm>> -> memref<100000x128xf32, #tpu.memory_space<hbm>>
      tpu.enqueue_indirect_dma source(%dma_start3A_37 : memref<100000x128xf32, #tpu.memory_space<hbm>>) target(%arg9 : memref<64x128xf32, #tpu.memory_space<vmem>>) offsets(%dma_start3A : memref<64xi32, #tpu.memory_space<vmem>>) semaphore(%arg11 : memref<!tpu.dma_semaphore, #tpu.memory_space<semaphore_mem>>)
      %dma_wait3A = tpu.memref_slice %arg8[%mul3A_34] : memref<320xi32, #tpu.memory_space<vmem>> -> memref<64xi32, #tpu.memory_space<vmem>>
      %dma_wait3A_38 = arith.constant 0 : i32
      %dma_wait3A_39 = arith.constant 0 : i32
      %dma_wait3A_40 = tpu.memref_slice %arg2[%dma_wait3A_38, %dma_wait3A_39] : memref<100000x128xf32, #tpu.memory_space<hbm>> -> memref<100000x128xf32, #tpu.memory_space<hbm>>
      tpu.wait_indirect_dma semaphore(%arg11 : memref<!tpu.dma_semaphore, #tpu.memory_space<semaphore_mem>>) src(%dma_wait3A_40 : memref<100000x128xf32, #tpu.memory_space<hbm>>) dst(%arg9 : memref<64x128xf32, #tpu.memory_space<vmem>>)
      "tpu.region"() ({
        %run_scoped3A = tpu.sem_alloc : memref<!tpu.dma_semaphore, #tpu.memory_space<semaphore_mem>>
        %dma_start3A_41 = arith.constant 0 : i32
        %dma_start3A_42 = tpu.memref_slice %arg5[%add3A_32, %dma_start3A_41] : memref<10240x128xf32, #tpu.memory_space<hbm>> -> memref<64x128xf32, #tpu.memory_space<hbm>>
        %dma_start3A_43 = arith.constant 0 : i32
        %dma_start3A_44 = tpu.memref_slice %arg5[%add3A_32, %dma_start3A_43] : memref<10240x128xf32, #tpu.memory_space<hbm>> -> memref<64x128xf32, #tpu.memory_space<hbm>>
        tpu.enqueue_dma source(%arg9 : memref<64x128xf32, #tpu.memory_space<vmem>>) target(%dma_start3A_44 : memref<64x128xf32, #tpu.memory_space<hbm>>) target_semaphore(%run_scoped3A : memref<!tpu.dma_semaphore, #tpu.memory_space<semaphore_mem>>)
        %dma_wait3A_45 = arith.constant 0 : i32
        %dma_wait3A_46 = tpu.memref_slice %arg5[%add3A_32, %dma_wait3A_45] : memref<10240x128xf32, #tpu.memory_space<hbm>> -> memref<64x128xf32, #tpu.memory_space<hbm>>
        %dma_wait3A_47 = arith.constant 0 : i32
        %dma_wait3A_48 = tpu.memref_slice %arg5[%add3A_32, %dma_wait3A_47] : memref<10240x128xf32, #tpu.memory_space<hbm>> -> memref<64x128xf32, #tpu.memory_space<hbm>>
        tpu.wait_dma2 semaphore(%run_scoped3A : memref<!tpu.dma_semaphore, #tpu.memory_space<semaphore_mem>>) src(%arg9 : memref<64x128xf32, #tpu.memory_space<vmem>>) dst(%dma_wait3A_48 : memref<64x128xf32, #tpu.memory_space<hbm>>)
        tpu.yield
      }) : () -> ()
    }
    %scan3A_11 = arith.constant 5 : i32
    %mul3A_12 = arith.constant 1280 : i32
    %mul3A_13 = arith.muli %arg0, %mul3A_12 : i32
    %mul3A_14 = arith.constant 80 : i32
    %mul3A_15 = arith.muli %arg1, %mul3A_14 : i32
    %add3A_16 = arith.addi %mul3A_13, %mul3A_15 : i32
    "tpu.region"() ({
      %run_scoped3A = tpu.sem_alloc : memref<!tpu.dma_semaphore, #tpu.memory_space<semaphore_mem>>
      %dma_start3A = arith.constant 0 : i32
      %dma_start3A_23 = tpu.memref_slice %arg4[%add3A_16, %dma_start3A] : memref<2560x128xi32, #tpu.memory_space<hbm>> -> memref<80x128xi32, #tpu.memory_space<hbm>>
      %dma_start3A_24 = arith.constant 0 : i32
      %dma_start3A_25 = tpu.memref_slice %arg4[%add3A_16, %dma_start3A_24] : memref<2560x128xi32, #tpu.memory_space<hbm>> -> memref<80x128xi32, #tpu.memory_space<hbm>>
      tpu.enqueue_dma source(%dma_start3A_25 : memref<80x128xi32, #tpu.memory_space<hbm>>) target(%arg10 : memref<80x128xi32, #tpu.memory_space<vmem>>) target_semaphore(%run_scoped3A : memref<!tpu.dma_semaphore, #tpu.memory_space<semaphore_mem>>)
      %dma_wait3A = arith.constant 0 : i32
      %dma_wait3A_26 = tpu.memref_slice %arg4[%add3A_16, %dma_wait3A] : memref<2560x128xi32, #tpu.memory_space<hbm>> -> memref<80x128xi32, #tpu.memory_space<hbm>>
      %dma_wait3A_27 = arith.constant 0 : i32
      %dma_wait3A_28 = tpu.memref_slice %arg4[%add3A_16, %dma_wait3A_27] : memref<2560x128xi32, #tpu.memory_space<hbm>> -> memref<80x128xi32, #tpu.memory_space<hbm>>
      tpu.wait_dma2 semaphore(%run_scoped3A : memref<!tpu.dma_semaphore, #tpu.memory_space<semaphore_mem>>) src(%dma_wait3A_28 : memref<80x128xi32, #tpu.memory_space<hbm>>) dst(%arg10 : memref<80x128xi32, #tpu.memory_space<vmem>>)
      tpu.yield
    }) : () -> ()
    %broadcast_in_dim3A = arith.constant 1.000000e+00 : f32
    %broadcast_in_dim3A_17 = vector.broadcast %broadcast_in_dim3A : f32 to vector<16xf32>
    %scan3A_18 = arith.constant 0 : i32
    %scan3A_19 = arith.constant 80 : i32
    %scan3A_20 = arith.addi %scan3A_18, %scan3A_19 : i32
    %scan3A_21 = arith.constant 1 : i32
    scf.for %scan3A_23 = %scan3A_18 to %scan3A_20 step %scan3A_21  : i32 {
      %mul3A_24 = arith.constant 1 : i32
      %mul3A_25 = arith.muli %scan3A_23, %mul3A_24 : i32
      %add3A_26 = arith.constant 0 : i32
      %add3A_27 = arith.addi %add3A_26, %mul3A_25 : i32
      %get3A = arith.index_cast %add3A_27 : i32 to index
      %get3A_28 = arith.constant 0 : index
      %get3A_29 = tpu.vector_load %arg10[%get3A, %get3A_28] {strides = array<i32>} : memref<80x128xi32, #tpu.memory_space<vmem>>, vector<16xi32>,
      tpu.vector_store_idx %arg7[%get3A_29], %broadcast_in_dim3A_17 {add = true} : memref<10240xf32, #tpu.memory_space<vmem>>[vector<16xi32>], vector<16xf32>,
      %get3A_30 = arith.index_cast %add3A_27 : i32 to index
      %get3A_31 = arith.constant 16 : index
      %get3A_32 = tpu.vector_load %arg10[%get3A_30, %get3A_31] {strides = array<i32>} : memref<80x128xi32, #tpu.memory_space<vmem>>, vector<16xi32>,
      tpu.vector_store_idx %arg7[%get3A_32], %broadcast_in_dim3A_17 {add = true} : memref<10240xf32, #tpu.memory_space<vmem>>[vector<16xi32>], vector<16xf32>,
      %get3A_33 = arith.index_cast %add3A_27 : i32 to index
      %get3A_34 = arith.constant 32 : index
      %get3A_35 = tpu.vector_load %arg10[%get3A_33, %get3A_34] {strides = array<i32>} : memref<80x128xi32, #tpu.memory_space<vmem>>, vector<16xi32>,
      tpu.vector_store_idx %arg7[%get3A_35], %broadcast_in_dim3A_17 {add = true} : memref<10240xf32, #tpu.memory_space<vmem>>[vector<16xi32>], vector<16xf32>,
      %get3A_36 = arith.index_cast %add3A_27 : i32 to index
      %get3A_37 = arith.constant 48 : index
      %get3A_38 = tpu.vector_load %arg10[%get3A_36, %get3A_37] {strides = array<i32>} : memref<80x128xi32, #tpu.memory_space<vmem>>, vector<16xi32>,
      tpu.vector_store_idx %arg7[%get3A_38], %broadcast_in_dim3A_17 {add = true} : memref<10240xf32, #tpu.memory_space<vmem>>[vector<16xi32>], vector<16xf32>,
      %get3A_39 = arith.index_cast %add3A_27 : i32 to index
      %get3A_40 = arith.constant 64 : index
      %get3A_41 = tpu.vector_load %arg10[%get3A_39, %get3A_40] {strides = array<i32>} : memref<80x128xi32, #tpu.memory_space<vmem>>, vector<16xi32>,
      tpu.vector_store_idx %arg7[%get3A_41], %broadcast_in_dim3A_17 {add = true} : memref<10240xf32, #tpu.memory_space<vmem>>[vector<16xi32>], vector<16xf32>,
      %get3A_42 = arith.index_cast %add3A_27 : i32 to index
      %get3A_43 = arith.constant 80 : index
      %get3A_44 = tpu.vector_load %arg10[%get3A_42, %get3A_43] {strides = array<i32>} : memref<80x128xi32, #tpu.memory_space<vmem>>, vector<16xi32>,
      tpu.vector_store_idx %arg7[%get3A_44], %broadcast_in_dim3A_17 {add = true} : memref<10240xf32, #tpu.memory_space<vmem>>[vector<16xi32>], vector<16xf32>,
      %get3A_45 = arith.index_cast %add3A_27 : i32 to index
      %get3A_46 = arith.constant 96 : index
      %get3A_47 = tpu.vector_load %arg10[%get3A_45, %get3A_46] {strides = array<i32>} : memref<80x128xi32, #tpu.memory_space<vmem>>, vector<16xi32>,
      tpu.vector_store_idx %arg7[%get3A_47], %broadcast_in_dim3A_17 {add = true} : memref<10240xf32, #tpu.memory_space<vmem>>[vector<16xi32>], vector<16xf32>,
      %get3A_48 = arith.index_cast %add3A_27 : i32 to index
      %get3A_49 = arith.constant 112 : index
      %get3A_50 = tpu.vector_load %arg10[%get3A_48, %get3A_49] {strides = array<i32>} : memref<80x128xi32, #tpu.memory_space<vmem>>, vector<16xi32>,
      tpu.vector_store_idx %arg7[%get3A_50], %broadcast_in_dim3A_17 {add = true} : memref<10240xf32, #tpu.memory_space<vmem>>[vector<16xi32>], vector<16xf32>,
    }
    %scan3A_22 = arith.constant 80 : i32
    "tpu.region"() ({
      %run_scoped3A = tpu.sem_alloc : memref<!tpu.dma_semaphore, #tpu.memory_space<semaphore_mem>>
      %dma_start3A = arith.constant 0 : i32
      %dma_start3A_23 = tpu.memref_slice %arg6[%add3A, %dma_start3A] : memref<32x10240xf32, #tpu.memory_space<hbm>> -> memref<1x10240xf32, #tpu.memory_space<hbm>>
      %dma_start3A_24 = tpu.memref_squeeze %dma_start3A_23 : memref<1x10240xf32, #tpu.memory_space<hbm>> -> memref<10240xf32, #tpu.memory_space<hbm>>
      %dma_start3A_25 = arith.constant 0 : i32
      %dma_start3A_26 = tpu.memref_slice %arg6[%add3A, %dma_start3A_25] : memref<32x10240xf32, #tpu.memory_space<hbm>> -> memref<1x10240xf32, #tpu.memory_space<hbm>>
      %dma_start3A_27 = tpu.memref_squeeze %dma_start3A_26 : memref<1x10240xf32, #tpu.memory_space<hbm>> -> memref<10240xf32, #tpu.memory_space<hbm>>
      tpu.enqueue_dma source(%arg7 : memref<10240xf32, #tpu.memory_space<vmem>>) target(%dma_start3A_27 : memref<10240xf32, #tpu.memory_space<hbm>>) target_semaphore(%run_scoped3A : memref<!tpu.dma_semaphore, #tpu.memory_space<semaphore_mem>>)
      %dma_wait3A = arith.constant 0 : i32
      %dma_wait3A_28 = tpu.memref_slice %arg6[%add3A, %dma_wait3A] : memref<32x10240xf32, #tpu.memory_space<hbm>> -> memref<1x10240xf32, #tpu.memory_space<hbm>>
      %dma_wait3A_29 = tpu.memref_squeeze %dma_wait3A_28 : memref<1x10240xf32, #tpu.memory_space<hbm>> -> memref<10240xf32, #tpu.memory_space<hbm>>
      %dma_wait3A_30 = arith.constant 0 : i32
      %dma_wait3A_31 = tpu.memref_slice %arg6[%add3A, %dma_wait3A_30] : memref<32x10240xf32, #tpu.memory_space<hbm>> -> memref<1x10240xf32, #tpu.memory_space<hbm>>
      %dma_wait3A_32 = tpu.memref_squeeze %dma_wait3A_31 : memref<1x10240xf32, #tpu.memory_space<hbm>> -> memref<10240xf32, #tpu.memory_space<hbm>>
      tpu.wait_dma2 semaphore(%run_scoped3A : memref<!tpu.dma_semaphore, #tpu.memory_space<semaphore_mem>>) src(%arg7 : memref<10240xf32, #tpu.memory_space<vmem>>) dst(%dma_wait3A_32 : memref<10240xf32, #tpu.memory_space<hbm>>)
      tpu.yield
    }) : () -> ()
    return
  }
}

module attributes {stable_mosaic.version = 14 : i64} {
  func.func @body(%arg0: i32, %arg1: memref<1024x128xf32, #tpu.memory_space<vmem>>, %arg2: memref<2x1024x128xf32, #tpu.memory_space<vmem>>, %arg3: memref<32x1024xf32, #tpu.memory_space<vmem>>, %arg4: memref<128x128xf32, #tpu.memory_space<vmem>>, %arg5: memref<128x128xf32, #tpu.memory_space<vmem>>, %arg6: memref<1x128xf32, #tpu.memory_space<vmem>>, %arg7: memref<1024x128xf32, #tpu.memory_space<vmem>>) attributes {dimension_semantics = [#tpu.dimension_semantics<arbitrary>], iteration_bounds = array<i64: 10>, scalar_prefetch = 0 : i64, scratch_operands = 0 : i64, tpu.core_type = #tpu.core_type<tc>, window_params = [{transform_indices = @transform_0, window_bounds = array<i64: 1024, 128>}, {transform_indices = @transform_1, window_bounds = array<i64: 2, 1024, 128>}, {transform_indices = @transform_2, window_bounds = array<i64: 32, 1024>}, {pipeline_mode = #tpu.pipeline_mode<synchronous>, transform_indices = @transform_3, window_bounds = array<i64: 128, 128>}, {pipeline_mode = #tpu.pipeline_mode<synchronous>, transform_indices = @transform_4, window_bounds = array<i64: 128, 128>}, {pipeline_mode = #tpu.pipeline_mode<synchronous>, transform_indices = @transform_5, window_bounds = array<i64: 1, 128>}, {transform_indices = @transform_6, window_bounds = array<i64: 1024, 128>}]} {
    %get3A = arith.constant 0 : index
    %get3A_0 = arith.constant 0 : index
    %get3A_1 = vector.load %arg3[%get3A, %get3A_0] : memref<32x1024xf32, #tpu.memory_space<vmem>>, vector<32x1024xf32>
    %broadcast_in_dim3A = arith.constant 1.000000e+00 : f32
    %broadcast_in_dim3A_2 = vector.broadcast %broadcast_in_dim3A : f32 to vector<32x1xf32>
    %dot_general3A = arith.constant dense<0.000000e+00> : vector<1024x1xf32>
    %dot_general3A_3 = tpu.matmul %get3A_1, %broadcast_in_dim3A_2, %dot_general3A {dimension_numbers = #tpu.dot_dimension_numbers<[0], [0], [1], [1], [0, 1, 1, 1], [], []>, transpose_lhs_hint = false} : vector<32x1024xf32>, vector<32x1xf32>, vector<1024x1xf32> -> vector<1024x1xf32>
    %max3A = arith.constant 1.000000e+00 : f32
    %max3A_4 = vector.broadcast %max3A : f32 to vector<1024x1xf32>
    %max3A_5 = arith.maximumf %dot_general3A_3, %max3A_4 : vector<1024x1xf32>
    %div3A = arith.constant 1.000000e+00 : f32
    %div3A_6 = vector.broadcast %div3A : f32 to vector<1024x1xf32>
    %div3A_7 = arith.divf %div3A_6, %max3A_5 : vector<1024x1xf32>
    %get3A_8 = arith.constant 0 : index
    %get3A_9 = arith.constant 0 : index
    %get3A_10 = arith.constant 0 : index
    %get3A_11 = vector.load %arg2[%get3A_8, %get3A_9, %get3A_10] : memref<2x1024x128xf32, #tpu.memory_space<vmem>>, vector<2x1024x128xf32>
    %slice3A = vector.extract_strided_slice %get3A_11 {offsets = [0, 0, 0], sizes = [1, 1024, 128], strides = [1, 1, 1]} : vector<2x1024x128xf32> to vector<1x1024x128xf32>
    %squeeze3A = vector.shape_cast %slice3A : vector<1x1024x128xf32> to vector<1024x128xf32>
    %slice3A_12 = vector.extract_strided_slice %get3A_11 {offsets = [1, 0, 0], sizes = [1, 1024, 128], strides = [1, 1, 1]} : vector<2x1024x128xf32> to vector<1x1024x128xf32>
    %squeeze3A_13 = vector.shape_cast %slice3A_12 : vector<1x1024x128xf32> to vector<1024x128xf32>
    %add3A = arith.addf %squeeze3A, %squeeze3A_13 : vector<1024x128xf32>
    %mul3A = vector.broadcast %div3A_7 : vector<1024x1xf32> to vector<1024x128xf32>
    %mul3A_14 = arith.mulf %add3A, %mul3A : vector<1024x128xf32>
    %get3A_15 = arith.constant 0 : index
    %get3A_16 = arith.constant 0 : index
    %get3A_17 = vector.load %arg1[%get3A_15, %get3A_16] : memref<1024x128xf32, #tpu.memory_space<vmem>>, vector<1024x128xf32>
    %get3A_18 = arith.constant 0 : index
    %get3A_19 = arith.constant 0 : index
    %get3A_20 = vector.load %arg4[%get3A_18, %get3A_19] : memref<128x128xf32, #tpu.memory_space<vmem>>, vector<128x128xf32>
    %dot_general3A_21 = arith.constant dense<0.000000e+00> : vector<1024x128xf32>
    %dot_general3A_22 = tpu.matmul %get3A_17, %get3A_20, %dot_general3A_21 {dimension_numbers = #tpu.dot_dimension_numbers<[1], [0], [0], [1], [0, 0, 1, 1], [], []>, transpose_lhs_hint = false} : vector<1024x128xf32>, vector<128x128xf32>, vector<1024x128xf32> -> vector<1024x128xf32>
    %get3A_23 = arith.constant 0 : index
    %get3A_24 = arith.constant 0 : index
    %get3A_25 = vector.load %arg5[%get3A_23, %get3A_24] : memref<128x128xf32, #tpu.memory_space<vmem>>, vector<128x128xf32>
    %dot_general3A_26 = arith.constant dense<0.000000e+00> : vector<1024x128xf32>
    %dot_general3A_27 = tpu.matmul %mul3A_14, %get3A_25, %dot_general3A_26 {dimension_numbers = #tpu.dot_dimension_numbers<[1], [0], [0], [1], [0, 0, 1, 1], [], []>, transpose_lhs_hint = false} : vector<1024x128xf32>, vector<128x128xf32>, vector<1024x128xf32> -> vector<1024x128xf32>
    %add3A_28 = arith.addf %dot_general3A_22, %dot_general3A_27 : vector<1024x128xf32>
    %get3A_29 = arith.constant 0 : index
    %get3A_30 = arith.constant 0 : index
    %get3A_31 = vector.load %arg6[%get3A_29, %get3A_30] : memref<1x128xf32, #tpu.memory_space<vmem>>, vector<1x128xf32>
    %add3A_32 = vector.broadcast %get3A_31 : vector<1x128xf32> to vector<1024x128xf32>
    %add3A_33 = arith.addf %add3A_28, %add3A_32 : vector<1024x128xf32>
    %max3A_34 = arith.constant 0.000000e+00 : f32
    %max3A_35 = vector.broadcast %max3A_34 : f32 to vector<1024x128xf32>
    %max3A_36 = arith.maximumf %add3A_33, %max3A_35 : vector<1024x128xf32>
    %swap3A = arith.constant 0 : index
    %swap3A_37 = arith.constant 0 : index
    %swap3A_38 = vector.load %arg7[%swap3A, %swap3A_37] : memref<1024x128xf32, #tpu.memory_space<vmem>>, vector<1024x128xf32>
    tpu.vector_store %arg7[%swap3A, %swap3A_37], %max3A_36 {strides = array<i32>} : memref<1024x128xf32, #tpu.memory_space<vmem>>, vector<1024x128xf32>,
    return
  }
  func.func @transform_0(%arg0: i32) -> (i32, i32) {
    %c0_i32 = arith.constant 0 : i32
    %c0_i32_0 = arith.constant 0 : i32
    return %arg0, %c0_i32 : i32, i32
  }
  func.func @transform_1(%arg0: i32) -> (i32, i32, i32) {
    %c0_i32 = arith.constant 0 : i32
    %c0_i32_0 = arith.constant 0 : i32
    %c0_i32_1 = arith.constant 0 : i32
    return %c0_i32, %arg0, %c0_i32_0 : i32, i32, i32
  }
  func.func @transform_2(%arg0: i32) -> (i32, i32) {
    %c0_i32 = arith.constant 0 : i32
    %c0_i32_0 = arith.constant 0 : i32
    return %c0_i32, %arg0 : i32, i32
  }
  func.func @transform_3(%arg0: i32) -> (i32, i32) {
    %c0_i32 = arith.constant 0 : i32
    %c0_i32_0 = arith.constant 0 : i32
    %c0_i32_1 = arith.constant 0 : i32
    return %c0_i32, %c0_i32_0 : i32, i32
  }
  func.func @transform_4(%arg0: i32) -> (i32, i32) {
    %c0_i32 = arith.constant 0 : i32
    %c0_i32_0 = arith.constant 0 : i32
    %c0_i32_1 = arith.constant 0 : i32
    return %c0_i32, %c0_i32_0 : i32, i32
  }
  func.func @transform_5(%arg0: i32) -> (i32, i32) {
    %c0_i32 = arith.constant 0 : i32
    %c0_i32_0 = arith.constant 0 : i32
    %c0_i32_1 = arith.constant 0 : i32
    return %c0_i32, %c0_i32_0 : i32, i32
  }
  func.func @transform_6(%arg0: i32) -> (i32, i32) {
    %c0_i32 = arith.constant 0 : i32
    %c0_i32_0 = arith.constant 0 : i32
    return %arg0, %c0_i32 : i32, i32
  }
}

module attributes {stable_mosaic.version = 14 : i64} {
  func.func @body(%arg0: i32, %arg1: memref<1024x128xf32, #tpu.memory_space<vmem>>, %arg2: memref<2x1024x128xf32, #tpu.memory_space<vmem>>, %arg3: memref<32x1024xf32, #tpu.memory_space<vmem>>, %arg4: memref<128x48xf32, #tpu.memory_space<vmem>>, %arg5: memref<128x48xf32, #tpu.memory_space<vmem>>, %arg6: memref<1x48xf32, #tpu.memory_space<vmem>>, %arg7: memref<1024x48xf32, #tpu.memory_space<vmem>>) attributes {dimension_semantics = [#tpu.dimension_semantics<arbitrary>], iteration_bounds = array<i64: 10>, scalar_prefetch = 0 : i64, scratch_operands = 0 : i64, tpu.core_type = #tpu.core_type<tc>, window_params = [{transform_indices = @transform_0, window_bounds = array<i64: 1024, 128>}, {transform_indices = @transform_1, window_bounds = array<i64: 2, 1024, 128>}, {transform_indices = @transform_2, window_bounds = array<i64: 32, 1024>}, {pipeline_mode = #tpu.pipeline_mode<synchronous>, transform_indices = @transform_3, window_bounds = array<i64: 128, 48>}, {pipeline_mode = #tpu.pipeline_mode<synchronous>, transform_indices = @transform_4, window_bounds = array<i64: 128, 48>}, {pipeline_mode = #tpu.pipeline_mode<synchronous>, transform_indices = @transform_5, window_bounds = array<i64: 1, 48>}, {transform_indices = @transform_6, window_bounds = array<i64: 1024, 48>}]} {
    %get3A = arith.constant 0 : index
    %get3A_0 = arith.constant 0 : index
    %get3A_1 = vector.load %arg3[%get3A, %get3A_0] : memref<32x1024xf32, #tpu.memory_space<vmem>>, vector<32x1024xf32>
    %broadcast_in_dim3A = arith.constant 1.000000e+00 : f32
    %broadcast_in_dim3A_2 = vector.broadcast %broadcast_in_dim3A : f32 to vector<32x1xf32>
    %dot_general3A = arith.constant dense<0.000000e+00> : vector<1024x1xf32>
    %dot_general3A_3 = tpu.matmul %get3A_1, %broadcast_in_dim3A_2, %dot_general3A {dimension_numbers = #tpu.dot_dimension_numbers<[0], [0], [1], [1], [0, 1, 1, 1], [], []>, transpose_lhs_hint = false} : vector<32x1024xf32>, vector<32x1xf32>, vector<1024x1xf32> -> vector<1024x1xf32>
    %max3A = arith.constant 1.000000e+00 : f32
    %max3A_4 = vector.broadcast %max3A : f32 to vector<1024x1xf32>
    %max3A_5 = arith.maximumf %dot_general3A_3, %max3A_4 : vector<1024x1xf32>
    %div3A = arith.constant 1.000000e+00 : f32
    %div3A_6 = vector.broadcast %div3A : f32 to vector<1024x1xf32>
    %div3A_7 = arith.divf %div3A_6, %max3A_5 : vector<1024x1xf32>
    %get3A_8 = arith.constant 0 : index
    %get3A_9 = arith.constant 0 : index
    %get3A_10 = arith.constant 0 : index
    %get3A_11 = vector.load %arg2[%get3A_8, %get3A_9, %get3A_10] : memref<2x1024x128xf32, #tpu.memory_space<vmem>>, vector<2x1024x128xf32>
    %slice3A = vector.extract_strided_slice %get3A_11 {offsets = [0, 0, 0], sizes = [1, 1024, 128], strides = [1, 1, 1]} : vector<2x1024x128xf32> to vector<1x1024x128xf32>
    %squeeze3A = vector.shape_cast %slice3A : vector<1x1024x128xf32> to vector<1024x128xf32>
    %slice3A_12 = vector.extract_strided_slice %get3A_11 {offsets = [1, 0, 0], sizes = [1, 1024, 128], strides = [1, 1, 1]} : vector<2x1024x128xf32> to vector<1x1024x128xf32>
    %squeeze3A_13 = vector.shape_cast %slice3A_12 : vector<1x1024x128xf32> to vector<1024x128xf32>
    %add3A = arith.addf %squeeze3A, %squeeze3A_13 : vector<1024x128xf32>
    %mul3A = vector.broadcast %div3A_7 : vector<1024x1xf32> to vector<1024x128xf32>
    %mul3A_14 = arith.mulf %add3A, %mul3A : vector<1024x128xf32>
    %get3A_15 = arith.constant 0 : index
    %get3A_16 = arith.constant 0 : index
    %get3A_17 = vector.load %arg1[%get3A_15, %get3A_16] : memref<1024x128xf32, #tpu.memory_space<vmem>>, vector<1024x128xf32>
    %get3A_18 = arith.constant 0 : index
    %get3A_19 = arith.constant 0 : index
    %get3A_20 = vector.load %arg4[%get3A_18, %get3A_19] : memref<128x48xf32, #tpu.memory_space<vmem>>, vector<128x48xf32>
    %dot_general3A_21 = arith.constant dense<0.000000e+00> : vector<1024x48xf32>
    %dot_general3A_22 = tpu.matmul %get3A_17, %get3A_20, %dot_general3A_21 {dimension_numbers = #tpu.dot_dimension_numbers<[1], [0], [0], [1], [0, 0, 1, 1], [], []>, transpose_lhs_hint = false} : vector<1024x128xf32>, vector<128x48xf32>, vector<1024x48xf32> -> vector<1024x48xf32>
    %get3A_23 = arith.constant 0 : index
    %get3A_24 = arith.constant 0 : index
    %get3A_25 = vector.load %arg5[%get3A_23, %get3A_24] : memref<128x48xf32, #tpu.memory_space<vmem>>, vector<128x48xf32>
    %dot_general3A_26 = arith.constant dense<0.000000e+00> : vector<1024x48xf32>
    %dot_general3A_27 = tpu.matmul %mul3A_14, %get3A_25, %dot_general3A_26 {dimension_numbers = #tpu.dot_dimension_numbers<[1], [0], [0], [1], [0, 0, 1, 1], [], []>, transpose_lhs_hint = false} : vector<1024x128xf32>, vector<128x48xf32>, vector<1024x48xf32> -> vector<1024x48xf32>
    %add3A_28 = arith.addf %dot_general3A_22, %dot_general3A_27 : vector<1024x48xf32>
    %get3A_29 = arith.constant 0 : index
    %get3A_30 = arith.constant 0 : index
    %get3A_31 = vector.load %arg6[%get3A_29, %get3A_30] : memref<1x48xf32, #tpu.memory_space<vmem>>, vector<1x48xf32>
    %add3A_32 = vector.broadcast %get3A_31 : vector<1x48xf32> to vector<1024x48xf32>
    %add3A_33 = arith.addf %add3A_28, %add3A_32 : vector<1024x48xf32>
    %swap3A = arith.constant 0 : index
    %swap3A_34 = arith.constant 0 : index
    %swap3A_35 = vector.load %arg7[%swap3A, %swap3A_34] : memref<1024x48xf32, #tpu.memory_space<vmem>>, vector<1024x48xf32>
    tpu.vector_store %arg7[%swap3A, %swap3A_34], %add3A_33 {strides = array<i32>} : memref<1024x48xf32, #tpu.memory_space<vmem>>, vector<1024x48xf32>,
    return
  }
  func.func @transform_0(%arg0: i32) -> (i32, i32) {
    %c0_i32 = arith.constant 0 : i32
    %c0_i32_0 = arith.constant 0 : i32
    return %arg0, %c0_i32 : i32, i32
  }
  func.func @transform_1(%arg0: i32) -> (i32, i32, i32) {
    %c0_i32 = arith.constant 0 : i32
    %c0_i32_0 = arith.constant 0 : i32
    %c0_i32_1 = arith.constant 0 : i32
    return %c0_i32, %arg0, %c0_i32_0 : i32, i32, i32
  }
  func.func @transform_2(%arg0: i32) -> (i32, i32) {
    %c0_i32 = arith.constant 0 : i32
    %c0_i32_0 = arith.constant 0 : i32
    return %c0_i32, %arg0 : i32, i32
  }
  func.func @transform_3(%arg0: i32) -> (i32, i32) {
    %c0_i32 = arith.constant 0 : i32
    %c0_i32_0 = arith.constant 0 : i32
    %c0_i32_1 = arith.constant 0 : i32
    return %c0_i32, %c0_i32_0 : i32, i32
  }
  func.func @transform_4(%arg0: i32) -> (i32, i32) {
    %c0_i32 = arith.constant 0 : i32
    %c0_i32_0 = arith.constant 0 : i32
    %c0_i32_1 = arith.constant 0 : i32
    return %c0_i32, %c0_i32_0 : i32, i32
  }
  func.func @transform_5(%arg0: i32) -> (i32, i32) {
    %c0_i32 = arith.constant 0 : i32
    %c0_i32_0 = arith.constant 0 : i32
    %c0_i32_1 = arith.constant 0 : i32
    return %c0_i32, %c0_i32_0 : i32, i32
  }
  func.func @transform_6(%arg0: i32) -> (i32, i32) {
    %c0_i32 = arith.constant 0 : i32
    %c0_i32_0 = arith.constant 0 : i32
    return %arg0, %c0_i32 : i32, i32
  }
}

</mosaic_0001>

<sc_bundles>
// kernel: kernel.12.cloned.1.call-start
scs
__scs_entry_jumppad:
0x0: {  	(pc) =	sbr.rel $0x88, $3  }
0x1: {  	(tag) =	ssettag $0x0;
	lr =	simm.s32 $0x1  }
0x2: {  	[smem:$0x3F95] =	sst lr;
	_ =	strace $0xD0000000  }
0x3: {  	_ = 	snop  }
0x4: {  	_ = 	snop  }
0x5: {  	_ = 	snop  }
0x6: {  	_ = 	snop  }
0x7: {  	_ = 	snop  }
__scs_overlays_trampoline_lowered:
0x8: {  	[smem:$0x3FA4] =	sst s0  }
0x9: {  	[smem:$0x3FA5] =	sst s1  }
0xa: {  	[smem:$0x3FA6] =	sst s2  }
0xb: {  	[smem:$0x3FA7] =	sst s3  }
0xc: {  	[smem:$0x3FA8] =	sst s4  }
0xd: {  	[smem:$0x3FA9] =	sst s5  }
0xe: {  	[smem:$0x3FAA] =	sst s6  }
0xf: {  	[smem:$0x3FAB] =	sst s7  }
0x10: {  	[smem:$0x3FAC] =	sst s8  }
0x11: {  	[smem:$0x3FAD] =	sst s9;
	s0 =	simm.s32 @!p0 $0x0  }
0x12: {  	s1 =	sld [smem:$0x3F93];
	s0 =	simm.s32 @p0 $0x1  }
0x13: {  	[smem:$0x3FAE] =	sst s0;
	s0 =	simm.s32 @!p1 $0x0  }
0x14: {  	s2 =	sld [smem:$0x3F92];
	s0 =	simm.s32 @p1 $0x1  }
0x15: {  	[smem:$0x3FAF] =	sst s0;
	s0 =	simm.s32 @!p2 $0x0  }
0x16: {  	s3 =	sld [smem:$0x3FDB];
	s0 =	simm.s32 @p2 $0x1  }
0x17: {  	s4 =	simm.s32 $0x1BF5;
	[smem:$0x3FB1] =	sst s0  }
0x18: {  	s0 =	sld [smem:$0x3F94];
	_ =	swait.ge [sflag:s4], $0x0  }
0x19: {  	s7 =	sld [smem:$0x3F95]  }
0x1a: {  	s8 =	sadd.s32 $0xFFFFE003, lr  }
0x1b: {  	s9 =	sadd.s32 $0xFFFFFEF7, lr;
	s5 =	simm.s32 $0xFFFFFFFF;
	p2 =	slt.u32 s8, $0xFFFFF086  }
0x1c: {  	p1 =	slt.u32 s9, $0xF7A;
	s5 =	simm.s32 @!p2 $0x0  }
0x1d: {  	s5 =	simm.s32 @p1 $0x1;
	p0 =	seq.s32 s7, s2  }
0x1e: {  	s7 =	smul.u32 @!p0 $0xF7A, s2;
	p2 =	seq.s32 @!p0 s5, $0x0  }
0x1f: {  	s9 =	smul.u32 $0xF7A, s1;
	s8 =	simm.s32 @!p0 $0x1BF5;
	p2 =	por !p2, p0  }
0x20: {  	[sflag:s8] =	ssyncset.s32 @!p0 $0xFFFFF086;
	s6 =	sadd.s32 @!p0 s3, s7;
	s7 =	simm.s32 @!p0 $0x108  }
0x21: {  	s3 =	sadd.s32 s3, s9;
	s6 =	sadd.s32 @!p0 $0x88, s6;
	s7 =	simm.s32 @p2 $0x1082  }
0x22: {  	[simem:s7], [sflag:s8] =	dma.local @!p0 [hbm:s6], $0xF7A  }
0x23: {  	s9 =	sor.u32 $0xD0000000, s2;
	s6 =	simm.s32 $0x108;
	_ =	swait.ge @!p0 [sflag:s8], $0x0  }
0x24: {  	s3 =	sadd.s32 $0x88, s3;
	s6 =	simm.s32 @!p1 $0x1082;
	[sflag:s4] =	ssyncset.s32 $0xFFFFF086  }
0x25: {  	[simem:s6], [sflag:s4] =	dma.local [hbm:s3], $0xF7A  }
0x26: {  	[smem:$0x3F95] =	sst s1;
	(tag) =	ssettag s2;
	_ =	strace s9  }
0x27: {  	s1 =	sld [smem:$0x3FA5]  }
0x28: {  	s2 =	sld [smem:$0x3FA6]  }
0x29: {  	s4 =	sld [smem:$0x3FA8]  }
0x2a: {  	p0 =	seq.s32 s5, $0x0;
	s5 =	sld [smem:$0x3FA9]  }
0x2b: {  	s6 =	sld [smem:$0x3FAA]  }
0x2c: {  	s7 =	sld [smem:$0x3FAB]  }
0x2d: {  	s3 =	simm.s32 $0x108;
	s8 =	sld [smem:$0x3FAC]  }
0x2e: {  	s3 =	simm.s32 @!p0 $0x1082;
	s9 =	sld [smem:$0x3FAD]  }
0x2f: {  	lr =	sadd.s32 s0, s3;
	s0 =	sld [smem:$0x3FA4]  }
0x30: {  	s3 =	sld [smem:$0x3FA7]  }
0x31: {  	[smem:$0x3FB0] =	sst s10  }
0x32: {  	s10 =	sld [smem:$0x3FAE];
	_ =	sdelay $0x3  }
0x33: {  	p0 =	seq.s32 s10, $0x1;
	s10 =	sld [smem:$0x3FB0];
	_ =	sdelay $0x3  }
0x34: {  	[smem:$0x3FB0] =	sst s10  }
0x35: {  	s10 =	sld [smem:$0x3FAF];
	_ =	sdelay $0x3  }
0x36: {  	p1 =	seq.s32 s10, $0x1;
	s10 =	sld [smem:$0x3FB0];
	_ =	sdelay $0x3  }
0x37: {  	[smem:$0x3FB0] =	sst s10  }
0x38: {  	s10 =	sld [smem:$0x3FB1]  }
0x39: {  	_ = 	snop;
	(pc) =	sbr.ind lr, $3  }
0x3a: {  	_ = 	snop  }
0x3b: {  	_ = 	snop  }
0x3c: {  	p2 =	seq.s32 s10, $0x1;
	s10 =	sld [smem:$0x3FB0]  }
0x3d: {  	_ =	shalt  }
0x3e: {  	_ =	shalt  }
0x3f: {  	_ =	shalt  }
0x40: {  	_ =	shalt  }
0x41: {  	_ =	shalt  }
0x42: {  	_ =	shalt  }
0x43: {  	_ =	shalt  }
0x44: {  	_ =	shalt  }
0x45: {  	_ =	shalt  }
0x46: {  	_ =	shalt  }
0x47: {  	_ =	shalt  }
0x48: {  	_ =	shalt  }
0x49: {  	_ =	shalt  }
0x4a: {  	_ =	shalt  }
0x4b: {  	_ =	shalt  }
0x4c: {  	_ =	shalt  }
0x4d: {  	_ =	shalt  }
0x4e: {  	_ =	shalt  }
0x4f: {  	_ =	shalt  }
0x50: {  	_ =	shalt  }
0x51: {  	_ =	shalt  }
0x52: {  	_ =	shalt  }
0x53: {  	_ =	shalt  }
0x54: {  	_ =	shalt  }
0x55: {  	_ =	shalt  }
0x56: {  	_ =	shalt  }
0x57: {  	_ =	shalt  }
0x58: {  	_ =	shalt  }
0x59: {  	_ =	shalt  }
0x5a: {  	_ =	shalt  }
0x5b: {  	_ =	shalt  }
0x5c: {  	_ =	shalt  }
0x5d: {  	_ =	shalt  }
0x5e: {  	_ =	shalt  }
0x5f: {  	_ =	shalt  }
0x60: {  	_ =	shalt  }
0x61: {  	_ =	shalt  }
0x62: {  	_ =	shalt  }
0x63: {  	_ =	shalt  }
0x64: {  	_ =	shalt  }
0x65: {  	_ =	shalt  }
0x66: {  	_ =	shalt  }
0x67: {  	_ =	shalt  }
0x68: {  	_ =	shalt  }
0x69: {  	_ =	shalt  }
0x6a: {  	_ =	shalt  }
0x6b: {  	_ =	shalt  }
0x6c: {  	_ =	shalt  }
0x6d: {  	_ =	shalt  }
0x6e: {  	_ =	shalt  }
0x6f: {  	_ =	shalt  }
0x70: {  	_ =	shalt  }
0x71: {  	_ =	shalt  }
0x72: {  	_ =	shalt  }
0x73: {  	_ =	shalt  }
0x74: {  	_ =	shalt  }
0x75: {  	_ =	shalt  }
0x76: {  	_ =	shalt  }
0x77: {  	_ =	shalt  }
0x78: {  	_ =	shalt  }
0x79: {  	_ =	shalt  }
0x7a: {  	_ =	shalt  }
0x7b: {  	_ =	shalt  }
0x7c: {  	_ =	shalt  }
0x7d: {  	_ =	shalt  }
0x7e: {  	_ =	shalt  }
0x7f: {  	_ =	shalt  }
0x80: {  	_ =	shalt  }
0x81: {  	_ =	shalt  }
0x82: {  	_ =	shalt  }
0x83: {  	_ =	shalt  }
0x84: {  	_ =	shalt  }
0x85: {  	_ =	shalt  }
0x86: {  	_ =	shalt  }
0x87: {  	_ =	shalt  }
.Lfunc_end0:
.L_simem_size_0:
called_computation.1_lowered:
.L_overlay_start_0:
0x88: {  	s2 =	sld [smem:$0x3FD9]  }
0x89: {  	s3 =	sld [smem:$0x3FFE];
	_ =	sdelay $0x1  }
0x8a: {  	s1 =	srdreg.scid  }
0x8b: {  	s0 =	sand.u32 $0x1, s1  }
0x8c: {  	s17 =	sshll.u32 s0, $0xA;
	s2 =	sadd.s32 s3, s2  }
0x8d: {  	s2 =	sadd.s32 s2, s17  }
0x8e: {  	[smem:$0x3FBC] =	sst s2  }
0x8f: {  	_ = 	snop  }
0x90: {  	s2 =	sld [smem:$0x3FD0];
	(tm) =	ssettm $0x1  }
0x91: {  	s18 =	sld [smem:$0x3FFB];
	_ =	sdelay $0x3  }
0x92: {  	_ =	strace s18  }
0x93: {  	s3 =	sld [smem:$0x3FFC];
	_ =	sdelay $0x3  }
0x94: {  	_ =	strace s3  }
0x95: {  	s3 =	sld [smem:$0x3FFD];
	_ =	sdelay $0x3  }
0x96: {  	_ =	strace s3  }
0x97: {  	_ =	strace $0x8FFFFFFF  }
0x98: {  	s19 =	sld [smem:$0x3FDB];
	_ =	sdelay $0x1  }
0x99: {  	s4 =	simm.s32 $_scs_section_size  }
0x9a: {  	s5 =	simm.s32 $_size__tile_overlayer_lowered;
	s6 =	simm.s32 $_tile_overlayer_lowered  }
0x9b: {  	s22 =	simm.s32 $0x1BFF;
	s21 =	sshll.u32 s6, $0x1;
	s3 =	sadd.s32 s4, s19  }
0x9c: {  	s7 =	simm.s32 $0x0;
	s20 =	sshll.u32 s5, $0x1;
	s5 =	sadd.s32 s21, s3  }
0x9d: {  	[timem:s7], [sflag:s22] =	dma.local [hbm:s5], s20  }
0x9e: {  	_ =	swait.ge [sflag:s22], s20  }
0x9f: {  	s4 =	ssub.s32 $0x0, s20;
	[sflag:s22] =	ssyncset.done $0x0  }
0xa0: {  	[sflag:s22] =	ssyncadd.s32 s4;
	_ =	sdelay $0x1  }
0xa1: {  	s23 =	simm.s32 $0x1B8B  }
0xa2: {  	_ =	swait.ge [sflag:s23], $0x1  }
0xa3: {  	[sflag:s23] =	ssyncset.done $0x0  }
0xa4: {  	s25 =	simm.s32 $0x1B8E;
	s24 =	sld [smem:$0x3FFE];
	[sflag:s23] =	ssyncadd.s32 $0xFFFFFFFF  }
0xa5: {  	s26 =	simm.s32 $execute0_lowered;
	[smem:$0x3FD2] =	sst s25  }
0xa6: {  	s5 =	sshll.u32 s26, $0x1;
	_ =	strace $0x80000049;
	[dreg:$0x1] =	wrdreg $0xFFFFFFFF  }
0xa7: {  	s28 =	simm.s32 $_size_execute0_lowered;
	s3 =	sadd.s32 s3, s5;
	[dreg:$0x0] =	wrdreg $0x0  }
0xa8: {  	s5 =	sshll.u32 s28, $0x1;
	[dreg:$0x2] =	wrdreg s3  }
0xa9: {  	[dreg:$0x3] =	wrdreg s5  }
0xaa: {  	[dreg:$0x4] =	wrdreg $0xC0  }
0xab: {  	_ =	task [dreg:s7], $0x5FFFF  }
0xac: {  	[dreg:$0x1] =	wrdreg $0xFFFFFFFF  }
0xad: {  	[dreg:$0x0] =	wrdreg $0x60  }
0xae: {  	[dreg:$0x2] =	wrdreg s24  }
0xaf: {  	[dreg:$0x3] =	wrdreg s2  }
0xb0: {  	[dreg:$0x4] =	wrdreg $0x0  }
0xb1: {  	[dreg:$0x5] =	wrdreg $0x9  }
0xb2: {  	_ =	task.clear_ibuf [dreg:s7], $0x6FFFF;
	_ =	strace $0x90000049  }
0xb3: {  	s29 =	simm.s32 $0x9;
	_ =	strace $0x8000004B  }
0xb4: {  	_ =	swait.ge [sflag:s29], $0x1  }
0xb5: {  	[sflag:s29] =	ssyncadd.s32 $0xFFFFFFFF  }
0xb6: {  	_ =	strace $0x9000004B  }
0xb7: {  	_ =	sfence  }
0xb8: {  	s30 =	sld [smem:$0x0];
	_ =	sdelay $0x2  }
0xb9: {  	s31 =	sshll.u32 s1, $0xD;
	s1 =	sshrl.u32 s1, $0x2  }
0xba: {  	s3 =	sand.u32 $0x4000, s31;
	s1 =	sadd.s32 s1, s30  }
0xbb: {  	s0 =	sor.u32 s3, s0;
	s1 =	sshll.u32 s1, $0x11  }
0xbc: {  	s0 =	sor.u32 s1, s0  }
0xbd: {  	s0 =	sadd.s32 $0x8F2B, s0  }
0xbe: {  	[sflag:s0] =	ssyncadd.remote.s32 $0x1  }
0xbf: {  	_ =	sfence.sel $0xFFFF  }
0xc0: {  	[dreg:$0x0] =	wrdreg $0xFFFFFFFF;
	(pc) =	sbr.abs _section_cstart, $3  }
0xc1: {  	[dreg:$0x1] =	wrdreg $0xFFFFFFFF  }
0xc2: {  	_ =	task.clear_ibuf [dreg:s7], $0x2FFFF;
	_ =	strace $0x9FFFFFFF  }
0xc3: {  	(tm) =	ssettm $0x7FFFFFFF  }
tec
execute0_lowered:
.L_overlay_start_1:
0x0: {  	(tag) =	ssettag $0x1  }
0x1: {  	s0 =	rddreg [dreg:$0x0];
	s1 =	srdreg.scid  }
0x2: {  	s2 =	rddreg [dreg:$0x1];
	s12 =	stileid.u32  }
0x3: {  	s31 =	simm.s32 $0x16000;
	s3 =	sand.u32 $0x1, s1;
	s1 =	rddreg [dreg:$0x2]  }
0x4: {  	s5 =	sadd.s32 $0x3A00, s0;
	s7 =	sadd.s32 $0x40000, s0;
	s14 =	sshll.u32 s12, $0x9  }
0x5: {  	s8 =	smul.u32 $0x50000, s12;
	s9 =	sshll.u32 s12, $0xB;
	s4 =	ssub.s32 $0x2, s3  }
0x6: {  	s15 =	sadd.s32 s2, s9;
	s16 =	sadd.s32 s5, s9;
	s17 =	sor.u32 $0x200, s9  }
0x7: {  	s18 =	smul.u32 $0x140000, s3;
	s19 =	sor.u32 $0x400, s9;
	s22 =	sor.u32 $0x600, s9  }
0x8: {  	p0 =	sne.s32 s3, $0x0;
	s3 =	simm.s32 $0x15000;
	[dreg:$0x6] =	wrdreg s15  }
0x9: {  	s6 =	sshrl.u32 s4, $0x1;
	[dreg:$0x7] =	wrdreg s16;
	s11 =	sadd.s32 s2, s17  }
0xa: {  	s20 =	sadd.s32 s2, s19;
	s21 =	sadd.s32 s5, s19;
	[dreg:$0x8] =	wrdreg s11  }
0xb: {  	s4 =	ssub.s32 s4, s6;
	s6 =	sor.u32 $0x8000, s14;
	[dreg:$0xa] =	wrdreg s20  }
0xc: {  	s19 =	sadd.s32 $0xE000, s0;
	[dreg:$0xb] =	wrdreg s21;
	s10 =	sadd.s32 s2, s6  }
0xd: {  	s14 =	smul.u32 $0x14000, s12;
	s6 =	sadd.s32 s5, s6;
	[dreg:$0x4] =	wrdreg s10  }
0xe: {  	s2 =	sadd.s32 s2, s22;
	[dreg:$0x5] =	wrdreg s6;
	s6 =	sadd.s32 s5, s17  }
0xf: {  	s23 =	sadd.s32 s18, s14;
	s24 =	sadd.s32 $0x4000, s14;
	[dreg:$0xc] =	wrdreg s2  }
0x10: {  	s5 =	sadd.s32 s5, s22;
	s13 =	sadd.s32 $0x8000, s14;
	s15 =	sadd.s32 $0xC000, s14  }
0x11: {  	s14 =	sadd.s32 $0x10000, s14;
	[dreg:$0x9] =	wrdreg s6;
	s25 =	sshrl.u32 s23, $0x3  }
0x12: {  	s26 =	sadd.s32 s18, s24;
	[dreg:$0xd] =	wrdreg s5;
	s20 =	sadd.s32 s18, s13  }
0x13: {  	s21 =	sadd.s32 s18, s15;
	s10 =	sadd.s32 s18, s14;
	s18 =	simm.s32 $0x0  }
0x14: {  	s23 =	sshrl.u32 s8, $0x2;
	s24 =	sadd.s32 s24, s1;
	s5 =	simm.s32 $0x1A000  }
0x15: {  	s8 =	simm.s32 $0x14F80;
	s2 =	sadd.s32 s7, s25;
	s12 =	sshrl.u32 s26, $0x3  }
0x16: {  	s6 =	sshrl.u32 s20, $0x3;
	s9 =	sshrl.u32 s21, $0x3;
	s22 =	sshrl.u32 s10, $0x3  }
0x17: {  	[smem:$0x7FF] =	sst s18;
	s20 =	sadd.s32 s23, s1;
	s21 =	smax.u32 s4, $0x1  }
0x18: {  	s25 =	sadd.s32 s15, s1;
	s26 =	sadd.s32 s14, s1;
	s14 =	simm.s32 $0x3  }
0x19: {  	s4 =	simm.s32 $0x80;
	s10 =	simm.s32 $0x15F80;
	[dreg:$0xe] =	wrdreg s2  }
0x1a: {  	s2 =	sadd.s32 s7, s12;
	s6 =	sadd.s32 s7, s6;
	s16 =	sadd.s32 s7, s9  }
0x1b: {  	s17 =	sadd.s32 s7, s22;
	s22 =	sshrl.u32 s24, $0x3;
	s24 =	sshrl.u32 s25, $0x3  }
.Ltmp0:
0x1c: {  	s25 =	sshrl.u32 s26, $0x3;
	s26 =	sadd.s32 $0x4000, s20;
	(pc) =	sbr.rel .LBB2_1-.Ltmp0, $4  }
0x1d: {  	s28 =	sadd.s32 $0x8000, s20;
	s29 =	sadd.s32 $0xC000, s20;
	s30 =	sadd.s32 $0x10000, s20  }
0x1e: {  	s7 =	simm.s32 $0x2;
	s9 =	simm.s32 $0x15F00;
	[dreg:$0xf] =	wrdreg s2  }
0x1f: {  	[dreg:$0x10] =	wrdreg s6;
	s2 =	sadd.s32 s13, s1;
	s6 =	simm.s32 $0x1  }
0x20: {  	v0 =	vimm.f32 $0.0e+00;
	_ =	strace $0x8000004A;
	s23 =	sshrl.u32 s2, $0x3;
	s2 =	simm.s32 $0x14000  }
.LBB2_15:
0x21: {  	s0 =	sadd.s32 $0x14080, s11;
	[sflag:s14] =	ssyncadd.s32 $0xFFFFC000  }
0x22: {  	[tilespmem:s5], [sflag:$0x2] =	stream.indirect.gather [hbm4b:s19+s4], $0x80, s0, s4, $0xb8;
	[tilespmem:$0x1E000] =	vst v63  }
0x23: {  	_ =	swait.ge [sflag:s6], $0x4000  }
0x24: {  	[sflag:s6] =	ssyncset.done $0x0  }
0x25: {  	s12 =	sadd.s32 $0x15000, s11;
	[sflag:s6] =	ssyncadd.s32 $0xFFFFC000  }
0x26: {  	[spmem:s1] =	stream.indirect.scatter.add.f32 [tilespmem:s31], [sflag:$0x3], $0x80, s12, s4, $0xb8;
	[tilespmem:$0x1E000] =	vst v63  }
0x27: {  	_ =	swait.ge [sflag:s14], $0x4000  }
0x28: {  	[sflag:s14] =	ssyncset.done $0x0  }
0x29: {  	s13 =	sadd.s32 $0x14100, s11;
	[sflag:s14] =	ssyncadd.s32 $0xFFFFC000  }
0x2a: {  	[tilespmem:s31], [sflag:$0x1] =	stream.indirect.gather [hbm4b:s19+s4], $0x80, s13, s4, $0xb8;
	[tilespmem:$0x1E000] =	vst v63  }
0x2b: {  	_ =	swait.ge [sflag:s7], $0x4000  }
0x2c: {  	[sflag:s7] =	ssyncset.done $0x0  }
0x2d: {  	s15 =	sadd.s32 $0x15080, s11;
	[sflag:s7] =	ssyncadd.s32 $0xFFFFC000  }
0x2e: {  	[spmem:s1] =	stream.indirect.scatter.add.f32 [tilespmem:s5], [sflag:$0x3], $0x80, s15, s4, $0xb8;
	[tilespmem:$0x1E000] =	vst v63  }
0x2f: {  	_ =	swait.ge [sflag:s14], $0x4000  }
0x30: {  	[sflag:s14] =	ssyncset.done $0x0  }
0x31: {  	[sflag:s14] =	ssyncadd.s32 $0xFFFFC000  }
.LBB2_16:
0x32: {  	[tilespmem:s5], [sflag:$0x2] =	stream.indirect.gather [hbm4b:s19+s4], $0x80, s8, s4, $0xb8;
	[tilespmem:$0x1E000] =	vst v63  }
0x33: {  	_ =	swait.ge [sflag:s6], $0x4000  }
0x34: {  	[sflag:s6] =	ssyncset.done $0x0  }
0x35: {  	[sflag:s6] =	ssyncadd.s32 $0xFFFFC000  }
0x36: {  	[spmem:s1] =	stream.indirect.scatter.add.f32 [tilespmem:s31], [sflag:$0x3], $0x80, s9, s4, $0xb8;
	[tilespmem:$0x1E000] =	vst v63  }
0x37: {  	_ =	swait.ge [sflag:s14], $0x4000  }
0x38: {  	[sflag:s14] =	ssyncset.done $0x0  }
0x39: {  	[sflag:s14] =	ssyncadd.s32 $0xFFFFC000  }
0x3a: {  	_ =	swait.ge [sflag:s7], $0x4000  }
0x3b: {  	[sflag:s7] =	ssyncset.done $0x0  }
0x3c: {  	[sflag:s7] =	ssyncadd.s32 $0xFFFFC000  }
0x3d: {  	[spmem:s1] =	stream.indirect.scatter.add.f32 [tilespmem:s5], [sflag:$0x3], $0x80, s10, s4, $0xb8;
	[tilespmem:$0x1E000] =	vst v63  }
0x3e: {  	_ =	swait.ge [sflag:s14], $0x4000  }
0x3f: {  	[sflag:s14] =	ssyncset.done $0x0  }
0x40: {  	s0 =	stileid.u32;
	[sflag:s14] =	ssyncadd.s32 $0xFFFFC000  }
0x41: {  	s0 =	sshll.u32 s0, $0x6;
	[bflag:$0x0] =	sbarrier.arrive $0xFFFF  }
0x42: {  	s11 =	sshrl.u32 s20, $0x3;
	s0 =	sor.u32 $0x1C03, s0;
	s12 =	rddreg [dreg:$0xe]  }
0x43: {  	[hbm:s12], [sflag:s0] =	dma.local [spmem:s11], $0x800  }
0x44: {  	_ =	swait.ge [sflag:s14], $0x800  }
0x45: {  	[sflag:s14] =	ssyncset.done $0x0  }
0x46: {  	s13 =	rddreg [dreg:$0xf];
	[sflag:s14] =	ssyncadd.s32 $0xFFFFF800  }
0x47: {  	[hbm:s13], [sflag:s0] =	dma.local [spmem:s22], $0x800  }
0x48: {  	_ =	swait.ge [sflag:s14], $0x800  }
0x49: {  	[sflag:s14] =	ssyncset.done $0x0  }
0x4a: {  	s15 =	rddreg [dreg:$0x10];
	[sflag:s14] =	ssyncadd.s32 $0xFFFFF800  }
0x4b: {  	[hbm:s15], [sflag:s0] =	dma.local [spmem:s23], $0x800  }
0x4c: {  	_ =	swait.ge [sflag:s14], $0x800  }
0x4d: {  	[sflag:s14] =	ssyncset.done $0x0  }
0x4e: {  	[sflag:s14] =	ssyncadd.s32 $0xFFFFF800  }
0x4f: {  	[hbm:s16], [sflag:s0] =	dma.local [spmem:s24], $0x800  }
0x50: {  	s18 =	sadd.s32 $0x1, s18;
	_ =	swait.ge [sflag:s14], $0x800  }
0x51: {  	p1 =	sne.s32 s18, s21;
	[sflag:s14] =	ssyncset.done $0x0  }
.Ltmp1:
0x52: {  	[sflag:s14] =	ssyncadd.s32 $0xFFFFF800;
	(pc) =	sbr.rel @!p1 .LBB2_17-.Ltmp1, $4  }
0x53: {  	[hbm:s17], [sflag:s0] =	dma.local [spmem:s25], $0x800  }
0x54: {  	_ =	swait.ge [sflag:s14], $0x800  }
0x55: {  	[sflag:s14] =	ssyncset.done $0x0  }
0x56: {  	[sflag:s14] =	ssyncadd.s32 $0xFFFFF800  }
.LBB2_1:
0x57: {  	s11 =	simm.s32 $0x0;
	s0 =	simm.s32 $0x200  }
.LBB2_2:
0x58: {  	p1 =	sne.s32 s0, $0xFE00;
	[tilespmem:s11+$0x16070] =	vst v0  }
0x59: {  	[tilespmem:s11+$0x16000] =	vst v0  }
0x5a: {  	[tilespmem:s11+$0x16010] =	vst v0  }
.Ltmp2:
0x5b: {  	[tilespmem:s11+$0x16020] =	vst v0;
	(pc) =	sbr.rel @p1 .LBB2_2-.Ltmp2, $4  }
0x5c: {  	[tilespmem:s11+$0x16030] =	vst v0  }
0x5d: {  	[tilespmem:s11+$0x16040] =	vst v0  }
0x5e: {  	[tilespmem:s11+$0x16050] =	vst v0  }
0x5f: {  	[tilespmem:s11+$0x16060] =	vst v0;
	s11 =	sshra.s32 s0, $0x2;
	s0 =	sadd.s32 $0x200, s0  }
0x60: {  	[tilespmem:s11+$0x16070] =	vst v0  }
0x61: {  	[tilespmem:s11+$0x16000] =	vst v0  }
0x62: {  	[tilespmem:s11+$0x16010] =	vst v0  }
0x63: {  	[tilespmem:s11+$0x16020] =	vst v0  }
0x64: {  	[tilespmem:s11+$0x16030] =	vst v0  }
0x65: {  	[tilespmem:s11+$0x16040] =	vst v0  }
0x66: {  	[tilespmem:s11+$0x16050] =	vst v0  }
0x67: {  	[tilespmem:s11+$0x16060] =	vst v0  }
0x68: {  	[spmem:s20] =	stream.linear.scatter [tilespmem:s31], [sflag:$0x3], $0x4000, $0x38;
	[tilespmem:$0x1E000] =	vst v63  }
0x69: {  	_ =	swait.ge [sflag:s14], $0x4000  }
0x6a: {  	[sflag:s14] =	ssyncset.done $0x0  }
0x6b: {  	[sflag:s14] =	ssyncadd.s32 $0xFFFFC000  }
0x6c: {  	[spmem:s26] =	stream.linear.scatter [tilespmem:s31], [sflag:$0x3], $0x4000, $0x38;
	[tilespmem:$0x1E000] =	vst v63  }
0x6d: {  	_ =	swait.ge [sflag:s14], $0x4000  }
0x6e: {  	[sflag:s14] =	ssyncset.done $0x0  }
0x6f: {  	[sflag:s14] =	ssyncadd.s32 $0xFFFFC000  }
0x70: {  	[spmem:s28] =	stream.linear.scatter [tilespmem:s31], [sflag:$0x3], $0x4000, $0x38;
	[tilespmem:$0x1E000] =	vst v63  }
0x71: {  	_ =	swait.ge [sflag:s14], $0x4000  }
0x72: {  	[sflag:s14] =	ssyncset.done $0x0  }
0x73: {  	[sflag:s14] =	ssyncadd.s32 $0xFFFFC000  }
0x74: {  	[spmem:s29] =	stream.linear.scatter [tilespmem:s31], [sflag:$0x3], $0x4000, $0x38;
	[tilespmem:$0x1E000] =	vst v63  }
0x75: {  	_ =	swait.ge [sflag:s14], $0x4000  }
0x76: {  	[sflag:s14] =	ssyncset.done $0x0  }
0x77: {  	[sflag:s14] =	ssyncadd.s32 $0xFFFFC000  }
0x78: {  	[spmem:s30] =	stream.linear.scatter [tilespmem:s31], [sflag:$0x3], $0x4000, $0x38;
	[tilespmem:$0x1E000] =	vst v63  }
.Ltmp3:
0x79: {  	_ =	swait.ge [sflag:s14], $0x4000;
	(pc) =	sbr.rel @p0 .LBB2_13-.Ltmp3, $4  }
0x7a: {  	[sflag:s14] =	ssyncset.done $0x0  }
0x7b: {  	[sflag:s14] =	ssyncadd.s32 $0xFFFFC000  }
0x7c: {  	[bflag:$0x0] =	sbarrier.arrive $0xFFFF  }
0x7d: {  	s0 =	simm.s32 $0x0  }
0x7e: {  	s11 =	rddreg [dreg:$0x6]  }
0x7f: {  	[tilespmem:s2], [sflag:$0x3] =	stream.linear.gather [hbm4b:s11+s0], $0x1000, $0x38;
	[tilespmem:$0x1E000] =	vst v63  }
0x80: {  	_ =	swait.ge [sflag:s14], $0x1000  }
0x81: {  	[sflag:s14] =	ssyncset.done $0x0  }
0x82: {  	s15 =	rddreg [dreg:$0x7];
	[sflag:s14] =	ssyncadd.s32 $0xFFFFF000  }
0x83: {  	[tilespmem:s3], [sflag:$0x3] =	stream.linear.gather [hbm4b:s15+s0], $0x1000, $0x38;
	[tilespmem:$0x1E000] =	vst v63  }
0x84: {  	_ =	swait.ge [sflag:s14], $0x1000  }
0x85: {  	[sflag:s14] =	ssyncset.done $0x0  }
0x86: {  	[sflag:s14] =	ssyncadd.s32 $0xFFFFF000  }
0x87: {  	[tilespmem:s31], [sflag:$0x1] =	stream.indirect.gather [hbm4b:s19+s4], $0x80, s2, s4, $0xb8;
	[tilespmem:$0x1E000] =	vst v63  }
0x88: {  	s11 =	simm.s32 $0x14080  }
0x89: {  	[tilespmem:s5], [sflag:$0x2] =	stream.indirect.gather [hbm4b:s19+s4], $0x80, s11, s4, $0xb8;
	[tilespmem:$0x1E000] =	vst v63  }
0x8a: {  	_ =	swait.ge [sflag:s6], $0x4000  }
0x8b: {  	[sflag:s6] =	ssyncset.done $0x0  }
0x8c: {  	s12 =	simm.s32 $0x15000;
	[sflag:s6] =	ssyncadd.s32 $0xFFFFC000  }
0x8d: {  	[spmem:s1] =	stream.indirect.scatter.add.f32 [tilespmem:s31], [sflag:$0x3], $0x80, s12, s4, $0xb8;
	[tilespmem:$0x1E000] =	vst v63  }
0x8e: {  	_ =	swait.ge [sflag:s14], $0x4000  }
0x8f: {  	[sflag:s14] =	ssyncset.done $0x0  }
0x90: {  	s13 =	simm.s32 $0x14100;
	[sflag:s14] =	ssyncadd.s32 $0xFFFFC000  }
0x91: {  	[tilespmem:s31], [sflag:$0x1] =	stream.indirect.gather [hbm4b:s19+s4], $0x80, s13, s4, $0xb8;
	[tilespmem:$0x1E000] =	vst v63  }
0x92: {  	_ =	swait.ge [sflag:s7], $0x4000  }
0x93: {  	[sflag:s7] =	ssyncset.done $0x0  }
0x94: {  	s15 =	simm.s32 $0x15080;
	[sflag:s7] =	ssyncadd.s32 $0xFFFFC000  }
0x95: {  	[spmem:s1] =	stream.indirect.scatter.add.f32 [tilespmem:s5], [sflag:$0x3], $0x80, s15, s4, $0xb8;
	[tilespmem:$0x1E000] =	vst v63  }
0x96: {  	_ =	swait.ge [sflag:s14], $0x4000  }
0x97: {  	s0 =	simm.s32 $0x800;
	s11 =	simm.s32 $0x100;
	[sflag:s14] =	ssyncset.done $0x0  }
.LBB2_5:
0x98: {  	s12 =	sadd.s32 $0x14080, s11  }
0x99: {  	[sflag:s14] =	ssyncadd.s32 $0xFFFFC000;
	s13 =	smov.u32 s0;
	s15 =	sadd.s32 $0x400, s0  }
0x9a: {  	[tilespmem:s5], [sflag:$0x2] =	stream.indirect.gather [hbm4b:s19+s4], $0x80, s12, s4, $0xb8;
	[tilespmem:$0x1E000] =	vst v63  }
0x9b: {  	p1 =	sne.s32 s0, $0x3800;
	_ =	swait.ge [sflag:s6], $0x4000  }
0x9c: {  	[sflag:s6] =	ssyncset.done $0x0  }
0x9d: {  	s0 =	sadd.s32 $0x15000, s11;
	[sflag:s6] =	ssyncadd.s32 $0xFFFFC000  }
0x9e: {  	[spmem:s1] =	stream.indirect.scatter.add.f32 [tilespmem:s31], [sflag:$0x3], $0x80, s0, s4, $0xb8;
	[tilespmem:$0x1E000] =	vst v63  }
0x9f: {  	_ =	swait.ge [sflag:s14], $0x4000  }
0xa0: {  	[sflag:s14] =	ssyncset.done $0x0  }
0xa1: {  	s0 =	sadd.s32 $0x14100, s11;
	[sflag:s14] =	ssyncadd.s32 $0xFFFFC000  }
0xa2: {  	[tilespmem:s31], [sflag:$0x1] =	stream.indirect.gather [hbm4b:s19+s4], $0x80, s0, s4, $0xb8;
	[tilespmem:$0x1E000] =	vst v63  }
0xa3: {  	_ =	swait.ge [sflag:s7], $0x4000  }
.Ltmp4:
0xa4: {  	[sflag:s7] =	ssyncset.done $0x0;
	(pc) =	sbr.rel @p1 .LBB2_5-.Ltmp4, $4  }
0xa5: {  	s0 =	sadd.s32 $0x15080, s11;
	[sflag:s7] =	ssyncadd.s32 $0xFFFFC000  }
0xa6: {  	[spmem:s1] =	stream.indirect.scatter.add.f32 [tilespmem:s5], [sflag:$0x3], $0x80, s0, s4, $0xb8;
	[tilespmem:$0x1E000] =	vst v63  }
0xa7: {  	_ =	swait.ge [sflag:s14], $0x4000  }
0xa8: {  	s11 =	sshra.s32 s13, $0x2;
	s0 =	smov.u32 s15;
	[sflag:s14] =	ssyncset.done $0x0  }
0xa9: {  	s0 =	sadd.s32 $0x14080, s11;
	[sflag:s14] =	ssyncadd.s32 $0xFFFFC000  }
0xaa: {  	[tilespmem:s5], [sflag:$0x2] =	stream.indirect.gather [hbm4b:s19+s4], $0x80, s0, s4, $0xb8;
	[tilespmem:$0x1E000] =	vst v63  }
0xab: {  	_ =	swait.ge [sflag:s6], $0x4000  }
0xac: {  	[sflag:s6] =	ssyncset.done $0x0  }
0xad: {  	s13 =	sadd.s32 $0x15000, s11;
	[sflag:s6] =	ssyncadd.s32 $0xFFFFC000  }
0xae: {  	[spmem:s1] =	stream.indirect.scatter.add.f32 [tilespmem:s31], [sflag:$0x3], $0x80, s13, s4, $0xb8;
	[tilespmem:$0x1E000] =	vst v63  }
0xaf: {  	_ =	swait.ge [sflag:s14], $0x4000  }
0xb0: {  	[sflag:s14] =	ssyncset.done $0x0  }
0xb1: {  	s15 =	sadd.s32 $0x14100, s11;
	[sflag:s14] =	ssyncadd.s32 $0xFFFFC000  }
0xb2: {  	[tilespmem:s31], [sflag:$0x1] =	stream.indirect.gather [hbm4b:s19+s4], $0x80, s15, s4, $0xb8;
	[tilespmem:$0x1E000] =	vst v63  }
0xb3: {  	_ =	swait.ge [sflag:s7], $0x4000  }
0xb4: {  	[sflag:s7] =	ssyncset.done $0x0  }
0xb5: {  	s11 =	sadd.s32 $0x15080, s11;
	[sflag:s7] =	ssyncadd.s32 $0xFFFFC000  }
0xb6: {  	[spmem:s1] =	stream.indirect.scatter.add.f32 [tilespmem:s5], [sflag:$0x3], $0x80, s11, s4, $0xb8;
	[tilespmem:$0x1E000] =	vst v63  }
0xb7: {  	_ =	swait.ge [sflag:s14], $0x4000  }
0xb8: {  	[sflag:s14] =	ssyncset.done $0x0  }
0xb9: {  	[sflag:s14] =	ssyncadd.s32 $0xFFFFC000  }
0xba: {  	[tilespmem:s5], [sflag:$0x2] =	stream.indirect.gather [hbm4b:s19+s4], $0x80, s8, s4, $0xb8;
	[tilespmem:$0x1E000] =	vst v63  }
0xbb: {  	_ =	swait.ge [sflag:s6], $0x4000  }
0xbc: {  	[sflag:s6] =	ssyncset.done $0x0  }
0xbd: {  	[sflag:s6] =	ssyncadd.s32 $0xFFFFC000  }
0xbe: {  	[spmem:s1] =	stream.indirect.scatter.add.f32 [tilespmem:s31], [sflag:$0x3], $0x80, s9, s4, $0xb8;
	[tilespmem:$0x1E000] =	vst v63  }
0xbf: {  	_ =	swait.ge [sflag:s14], $0x4000  }
0xc0: {  	[sflag:s14] =	ssyncset.done $0x0  }
0xc1: {  	[sflag:s14] =	ssyncadd.s32 $0xFFFFC000  }
0xc2: {  	_ =	swait.ge [sflag:s7], $0x4000  }
0xc3: {  	[sflag:s7] =	ssyncset.done $0x0  }
0xc4: {  	[sflag:s7] =	ssyncadd.s32 $0xFFFFC000  }
0xc5: {  	[spmem:s1] =	stream.indirect.scatter.add.f32 [tilespmem:s5], [sflag:$0x3], $0x80, s10, s4, $0xb8;
	[tilespmem:$0x1E000] =	vst v63  }
0xc6: {  	_ =	swait.ge [sflag:s14], $0x4000  }
0xc7: {  	[sflag:s14] =	ssyncset.done $0x0  }
0xc8: {  	s12 =	simm.s32 $0x0;
	s13 =	rddreg [dreg:$0x8];
	[sflag:s14] =	ssyncadd.s32 $0xFFFFC000  }
0xc9: {  	[tilespmem:s2], [sflag:$0x3] =	stream.linear.gather [hbm4b:s13+s12], $0x1000, $0x38;
	[tilespmem:$0x1E000] =	vst v63  }
0xca: {  	_ =	swait.ge [sflag:s14], $0x1000  }
0xcb: {  	[sflag:s14] =	ssyncset.done $0x0  }
0xcc: {  	s15 =	rddreg [dreg:$0x9];
	[sflag:s14] =	ssyncadd.s32 $0xFFFFF000  }
0xcd: {  	[tilespmem:s3], [sflag:$0x3] =	stream.linear.gather [hbm4b:s15+s12], $0x1000, $0x38;
	[tilespmem:$0x1E000] =	vst v63  }
0xce: {  	_ =	swait.ge [sflag:s14], $0x1000  }
0xcf: {  	[sflag:s14] =	ssyncset.done $0x0  }
0xd0: {  	[sflag:s14] =	ssyncadd.s32 $0xFFFFF000  }
0xd1: {  	[tilespmem:s31], [sflag:$0x1] =	stream.indirect.gather [hbm4b:s19+s4], $0x80, s2, s4, $0xb8;
	[tilespmem:$0x1E000] =	vst v63  }
0xd2: {  	s11 =	simm.s32 $0x14080  }
0xd3: {  	[tilespmem:s5], [sflag:$0x2] =	stream.indirect.gather [hbm4b:s19+s4], $0x80, s11, s4, $0xb8;
	[tilespmem:$0x1E000] =	vst v63  }
0xd4: {  	_ =	swait.ge [sflag:s6], $0x4000  }
0xd5: {  	[sflag:s6] =	ssyncset.done $0x0  }
0xd6: {  	s12 =	simm.s32 $0x15000;
	[sflag:s6] =	ssyncadd.s32 $0xFFFFC000  }
0xd7: {  	[spmem:s1] =	stream.indirect.scatter.add.f32 [tilespmem:s31], [sflag:$0x3], $0x80, s12, s4, $0xb8;
	[tilespmem:$0x1E000] =	vst v63  }
0xd8: {  	_ =	swait.ge [sflag:s14], $0x4000  }
0xd9: {  	[sflag:s14] =	ssyncset.done $0x0  }
0xda: {  	s13 =	simm.s32 $0x14100;
	[sflag:s14] =	ssyncadd.s32 $0xFFFFC000  }
0xdb: {  	[tilespmem:s31], [sflag:$0x1] =	stream.indirect.gather [hbm4b:s19+s4], $0x80, s13, s4, $0xb8;
	[tilespmem:$0x1E000] =	vst v63  }
0xdc: {  	_ =	swait.ge [sflag:s7], $0x4000  }
0xdd: {  	[sflag:s7] =	ssyncset.done $0x0  }
0xde: {  	s15 =	simm.s32 $0x15080;
	[sflag:s7] =	ssyncadd.s32 $0xFFFFC000  }
0xdf: {  	[spmem:s1] =	stream.indirect.scatter.add.f32 [tilespmem:s5], [sflag:$0x3], $0x80, s15, s4, $0xb8;
	[tilespmem:$0x1E000] =	vst v63  }
0xe0: {  	_ =	swait.ge [sflag:s14], $0x4000  }
0xe1: {  	s0 =	simm.s32 $0x800;
	s11 =	simm.s32 $0x100;
	[sflag:s14] =	ssyncset.done $0x0  }
.LBB2_7:
0xe2: {  	s12 =	sadd.s32 $0x14080, s11  }
0xe3: {  	[sflag:s14] =	ssyncadd.s32 $0xFFFFC000;
	s13 =	smov.u32 s0;
	s15 =	sadd.s32 $0x400, s0  }
0xe4: {  	[tilespmem:s5], [sflag:$0x2] =	stream.indirect.gather [hbm4b:s19+s4], $0x80, s12, s4, $0xb8;
	[tilespmem:$0x1E000] =	vst v63  }
0xe5: {  	p1 =	sne.s32 s0, $0x3800;
	_ =	swait.ge [sflag:s6], $0x4000  }
0xe6: {  	[sflag:s6] =	ssyncset.done $0x0  }
0xe7: {  	s0 =	sadd.s32 $0x15000, s11;
	[sflag:s6] =	ssyncadd.s32 $0xFFFFC000  }
0xe8: {  	[spmem:s1] =	stream.indirect.scatter.add.f32 [tilespmem:s31], [sflag:$0x3], $0x80, s0, s4, $0xb8;
	[tilespmem:$0x1E000] =	vst v63  }
0xe9: {  	_ =	swait.ge [sflag:s14], $0x4000  }
0xea: {  	[sflag:s14] =	ssyncset.done $0x0  }
0xeb: {  	s0 =	sadd.s32 $0x14100, s11;
	[sflag:s14] =	ssyncadd.s32 $0xFFFFC000  }
0xec: {  	[tilespmem:s31], [sflag:$0x1] =	stream.indirect.gather [hbm4b:s19+s4], $0x80, s0, s4, $0xb8;
	[tilespmem:$0x1E000] =	vst v63  }
0xed: {  	_ =	swait.ge [sflag:s7], $0x4000  }
.Ltmp5:
0xee: {  	[sflag:s7] =	ssyncset.done $0x0;
	(pc) =	sbr.rel @p1 .LBB2_7-.Ltmp5, $4  }
0xef: {  	s0 =	sadd.s32 $0x15080, s11;
	[sflag:s7] =	ssyncadd.s32 $0xFFFFC000  }
0xf0: {  	[spmem:s1] =	stream.indirect.scatter.add.f32 [tilespmem:s5], [sflag:$0x3], $0x80, s0, s4, $0xb8;
	[tilespmem:$0x1E000] =	vst v63  }
0xf1: {  	_ =	swait.ge [sflag:s14], $0x4000  }
0xf2: {  	s11 =	sshra.s32 s13, $0x2;
	s0 =	smov.u32 s15;
	[sflag:s14] =	ssyncset.done $0x0  }
0xf3: {  	s0 =	sadd.s32 $0x14080, s11;
	[sflag:s14] =	ssyncadd.s32 $0xFFFFC000  }
0xf4: {  	[tilespmem:s5], [sflag:$0x2] =	stream.indirect.gather [hbm4b:s19+s4], $0x80, s0, s4, $0xb8;
	[tilespmem:$0x1E000] =	vst v63  }
0xf5: {  	_ =	swait.ge [sflag:s6], $0x4000  }
0xf6: {  	[sflag:s6] =	ssyncset.done $0x0  }
0xf7: {  	s13 =	sadd.s32 $0x15000, s11;
	[sflag:s6] =	ssyncadd.s32 $0xFFFFC000  }
0xf8: {  	[spmem:s1] =	stream.indirect.scatter.add.f32 [tilespmem:s31], [sflag:$0x3], $0x80, s13, s4, $0xb8;
	[tilespmem:$0x1E000] =	vst v63  }
0xf9: {  	_ =	swait.ge [sflag:s14], $0x4000  }
0xfa: {  	[sflag:s14] =	ssyncset.done $0x0  }
0xfb: {  	s15 =	sadd.s32 $0x14100, s11;
	[sflag:s14] =	ssyncadd.s32 $0xFFFFC000  }
0xfc: {  	[tilespmem:s31], [sflag:$0x1] =	stream.indirect.gather [hbm4b:s19+s4], $0x80, s15, s4, $0xb8;
	[tilespmem:$0x1E000] =	vst v63  }
0xfd: {  	_ =	swait.ge [sflag:s7], $0x4000  }
0xfe: {  	[sflag:s7] =	ssyncset.done $0x0  }
0xff: {  	s11 =	sadd.s32 $0x15080, s11;
	[sflag:s7] =	ssyncadd.s32 $0xFFFFC000  }
0x100: {  	[spmem:s1] =	stream.indirect.scatter.add.f32 [tilespmem:s5], [sflag:$0x3], $0x80, s11, s4, $0xb8;
	[tilespmem:$0x1E000] =	vst v63  }
0x101: {  	_ =	swait.ge [sflag:s14], $0x4000  }
0x102: {  	[sflag:s14] =	ssyncset.done $0x0  }
0x103: {  	[sflag:s14] =	ssyncadd.s32 $0xFFFFC000  }
0x104: {  	[tilespmem:s5], [sflag:$0x2] =	stream.indirect.gather [hbm4b:s19+s4], $0x80, s8, s4, $0xb8;
	[tilespmem:$0x1E000] =	vst v63  }
0x105: {  	_ =	swait.ge [sflag:s6], $0x4000  }
0x106: {  	[sflag:s6] =	ssyncset.done $0x0  }
0x107: {  	[sflag:s6] =	ssyncadd.s32 $0xFFFFC000  }
0x108: {  	[spmem:s1] =	stream.indirect.scatter.add.f32 [tilespmem:s31], [sflag:$0x3], $0x80, s9, s4, $0xb8;
	[tilespmem:$0x1E000] =	vst v63  }
0x109: {  	_ =	swait.ge [sflag:s14], $0x4000  }
0x10a: {  	[sflag:s14] =	ssyncset.done $0x0  }
0x10b: {  	[sflag:s14] =	ssyncadd.s32 $0xFFFFC000  }
0x10c: {  	_ =	swait.ge [sflag:s7], $0x4000  }
0x10d: {  	[sflag:s7] =	ssyncset.done $0x0  }
0x10e: {  	[sflag:s7] =	ssyncadd.s32 $0xFFFFC000  }
0x10f: {  	[spmem:s1] =	stream.indirect.scatter.add.f32 [tilespmem:s5], [sflag:$0x3], $0x80, s10, s4, $0xb8;
	[tilespmem:$0x1E000] =	vst v63  }
0x110: {  	_ =	swait.ge [sflag:s14], $0x4000  }
0x111: {  	[sflag:s14] =	ssyncset.done $0x0  }
0x112: {  	s12 =	simm.s32 $0x0;
	s13 =	rddreg [dreg:$0xa];
	[sflag:s14] =	ssyncadd.s32 $0xFFFFC000  }
0x113: {  	[tilespmem:s2], [sflag:$0x3] =	stream.linear.gather [hbm4b:s13+s12], $0x1000, $0x38;
	[tilespmem:$0x1E000] =	vst v63  }
0x114: {  	_ =	swait.ge [sflag:s14], $0x1000  }
0x115: {  	[sflag:s14] =	ssyncset.done $0x0  }
0x116: {  	s15 =	rddreg [dreg:$0xb];
	[sflag:s14] =	ssyncadd.s32 $0xFFFFF000  }
0x117: {  	[tilespmem:s3], [sflag:$0x3] =	stream.linear.gather [hbm4b:s15+s12], $0x1000, $0x38;
	[tilespmem:$0x1E000] =	vst v63  }
0x118: {  	_ =	swait.ge [sflag:s14], $0x1000  }
0x119: {  	[sflag:s14] =	ssyncset.done $0x0  }
0x11a: {  	[sflag:s14] =	ssyncadd.s32 $0xFFFFF000  }
0x11b: {  	[tilespmem:s31], [sflag:$0x1] =	stream.indirect.gather [hbm4b:s19+s4], $0x80, s2, s4, $0xb8;
	[tilespmem:$0x1E000] =	vst v63  }
0x11c: {  	s11 =	simm.s32 $0x14080  }
0x11d: {  	[tilespmem:s5], [sflag:$0x2] =	stream.indirect.gather [hbm4b:s19+s4], $0x80, s11, s4, $0xb8;
	[tilespmem:$0x1E000] =	vst v63  }
0x11e: {  	_ =	swait.ge [sflag:s6], $0x4000  }
0x11f: {  	[sflag:s6] =	ssyncset.done $0x0  }
0x120: {  	s12 =	simm.s32 $0x15000;
	[sflag:s6] =	ssyncadd.s32 $0xFFFFC000  }
0x121: {  	[spmem:s1] =	stream.indirect.scatter.add.f32 [tilespmem:s31], [sflag:$0x3], $0x80, s12, s4, $0xb8;
	[tilespmem:$0x1E000] =	vst v63  }
0x122: {  	_ =	swait.ge [sflag:s14], $0x4000  }
0x123: {  	[sflag:s14] =	ssyncset.done $0x0  }
0x124: {  	s13 =	simm.s32 $0x14100;
	[sflag:s14] =	ssyncadd.s32 $0xFFFFC000  }
0x125: {  	[tilespmem:s31], [sflag:$0x1] =	stream.indirect.gather [hbm4b:s19+s4], $0x80, s13, s4, $0xb8;
	[tilespmem:$0x1E000] =	vst v63  }
0x126: {  	_ =	swait.ge [sflag:s7], $0x4000  }
0x127: {  	[sflag:s7] =	ssyncset.done $0x0  }
0x128: {  	s15 =	simm.s32 $0x15080;
	[sflag:s7] =	ssyncadd.s32 $0xFFFFC000  }
0x129: {  	[spmem:s1] =	stream.indirect.scatter.add.f32 [tilespmem:s5], [sflag:$0x3], $0x80, s15, s4, $0xb8;
	[tilespmem:$0x1E000] =	vst v63  }
0x12a: {  	_ =	swait.ge [sflag:s14], $0x4000  }
0x12b: {  	s0 =	simm.s32 $0x800;
	s11 =	simm.s32 $0x100;
	[sflag:s14] =	ssyncset.done $0x0  }
.LBB2_9:
0x12c: {  	s12 =	sadd.s32 $0x14080, s11  }
0x12d: {  	[sflag:s14] =	ssyncadd.s32 $0xFFFFC000;
	s13 =	smov.u32 s0;
	s15 =	sadd.s32 $0x400, s0  }
0x12e: {  	[tilespmem:s5], [sflag:$0x2] =	stream.indirect.gather [hbm4b:s19+s4], $0x80, s12, s4, $0xb8;
	[tilespmem:$0x1E000] =	vst v63  }
0x12f: {  	p1 =	sne.s32 s0, $0x3800;
	_ =	swait.ge [sflag:s6], $0x4000  }
0x130: {  	[sflag:s6] =	ssyncset.done $0x0  }
0x131: {  	s0 =	sadd.s32 $0x15000, s11;
	[sflag:s6] =	ssyncadd.s32 $0xFFFFC000  }
0x132: {  	[spmem:s1] =	stream.indirect.scatter.add.f32 [tilespmem:s31], [sflag:$0x3], $0x80, s0, s4, $0xb8;
	[tilespmem:$0x1E000] =	vst v63  }
0x133: {  	_ =	swait.ge [sflag:s14], $0x4000  }
0x134: {  	[sflag:s14] =	ssyncset.done $0x0  }
0x135: {  	s0 =	sadd.s32 $0x14100, s11;
	[sflag:s14] =	ssyncadd.s32 $0xFFFFC000  }
0x136: {  	[tilespmem:s31], [sflag:$0x1] =	stream.indirect.gather [hbm4b:s19+s4], $0x80, s0, s4, $0xb8;
	[tilespmem:$0x1E000] =	vst v63  }
0x137: {  	_ =	swait.ge [sflag:s7], $0x4000  }
.Ltmp6:
0x138: {  	[sflag:s7] =	ssyncset.done $0x0;
	(pc) =	sbr.rel @p1 .LBB2_9-.Ltmp6, $4  }
0x139: {  	s0 =	sadd.s32 $0x15080, s11;
	[sflag:s7] =	ssyncadd.s32 $0xFFFFC000  }
0x13a: {  	[spmem:s1] =	stream.indirect.scatter.add.f32 [tilespmem:s5], [sflag:$0x3], $0x80, s0, s4, $0xb8;
	[tilespmem:$0x1E000] =	vst v63  }
0x13b: {  	_ =	swait.ge [sflag:s14], $0x4000  }
0x13c: {  	s11 =	sshra.s32 s13, $0x2;
	s0 =	smov.u32 s15;
	[sflag:s14] =	ssyncset.done $0x0  }
0x13d: {  	s0 =	sadd.s32 $0x14080, s11;
	[sflag:s14] =	ssyncadd.s32 $0xFFFFC000  }
0x13e: {  	[tilespmem:s5], [sflag:$0x2] =	stream.indirect.gather [hbm4b:s19+s4], $0x80, s0, s4, $0xb8;
	[tilespmem:$0x1E000] =	vst v63  }
0x13f: {  	_ =	swait.ge [sflag:s6], $0x4000  }
0x140: {  	[sflag:s6] =	ssyncset.done $0x0  }
0x141: {  	s13 =	sadd.s32 $0x15000, s11;
	[sflag:s6] =	ssyncadd.s32 $0xFFFFC000  }
0x142: {  	[spmem:s1] =	stream.indirect.scatter.add.f32 [tilespmem:s31], [sflag:$0x3], $0x80, s13, s4, $0xb8;
	[tilespmem:$0x1E000] =	vst v63  }
0x143: {  	_ =	swait.ge [sflag:s14], $0x4000  }
0x144: {  	[sflag:s14] =	ssyncset.done $0x0  }
0x145: {  	s15 =	sadd.s32 $0x14100, s11;
	[sflag:s14] =	ssyncadd.s32 $0xFFFFC000  }
0x146: {  	[tilespmem:s31], [sflag:$0x1] =	stream.indirect.gather [hbm4b:s19+s4], $0x80, s15, s4, $0xb8;
	[tilespmem:$0x1E000] =	vst v63  }
0x147: {  	_ =	swait.ge [sflag:s7], $0x4000  }
0x148: {  	[sflag:s7] =	ssyncset.done $0x0  }
0x149: {  	s11 =	sadd.s32 $0x15080, s11;
	[sflag:s7] =	ssyncadd.s32 $0xFFFFC000  }
0x14a: {  	[spmem:s1] =	stream.indirect.scatter.add.f32 [tilespmem:s5], [sflag:$0x3], $0x80, s11, s4, $0xb8;
	[tilespmem:$0x1E000] =	vst v63  }
0x14b: {  	_ =	swait.ge [sflag:s14], $0x4000  }
0x14c: {  	[sflag:s14] =	ssyncset.done $0x0  }
0x14d: {  	[sflag:s14] =	ssyncadd.s32 $0xFFFFC000  }
0x14e: {  	[tilespmem:s5], [sflag:$0x2] =	stream.indirect.gather [hbm4b:s19+s4], $0x80, s8, s4, $0xb8;
	[tilespmem:$0x1E000] =	vst v63  }
0x14f: {  	_ =	swait.ge [sflag:s6], $0x4000  }
0x150: {  	[sflag:s6] =	ssyncset.done $0x0  }
0x151: {  	[sflag:s6] =	ssyncadd.s32 $0xFFFFC000  }
0x152: {  	[spmem:s1] =	stream.indirect.scatter.add.f32 [tilespmem:s31], [sflag:$0x3], $0x80, s9, s4, $0xb8;
	[tilespmem:$0x1E000] =	vst v63  }
0x153: {  	_ =	swait.ge [sflag:s14], $0x4000  }
0x154: {  	[sflag:s14] =	ssyncset.done $0x0  }
0x155: {  	[sflag:s14] =	ssyncadd.s32 $0xFFFFC000  }
0x156: {  	_ =	swait.ge [sflag:s7], $0x4000  }
0x157: {  	[sflag:s7] =	ssyncset.done $0x0  }
0x158: {  	[sflag:s7] =	ssyncadd.s32 $0xFFFFC000  }
0x159: {  	[spmem:s1] =	stream.indirect.scatter.add.f32 [tilespmem:s5], [sflag:$0x3], $0x80, s10, s4, $0xb8;
	[tilespmem:$0x1E000] =	vst v63  }
0x15a: {  	_ =	swait.ge [sflag:s14], $0x4000  }
0x15b: {  	[sflag:s14] =	ssyncset.done $0x0  }
0x15c: {  	s12 =	simm.s32 $0x0;
	s13 =	rddreg [dreg:$0xc];
	[sflag:s14] =	ssyncadd.s32 $0xFFFFC000  }
0x15d: {  	[tilespmem:s2], [sflag:$0x3] =	stream.linear.gather [hbm4b:s13+s12], $0x1000, $0x38;
	[tilespmem:$0x1E000] =	vst v63  }
0x15e: {  	_ =	swait.ge [sflag:s14], $0x1000  }
0x15f: {  	[sflag:s14] =	ssyncset.done $0x0  }
0x160: {  	s15 =	rddreg [dreg:$0xd];
	[sflag:s14] =	ssyncadd.s32 $0xFFFFF000  }
0x161: {  	[tilespmem:s3], [sflag:$0x3] =	stream.linear.gather [hbm4b:s15+s12], $0x1000, $0x38;
	[tilespmem:$0x1E000] =	vst v63  }
0x162: {  	_ =	swait.ge [sflag:s14], $0x1000  }
0x163: {  	[sflag:s14] =	ssyncset.done $0x0  }
0x164: {  	[sflag:s14] =	ssyncadd.s32 $0xFFFFF000  }
0x165: {  	[tilespmem:s31], [sflag:$0x1] =	stream.indirect.gather [hbm4b:s19+s4], $0x80, s2, s4, $0xb8;
	[tilespmem:$0x1E000] =	vst v63  }
0x166: {  	s11 =	simm.s32 $0x14080  }
0x167: {  	[tilespmem:s5], [sflag:$0x2] =	stream.indirect.gather [hbm4b:s19+s4], $0x80, s11, s4, $0xb8;
	[tilespmem:$0x1E000] =	vst v63  }
0x168: {  	_ =	swait.ge [sflag:s6], $0x4000  }
0x169: {  	[sflag:s6] =	ssyncset.done $0x0  }
0x16a: {  	s12 =	simm.s32 $0x15000;
	[sflag:s6] =	ssyncadd.s32 $0xFFFFC000  }
0x16b: {  	[spmem:s1] =	stream.indirect.scatter.add.f32 [tilespmem:s31], [sflag:$0x3], $0x80, s12, s4, $0xb8;
	[tilespmem:$0x1E000] =	vst v63  }
0x16c: {  	_ =	swait.ge [sflag:s14], $0x4000  }
0x16d: {  	[sflag:s14] =	ssyncset.done $0x0  }
0x16e: {  	s13 =	simm.s32 $0x14100;
	[sflag:s14] =	ssyncadd.s32 $0xFFFFC000  }
0x16f: {  	[tilespmem:s31], [sflag:$0x1] =	stream.indirect.gather [hbm4b:s19+s4], $0x80, s13, s4, $0xb8;
	[tilespmem:$0x1E000] =	vst v63  }
0x170: {  	_ =	swait.ge [sflag:s7], $0x4000  }
0x171: {  	[sflag:s7] =	ssyncset.done $0x0  }
0x172: {  	s15 =	simm.s32 $0x15080;
	[sflag:s7] =	ssyncadd.s32 $0xFFFFC000  }
0x173: {  	[spmem:s1] =	stream.indirect.scatter.add.f32 [tilespmem:s5], [sflag:$0x3], $0x80, s15, s4, $0xb8;
	[tilespmem:$0x1E000] =	vst v63  }
0x174: {  	_ =	swait.ge [sflag:s14], $0x4000  }
0x175: {  	s0 =	simm.s32 $0x800;
	s11 =	simm.s32 $0x100;
	[sflag:s14] =	ssyncset.done $0x0  }
.LBB2_11:
0x176: {  	s12 =	sadd.s32 $0x14080, s11  }
0x177: {  	[sflag:s14] =	ssyncadd.s32 $0xFFFFC000;
	s13 =	smov.u32 s0;
	s15 =	sadd.s32 $0x400, s0  }
0x178: {  	[tilespmem:s5], [sflag:$0x2] =	stream.indirect.gather [hbm4b:s19+s4], $0x80, s12, s4, $0xb8;
	[tilespmem:$0x1E000] =	vst v63  }
0x179: {  	p1 =	seq.s32 s0, $0x3800;
	_ =	swait.ge [sflag:s6], $0x4000  }
0x17a: {  	[sflag:s6] =	ssyncset.done $0x0  }
0x17b: {  	s0 =	sadd.s32 $0x15000, s11;
	[sflag:s6] =	ssyncadd.s32 $0xFFFFC000  }
0x17c: {  	[spmem:s1] =	stream.indirect.scatter.add.f32 [tilespmem:s31], [sflag:$0x3], $0x80, s0, s4, $0xb8;
	[tilespmem:$0x1E000] =	vst v63  }
0x17d: {  	_ =	swait.ge [sflag:s14], $0x4000  }
0x17e: {  	[sflag:s14] =	ssyncset.done $0x0  }
0x17f: {  	s0 =	sadd.s32 $0x14100, s11;
	[sflag:s14] =	ssyncadd.s32 $0xFFFFC000  }
0x180: {  	[tilespmem:s31], [sflag:$0x1] =	stream.indirect.gather [hbm4b:s19+s4], $0x80, s0, s4, $0xb8;
	[tilespmem:$0x1E000] =	vst v63  }
0x181: {  	_ =	swait.ge [sflag:s7], $0x4000  }
.Ltmp7:
0x182: {  	[sflag:s7] =	ssyncset.done $0x0;
	(pc) =	sbr.rel @!p1 .LBB2_11-.Ltmp7, $4  }
0x183: {  	s0 =	sadd.s32 $0x15080, s11;
	[sflag:s7] =	ssyncadd.s32 $0xFFFFC000  }
0x184: {  	[spmem:s1] =	stream.indirect.scatter.add.f32 [tilespmem:s5], [sflag:$0x3], $0x80, s0, s4, $0xb8;
	[tilespmem:$0x1E000] =	vst v63  }
0x185: {  	_ =	swait.ge [sflag:s14], $0x4000  }
0x186: {  	s11 =	sshra.s32 s13, $0x2;
	s0 =	smov.u32 s15;
	[sflag:s14] =	ssyncset.done $0x0  }
0x187: {  	s0 =	sadd.s32 $0x14080, s11;
	[sflag:s14] =	ssyncadd.s32 $0xFFFFC000  }
0x188: {  	[tilespmem:s5], [sflag:$0x2] =	stream.indirect.gather [hbm4b:s19+s4], $0x80, s0, s4, $0xb8;
	[tilespmem:$0x1E000] =	vst v63  }
0x189: {  	_ =	swait.ge [sflag:s6], $0x4000  }
0x18a: {  	[sflag:s6] =	ssyncset.done $0x0  }
0x18b: {  	s12 =	sadd.s32 $0x15000, s11;
	[sflag:s6] =	ssyncadd.s32 $0xFFFFC000  }
0x18c: {  	[spmem:s1] =	stream.indirect.scatter.add.f32 [tilespmem:s31], [sflag:$0x3], $0x80, s12, s4, $0xb8;
	[tilespmem:$0x1E000] =	vst v63  }
0x18d: {  	_ =	swait.ge [sflag:s14], $0x4000  }
0x18e: {  	[sflag:s14] =	ssyncset.done $0x0  }
0x18f: {  	s13 =	sadd.s32 $0x14100, s11;
	[sflag:s14] =	ssyncadd.s32 $0xFFFFC000  }
0x190: {  	[tilespmem:s31], [sflag:$0x1] =	stream.indirect.gather [hbm4b:s19+s4], $0x80, s13, s4, $0xb8;
	[tilespmem:$0x1E000] =	vst v63  }
0x191: {  	_ =	swait.ge [sflag:s7], $0x4000  }
0x192: {  	[sflag:s7] =	ssyncset.done $0x0  }
.Ltmp8:
0x193: {  	s15 =	sadd.s32 $0x15080, s11;
	[sflag:s7] =	ssyncadd.s32 $0xFFFFC000;
	(pc) =	sbr.rel .LBB2_16-.Ltmp8, $4  }
0x194: {  	[spmem:s1] =	stream.indirect.scatter.add.f32 [tilespmem:s5], [sflag:$0x3], $0x80, s15, s4, $0xb8;
	[tilespmem:$0x1E000] =	vst v63  }
0x195: {  	_ =	swait.ge [sflag:s14], $0x4000  }
0x196: {  	[sflag:s14] =	ssyncset.done $0x0  }
0x197: {  	[sflag:s14] =	ssyncadd.s32 $0xFFFFC000  }
.LBB2_13:
0x198: {  	s11 =	rddreg [dreg:$0x4]  }
0x199: {  	[tilespmem:s2], [sflag:$0x3] =	stream.linear.gather [hbm4b:s11+s0], $0x1000, $0x38;
	[tilespmem:$0x1E000] =	vst v63  }
0x19a: {  	_ =	swait.ge [sflag:s14], $0x1000  }
0x19b: {  	[sflag:s14] =	ssyncset.done $0x0  }
0x19c: {  	s15 =	rddreg [dreg:$0x5];
	[sflag:s14] =	ssyncadd.s32 $0xFFFFF000  }
0x19d: {  	[tilespmem:s3], [sflag:$0x3] =	stream.linear.gather [hbm4b:s15+s0], $0x1000, $0x38;
	[tilespmem:$0x1E000] =	vst v63  }
0x19e: {  	_ =	swait.ge [sflag:s14], $0x1000  }
0x19f: {  	[sflag:s14] =	ssyncset.done $0x0  }
0x1a0: {  	[sflag:s14] =	ssyncadd.s32 $0xFFFFF000  }
0x1a1: {  	[tilespmem:s31], [sflag:$0x1] =	stream.indirect.gather [hbm4b:s19+s4], $0x80, s2, s4, $0xb8;
	[tilespmem:$0x1E000] =	vst v63  }
0x1a2: {  	s11 =	simm.s32 $0x14080  }
0x1a3: {  	[tilespmem:s5], [sflag:$0x2] =	stream.indirect.gather [hbm4b:s19+s4], $0x80, s11, s4, $0xb8;
	[tilespmem:$0x1E000] =	vst v63  }
0x1a4: {  	_ =	swait.ge [sflag:s6], $0x4000  }
0x1a5: {  	[sflag:s6] =	ssyncset.done $0x0  }
0x1a6: {  	s12 =	simm.s32 $0x15000;
	[sflag:s6] =	ssyncadd.s32 $0xFFFFC000  }
0x1a7: {  	[spmem:s1] =	stream.indirect.scatter.add.f32 [tilespmem:s31], [sflag:$0x3], $0x80, s12, s4, $0xb8;
	[tilespmem:$0x1E000] =	vst v63  }
0x1a8: {  	_ =	swait.ge [sflag:s14], $0x4000  }
0x1a9: {  	[sflag:s14] =	ssyncset.done $0x0  }
0x1aa: {  	s13 =	simm.s32 $0x14100;
	[sflag:s14] =	ssyncadd.s32 $0xFFFFC000  }
0x1ab: {  	[tilespmem:s31], [sflag:$0x1] =	stream.indirect.gather [hbm4b:s19+s4], $0x80, s13, s4, $0xb8;
	[tilespmem:$0x1E000] =	vst v63  }
0x1ac: {  	_ =	swait.ge [sflag:s7], $0x4000  }
0x1ad: {  	[sflag:s7] =	ssyncset.done $0x0  }
0x1ae: {  	s15 =	simm.s32 $0x15080;
	[sflag:s7] =	ssyncadd.s32 $0xFFFFC000  }
0x1af: {  	[spmem:s1] =	stream.indirect.scatter.add.f32 [tilespmem:s5], [sflag:$0x3], $0x80, s15, s4, $0xb8;
	[tilespmem:$0x1E000] =	vst v63  }
0x1b0: {  	_ =	swait.ge [sflag:s14], $0x4000  }
0x1b1: {  	s0 =	simm.s32 $0x800;
	s11 =	simm.s32 $0x100;
	[sflag:s14] =	ssyncset.done $0x0  }
.LBB2_14:
0x1b2: {  	s12 =	sadd.s32 $0x14080, s11  }
0x1b3: {  	[sflag:s14] =	ssyncadd.s32 $0xFFFFC000;
	s13 =	smov.u32 s0;
	s15 =	sadd.s32 $0x400, s0  }
0x1b4: {  	[tilespmem:s5], [sflag:$0x2] =	stream.indirect.gather [hbm4b:s19+s4], $0x80, s12, s4, $0xb8;
	[tilespmem:$0x1E000] =	vst v63  }
0x1b5: {  	p1 =	sne.s32 s0, $0x3800;
	_ =	swait.ge [sflag:s6], $0x4000  }
0x1b6: {  	[sflag:s6] =	ssyncset.done $0x0  }
0x1b7: {  	s0 =	sadd.s32 $0x15000, s11;
	[sflag:s6] =	ssyncadd.s32 $0xFFFFC000  }
0x1b8: {  	[spmem:s1] =	stream.indirect.scatter.add.f32 [tilespmem:s31], [sflag:$0x3], $0x80, s0, s4, $0xb8;
	[tilespmem:$0x1E000] =	vst v63  }
0x1b9: {  	_ =	swait.ge [sflag:s14], $0x4000  }
0x1ba: {  	[sflag:s14] =	ssyncset.done $0x0  }
0x1bb: {  	s0 =	sadd.s32 $0x14100, s11;
	[sflag:s14] =	ssyncadd.s32 $0xFFFFC000  }
0x1bc: {  	[tilespmem:s31], [sflag:$0x1] =	stream.indirect.gather [hbm4b:s19+s4], $0x80, s0, s4, $0xb8;
	[tilespmem:$0x1E000] =	vst v63  }
0x1bd: {  	_ =	swait.ge [sflag:s7], $0x4000  }
.Ltmp9:
0x1be: {  	[sflag:s7] =	ssyncset.done $0x0;
	(pc) =	sbr.rel @p1 .LBB2_14-.Ltmp9, $4  }
0x1bf: {  	s0 =	sadd.s32 $0x15080, s11;
	[sflag:s7] =	ssyncadd.s32 $0xFFFFC000  }
0x1c0: {  	[spmem:s1] =	stream.indirect.scatter.add.f32 [tilespmem:s5], [sflag:$0x3], $0x80, s0, s4, $0xb8;
	[tilespmem:$0x1E000] =	vst v63  }
0x1c1: {  	_ =	swait.ge [sflag:s14], $0x4000  }
0x1c2: {  	s11 =	sshra.s32 s13, $0x2;
	s0 =	smov.u32 s15;
	[sflag:s14] =	ssyncset.done $0x0  }
.Ltmp10:
0x1c3: {  	_ = 	snop;
	(pc) =	sbr.rel .LBB2_15-.Ltmp10, $1  }
0x1c4: {  	_ =	sdelay $0x3  }
.LBB2_17:
0x1c5: {  	_ =	sfence.sel $0x180000  }
0x1c6: {  	[bflag:$0x0] =	sbarrier.arrive $0xFFFF  }
0x1c7: {  	_ =	strace $0x9000004A  }
0x1c8: {  	s0 =	stileid.u32;
	[bflag:$0x2] =	sbarrier.arrive $0xFFFF  }
0x1c9: {  	p0 =	sne.s32 s0, $0x0;
	s0 =	rddreg [dreg:$0x3]  }
0x1ca: {  	s0 =	sadd.s32 @!p0 $0x100000, s0  }
0x1cb: {  	[sflag:s0] =	ssyncadd.tile.s32 @!p0 $0x1;
	_ =	shalt  }
.Lfunc_end2:
_tile_overlayer_lowered:
.L_overlay_start_2:
0x1cc: {  	(tag) =	ssettag $0x2  }
0x1cd: {  	s0 =	rddreg [dreg:$0x0];
	s2 =	stileid.u32  }
0x1ce: {  	s1 =	rddreg [dreg:$0x1];
	p0 =	sne.s32 s2, $0x0  }
0x1cf: {  	s3 =	rddreg [dreg:$0x2];
	[bflag:$0x3] =	sbarrier.arrive $0xFFFF;
	s2 =	simm.s32 @!p0 $0x1C03  }
0x1d0: {  	[timem:s3], [sflag:s2] =	dma.local @!p0 [hbm:s0], s1  }
0x1d1: {  	s0 =	simm.s32 @!p0 $0x3  }
0x1d2: {  	_ =	swait.ge @!p0 [sflag:s0], s1  }
0x1d3: {  	s1 =	ssub.s32 @!p0 $0x0, s1;
	[sflag:s0] =	ssyncset.done @!p0 $0x0  }
0x1d4: {  	[sflag:s0] =	ssyncadd.s32 @!p0 s1  }
0x1d5: {  	[bflag:$0x3] =	sbarrier.arrive $0xFFFF  }
0x1d6: {  	_ =	shalt  }

// kernel: kernel.15.cloned.1.call-start
scs
__scs_entry_jumppad:
0x0: {  	(pc) =	sbr.rel $0x88, $3  }
0x1: {  	(tag) =	ssettag $0x0;
	lr =	simm.s32 $0x1  }
0x2: {  	[smem:$0x3F95] =	sst lr;
	_ =	strace $0xD0000000  }
0x3: {  	_ = 	snop  }
0x4: {  	_ = 	snop  }
0x5: {  	_ = 	snop  }
0x6: {  	_ = 	snop  }
0x7: {  	_ = 	snop  }
__scs_overlays_trampoline_lowered:
0x8: {  	[smem:$0x3FA4] =	sst s0  }
0x9: {  	[smem:$0x3FA5] =	sst s1  }
0xa: {  	[smem:$0x3FA6] =	sst s2  }
0xb: {  	[smem:$0x3FA7] =	sst s3  }
0xc: {  	[smem:$0x3FA8] =	sst s4  }
0xd: {  	[smem:$0x3FA9] =	sst s5  }
0xe: {  	[smem:$0x3FAA] =	sst s6  }
0xf: {  	[smem:$0x3FAB] =	sst s7  }
0x10: {  	[smem:$0x3FAC] =	sst s8  }
0x11: {  	[smem:$0x3FAD] =	sst s9;
	s0 =	simm.s32 @!p0 $0x0  }
0x12: {  	s1 =	sld [smem:$0x3F93];
	s0 =	simm.s32 @p0 $0x1  }
0x13: {  	[smem:$0x3FAE] =	sst s0;
	s0 =	simm.s32 @!p1 $0x0  }
0x14: {  	s2 =	sld [smem:$0x3F92];
	s0 =	simm.s32 @p1 $0x1  }
0x15: {  	[smem:$0x3FAF] =	sst s0;
	s0 =	simm.s32 @!p2 $0x0  }
0x16: {  	s3 =	sld [smem:$0x3FDB];
	s0 =	simm.s32 @p2 $0x1  }
0x17: {  	s4 =	simm.s32 $0x1BF5;
	[smem:$0x3FB1] =	sst s0  }
0x18: {  	s0 =	sld [smem:$0x3F94];
	_ =	swait.ge [sflag:s4], $0x0  }
0x19: {  	s7 =	sld [smem:$0x3F95]  }
0x1a: {  	s8 =	sadd.s32 $0xFFFFE003, lr  }
0x1b: {  	s9 =	sadd.s32 $0xFFFFFEF7, lr;
	s5 =	simm.s32 $0xFFFFFFFF;
	p2 =	slt.u32 s8, $0xFFFFF086  }
0x1c: {  	p1 =	slt.u32 s9, $0xF7A;
	s5 =	simm.s32 @!p2 $0x0  }
0x1d: {  	s5 =	simm.s32 @p1 $0x1;
	p0 =	seq.s32 s7, s2  }
0x1e: {  	s7 =	smul.u32 @!p0 $0xF7A, s2;
	p2 =	seq.s32 @!p0 s5, $0x0  }
0x1f: {  	s9 =	smul.u32 $0xF7A, s1;
	s8 =	simm.s32 @!p0 $0x1BF5;
	p2 =	por !p2, p0  }
0x20: {  	[sflag:s8] =	ssyncset.s32 @!p0 $0xFFFFF086;
	s6 =	sadd.s32 @!p0 s3, s7;
	s7 =	simm.s32 @!p0 $0x108  }
0x21: {  	s3 =	sadd.s32 s3, s9;
	s6 =	sadd.s32 @!p0 $0x88, s6;
	s7 =	simm.s32 @p2 $0x1082  }
0x22: {  	[simem:s7], [sflag:s8] =	dma.local @!p0 [hbm:s6], $0xF7A  }
0x23: {  	s9 =	sor.u32 $0xD0000000, s2;
	s6 =	simm.s32 $0x108;
	_ =	swait.ge @!p0 [sflag:s8], $0x0  }
0x24: {  	s3 =	sadd.s32 $0x88, s3;
	s6 =	simm.s32 @!p1 $0x1082;
	[sflag:s4] =	ssyncset.s32 $0xFFFFF086  }
0x25: {  	[simem:s6], [sflag:s4] =	dma.local [hbm:s3], $0xF7A  }
0x26: {  	[smem:$0x3F95] =	sst s1;
	(tag) =	ssettag s2;
	_ =	strace s9  }
0x27: {  	s1 =	sld [smem:$0x3FA5]  }
0x28: {  	s2 =	sld [smem:$0x3FA6]  }
0x29: {  	s4 =	sld [smem:$0x3FA8]  }
0x2a: {  	p0 =	seq.s32 s5, $0x0;
	s5 =	sld [smem:$0x3FA9]  }
0x2b: {  	s6 =	sld [smem:$0x3FAA]  }
0x2c: {  	s7 =	sld [smem:$0x3FAB]  }
0x2d: {  	s3 =	simm.s32 $0x108;
	s8 =	sld [smem:$0x3FAC]  }
0x2e: {  	s3 =	simm.s32 @!p0 $0x1082;
	s9 =	sld [smem:$0x3FAD]  }
0x2f: {  	lr =	sadd.s32 s0, s3;
	s0 =	sld [smem:$0x3FA4]  }
0x30: {  	s3 =	sld [smem:$0x3FA7]  }
0x31: {  	[smem:$0x3FB0] =	sst s10  }
0x32: {  	s10 =	sld [smem:$0x3FAE];
	_ =	sdelay $0x3  }
0x33: {  	p0 =	seq.s32 s10, $0x1;
	s10 =	sld [smem:$0x3FB0];
	_ =	sdelay $0x3  }
0x34: {  	[smem:$0x3FB0] =	sst s10  }
0x35: {  	s10 =	sld [smem:$0x3FAF];
	_ =	sdelay $0x3  }
0x36: {  	p1 =	seq.s32 s10, $0x1;
	s10 =	sld [smem:$0x3FB0];
	_ =	sdelay $0x3  }
0x37: {  	[smem:$0x3FB0] =	sst s10  }
0x38: {  	s10 =	sld [smem:$0x3FB1]  }
0x39: {  	_ = 	snop;
	(pc) =	sbr.ind lr, $3  }
0x3a: {  	_ = 	snop  }
0x3b: {  	_ = 	snop  }
0x3c: {  	p2 =	seq.s32 s10, $0x1;
	s10 =	sld [smem:$0x3FB0]  }
0x3d: {  	_ =	shalt  }
0x3e: {  	_ =	shalt  }
0x3f: {  	_ =	shalt  }
0x40: {  	_ =	shalt  }
0x41: {  	_ =	shalt  }
0x42: {  	_ =	shalt  }
0x43: {  	_ =	shalt  }
0x44: {  	_ =	shalt  }
0x45: {  	_ =	shalt  }
0x46: {  	_ =	shalt  }
0x47: {  	_ =	shalt  }
0x48: {  	_ =	shalt  }
0x49: {  	_ =	shalt  }
0x4a: {  	_ =	shalt  }
0x4b: {  	_ =	shalt  }
0x4c: {  	_ =	shalt  }
0x4d: {  	_ =	shalt  }
0x4e: {  	_ =	shalt  }
0x4f: {  	_ =	shalt  }
0x50: {  	_ =	shalt  }
0x51: {  	_ =	shalt  }
0x52: {  	_ =	shalt  }
0x53: {  	_ =	shalt  }
0x54: {  	_ =	shalt  }
0x55: {  	_ =	shalt  }
0x56: {  	_ =	shalt  }
0x57: {  	_ =	shalt  }
0x58: {  	_ =	shalt  }
0x59: {  	_ =	shalt  }
0x5a: {  	_ =	shalt  }
0x5b: {  	_ =	shalt  }
0x5c: {  	_ =	shalt  }
0x5d: {  	_ =	shalt  }
0x5e: {  	_ =	shalt  }
0x5f: {  	_ =	shalt  }
0x60: {  	_ =	shalt  }
0x61: {  	_ =	shalt  }
0x62: {  	_ =	shalt  }
0x63: {  	_ =	shalt  }
0x64: {  	_ =	shalt  }
0x65: {  	_ =	shalt  }
0x66: {  	_ =	shalt  }
0x67: {  	_ =	shalt  }
0x68: {  	_ =	shalt  }
0x69: {  	_ =	shalt  }
0x6a: {  	_ =	shalt  }
0x6b: {  	_ =	shalt  }
0x6c: {  	_ =	shalt  }
0x6d: {  	_ =	shalt  }
0x6e: {  	_ =	shalt  }
0x6f: {  	_ =	shalt  }
0x70: {  	_ =	shalt  }
0x71: {  	_ =	shalt  }
0x72: {  	_ =	shalt  }
0x73: {  	_ =	shalt  }
0x74: {  	_ =	shalt  }
0x75: {  	_ =	shalt  }
0x76: {  	_ =	shalt  }
0x77: {  	_ =	shalt  }
0x78: {  	_ =	shalt  }
0x79: {  	_ =	shalt  }
0x7a: {  	_ =	shalt  }
0x7b: {  	_ =	shalt  }
0x7c: {  	_ =	shalt  }
0x7d: {  	_ =	shalt  }
0x7e: {  	_ =	shalt  }
0x7f: {  	_ =	shalt  }
0x80: {  	_ =	shalt  }
0x81: {  	_ =	shalt  }
0x82: {  	_ =	shalt  }
0x83: {  	_ =	shalt  }
0x84: {  	_ =	shalt  }
0x85: {  	_ =	shalt  }
0x86: {  	_ =	shalt  }
0x87: {  	_ =	shalt  }
.Lfunc_end0:
.L_simem_size_0:
called_computation.2_lowered:
.L_overlay_start_0:
0x88: {  	s2 =	sld [smem:$0x3FD9]  }
0x89: {  	s3 =	sld [smem:$0x3FFE];
	_ =	sdelay $0x1  }
0x8a: {  	s1 =	srdreg.scid  }
0x8b: {  	s0 =	sand.u32 $0x1, s1  }
0x8c: {  	s17 =	sshll.u32 s0, $0xA;
	s2 =	sadd.s32 s3, s2  }
0x8d: {  	s2 =	sadd.s32 s2, s17  }
0x8e: {  	[smem:$0x3FBC] =	sst s2  }
0x8f: {  	_ = 	snop  }
0x90: {  	s2 =	sld [smem:$0x3FD0];
	(tm) =	ssettm $0x1  }
0x91: {  	s18 =	sld [smem:$0x3FFB];
	_ =	sdelay $0x3  }
0x92: {  	_ =	strace s18  }
0x93: {  	s3 =	sld [smem:$0x3FFC];
	_ =	sdelay $0x3  }
0x94: {  	_ =	strace s3  }
0x95: {  	s3 =	sld [smem:$0x3FFD];
	_ =	sdelay $0x3  }
0x96: {  	_ =	strace s3  }
0x97: {  	_ =	strace $0x8FFFFFFF  }
0x98: {  	s19 =	sld [smem:$0x3FDB];
	_ =	sdelay $0x1  }
0x99: {  	s4 =	simm.s32 $_scs_section_size  }
0x9a: {  	s5 =	simm.s32 $_size__tile_overlayer_lowered;
	s6 =	simm.s32 $_tile_overlayer_lowered  }
0x9b: {  	s22 =	simm.s32 $0x1BFF;
	s21 =	sshll.u32 s6, $0x1;
	s3 =	sadd.s32 s4, s19  }
0x9c: {  	s7 =	simm.s32 $0x0;
	s20 =	sshll.u32 s5, $0x1;
	s5 =	sadd.s32 s21, s3  }
0x9d: {  	[timem:s7], [sflag:s22] =	dma.local [hbm:s5], s20  }
0x9e: {  	_ =	swait.ge [sflag:s22], s20  }
0x9f: {  	s4 =	ssub.s32 $0x0, s20;
	[sflag:s22] =	ssyncset.done $0x0  }
0xa0: {  	[sflag:s22] =	ssyncadd.s32 s4;
	_ =	sdelay $0x1  }
0xa1: {  	s23 =	simm.s32 $0x1B8B  }
0xa2: {  	_ =	swait.ge [sflag:s23], $0x1  }
0xa3: {  	[sflag:s23] =	ssyncset.done $0x0  }
0xa4: {  	s25 =	simm.s32 $0x1B8E;
	s24 =	sld [smem:$0x3FFE];
	[sflag:s23] =	ssyncadd.s32 $0xFFFFFFFF  }
0xa5: {  	s26 =	simm.s32 $execute0_lowered;
	[smem:$0x3FD2] =	sst s25  }
0xa6: {  	s5 =	sshll.u32 s26, $0x1;
	_ =	strace $0x8000004C;
	[dreg:$0x1] =	wrdreg $0xFFFFFFFF  }
0xa7: {  	s28 =	simm.s32 $_size_execute0_lowered;
	s3 =	sadd.s32 s3, s5;
	[dreg:$0x0] =	wrdreg $0x0  }
0xa8: {  	s5 =	sshll.u32 s28, $0x1;
	[dreg:$0x2] =	wrdreg s3  }
0xa9: {  	[dreg:$0x3] =	wrdreg s5  }
0xaa: {  	[dreg:$0x4] =	wrdreg $0xC0  }
0xab: {  	_ =	task [dreg:s7], $0x5FFFF  }
0xac: {  	[dreg:$0x1] =	wrdreg $0xFFFFFFFF  }
0xad: {  	[dreg:$0x0] =	wrdreg $0x60  }
0xae: {  	[dreg:$0x2] =	wrdreg s24  }
0xaf: {  	[dreg:$0x3] =	wrdreg s2  }
0xb0: {  	[dreg:$0x4] =	wrdreg $0x0  }
0xb1: {  	[dreg:$0x5] =	wrdreg $0x9  }
0xb2: {  	_ =	task.clear_ibuf [dreg:s7], $0x6FFFF;
	_ =	strace $0x9000004C  }
0xb3: {  	s29 =	simm.s32 $0x9;
	_ =	strace $0x8000004E  }
0xb4: {  	_ =	swait.ge [sflag:s29], $0x1  }
0xb5: {  	[sflag:s29] =	ssyncadd.s32 $0xFFFFFFFF  }
0xb6: {  	_ =	strace $0x9000004E  }
0xb7: {  	_ =	sfence  }
0xb8: {  	s30 =	sld [smem:$0x0];
	_ =	sdelay $0x2  }
0xb9: {  	s31 =	sshll.u32 s1, $0xD;
	s1 =	sshrl.u32 s1, $0x2  }
0xba: {  	s3 =	sand.u32 $0x4000, s31;
	s1 =	sadd.s32 s1, s30  }
0xbb: {  	s0 =	sor.u32 s3, s0;
	s1 =	sshll.u32 s1, $0x11  }
0xbc: {  	s0 =	sor.u32 s1, s0  }
0xbd: {  	s0 =	sadd.s32 $0x8F2B, s0  }
0xbe: {  	[sflag:s0] =	ssyncadd.remote.s32 $0x1  }
0xbf: {  	_ =	sfence.sel $0xFFFF  }
0xc0: {  	[dreg:$0x0] =	wrdreg $0xFFFFFFFF;
	(pc) =	sbr.abs _section_cstart, $3  }
0xc1: {  	[dreg:$0x1] =	wrdreg $0xFFFFFFFF  }
0xc2: {  	_ =	task.clear_ibuf [dreg:s7], $0x2FFFF;
	_ =	strace $0x9FFFFFFF  }
0xc3: {  	(tm) =	ssettm $0x7FFFFFFF  }
tec
execute0_lowered:
.L_overlay_start_1:
0x0: {  	(tag) =	ssettag $0x1  }
0x1: {  	s0 =	rddreg [dreg:$0x0];
	s1 =	srdreg.scid  }
0x2: {  	s2 =	rddreg [dreg:$0x1];
	s12 =	stileid.u32  }
0x3: {  	s31 =	simm.s32 $0x16000;
	s3 =	sand.u32 $0x1, s1;
	s1 =	rddreg [dreg:$0x2]  }
0x4: {  	s5 =	sadd.s32 $0x3A00, s0;
	s7 =	sadd.s32 $0x35A00, s0;
	s14 =	sshll.u32 s12, $0x9  }
0x5: {  	s8 =	smul.u32 $0x50000, s12;
	s9 =	sshll.u32 s12, $0xB;
	s4 =	ssub.s32 $0x2, s3  }
0x6: {  	s15 =	sadd.s32 s2, s9;
	s16 =	sadd.s32 s5, s9;
	s17 =	sor.u32 $0x200, s9  }
0x7: {  	s18 =	smul.u32 $0x140000, s3;
	s19 =	sor.u32 $0x400, s9;
	s22 =	sor.u32 $0x600, s9  }
0x8: {  	p0 =	sne.s32 s3, $0x0;
	s3 =	simm.s32 $0x15000;
	[dreg:$0x6] =	wrdreg s15  }
0x9: {  	s6 =	sshrl.u32 s4, $0x1;
	[dreg:$0x7] =	wrdreg s16;
	s11 =	sadd.s32 s2, s17  }
0xa: {  	s20 =	sadd.s32 s2, s19;
	s21 =	sadd.s32 s5, s19;
	[dreg:$0x8] =	wrdreg s11  }
0xb: {  	s4 =	ssub.s32 s4, s6;
	s6 =	sor.u32 $0x8000, s14;
	[dreg:$0xa] =	wrdreg s20  }
0xc: {  	s19 =	sadd.s32 $0xDA00, s0;
	[dreg:$0xb] =	wrdreg s21;
	s10 =	sadd.s32 s2, s6  }
0xd: {  	s14 =	smul.u32 $0x14000, s12;
	s6 =	sadd.s32 s5, s6;
	[dreg:$0x4] =	wrdreg s10  }
0xe: {  	s2 =	sadd.s32 s2, s22;
	[dreg:$0x5] =	wrdreg s6;
	s6 =	sadd.s32 s5, s17  }
0xf: {  	s23 =	sadd.s32 s18, s14;
	s24 =	sadd.s32 $0x4000, s14;
	[dreg:$0xc] =	wrdreg s2  }
0x10: {  	s5 =	sadd.s32 s5, s22;
	s13 =	sadd.s32 $0x8000, s14;
	s15 =	sadd.s32 $0xC000, s14  }
0x11: {  	s14 =	sadd.s32 $0x10000, s14;
	[dreg:$0x9] =	wrdreg s6;
	s25 =	sshrl.u32 s23, $0x3  }
0x12: {  	s26 =	sadd.s32 s18, s24;
	[dreg:$0xd] =	wrdreg s5;
	s20 =	sadd.s32 s18, s13  }
0x13: {  	s21 =	sadd.s32 s18, s15;
	s10 =	sadd.s32 s18, s14;
	s18 =	simm.s32 $0x0  }
0x14: {  	s23 =	sshrl.u32 s8, $0x2;
	s24 =	sadd.s32 s24, s1;
	s5 =	simm.s32 $0x1A000  }
0x15: {  	s8 =	simm.s32 $0x14F80;
	s2 =	sadd.s32 s7, s25;
	s12 =	sshrl.u32 s26, $0x3  }
0x16: {  	s6 =	sshrl.u32 s20, $0x3;
	s9 =	sshrl.u32 s21, $0x3;
	s22 =	sshrl.u32 s10, $0x3  }
0x17: {  	[smem:$0x7FF] =	sst s18;
	s20 =	sadd.s32 s23, s1;
	s21 =	smax.u32 s4, $0x1  }
0x18: {  	s25 =	sadd.s32 s15, s1;
	s26 =	sadd.s32 s14, s1;
	s14 =	simm.s32 $0x3  }
0x19: {  	s4 =	simm.s32 $0x80;
	s10 =	simm.s32 $0x15F80;
	[dreg:$0xe] =	wrdreg s2  }
0x1a: {  	s2 =	sadd.s32 s7, s12;
	s6 =	sadd.s32 s7, s6;
	s16 =	sadd.s32 s7, s9  }
0x1b: {  	s17 =	sadd.s32 s7, s22;
	s22 =	sshrl.u32 s24, $0x3;
	s24 =	sshrl.u32 s25, $0x3  }
.Ltmp0:
0x1c: {  	s25 =	sshrl.u32 s26, $0x3;
	s26 =	sadd.s32 $0x4000, s20;
	(pc) =	sbr.rel .LBB2_1-.Ltmp0, $4  }
0x1d: {  	s28 =	sadd.s32 $0x8000, s20;
	s29 =	sadd.s32 $0xC000, s20;
	s30 =	sadd.s32 $0x10000, s20  }
0x1e: {  	s7 =	simm.s32 $0x2;
	s9 =	simm.s32 $0x15F00;
	[dreg:$0xf] =	wrdreg s2  }
0x1f: {  	[dreg:$0x10] =	wrdreg s6;
	s2 =	sadd.s32 s13, s1;
	s6 =	simm.s32 $0x1  }
0x20: {  	v0 =	vimm.f32 $0.0e+00;
	_ =	strace $0x8000004D;
	s23 =	sshrl.u32 s2, $0x3;
	s2 =	simm.s32 $0x14000  }
.LBB2_15:
0x21: {  	s0 =	sadd.s32 $0x14080, s11;
	[sflag:s14] =	ssyncadd.s32 $0xFFFFC000  }
0x22: {  	[tilespmem:s5], [sflag:$0x2] =	stream.indirect.gather [hbm4b:s19+s4], $0x80, s0, s4, $0xb8;
	[tilespmem:$0x1E000] =	vst v63  }
0x23: {  	_ =	swait.ge [sflag:s6], $0x4000  }
0x24: {  	[sflag:s6] =	ssyncset.done $0x0  }
0x25: {  	s12 =	sadd.s32 $0x15000, s11;
	[sflag:s6] =	ssyncadd.s32 $0xFFFFC000  }
0x26: {  	[spmem:s1] =	stream.indirect.scatter.add.f32 [tilespmem:s31], [sflag:$0x3], $0x80, s12, s4, $0xb8;
	[tilespmem:$0x1E000] =	vst v63  }
0x27: {  	_ =	swait.ge [sflag:s14], $0x4000  }
0x28: {  	[sflag:s14] =	ssyncset.done $0x0  }
0x29: {  	s13 =	sadd.s32 $0x14100, s11;
	[sflag:s14] =	ssyncadd.s32 $0xFFFFC000  }
0x2a: {  	[tilespmem:s31], [sflag:$0x1] =	stream.indirect.gather [hbm4b:s19+s4], $0x80, s13, s4, $0xb8;
	[tilespmem:$0x1E000] =	vst v63  }
0x2b: {  	_ =	swait.ge [sflag:s7], $0x4000  }
0x2c: {  	[sflag:s7] =	ssyncset.done $0x0  }
0x2d: {  	s15 =	sadd.s32 $0x15080, s11;
	[sflag:s7] =	ssyncadd.s32 $0xFFFFC000  }
0x2e: {  	[spmem:s1] =	stream.indirect.scatter.add.f32 [tilespmem:s5], [sflag:$0x3], $0x80, s15, s4, $0xb8;
	[tilespmem:$0x1E000] =	vst v63  }
0x2f: {  	_ =	swait.ge [sflag:s14], $0x4000  }
0x30: {  	[sflag:s14] =	ssyncset.done $0x0  }
0x31: {  	[sflag:s14] =	ssyncadd.s32 $0xFFFFC000  }
.LBB2_16:
0x32: {  	[tilespmem:s5], [sflag:$0x2] =	stream.indirect.gather [hbm4b:s19+s4], $0x80, s8, s4, $0xb8;
	[tilespmem:$0x1E000] =	vst v63  }
0x33: {  	_ =	swait.ge [sflag:s6], $0x4000  }
0x34: {  	[sflag:s6] =	ssyncset.done $0x0  }
0x35: {  	[sflag:s6] =	ssyncadd.s32 $0xFFFFC000  }
0x36: {  	[spmem:s1] =	stream.indirect.scatter.add.f32 [tilespmem:s31], [sflag:$0x3], $0x80, s9, s4, $0xb8;
	[tilespmem:$0x1E000] =	vst v63  }
0x37: {  	_ =	swait.ge [sflag:s14], $0x4000  }
0x38: {  	[sflag:s14] =	ssyncset.done $0x0  }
0x39: {  	[sflag:s14] =	ssyncadd.s32 $0xFFFFC000  }
0x3a: {  	_ =	swait.ge [sflag:s7], $0x4000  }
0x3b: {  	[sflag:s7] =	ssyncset.done $0x0  }
0x3c: {  	[sflag:s7] =	ssyncadd.s32 $0xFFFFC000  }
0x3d: {  	[spmem:s1] =	stream.indirect.scatter.add.f32 [tilespmem:s5], [sflag:$0x3], $0x80, s10, s4, $0xb8;
	[tilespmem:$0x1E000] =	vst v63  }
0x3e: {  	_ =	swait.ge [sflag:s14], $0x4000  }
0x3f: {  	[sflag:s14] =	ssyncset.done $0x0  }
0x40: {  	s0 =	stileid.u32;
	[sflag:s14] =	ssyncadd.s32 $0xFFFFC000  }
0x41: {  	s0 =	sshll.u32 s0, $0x6;
	[bflag:$0x0] =	sbarrier.arrive $0xFFFF  }
0x42: {  	s11 =	sshrl.u32 s20, $0x3;
	s0 =	sor.u32 $0x1C03, s0;
	s12 =	rddreg [dreg:$0xe]  }
0x43: {  	[hbm:s12], [sflag:s0] =	dma.local [spmem:s11], $0x800  }
0x44: {  	_ =	swait.ge [sflag:s14], $0x800  }
0x45: {  	[sflag:s14] =	ssyncset.done $0x0  }
0x46: {  	s13 =	rddreg [dreg:$0xf];
	[sflag:s14] =	ssyncadd.s32 $0xFFFFF800  }
0x47: {  	[hbm:s13], [sflag:s0] =	dma.local [spmem:s22], $0x800  }
0x48: {  	_ =	swait.ge [sflag:s14], $0x800  }
0x49: {  	[sflag:s14] =	ssyncset.done $0x0  }
0x4a: {  	s15 =	rddreg [dreg:$0x10];
	[sflag:s14] =	ssyncadd.s32 $0xFFFFF800  }
0x4b: {  	[hbm:s15], [sflag:s0] =	dma.local [spmem:s23], $0x800  }
0x4c: {  	_ =	swait.ge [sflag:s14], $0x800  }
0x4d: {  	[sflag:s14] =	ssyncset.done $0x0  }
0x4e: {  	[sflag:s14] =	ssyncadd.s32 $0xFFFFF800  }
0x4f: {  	[hbm:s16], [sflag:s0] =	dma.local [spmem:s24], $0x800  }
0x50: {  	s18 =	sadd.s32 $0x1, s18;
	_ =	swait.ge [sflag:s14], $0x800  }
0x51: {  	p1 =	sne.s32 s18, s21;
	[sflag:s14] =	ssyncset.done $0x0  }
.Ltmp1:
0x52: {  	[sflag:s14] =	ssyncadd.s32 $0xFFFFF800;
	(pc) =	sbr.rel @!p1 .LBB2_17-.Ltmp1, $4  }
0x53: {  	[hbm:s17], [sflag:s0] =	dma.local [spmem:s25], $0x800  }
0x54: {  	_ =	swait.ge [sflag:s14], $0x800  }
0x55: {  	[sflag:s14] =	ssyncset.done $0x0  }
0x56: {  	[sflag:s14] =	ssyncadd.s32 $0xFFFFF800  }
.LBB2_1:
0x57: {  	s11 =	simm.s32 $0x0;
	s0 =	simm.s32 $0x200  }
.LBB2_2:
0x58: {  	p1 =	sne.s32 s0, $0xFE00;
	[tilespmem:s11+$0x16070] =	vst v0  }
0x59: {  	[tilespmem:s11+$0x16000] =	vst v0  }
0x5a: {  	[tilespmem:s11+$0x16010] =	vst v0  }
.Ltmp2:
0x5b: {  	[tilespmem:s11+$0x16020] =	vst v0;
	(pc) =	sbr.rel @p1 .LBB2_2-.Ltmp2, $4  }
0x5c: {  	[tilespmem:s11+$0x16030] =	vst v0  }
0x5d: {  	[tilespmem:s11+$0x16040] =	vst v0  }
0x5e: {  	[tilespmem:s11+$0x16050] =	vst v0  }
0x5f: {  	[tilespmem:s11+$0x16060] =	vst v0;
	s11 =	sshra.s32 s0, $0x2;
	s0 =	sadd.s32 $0x200, s0  }
0x60: {  	[tilespmem:s11+$0x16070] =	vst v0  }
0x61: {  	[tilespmem:s11+$0x16000] =	vst v0  }
0x62: {  	[tilespmem:s11+$0x16010] =	vst v0  }
0x63: {  	[tilespmem:s11+$0x16020] =	vst v0  }
0x64: {  	[tilespmem:s11+$0x16030] =	vst v0  }
0x65: {  	[tilespmem:s11+$0x16040] =	vst v0  }
0x66: {  	[tilespmem:s11+$0x16050] =	vst v0  }
0x67: {  	[tilespmem:s11+$0x16060] =	vst v0  }
0x68: {  	[spmem:s20] =	stream.linear.scatter [tilespmem:s31], [sflag:$0x3], $0x4000, $0x38;
	[tilespmem:$0x1E000] =	vst v63  }
0x69: {  	_ =	swait.ge [sflag:s14], $0x4000  }
0x6a: {  	[sflag:s14] =	ssyncset.done $0x0  }
0x6b: {  	[sflag:s14] =	ssyncadd.s32 $0xFFFFC000  }
0x6c: {  	[spmem:s26] =	stream.linear.scatter [tilespmem:s31], [sflag:$0x3], $0x4000, $0x38;
	[tilespmem:$0x1E000] =	vst v63  }
0x6d: {  	_ =	swait.ge [sflag:s14], $0x4000  }
0x6e: {  	[sflag:s14] =	ssyncset.done $0x0  }
0x6f: {  	[sflag:s14] =	ssyncadd.s32 $0xFFFFC000  }
0x70: {  	[spmem:s28] =	stream.linear.scatter [tilespmem:s31], [sflag:$0x3], $0x4000, $0x38;
	[tilespmem:$0x1E000] =	vst v63  }
0x71: {  	_ =	swait.ge [sflag:s14], $0x4000  }
0x72: {  	[sflag:s14] =	ssyncset.done $0x0  }
0x73: {  	[sflag:s14] =	ssyncadd.s32 $0xFFFFC000  }
0x74: {  	[spmem:s29] =	stream.linear.scatter [tilespmem:s31], [sflag:$0x3], $0x4000, $0x38;
	[tilespmem:$0x1E000] =	vst v63  }
0x75: {  	_ =	swait.ge [sflag:s14], $0x4000  }
0x76: {  	[sflag:s14] =	ssyncset.done $0x0  }
0x77: {  	[sflag:s14] =	ssyncadd.s32 $0xFFFFC000  }
0x78: {  	[spmem:s30] =	stream.linear.scatter [tilespmem:s31], [sflag:$0x3], $0x4000, $0x38;
	[tilespmem:$0x1E000] =	vst v63  }
.Ltmp3:
0x79: {  	_ =	swait.ge [sflag:s14], $0x4000;
	(pc) =	sbr.rel @p0 .LBB2_13-.Ltmp3, $4  }
0x7a: {  	[sflag:s14] =	ssyncset.done $0x0  }
0x7b: {  	[sflag:s14] =	ssyncadd.s32 $0xFFFFC000  }
0x7c: {  	[bflag:$0x0] =	sbarrier.arrive $0xFFFF  }
0x7d: {  	s0 =	simm.s32 $0x0  }
0x7e: {  	s11 =	rddreg [dreg:$0x6]  }
0x7f: {  	[tilespmem:s2], [sflag:$0x3] =	stream.linear.gather [hbm4b:s11+s0], $0x1000, $0x38;
	[tilespmem:$0x1E000] =	vst v63  }
0x80: {  	_ =	swait.ge [sflag:s14], $0x1000  }
0x81: {  	[sflag:s14] =	ssyncset.done $0x0  }
0x82: {  	s15 =	rddreg [dreg:$0x7];
	[sflag:s14] =	ssyncadd.s32 $0xFFFFF000  }
0x83: {  	[tilespmem:s3], [sflag:$0x3] =	stream.linear.gather [hbm4b:s15+s0], $0x1000, $0x38;
	[tilespmem:$0x1E000] =	vst v63  }
0x84: {  	_ =	swait.ge [sflag:s14], $0x1000  }
0x85: {  	[sflag:s14] =	ssyncset.done $0x0  }
0x86: {  	[sflag:s14] =	ssyncadd.s32 $0xFFFFF000  }
0x87: {  	[tilespmem:s31], [sflag:$0x1] =	stream.indirect.gather [hbm4b:s19+s4], $0x80, s2, s4, $0xb8;
	[tilespmem:$0x1E000] =	vst v63  }
0x88: {  	s11 =	simm.s32 $0x14080  }
0x89: {  	[tilespmem:s5], [sflag:$0x2] =	stream.indirect.gather [hbm4b:s19+s4], $0x80, s11, s4, $0xb8;
	[tilespmem:$0x1E000] =	vst v63  }
0x8a: {  	_ =	swait.ge [sflag:s6], $0x4000  }
0x8b: {  	[sflag:s6] =	ssyncset.done $0x0  }
0x8c: {  	s12 =	simm.s32 $0x15000;
	[sflag:s6] =	ssyncadd.s32 $0xFFFFC000  }
0x8d: {  	[spmem:s1] =	stream.indirect.scatter.add.f32 [tilespmem:s31], [sflag:$0x3], $0x80, s12, s4, $0xb8;
	[tilespmem:$0x1E000] =	vst v63  }
0x8e: {  	_ =	swait.ge [sflag:s14], $0x4000  }
0x8f: {  	[sflag:s14] =	ssyncset.done $0x0  }
0x90: {  	s13 =	simm.s32 $0x14100;
	[sflag:s14] =	ssyncadd.s32 $0xFFFFC000  }
0x91: {  	[tilespmem:s31], [sflag:$0x1] =	stream.indirect.gather [hbm4b:s19+s4], $0x80, s13, s4, $0xb8;
	[tilespmem:$0x1E000] =	vst v63  }
0x92: {  	_ =	swait.ge [sflag:s7], $0x4000  }
0x93: {  	[sflag:s7] =	ssyncset.done $0x0  }
0x94: {  	s15 =	simm.s32 $0x15080;
	[sflag:s7] =	ssyncadd.s32 $0xFFFFC000  }
0x95: {  	[spmem:s1] =	stream.indirect.scatter.add.f32 [tilespmem:s5], [sflag:$0x3], $0x80, s15, s4, $0xb8;
	[tilespmem:$0x1E000] =	vst v63  }
0x96: {  	_ =	swait.ge [sflag:s14], $0x4000  }
0x97: {  	s0 =	simm.s32 $0x800;
	s11 =	simm.s32 $0x100;
	[sflag:s14] =	ssyncset.done $0x0  }
.LBB2_5:
0x98: {  	s12 =	sadd.s32 $0x14080, s11  }
0x99: {  	[sflag:s14] =	ssyncadd.s32 $0xFFFFC000;
	s13 =	smov.u32 s0;
	s15 =	sadd.s32 $0x400, s0  }
0x9a: {  	[tilespmem:s5], [sflag:$0x2] =	stream.indirect.gather [hbm4b:s19+s4], $0x80, s12, s4, $0xb8;
	[tilespmem:$0x1E000] =	vst v63  }
0x9b: {  	p1 =	sne.s32 s0, $0x3800;
	_ =	swait.ge [sflag:s6], $0x4000  }
0x9c: {  	[sflag:s6] =	ssyncset.done $0x0  }
0x9d: {  	s0 =	sadd.s32 $0x15000, s11;
	[sflag:s6] =	ssyncadd.s32 $0xFFFFC000  }
0x9e: {  	[spmem:s1] =	stream.indirect.scatter.add.f32 [tilespmem:s31], [sflag:$0x3], $0x80, s0, s4, $0xb8;
	[tilespmem:$0x1E000] =	vst v63  }
0x9f: {  	_ =	swait.ge [sflag:s14], $0x4000  }
0xa0: {  	[sflag:s14] =	ssyncset.done $0x0  }
0xa1: {  	s0 =	sadd.s32 $0x14100, s11;
	[sflag:s14] =	ssyncadd.s32 $0xFFFFC000  }
0xa2: {  	[tilespmem:s31], [sflag:$0x1] =	stream.indirect.gather [hbm4b:s19+s4], $0x80, s0, s4, $0xb8;
	[tilespmem:$0x1E000] =	vst v63  }
0xa3: {  	_ =	swait.ge [sflag:s7], $0x4000  }
.Ltmp4:
0xa4: {  	[sflag:s7] =	ssyncset.done $0x0;
	(pc) =	sbr.rel @p1 .LBB2_5-.Ltmp4, $4  }
0xa5: {  	s0 =	sadd.s32 $0x15080, s11;
	[sflag:s7] =	ssyncadd.s32 $0xFFFFC000  }
0xa6: {  	[spmem:s1] =	stream.indirect.scatter.add.f32 [tilespmem:s5], [sflag:$0x3], $0x80, s0, s4, $0xb8;
	[tilespmem:$0x1E000] =	vst v63  }
0xa7: {  	_ =	swait.ge [sflag:s14], $0x4000  }
0xa8: {  	s11 =	sshra.s32 s13, $0x2;
	s0 =	smov.u32 s15;
	[sflag:s14] =	ssyncset.done $0x0  }
0xa9: {  	s0 =	sadd.s32 $0x14080, s11;
	[sflag:s14] =	ssyncadd.s32 $0xFFFFC000  }
0xaa: {  	[tilespmem:s5], [sflag:$0x2] =	stream.indirect.gather [hbm4b:s19+s4], $0x80, s0, s4, $0xb8;
	[tilespmem:$0x1E000] =	vst v63  }
0xab: {  	_ =	swait.ge [sflag:s6], $0x4000  }
0xac: {  	[sflag:s6] =	ssyncset.done $0x0  }
0xad: {  	s13 =	sadd.s32 $0x15000, s11;
	[sflag:s6] =	ssyncadd.s32 $0xFFFFC000  }
0xae: {  	[spmem:s1] =	stream.indirect.scatter.add.f32 [tilespmem:s31], [sflag:$0x3], $0x80, s13, s4, $0xb8;
	[tilespmem:$0x1E000] =	vst v63  }
0xaf: {  	_ =	swait.ge [sflag:s14], $0x4000  }
0xb0: {  	[sflag:s14] =	ssyncset.done $0x0  }
0xb1: {  	s15 =	sadd.s32 $0x14100, s11;
	[sflag:s14] =	ssyncadd.s32 $0xFFFFC000  }
0xb2: {  	[tilespmem:s31], [sflag:$0x1] =	stream.indirect.gather [hbm4b:s19+s4], $0x80, s15, s4, $0xb8;
	[tilespmem:$0x1E000] =	vst v63  }
0xb3: {  	_ =	swait.ge [sflag:s7], $0x4000  }
0xb4: {  	[sflag:s7] =	ssyncset.done $0x0  }
0xb5: {  	s11 =	sadd.s32 $0x15080, s11;
	[sflag:s7] =	ssyncadd.s32 $0xFFFFC000  }
0xb6: {  	[spmem:s1] =	stream.indirect.scatter.add.f32 [tilespmem:s5], [sflag:$0x3], $0x80, s11, s4, $0xb8;
	[tilespmem:$0x1E000] =	vst v63  }
0xb7: {  	_ =	swait.ge [sflag:s14], $0x4000  }
0xb8: {  	[sflag:s14] =	ssyncset.done $0x0  }
0xb9: {  	[sflag:s14] =	ssyncadd.s32 $0xFFFFC000  }
0xba: {  	[tilespmem:s5], [sflag:$0x2] =	stream.indirect.gather [hbm4b:s19+s4], $0x80, s8, s4, $0xb8;
	[tilespmem:$0x1E000] =	vst v63  }
0xbb: {  	_ =	swait.ge [sflag:s6], $0x4000  }
0xbc: {  	[sflag:s6] =	ssyncset.done $0x0  }
0xbd: {  	[sflag:s6] =	ssyncadd.s32 $0xFFFFC000  }
0xbe: {  	[spmem:s1] =	stream.indirect.scatter.add.f32 [tilespmem:s31], [sflag:$0x3], $0x80, s9, s4, $0xb8;
	[tilespmem:$0x1E000] =	vst v63  }
0xbf: {  	_ =	swait.ge [sflag:s14], $0x4000  }
0xc0: {  	[sflag:s14] =	ssyncset.done $0x0  }
0xc1: {  	[sflag:s14] =	ssyncadd.s32 $0xFFFFC000  }
0xc2: {  	_ =	swait.ge [sflag:s7], $0x4000  }
0xc3: {  	[sflag:s7] =	ssyncset.done $0x0  }
0xc4: {  	[sflag:s7] =	ssyncadd.s32 $0xFFFFC000  }
0xc5: {  	[spmem:s1] =	stream.indirect.scatter.add.f32 [tilespmem:s5], [sflag:$0x3], $0x80, s10, s4, $0xb8;
	[tilespmem:$0x1E000] =	vst v63  }
0xc6: {  	_ =	swait.ge [sflag:s14], $0x4000  }
0xc7: {  	[sflag:s14] =	ssyncset.done $0x0  }
0xc8: {  	s12 =	simm.s32 $0x0;
	s13 =	rddreg [dreg:$0x8];
	[sflag:s14] =	ssyncadd.s32 $0xFFFFC000  }
0xc9: {  	[tilespmem:s2], [sflag:$0x3] =	stream.linear.gather [hbm4b:s13+s12], $0x1000, $0x38;
	[tilespmem:$0x1E000] =	vst v63  }
0xca: {  	_ =	swait.ge [sflag:s14], $0x1000  }
0xcb: {  	[sflag:s14] =	ssyncset.done $0x0  }
0xcc: {  	s15 =	rddreg [dreg:$0x9];
	[sflag:s14] =	ssyncadd.s32 $0xFFFFF000  }
0xcd: {  	[tilespmem:s3], [sflag:$0x3] =	stream.linear.gather [hbm4b:s15+s12], $0x1000, $0x38;
	[tilespmem:$0x1E000] =	vst v63  }
0xce: {  	_ =	swait.ge [sflag:s14], $0x1000  }
0xcf: {  	[sflag:s14] =	ssyncset.done $0x0  }
0xd0: {  	[sflag:s14] =	ssyncadd.s32 $0xFFFFF000  }
0xd1: {  	[tilespmem:s31], [sflag:$0x1] =	stream.indirect.gather [hbm4b:s19+s4], $0x80, s2, s4, $0xb8;
	[tilespmem:$0x1E000] =	vst v63  }
0xd2: {  	s11 =	simm.s32 $0x14080  }
0xd3: {  	[tilespmem:s5], [sflag:$0x2] =	stream.indirect.gather [hbm4b:s19+s4], $0x80, s11, s4, $0xb8;
	[tilespmem:$0x1E000] =	vst v63  }
0xd4: {  	_ =	swait.ge [sflag:s6], $0x4000  }
0xd5: {  	[sflag:s6] =	ssyncset.done $0x0  }
0xd6: {  	s12 =	simm.s32 $0x15000;
	[sflag:s6] =	ssyncadd.s32 $0xFFFFC000  }
0xd7: {  	[spmem:s1] =	stream.indirect.scatter.add.f32 [tilespmem:s31], [sflag:$0x3], $0x80, s12, s4, $0xb8;
	[tilespmem:$0x1E000] =	vst v63  }
0xd8: {  	_ =	swait.ge [sflag:s14], $0x4000  }
0xd9: {  	[sflag:s14] =	ssyncset.done $0x0  }
0xda: {  	s13 =	simm.s32 $0x14100;
	[sflag:s14] =	ssyncadd.s32 $0xFFFFC000  }
0xdb: {  	[tilespmem:s31], [sflag:$0x1] =	stream.indirect.gather [hbm4b:s19+s4], $0x80, s13, s4, $0xb8;
	[tilespmem:$0x1E000] =	vst v63  }
0xdc: {  	_ =	swait.ge [sflag:s7], $0x4000  }
0xdd: {  	[sflag:s7] =	ssyncset.done $0x0  }
0xde: {  	s15 =	simm.s32 $0x15080;
	[sflag:s7] =	ssyncadd.s32 $0xFFFFC000  }
0xdf: {  	[spmem:s1] =	stream.indirect.scatter.add.f32 [tilespmem:s5], [sflag:$0x3], $0x80, s15, s4, $0xb8;
	[tilespmem:$0x1E000] =	vst v63  }
0xe0: {  	_ =	swait.ge [sflag:s14], $0x4000  }
0xe1: {  	s0 =	simm.s32 $0x800;
	s11 =	simm.s32 $0x100;
	[sflag:s14] =	ssyncset.done $0x0  }
.LBB2_7:
0xe2: {  	s12 =	sadd.s32 $0x14080, s11  }
0xe3: {  	[sflag:s14] =	ssyncadd.s32 $0xFFFFC000;
	s13 =	smov.u32 s0;
	s15 =	sadd.s32 $0x400, s0  }
0xe4: {  	[tilespmem:s5], [sflag:$0x2] =	stream.indirect.gather [hbm4b:s19+s4], $0x80, s12, s4, $0xb8;
	[tilespmem:$0x1E000] =	vst v63  }
0xe5: {  	p1 =	sne.s32 s0, $0x3800;
	_ =	swait.ge [sflag:s6], $0x4000  }
0xe6: {  	[sflag:s6] =	ssyncset.done $0x0  }
0xe7: {  	s0 =	sadd.s32 $0x15000, s11;
	[sflag:s6] =	ssyncadd.s32 $0xFFFFC000  }
0xe8: {  	[spmem:s1] =	stream.indirect.scatter.add.f32 [tilespmem:s31], [sflag:$0x3], $0x80, s0, s4, $0xb8;
	[tilespmem:$0x1E000] =	vst v63  }
0xe9: {  	_ =	swait.ge [sflag:s14], $0x4000  }
0xea: {  	[sflag:s14] =	ssyncset.done $0x0  }
0xeb: {  	s0 =	sadd.s32 $0x14100, s11;
	[sflag:s14] =	ssyncadd.s32 $0xFFFFC000  }
0xec: {  	[tilespmem:s31], [sflag:$0x1] =	stream.indirect.gather [hbm4b:s19+s4], $0x80, s0, s4, $0xb8;
	[tilespmem:$0x1E000] =	vst v63  }
0xed: {  	_ =	swait.ge [sflag:s7], $0x4000  }
.Ltmp5:
0xee: {  	[sflag:s7] =	ssyncset.done $0x0;
	(pc) =	sbr.rel @p1 .LBB2_7-.Ltmp5, $4  }
0xef: {  	s0 =	sadd.s32 $0x15080, s11;
	[sflag:s7] =	ssyncadd.s32 $0xFFFFC000  }
0xf0: {  	[spmem:s1] =	stream.indirect.scatter.add.f32 [tilespmem:s5], [sflag:$0x3], $0x80, s0, s4, $0xb8;
	[tilespmem:$0x1E000] =	vst v63  }
0xf1: {  	_ =	swait.ge [sflag:s14], $0x4000  }
0xf2: {  	s11 =	sshra.s32 s13, $0x2;
	s0 =	smov.u32 s15;
	[sflag:s14] =	ssyncset.done $0x0  }
0xf3: {  	s0 =	sadd.s32 $0x14080, s11;
	[sflag:s14] =	ssyncadd.s32 $0xFFFFC000  }
0xf4: {  	[tilespmem:s5], [sflag:$0x2] =	stream.indirect.gather [hbm4b:s19+s4], $0x80, s0, s4, $0xb8;
	[tilespmem:$0x1E000] =	vst v63  }
0xf5: {  	_ =	swait.ge [sflag:s6], $0x4000  }
0xf6: {  	[sflag:s6] =	ssyncset.done $0x0  }
0xf7: {  	s13 =	sadd.s32 $0x15000, s11;
	[sflag:s6] =	ssyncadd.s32 $0xFFFFC000  }
0xf8: {  	[spmem:s1] =	stream.indirect.scatter.add.f32 [tilespmem:s31], [sflag:$0x3], $0x80, s13, s4, $0xb8;
	[tilespmem:$0x1E000] =	vst v63  }
0xf9: {  	_ =	swait.ge [sflag:s14], $0x4000  }
0xfa: {  	[sflag:s14] =	ssyncset.done $0x0  }
0xfb: {  	s15 =	sadd.s32 $0x14100, s11;
	[sflag:s14] =	ssyncadd.s32 $0xFFFFC000  }
0xfc: {  	[tilespmem:s31], [sflag:$0x1] =	stream.indirect.gather [hbm4b:s19+s4], $0x80, s15, s4, $0xb8;
	[tilespmem:$0x1E000] =	vst v63  }
0xfd: {  	_ =	swait.ge [sflag:s7], $0x4000  }
0xfe: {  	[sflag:s7] =	ssyncset.done $0x0  }
0xff: {  	s11 =	sadd.s32 $0x15080, s11;
	[sflag:s7] =	ssyncadd.s32 $0xFFFFC000  }
0x100: {  	[spmem:s1] =	stream.indirect.scatter.add.f32 [tilespmem:s5], [sflag:$0x3], $0x80, s11, s4, $0xb8;
	[tilespmem:$0x1E000] =	vst v63  }
0x101: {  	_ =	swait.ge [sflag:s14], $0x4000  }
0x102: {  	[sflag:s14] =	ssyncset.done $0x0  }
0x103: {  	[sflag:s14] =	ssyncadd.s32 $0xFFFFC000  }
0x104: {  	[tilespmem:s5], [sflag:$0x2] =	stream.indirect.gather [hbm4b:s19+s4], $0x80, s8, s4, $0xb8;
	[tilespmem:$0x1E000] =	vst v63  }
0x105: {  	_ =	swait.ge [sflag:s6], $0x4000  }
0x106: {  	[sflag:s6] =	ssyncset.done $0x0  }
0x107: {  	[sflag:s6] =	ssyncadd.s32 $0xFFFFC000  }
0x108: {  	[spmem:s1] =	stream.indirect.scatter.add.f32 [tilespmem:s31], [sflag:$0x3], $0x80, s9, s4, $0xb8;
	[tilespmem:$0x1E000] =	vst v63  }
0x109: {  	_ =	swait.ge [sflag:s14], $0x4000  }
0x10a: {  	[sflag:s14] =	ssyncset.done $0x0  }
0x10b: {  	[sflag:s14] =	ssyncadd.s32 $0xFFFFC000  }
0x10c: {  	_ =	swait.ge [sflag:s7], $0x4000  }
0x10d: {  	[sflag:s7] =	ssyncset.done $0x0  }
0x10e: {  	[sflag:s7] =	ssyncadd.s32 $0xFFFFC000  }
0x10f: {  	[spmem:s1] =	stream.indirect.scatter.add.f32 [tilespmem:s5], [sflag:$0x3], $0x80, s10, s4, $0xb8;
	[tilespmem:$0x1E000] =	vst v63  }
0x110: {  	_ =	swait.ge [sflag:s14], $0x4000  }
0x111: {  	[sflag:s14] =	ssyncset.done $0x0  }
0x112: {  	s12 =	simm.s32 $0x0;
	s13 =	rddreg [dreg:$0xa];
	[sflag:s14] =	ssyncadd.s32 $0xFFFFC000  }
0x113: {  	[tilespmem:s2], [sflag:$0x3] =	stream.linear.gather [hbm4b:s13+s12], $0x1000, $0x38;
	[tilespmem:$0x1E000] =	vst v63  }
0x114: {  	_ =	swait.ge [sflag:s14], $0x1000  }
0x115: {  	[sflag:s14] =	ssyncset.done $0x0  }
0x116: {  	s15 =	rddreg [dreg:$0xb];
	[sflag:s14] =	ssyncadd.s32 $0xFFFFF000  }
0x117: {  	[tilespmem:s3], [sflag:$0x3] =	stream.linear.gather [hbm4b:s15+s12], $0x1000, $0x38;
	[tilespmem:$0x1E000] =	vst v63  }
0x118: {  	_ =	swait.ge [sflag:s14], $0x1000  }
0x119: {  	[sflag:s14] =	ssyncset.done $0x0  }
0x11a: {  	[sflag:s14] =	ssyncadd.s32 $0xFFFFF000  }
0x11b: {  	[tilespmem:s31], [sflag:$0x1] =	stream.indirect.gather [hbm4b:s19+s4], $0x80, s2, s4, $0xb8;
	[tilespmem:$0x1E000] =	vst v63  }
0x11c: {  	s11 =	simm.s32 $0x14080  }
0x11d: {  	[tilespmem:s5], [sflag:$0x2] =	stream.indirect.gather [hbm4b:s19+s4], $0x80, s11, s4, $0xb8;
	[tilespmem:$0x1E000] =	vst v63  }
0x11e: {  	_ =	swait.ge [sflag:s6], $0x4000  }
0x11f: {  	[sflag:s6] =	ssyncset.done $0x0  }
0x120: {  	s12 =	simm.s32 $0x15000;
	[sflag:s6] =	ssyncadd.s32 $0xFFFFC000  }
0x121: {  	[spmem:s1] =	stream.indirect.scatter.add.f32 [tilespmem:s31], [sflag:$0x3], $0x80, s12, s4, $0xb8;
	[tilespmem:$0x1E000] =	vst v63  }
0x122: {  	_ =	swait.ge [sflag:s14], $0x4000  }
0x123: {  	[sflag:s14] =	ssyncset.done $0x0  }
0x124: {  	s13 =	simm.s32 $0x14100;
	[sflag:s14] =	ssyncadd.s32 $0xFFFFC000  }
0x125: {  	[tilespmem:s31], [sflag:$0x1] =	stream.indirect.gather [hbm4b:s19+s4], $0x80, s13, s4, $0xb8;
	[tilespmem:$0x1E000] =	vst v63  }
0x126: {  	_ =	swait.ge [sflag:s7], $0x4000  }
0x127: {  	[sflag:s7] =	ssyncset.done $0x0  }
0x128: {  	s15 =	simm.s32 $0x15080;
	[sflag:s7] =	ssyncadd.s32 $0xFFFFC000  }
0x129: {  	[spmem:s1] =	stream.indirect.scatter.add.f32 [tilespmem:s5], [sflag:$0x3], $0x80, s15, s4, $0xb8;
	[tilespmem:$0x1E000] =	vst v63  }
0x12a: {  	_ =	swait.ge [sflag:s14], $0x4000  }
0x12b: {  	s0 =	simm.s32 $0x800;
	s11 =	simm.s32 $0x100;
	[sflag:s14] =	ssyncset.done $0x0  }
.LBB2_9:
0x12c: {  	s12 =	sadd.s32 $0x14080, s11  }
0x12d: {  	[sflag:s14] =	ssyncadd.s32 $0xFFFFC000;
	s13 =	smov.u32 s0;
	s15 =	sadd.s32 $0x400, s0  }
0x12e: {  	[tilespmem:s5], [sflag:$0x2] =	stream.indirect.gather [hbm4b:s19+s4], $0x80, s12, s4, $0xb8;
	[tilespmem:$0x1E000] =	vst v63  }
0x12f: {  	p1 =	sne.s32 s0, $0x3800;
	_ =	swait.ge [sflag:s6], $0x4000  }
0x130: {  	[sflag:s6] =	ssyncset.done $0x0  }
0x131: {  	s0 =	sadd.s32 $0x15000, s11;
	[sflag:s6] =	ssyncadd.s32 $0xFFFFC000  }
0x132: {  	[spmem:s1] =	stream.indirect.scatter.add.f32 [tilespmem:s31], [sflag:$0x3], $0x80, s0, s4, $0xb8;
	[tilespmem:$0x1E000] =	vst v63  }
0x133: {  	_ =	swait.ge [sflag:s14], $0x4000  }
0x134: {  	[sflag:s14] =	ssyncset.done $0x0  }
0x135: {  	s0 =	sadd.s32 $0x14100, s11;
	[sflag:s14] =	ssyncadd.s32 $0xFFFFC000  }
0x136: {  	[tilespmem:s31], [sflag:$0x1] =	stream.indirect.gather [hbm4b:s19+s4], $0x80, s0, s4, $0xb8;
	[tilespmem:$0x1E000] =	vst v63  }
0x137: {  	_ =	swait.ge [sflag:s7], $0x4000  }
.Ltmp6:
0x138: {  	[sflag:s7] =	ssyncset.done $0x0;
	(pc) =	sbr.rel @p1 .LBB2_9-.Ltmp6, $4  }
0x139: {  	s0 =	sadd.s32 $0x15080, s11;
	[sflag:s7] =	ssyncadd.s32 $0xFFFFC000  }
0x13a: {  	[spmem:s1] =	stream.indirect.scatter.add.f32 [tilespmem:s5], [sflag:$0x3], $0x80, s0, s4, $0xb8;
	[tilespmem:$0x1E000] =	vst v63  }
0x13b: {  	_ =	swait.ge [sflag:s14], $0x4000  }
0x13c: {  	s11 =	sshra.s32 s13, $0x2;
	s0 =	smov.u32 s15;
	[sflag:s14] =	ssyncset.done $0x0  }
0x13d: {  	s0 =	sadd.s32 $0x14080, s11;
	[sflag:s14] =	ssyncadd.s32 $0xFFFFC000  }
0x13e: {  	[tilespmem:s5], [sflag:$0x2] =	stream.indirect.gather [hbm4b:s19+s4], $0x80, s0, s4, $0xb8;
	[tilespmem:$0x1E000] =	vst v63  }
0x13f: {  	_ =	swait.ge [sflag:s6], $0x4000  }
0x140: {  	[sflag:s6] =	ssyncset.done $0x0  }
0x141: {  	s13 =	sadd.s32 $0x15000, s11;
	[sflag:s6] =	ssyncadd.s32 $0xFFFFC000  }
0x142: {  	[spmem:s1] =	stream.indirect.scatter.add.f32 [tilespmem:s31], [sflag:$0x3], $0x80, s13, s4, $0xb8;
	[tilespmem:$0x1E000] =	vst v63  }
0x143: {  	_ =	swait.ge [sflag:s14], $0x4000  }
0x144: {  	[sflag:s14] =	ssyncset.done $0x0  }
0x145: {  	s15 =	sadd.s32 $0x14100, s11;
	[sflag:s14] =	ssyncadd.s32 $0xFFFFC000  }
0x146: {  	[tilespmem:s31], [sflag:$0x1] =	stream.indirect.gather [hbm4b:s19+s4], $0x80, s15, s4, $0xb8;
	[tilespmem:$0x1E000] =	vst v63  }
0x147: {  	_ =	swait.ge [sflag:s7], $0x4000  }
0x148: {  	[sflag:s7] =	ssyncset.done $0x0  }
0x149: {  	s11 =	sadd.s32 $0x15080, s11;
	[sflag:s7] =	ssyncadd.s32 $0xFFFFC000  }
0x14a: {  	[spmem:s1] =	stream.indirect.scatter.add.f32 [tilespmem:s5], [sflag:$0x3], $0x80, s11, s4, $0xb8;
	[tilespmem:$0x1E000] =	vst v63  }
0x14b: {  	_ =	swait.ge [sflag:s14], $0x4000  }
0x14c: {  	[sflag:s14] =	ssyncset.done $0x0  }
0x14d: {  	[sflag:s14] =	ssyncadd.s32 $0xFFFFC000  }
0x14e: {  	[tilespmem:s5], [sflag:$0x2] =	stream.indirect.gather [hbm4b:s19+s4], $0x80, s8, s4, $0xb8;
	[tilespmem:$0x1E000] =	vst v63  }
0x14f: {  	_ =	swait.ge [sflag:s6], $0x4000  }
0x150: {  	[sflag:s6] =	ssyncset.done $0x0  }
0x151: {  	[sflag:s6] =	ssyncadd.s32 $0xFFFFC000  }
0x152: {  	[spmem:s1] =	stream.indirect.scatter.add.f32 [tilespmem:s31], [sflag:$0x3], $0x80, s9, s4, $0xb8;
	[tilespmem:$0x1E000] =	vst v63  }
0x153: {  	_ =	swait.ge [sflag:s14], $0x4000  }
0x154: {  	[sflag:s14] =	ssyncset.done $0x0  }
0x155: {  	[sflag:s14] =	ssyncadd.s32 $0xFFFFC000  }
0x156: {  	_ =	swait.ge [sflag:s7], $0x4000  }
0x157: {  	[sflag:s7] =	ssyncset.done $0x0  }
0x158: {  	[sflag:s7] =	ssyncadd.s32 $0xFFFFC000  }
0x159: {  	[spmem:s1] =	stream.indirect.scatter.add.f32 [tilespmem:s5], [sflag:$0x3], $0x80, s10, s4, $0xb8;
	[tilespmem:$0x1E000] =	vst v63  }
0x15a: {  	_ =	swait.ge [sflag:s14], $0x4000  }
0x15b: {  	[sflag:s14] =	ssyncset.done $0x0  }
0x15c: {  	s12 =	simm.s32 $0x0;
	s13 =	rddreg [dreg:$0xc];
	[sflag:s14] =	ssyncadd.s32 $0xFFFFC000  }
0x15d: {  	[tilespmem:s2], [sflag:$0x3] =	stream.linear.gather [hbm4b:s13+s12], $0x1000, $0x38;
	[tilespmem:$0x1E000] =	vst v63  }
0x15e: {  	_ =	swait.ge [sflag:s14], $0x1000  }
0x15f: {  	[sflag:s14] =	ssyncset.done $0x0  }
0x160: {  	s15 =	rddreg [dreg:$0xd];
	[sflag:s14] =	ssyncadd.s32 $0xFFFFF000  }
0x161: {  	[tilespmem:s3], [sflag:$0x3] =	stream.linear.gather [hbm4b:s15+s12], $0x1000, $0x38;
	[tilespmem:$0x1E000] =	vst v63  }
0x162: {  	_ =	swait.ge [sflag:s14], $0x1000  }
0x163: {  	[sflag:s14] =	ssyncset.done $0x0  }
0x164: {  	[sflag:s14] =	ssyncadd.s32 $0xFFFFF000  }
0x165: {  	[tilespmem:s31], [sflag:$0x1] =	stream.indirect.gather [hbm4b:s19+s4], $0x80, s2, s4, $0xb8;
	[tilespmem:$0x1E000] =	vst v63  }
0x166: {  	s11 =	simm.s32 $0x14080  }
0x167: {  	[tilespmem:s5], [sflag:$0x2] =	stream.indirect.gather [hbm4b:s19+s4], $0x80, s11, s4, $0xb8;
	[tilespmem:$0x1E000] =	vst v63  }
0x168: {  	_ =	swait.ge [sflag:s6], $0x4000  }
0x169: {  	[sflag:s6] =	ssyncset.done $0x0  }
0x16a: {  	s12 =	simm.s32 $0x15000;
	[sflag:s6] =	ssyncadd.s32 $0xFFFFC000  }
0x16b: {  	[spmem:s1] =	stream.indirect.scatter.add.f32 [tilespmem:s31], [sflag:$0x3], $0x80, s12, s4, $0xb8;
	[tilespmem:$0x1E000] =	vst v63  }
0x16c: {  	_ =	swait.ge [sflag:s14], $0x4000  }
0x16d: {  	[sflag:s14] =	ssyncset.done $0x0  }
0x16e: {  	s13 =	simm.s32 $0x14100;
	[sflag:s14] =	ssyncadd.s32 $0xFFFFC000  }
0x16f: {  	[tilespmem:s31], [sflag:$0x1] =	stream.indirect.gather [hbm4b:s19+s4], $0x80, s13, s4, $0xb8;
	[tilespmem:$0x1E000] =	vst v63  }
0x170: {  	_ =	swait.ge [sflag:s7], $0x4000  }
0x171: {  	[sflag:s7] =	ssyncset.done $0x0  }
0x172: {  	s15 =	simm.s32 $0x15080;
	[sflag:s7] =	ssyncadd.s32 $0xFFFFC000  }
0x173: {  	[spmem:s1] =	stream.indirect.scatter.add.f32 [tilespmem:s5], [sflag:$0x3], $0x80, s15, s4, $0xb8;
	[tilespmem:$0x1E000] =	vst v63  }
0x174: {  	_ =	swait.ge [sflag:s14], $0x4000  }
0x175: {  	s0 =	simm.s32 $0x800;
	s11 =	simm.s32 $0x100;
	[sflag:s14] =	ssyncset.done $0x0  }
.LBB2_11:
0x176: {  	s12 =	sadd.s32 $0x14080, s11  }
0x177: {  	[sflag:s14] =	ssyncadd.s32 $0xFFFFC000;
	s13 =	smov.u32 s0;
	s15 =	sadd.s32 $0x400, s0  }
0x178: {  	[tilespmem:s5], [sflag:$0x2] =	stream.indirect.gather [hbm4b:s19+s4], $0x80, s12, s4, $0xb8;
	[tilespmem:$0x1E000] =	vst v63  }
0x179: {  	p1 =	seq.s32 s0, $0x3800;
	_ =	swait.ge [sflag:s6], $0x4000  }
0x17a: {  	[sflag:s6] =	ssyncset.done $0x0  }
0x17b: {  	s0 =	sadd.s32 $0x15000, s11;
	[sflag:s6] =	ssyncadd.s32 $0xFFFFC000  }
0x17c: {  	[spmem:s1] =	stream.indirect.scatter.add.f32 [tilespmem:s31], [sflag:$0x3], $0x80, s0, s4, $0xb8;
	[tilespmem:$0x1E000] =	vst v63  }
0x17d: {  	_ =	swait.ge [sflag:s14], $0x4000  }
0x17e: {  	[sflag:s14] =	ssyncset.done $0x0  }
0x17f: {  	s0 =	sadd.s32 $0x14100, s11;
	[sflag:s14] =	ssyncadd.s32 $0xFFFFC000  }
0x180: {  	[tilespmem:s31], [sflag:$0x1] =	stream.indirect.gather [hbm4b:s19+s4], $0x80, s0, s4, $0xb8;
	[tilespmem:$0x1E000] =	vst v63  }
0x181: {  	_ =	swait.ge [sflag:s7], $0x4000  }
.Ltmp7:
0x182: {  	[sflag:s7] =	ssyncset.done $0x0;
	(pc) =	sbr.rel @!p1 .LBB2_11-.Ltmp7, $4  }
0x183: {  	s0 =	sadd.s32 $0x15080, s11;
	[sflag:s7] =	ssyncadd.s32 $0xFFFFC000  }
0x184: {  	[spmem:s1] =	stream.indirect.scatter.add.f32 [tilespmem:s5], [sflag:$0x3], $0x80, s0, s4, $0xb8;
	[tilespmem:$0x1E000] =	vst v63  }
0x185: {  	_ =	swait.ge [sflag:s14], $0x4000  }
0x186: {  	s11 =	sshra.s32 s13, $0x2;
	s0 =	smov.u32 s15;
	[sflag:s14] =	ssyncset.done $0x0  }
0x187: {  	s0 =	sadd.s32 $0x14080, s11;
	[sflag:s14] =	ssyncadd.s32 $0xFFFFC000  }
0x188: {  	[tilespmem:s5], [sflag:$0x2] =	stream.indirect.gather [hbm4b:s19+s4], $0x80, s0, s4, $0xb8;
	[tilespmem:$0x1E000] =	vst v63  }
0x189: {  	_ =	swait.ge [sflag:s6], $0x4000  }
0x18a: {  	[sflag:s6] =	ssyncset.done $0x0  }
0x18b: {  	s12 =	sadd.s32 $0x15000, s11;
	[sflag:s6] =	ssyncadd.s32 $0xFFFFC000  }
0x18c: {  	[spmem:s1] =	stream.indirect.scatter.add.f32 [tilespmem:s31], [sflag:$0x3], $0x80, s12, s4, $0xb8;
	[tilespmem:$0x1E000] =	vst v63  }
0x18d: {  	_ =	swait.ge [sflag:s14], $0x4000  }
0x18e: {  	[sflag:s14] =	ssyncset.done $0x0  }
0x18f: {  	s13 =	sadd.s32 $0x14100, s11;
	[sflag:s14] =	ssyncadd.s32 $0xFFFFC000  }
0x190: {  	[tilespmem:s31], [sflag:$0x1] =	stream.indirect.gather [hbm4b:s19+s4], $0x80, s13, s4, $0xb8;
	[tilespmem:$0x1E000] =	vst v63  }
0x191: {  	_ =	swait.ge [sflag:s7], $0x4000  }
0x192: {  	[sflag:s7] =	ssyncset.done $0x0  }
.Ltmp8:
0x193: {  	s15 =	sadd.s32 $0x15080, s11;
	[sflag:s7] =	ssyncadd.s32 $0xFFFFC000;
	(pc) =	sbr.rel .LBB2_16-.Ltmp8, $4  }
0x194: {  	[spmem:s1] =	stream.indirect.scatter.add.f32 [tilespmem:s5], [sflag:$0x3], $0x80, s15, s4, $0xb8;
	[tilespmem:$0x1E000] =	vst v63  }
0x195: {  	_ =	swait.ge [sflag:s14], $0x4000  }
0x196: {  	[sflag:s14] =	ssyncset.done $0x0  }
0x197: {  	[sflag:s14] =	ssyncadd.s32 $0xFFFFC000  }
.LBB2_13:
0x198: {  	s11 =	rddreg [dreg:$0x4]  }
0x199: {  	[tilespmem:s2], [sflag:$0x3] =	stream.linear.gather [hbm4b:s11+s0], $0x1000, $0x38;
	[tilespmem:$0x1E000] =	vst v63  }
0x19a: {  	_ =	swait.ge [sflag:s14], $0x1000  }
0x19b: {  	[sflag:s14] =	ssyncset.done $0x0  }
0x19c: {  	s15 =	rddreg [dreg:$0x5];
	[sflag:s14] =	ssyncadd.s32 $0xFFFFF000  }
0x19d: {  	[tilespmem:s3], [sflag:$0x3] =	stream.linear.gather [hbm4b:s15+s0], $0x1000, $0x38;
	[tilespmem:$0x1E000] =	vst v63  }
0x19e: {  	_ =	swait.ge [sflag:s14], $0x1000  }
0x19f: {  	[sflag:s14] =	ssyncset.done $0x0  }
0x1a0: {  	[sflag:s14] =	ssyncadd.s32 $0xFFFFF000  }
0x1a1: {  	[tilespmem:s31], [sflag:$0x1] =	stream.indirect.gather [hbm4b:s19+s4], $0x80, s2, s4, $0xb8;
	[tilespmem:$0x1E000] =	vst v63  }
0x1a2: {  	s11 =	simm.s32 $0x14080  }
0x1a3: {  	[tilespmem:s5], [sflag:$0x2] =	stream.indirect.gather [hbm4b:s19+s4], $0x80, s11, s4, $0xb8;
	[tilespmem:$0x1E000] =	vst v63  }
0x1a4: {  	_ =	swait.ge [sflag:s6], $0x4000  }
0x1a5: {  	[sflag:s6] =	ssyncset.done $0x0  }
0x1a6: {  	s12 =	simm.s32 $0x15000;
	[sflag:s6] =	ssyncadd.s32 $0xFFFFC000  }
0x1a7: {  	[spmem:s1] =	stream.indirect.scatter.add.f32 [tilespmem:s31], [sflag:$0x3], $0x80, s12, s4, $0xb8;
	[tilespmem:$0x1E000] =	vst v63  }
0x1a8: {  	_ =	swait.ge [sflag:s14], $0x4000  }
0x1a9: {  	[sflag:s14] =	ssyncset.done $0x0  }
0x1aa: {  	s13 =	simm.s32 $0x14100;
	[sflag:s14] =	ssyncadd.s32 $0xFFFFC000  }
0x1ab: {  	[tilespmem:s31], [sflag:$0x1] =	stream.indirect.gather [hbm4b:s19+s4], $0x80, s13, s4, $0xb8;
	[tilespmem:$0x1E000] =	vst v63  }
0x1ac: {  	_ =	swait.ge [sflag:s7], $0x4000  }
0x1ad: {  	[sflag:s7] =	ssyncset.done $0x0  }
0x1ae: {  	s15 =	simm.s32 $0x15080;
	[sflag:s7] =	ssyncadd.s32 $0xFFFFC000  }
0x1af: {  	[spmem:s1] =	stream.indirect.scatter.add.f32 [tilespmem:s5], [sflag:$0x3], $0x80, s15, s4, $0xb8;
	[tilespmem:$0x1E000] =	vst v63  }
0x1b0: {  	_ =	swait.ge [sflag:s14], $0x4000  }
0x1b1: {  	s0 =	simm.s32 $0x800;
	s11 =	simm.s32 $0x100;
	[sflag:s14] =	ssyncset.done $0x0  }
.LBB2_14:
0x1b2: {  	s12 =	sadd.s32 $0x14080, s11  }
0x1b3: {  	[sflag:s14] =	ssyncadd.s32 $0xFFFFC000;
	s13 =	smov.u32 s0;
	s15 =	sadd.s32 $0x400, s0  }
0x1b4: {  	[tilespmem:s5], [sflag:$0x2] =	stream.indirect.gather [hbm4b:s19+s4], $0x80, s12, s4, $0xb8;
	[tilespmem:$0x1E000] =	vst v63  }
0x1b5: {  	p1 =	sne.s32 s0, $0x3800;
	_ =	swait.ge [sflag:s6], $0x4000  }
0x1b6: {  	[sflag:s6] =	ssyncset.done $0x0  }
0x1b7: {  	s0 =	sadd.s32 $0x15000, s11;
	[sflag:s6] =	ssyncadd.s32 $0xFFFFC000  }
0x1b8: {  	[spmem:s1] =	stream.indirect.scatter.add.f32 [tilespmem:s31], [sflag:$0x3], $0x80, s0, s4, $0xb8;
	[tilespmem:$0x1E000] =	vst v63  }
0x1b9: {  	_ =	swait.ge [sflag:s14], $0x4000  }
0x1ba: {  	[sflag:s14] =	ssyncset.done $0x0  }
0x1bb: {  	s0 =	sadd.s32 $0x14100, s11;
	[sflag:s14] =	ssyncadd.s32 $0xFFFFC000  }
0x1bc: {  	[tilespmem:s31], [sflag:$0x1] =	stream.indirect.gather [hbm4b:s19+s4], $0x80, s0, s4, $0xb8;
	[tilespmem:$0x1E000] =	vst v63  }
0x1bd: {  	_ =	swait.ge [sflag:s7], $0x4000  }
.Ltmp9:
0x1be: {  	[sflag:s7] =	ssyncset.done $0x0;
	(pc) =	sbr.rel @p1 .LBB2_14-.Ltmp9, $4  }
0x1bf: {  	s0 =	sadd.s32 $0x15080, s11;
	[sflag:s7] =	ssyncadd.s32 $0xFFFFC000  }
0x1c0: {  	[spmem:s1] =	stream.indirect.scatter.add.f32 [tilespmem:s5], [sflag:$0x3], $0x80, s0, s4, $0xb8;
	[tilespmem:$0x1E000] =	vst v63  }
0x1c1: {  	_ =	swait.ge [sflag:s14], $0x4000  }
0x1c2: {  	s11 =	sshra.s32 s13, $0x2;
	s0 =	smov.u32 s15;
	[sflag:s14] =	ssyncset.done $0x0  }
.Ltmp10:
0x1c3: {  	_ = 	snop;
	(pc) =	sbr.rel .LBB2_15-.Ltmp10, $1  }
0x1c4: {  	_ =	sdelay $0x3  }
.LBB2_17:
0x1c5: {  	_ =	sfence.sel $0x180000  }
0x1c6: {  	[bflag:$0x0] =	sbarrier.arrive $0xFFFF  }
0x1c7: {  	_ =	strace $0x9000004D  }
0x1c8: {  	s0 =	stileid.u32;
	[bflag:$0x2] =	sbarrier.arrive $0xFFFF  }
0x1c9: {  	p0 =	sne.s32 s0, $0x0;
	s0 =	rddreg [dreg:$0x3]  }
0x1ca: {  	s0 =	sadd.s32 @!p0 $0x100000, s0  }
0x1cb: {  	[sflag:s0] =	ssyncadd.tile.s32 @!p0 $0x1;
	_ =	shalt  }
.Lfunc_end2:
_tile_overlayer_lowered:
.L_overlay_start_2:
0x1cc: {  	(tag) =	ssettag $0x2  }
0x1cd: {  	s0 =	rddreg [dreg:$0x0];
	s2 =	stileid.u32  }
0x1ce: {  	s1 =	rddreg [dreg:$0x1];
	p0 =	sne.s32 s2, $0x0  }
0x1cf: {  	s3 =	rddreg [dreg:$0x2];
	[bflag:$0x3] =	sbarrier.arrive $0xFFFF;
	s2 =	simm.s32 @!p0 $0x1C03  }
0x1d0: {  	[timem:s3], [sflag:s2] =	dma.local @!p0 [hbm:s0], s1  }
0x1d1: {  	s0 =	simm.s32 @!p0 $0x3  }
0x1d2: {  	_ =	swait.ge @!p0 [sflag:s0], s1  }
0x1d3: {  	s1 =	ssub.s32 @!p0 $0x0, s1;
	[sflag:s0] =	ssyncset.done @!p0 $0x0  }
0x1d4: {  	[sflag:s0] =	ssyncadd.s32 @!p0 s1  }
0x1d5: {  	[bflag:$0x3] =	sbarrier.arrive $0xFFFF  }
0x1d6: {  	_ =	shalt  }

// kernel: kernel.18.cloned.1.call-start
scs
__scs_entry_jumppad:
0x0: {  	(pc) =	sbr.rel $0x88, $3  }
0x1: {  	(tag) =	ssettag $0x0;
	lr =	simm.s32 $0x1  }
0x2: {  	[smem:$0x3F95] =	sst lr;
	_ =	strace $0xD0000000  }
0x3: {  	_ = 	snop  }
0x4: {  	_ = 	snop  }
0x5: {  	_ = 	snop  }
0x6: {  	_ = 	snop  }
0x7: {  	_ = 	snop  }
__scs_overlays_trampoline_lowered:
0x8: {  	[smem:$0x3FA4] =	sst s0  }
0x9: {  	[smem:$0x3FA5] =	sst s1  }
0xa: {  	[smem:$0x3FA6] =	sst s2  }
0xb: {  	[smem:$0x3FA7] =	sst s3  }
0xc: {  	[smem:$0x3FA8] =	sst s4  }
0xd: {  	[smem:$0x3FA9] =	sst s5  }
0xe: {  	[smem:$0x3FAA] =	sst s6  }
0xf: {  	[smem:$0x3FAB] =	sst s7  }
0x10: {  	[smem:$0x3FAC] =	sst s8  }
0x11: {  	[smem:$0x3FAD] =	sst s9;
	s0 =	simm.s32 @!p0 $0x0  }
0x12: {  	s1 =	sld [smem:$0x3F93];
	s0 =	simm.s32 @p0 $0x1  }
0x13: {  	[smem:$0x3FAE] =	sst s0;
	s0 =	simm.s32 @!p1 $0x0  }
0x14: {  	s2 =	sld [smem:$0x3F92];
	s0 =	simm.s32 @p1 $0x1  }
0x15: {  	[smem:$0x3FAF] =	sst s0;
	s0 =	simm.s32 @!p2 $0x0  }
0x16: {  	s3 =	sld [smem:$0x3FDB];
	s0 =	simm.s32 @p2 $0x1  }
0x17: {  	s4 =	simm.s32 $0x1BF5;
	[smem:$0x3FB1] =	sst s0  }
0x18: {  	s0 =	sld [smem:$0x3F94];
	_ =	swait.ge [sflag:s4], $0x0  }
0x19: {  	s7 =	sld [smem:$0x3F95]  }
0x1a: {  	s8 =	sadd.s32 $0xFFFFE003, lr  }
0x1b: {  	s9 =	sadd.s32 $0xFFFFFEF7, lr;
	s5 =	simm.s32 $0xFFFFFFFF;
	p2 =	slt.u32 s8, $0xFFFFF086  }
0x1c: {  	p1 =	slt.u32 s9, $0xF7A;
	s5 =	simm.s32 @!p2 $0x0  }
0x1d: {  	s5 =	simm.s32 @p1 $0x1;
	p0 =	seq.s32 s7, s2  }
0x1e: {  	s7 =	smul.u32 @!p0 $0xF7A, s2;
	p2 =	seq.s32 @!p0 s5, $0x0  }
0x1f: {  	s9 =	smul.u32 $0xF7A, s1;
	s8 =	simm.s32 @!p0 $0x1BF5;
	p2 =	por !p2, p0  }
0x20: {  	[sflag:s8] =	ssyncset.s32 @!p0 $0xFFFFF086;
	s6 =	sadd.s32 @!p0 s3, s7;
	s7 =	simm.s32 @!p0 $0x108  }
0x21: {  	s3 =	sadd.s32 s3, s9;
	s6 =	sadd.s32 @!p0 $0x88, s6;
	s7 =	simm.s32 @p2 $0x1082  }
0x22: {  	[simem:s7], [sflag:s8] =	dma.local @!p0 [hbm:s6], $0xF7A  }
0x23: {  	s9 =	sor.u32 $0xD0000000, s2;
	s6 =	simm.s32 $0x108;
	_ =	swait.ge @!p0 [sflag:s8], $0x0  }
0x24: {  	s3 =	sadd.s32 $0x88, s3;
	s6 =	simm.s32 @!p1 $0x1082;
	[sflag:s4] =	ssyncset.s32 $0xFFFFF086  }
0x25: {  	[simem:s6], [sflag:s4] =	dma.local [hbm:s3], $0xF7A  }
0x26: {  	[smem:$0x3F95] =	sst s1;
	(tag) =	ssettag s2;
	_ =	strace s9  }
0x27: {  	s1 =	sld [smem:$0x3FA5]  }
0x28: {  	s2 =	sld [smem:$0x3FA6]  }
0x29: {  	s4 =	sld [smem:$0x3FA8]  }
0x2a: {  	p0 =	seq.s32 s5, $0x0;
	s5 =	sld [smem:$0x3FA9]  }
0x2b: {  	s6 =	sld [smem:$0x3FAA]  }
0x2c: {  	s7 =	sld [smem:$0x3FAB]  }
0x2d: {  	s3 =	simm.s32 $0x108;
	s8 =	sld [smem:$0x3FAC]  }
0x2e: {  	s3 =	simm.s32 @!p0 $0x1082;
	s9 =	sld [smem:$0x3FAD]  }
0x2f: {  	lr =	sadd.s32 s0, s3;
	s0 =	sld [smem:$0x3FA4]  }
0x30: {  	s3 =	sld [smem:$0x3FA7]  }
0x31: {  	[smem:$0x3FB0] =	sst s10  }
0x32: {  	s10 =	sld [smem:$0x3FAE];
	_ =	sdelay $0x3  }
0x33: {  	p0 =	seq.s32 s10, $0x1;
	s10 =	sld [smem:$0x3FB0];
	_ =	sdelay $0x3  }
0x34: {  	[smem:$0x3FB0] =	sst s10  }
0x35: {  	s10 =	sld [smem:$0x3FAF];
	_ =	sdelay $0x3  }
0x36: {  	p1 =	seq.s32 s10, $0x1;
	s10 =	sld [smem:$0x3FB0];
	_ =	sdelay $0x3  }
0x37: {  	[smem:$0x3FB0] =	sst s10  }
0x38: {  	s10 =	sld [smem:$0x3FB1]  }
0x39: {  	_ = 	snop;
	(pc) =	sbr.ind lr, $3  }
0x3a: {  	_ = 	snop  }
0x3b: {  	_ = 	snop  }
0x3c: {  	p2 =	seq.s32 s10, $0x1;
	s10 =	sld [smem:$0x3FB0]  }
0x3d: {  	_ =	shalt  }
0x3e: {  	_ =	shalt  }
0x3f: {  	_ =	shalt  }
0x40: {  	_ =	shalt  }
0x41: {  	_ =	shalt  }
0x42: {  	_ =	shalt  }
0x43: {  	_ =	shalt  }
0x44: {  	_ =	shalt  }
0x45: {  	_ =	shalt  }
0x46: {  	_ =	shalt  }
0x47: {  	_ =	shalt  }
0x48: {  	_ =	shalt  }
0x49: {  	_ =	shalt  }
0x4a: {  	_ =	shalt  }
0x4b: {  	_ =	shalt  }
0x4c: {  	_ =	shalt  }
0x4d: {  	_ =	shalt  }
0x4e: {  	_ =	shalt  }
0x4f: {  	_ =	shalt  }
0x50: {  	_ =	shalt  }
0x51: {  	_ =	shalt  }
0x52: {  	_ =	shalt  }
0x53: {  	_ =	shalt  }
0x54: {  	_ =	shalt  }
0x55: {  	_ =	shalt  }
0x56: {  	_ =	shalt  }
0x57: {  	_ =	shalt  }
0x58: {  	_ =	shalt  }
0x59: {  	_ =	shalt  }
0x5a: {  	_ =	shalt  }
0x5b: {  	_ =	shalt  }
0x5c: {  	_ =	shalt  }
0x5d: {  	_ =	shalt  }
0x5e: {  	_ =	shalt  }
0x5f: {  	_ =	shalt  }
0x60: {  	_ =	shalt  }
0x61: {  	_ =	shalt  }
0x62: {  	_ =	shalt  }
0x63: {  	_ =	shalt  }
0x64: {  	_ =	shalt  }
0x65: {  	_ =	shalt  }
0x66: {  	_ =	shalt  }
0x67: {  	_ =	shalt  }
0x68: {  	_ =	shalt  }
0x69: {  	_ =	shalt  }
0x6a: {  	_ =	shalt  }
0x6b: {  	_ =	shalt  }
0x6c: {  	_ =	shalt  }
0x6d: {  	_ =	shalt  }
0x6e: {  	_ =	shalt  }
0x6f: {  	_ =	shalt  }
0x70: {  	_ =	shalt  }
0x71: {  	_ =	shalt  }
0x72: {  	_ =	shalt  }
0x73: {  	_ =	shalt  }
0x74: {  	_ =	shalt  }
0x75: {  	_ =	shalt  }
0x76: {  	_ =	shalt  }
0x77: {  	_ =	shalt  }
0x78: {  	_ =	shalt  }
0x79: {  	_ =	shalt  }
0x7a: {  	_ =	shalt  }
0x7b: {  	_ =	shalt  }
0x7c: {  	_ =	shalt  }
0x7d: {  	_ =	shalt  }
0x7e: {  	_ =	shalt  }
0x7f: {  	_ =	shalt  }
0x80: {  	_ =	shalt  }
0x81: {  	_ =	shalt  }
0x82: {  	_ =	shalt  }
0x83: {  	_ =	shalt  }
0x84: {  	_ =	shalt  }
0x85: {  	_ =	shalt  }
0x86: {  	_ =	shalt  }
0x87: {  	_ =	shalt  }
.Lfunc_end0:
.L_simem_size_0:
called_computation.3_lowered:
.L_overlay_start_0:
0x88: {  	s2 =	sld [smem:$0x3FD9]  }
0x89: {  	s3 =	sld [smem:$0x3FFE];
	_ =	sdelay $0x1  }
0x8a: {  	s1 =	srdreg.scid  }
0x8b: {  	s0 =	sand.u32 $0x1, s1  }
0x8c: {  	s17 =	sshll.u32 s0, $0xA;
	s2 =	sadd.s32 s3, s2  }
0x8d: {  	s2 =	sadd.s32 s2, s17  }
0x8e: {  	[smem:$0x3FBC] =	sst s2  }
0x8f: {  	_ = 	snop  }
0x90: {  	s2 =	sld [smem:$0x3FD0];
	(tm) =	ssettm $0x1  }
0x91: {  	s18 =	sld [smem:$0x3FFB];
	_ =	sdelay $0x3  }
0x92: {  	_ =	strace s18  }
0x93: {  	s3 =	sld [smem:$0x3FFC];
	_ =	sdelay $0x3  }
0x94: {  	_ =	strace s3  }
0x95: {  	s3 =	sld [smem:$0x3FFD];
	_ =	sdelay $0x3  }
0x96: {  	_ =	strace s3  }
0x97: {  	_ =	strace $0x8FFFFFFF  }
0x98: {  	s19 =	sld [smem:$0x3FDB];
	_ =	sdelay $0x1  }
0x99: {  	s4 =	simm.s32 $_scs_section_size  }
0x9a: {  	s5 =	simm.s32 $_size__tile_overlayer_lowered;
	s6 =	simm.s32 $_tile_overlayer_lowered  }
0x9b: {  	s22 =	simm.s32 $0x1BFF;
	s21 =	sshll.u32 s6, $0x1;
	s3 =	sadd.s32 s4, s19  }
0x9c: {  	s7 =	simm.s32 $0x0;
	s20 =	sshll.u32 s5, $0x1;
	s5 =	sadd.s32 s21, s3  }
0x9d: {  	[timem:s7], [sflag:s22] =	dma.local [hbm:s5], s20  }
0x9e: {  	_ =	swait.ge [sflag:s22], s20  }
0x9f: {  	s4 =	ssub.s32 $0x0, s20;
	[sflag:s22] =	ssyncset.done $0x0  }
0xa0: {  	[sflag:s22] =	ssyncadd.s32 s4;
	_ =	sdelay $0x1  }
0xa1: {  	s23 =	simm.s32 $0x1B8B  }
0xa2: {  	_ =	swait.ge [sflag:s23], $0x1  }
0xa3: {  	[sflag:s23] =	ssyncset.done $0x0  }
0xa4: {  	s25 =	simm.s32 $0x1B8E;
	s24 =	sld [smem:$0x3FFE];
	[sflag:s23] =	ssyncadd.s32 $0xFFFFFFFF  }
0xa5: {  	s26 =	simm.s32 $execute0_lowered;
	[smem:$0x3FD2] =	sst s25  }
0xa6: {  	s5 =	sshll.u32 s26, $0x1;
	_ =	strace $0x8000004F;
	[dreg:$0x1] =	wrdreg $0xFFFFFFFF  }
0xa7: {  	s28 =	simm.s32 $_size_execute0_lowered;
	s3 =	sadd.s32 s3, s5;
	[dreg:$0x0] =	wrdreg $0x0  }
0xa8: {  	s5 =	sshll.u32 s28, $0x1;
	[dreg:$0x2] =	wrdreg s3  }
0xa9: {  	[dreg:$0x3] =	wrdreg s5  }
0xaa: {  	[dreg:$0x4] =	wrdreg $0xC0  }
0xab: {  	_ =	task [dreg:s7], $0x5FFFF  }
0xac: {  	[dreg:$0x1] =	wrdreg $0xFFFFFFFF  }
0xad: {  	[dreg:$0x0] =	wrdreg $0x60  }
0xae: {  	[dreg:$0x2] =	wrdreg s24  }
0xaf: {  	[dreg:$0x3] =	wrdreg s2  }
0xb0: {  	[dreg:$0x4] =	wrdreg $0x0  }
0xb1: {  	[dreg:$0x5] =	wrdreg $0x9  }
0xb2: {  	_ =	task.clear_ibuf [dreg:s7], $0x6FFFF;
	_ =	strace $0x9000004F  }
0xb3: {  	s29 =	simm.s32 $0x9;
	_ =	strace $0x80000051  }
0xb4: {  	_ =	swait.ge [sflag:s29], $0x1  }
0xb5: {  	[sflag:s29] =	ssyncadd.s32 $0xFFFFFFFF  }
0xb6: {  	_ =	strace $0x90000051  }
0xb7: {  	_ =	sfence  }
0xb8: {  	s30 =	sld [smem:$0x0];
	_ =	sdelay $0x2  }
0xb9: {  	s31 =	sshll.u32 s1, $0xD;
	s1 =	sshrl.u32 s1, $0x2  }
0xba: {  	s3 =	sand.u32 $0x4000, s31;
	s1 =	sadd.s32 s1, s30  }
0xbb: {  	s0 =	sor.u32 s3, s0;
	s1 =	sshll.u32 s1, $0x11  }
0xbc: {  	s0 =	sor.u32 s1, s0  }
0xbd: {  	s0 =	sadd.s32 $0x8F2B, s0  }
0xbe: {  	[sflag:s0] =	ssyncadd.remote.s32 $0x1  }
0xbf: {  	_ =	sfence.sel $0xFFFF  }
0xc0: {  	[dreg:$0x0] =	wrdreg $0xFFFFFFFF;
	(pc) =	sbr.abs _section_cstart, $3  }
0xc1: {  	[dreg:$0x1] =	wrdreg $0xFFFFFFFF  }
0xc2: {  	_ =	task.clear_ibuf [dreg:s7], $0x2FFFF;
	_ =	strace $0x9FFFFFFF  }
0xc3: {  	(tm) =	ssettm $0x7FFFFFFF  }
tec
execute0_lowered:
.L_overlay_start_1:
0x0: {  	(tag) =	ssettag $0x1  }
0x1: {  	s0 =	rddreg [dreg:$0x0];
	s1 =	srdreg.scid  }
0x2: {  	s2 =	rddreg [dreg:$0x1];
	s12 =	stileid.u32  }
0x3: {  	s31 =	simm.s32 $0x16000;
	s3 =	sand.u32 $0x1, s1;
	s1 =	rddreg [dreg:$0x2]  }
0x4: {  	s5 =	sadd.s32 $0x3A00, s0;
	s7 =	sadd.s32 $0x35A00, s0;
	s14 =	sshll.u32 s12, $0x9  }
0x5: {  	s8 =	smul.u32 $0x50000, s12;
	s9 =	sshll.u32 s12, $0xB;
	s4 =	ssub.s32 $0x2, s3  }
0x6: {  	s15 =	sadd.s32 s2, s9;
	s16 =	sadd.s32 s5, s9;
	s17 =	sor.u32 $0x200, s9  }
0x7: {  	s18 =	smul.u32 $0x140000, s3;
	s19 =	sor.u32 $0x400, s9;
	s22 =	sor.u32 $0x600, s9  }
0x8: {  	p0 =	sne.s32 s3, $0x0;
	s3 =	simm.s32 $0x15000;
	[dreg:$0x6] =	wrdreg s15  }
0x9: {  	s6 =	sshrl.u32 s4, $0x1;
	[dreg:$0x7] =	wrdreg s16;
	s11 =	sadd.s32 s2, s17  }
0xa: {  	s20 =	sadd.s32 s2, s19;
	s21 =	sadd.s32 s5, s19;
	[dreg:$0x8] =	wrdreg s11  }
0xb: {  	s4 =	ssub.s32 s4, s6;
	s6 =	sor.u32 $0x8000, s14;
	[dreg:$0xa] =	wrdreg s20  }
0xc: {  	s19 =	sadd.s32 $0xDA00, s0;
	[dreg:$0xb] =	wrdreg s21;
	s10 =	sadd.s32 s2, s6  }
0xd: {  	s14 =	smul.u32 $0x14000, s12;
	s6 =	sadd.s32 s5, s6;
	[dreg:$0x4] =	wrdreg s10  }
0xe: {  	s2 =	sadd.s32 s2, s22;
	[dreg:$0x5] =	wrdreg s6;
	s6 =	sadd.s32 s5, s17  }
0xf: {  	s23 =	sadd.s32 s18, s14;
	s24 =	sadd.s32 $0x4000, s14;
	[dreg:$0xc] =	wrdreg s2  }
0x10: {  	s5 =	sadd.s32 s5, s22;
	s13 =	sadd.s32 $0x8000, s14;
	s15 =	sadd.s32 $0xC000, s14  }
0x11: {  	s14 =	sadd.s32 $0x10000, s14;
	[dreg:$0x9] =	wrdreg s6;
	s25 =	sshrl.u32 s23, $0x3  }
0x12: {  	s26 =	sadd.s32 s18, s24;
	[dreg:$0xd] =	wrdreg s5;
	s20 =	sadd.s32 s18, s13  }
0x13: {  	s21 =	sadd.s32 s18, s15;
	s10 =	sadd.s32 s18, s14;
	s18 =	simm.s32 $0x0  }
0x14: {  	s23 =	sshrl.u32 s8, $0x2;
	s24 =	sadd.s32 s24, s1;
	s5 =	simm.s32 $0x1A000  }
0x15: {  	s8 =	simm.s32 $0x14F80;
	s2 =	sadd.s32 s7, s25;
	s12 =	sshrl.u32 s26, $0x3  }
0x16: {  	s6 =	sshrl.u32 s20, $0x3;
	s9 =	sshrl.u32 s21, $0x3;
	s22 =	sshrl.u32 s10, $0x3  }
0x17: {  	[smem:$0x7FF] =	sst s18;
	s20 =	sadd.s32 s23, s1;
	s21 =	smax.u32 s4, $0x1  }
0x18: {  	s25 =	sadd.s32 s15, s1;
	s26 =	sadd.s32 s14, s1;
	s14 =	simm.s32 $0x3  }
0x19: {  	s4 =	simm.s32 $0x80;
	s10 =	simm.s32 $0x15F80;
	[dreg:$0xe] =	wrdreg s2  }
0x1a: {  	s2 =	sadd.s32 s7, s12;
	s6 =	sadd.s32 s7, s6;
	s16 =	sadd.s32 s7, s9  }
0x1b: {  	s17 =	sadd.s32 s7, s22;
	s22 =	sshrl.u32 s24, $0x3;
	s24 =	sshrl.u32 s25, $0x3  }
.Ltmp0:
0x1c: {  	s25 =	sshrl.u32 s26, $0x3;
	s26 =	sadd.s32 $0x4000, s20;
	(pc) =	sbr.rel .LBB2_1-.Ltmp0, $4  }
0x1d: {  	s28 =	sadd.s32 $0x8000, s20;
	s29 =	sadd.s32 $0xC000, s20;
	s30 =	sadd.s32 $0x10000, s20  }
0x1e: {  	s7 =	simm.s32 $0x2;
	s9 =	simm.s32 $0x15F00;
	[dreg:$0xf] =	wrdreg s2  }
0x1f: {  	[dreg:$0x10] =	wrdreg s6;
	s2 =	sadd.s32 s13, s1;
	s6 =	simm.s32 $0x1  }
0x20: {  	v0 =	vimm.f32 $0.0e+00;
	_ =	strace $0x80000050;
	s23 =	sshrl.u32 s2, $0x3;
	s2 =	simm.s32 $0x14000  }
.LBB2_15:
0x21: {  	s0 =	sadd.s32 $0x14080, s11;
	[sflag:s14] =	ssyncadd.s32 $0xFFFFC000  }
0x22: {  	[tilespmem:s5], [sflag:$0x2] =	stream.indirect.gather [hbm4b:s19+s4], $0x80, s0, s4, $0xb8;
	[tilespmem:$0x1E000] =	vst v63  }
0x23: {  	_ =	swait.ge [sflag:s6], $0x4000  }
0x24: {  	[sflag:s6] =	ssyncset.done $0x0  }
0x25: {  	s12 =	sadd.s32 $0x15000, s11;
	[sflag:s6] =	ssyncadd.s32 $0xFFFFC000  }
0x26: {  	[spmem:s1] =	stream.indirect.scatter.add.f32 [tilespmem:s31], [sflag:$0x3], $0x80, s12, s4, $0xb8;
	[tilespmem:$0x1E000] =	vst v63  }
0x27: {  	_ =	swait.ge [sflag:s14], $0x4000  }
0x28: {  	[sflag:s14] =	ssyncset.done $0x0  }
0x29: {  	s13 =	sadd.s32 $0x14100, s11;
	[sflag:s14] =	ssyncadd.s32 $0xFFFFC000  }
0x2a: {  	[tilespmem:s31], [sflag:$0x1] =	stream.indirect.gather [hbm4b:s19+s4], $0x80, s13, s4, $0xb8;
	[tilespmem:$0x1E000] =	vst v63  }
0x2b: {  	_ =	swait.ge [sflag:s7], $0x4000  }
0x2c: {  	[sflag:s7] =	ssyncset.done $0x0  }
0x2d: {  	s15 =	sadd.s32 $0x15080, s11;
	[sflag:s7] =	ssyncadd.s32 $0xFFFFC000  }
0x2e: {  	[spmem:s1] =	stream.indirect.scatter.add.f32 [tilespmem:s5], [sflag:$0x3], $0x80, s15, s4, $0xb8;
	[tilespmem:$0x1E000] =	vst v63  }
0x2f: {  	_ =	swait.ge [sflag:s14], $0x4000  }
0x30: {  	[sflag:s14] =	ssyncset.done $0x0  }
0x31: {  	[sflag:s14] =	ssyncadd.s32 $0xFFFFC000  }
.LBB2_16:
0x32: {  	[tilespmem:s5], [sflag:$0x2] =	stream.indirect.gather [hbm4b:s19+s4], $0x80, s8, s4, $0xb8;
	[tilespmem:$0x1E000] =	vst v63  }
0x33: {  	_ =	swait.ge [sflag:s6], $0x4000  }
0x34: {  	[sflag:s6] =	ssyncset.done $0x0  }
0x35: {  	[sflag:s6] =	ssyncadd.s32 $0xFFFFC000  }
0x36: {  	[spmem:s1] =	stream.indirect.scatter.add.f32 [tilespmem:s31], [sflag:$0x3], $0x80, s9, s4, $0xb8;
	[tilespmem:$0x1E000] =	vst v63  }
0x37: {  	_ =	swait.ge [sflag:s14], $0x4000  }
0x38: {  	[sflag:s14] =	ssyncset.done $0x0  }
0x39: {  	[sflag:s14] =	ssyncadd.s32 $0xFFFFC000  }
0x3a: {  	_ =	swait.ge [sflag:s7], $0x4000  }
0x3b: {  	[sflag:s7] =	ssyncset.done $0x0  }
0x3c: {  	[sflag:s7] =	ssyncadd.s32 $0xFFFFC000  }
0x3d: {  	[spmem:s1] =	stream.indirect.scatter.add.f32 [tilespmem:s5], [sflag:$0x3], $0x80, s10, s4, $0xb8;
	[tilespmem:$0x1E000] =	vst v63  }
0x3e: {  	_ =	swait.ge [sflag:s14], $0x4000  }
0x3f: {  	[sflag:s14] =	ssyncset.done $0x0  }
0x40: {  	s0 =	stileid.u32;
	[sflag:s14] =	ssyncadd.s32 $0xFFFFC000  }
0x41: {  	s0 =	sshll.u32 s0, $0x6;
	[bflag:$0x0] =	sbarrier.arrive $0xFFFF  }
0x42: {  	s11 =	sshrl.u32 s20, $0x3;
	s0 =	sor.u32 $0x1C03, s0;
	s12 =	rddreg [dreg:$0xe]  }
0x43: {  	[hbm:s12], [sflag:s0] =	dma.local [spmem:s11], $0x800  }
0x44: {  	_ =	swait.ge [sflag:s14], $0x800  }
0x45: {  	[sflag:s14] =	ssyncset.done $0x0  }
0x46: {  	s13 =	rddreg [dreg:$0xf];
	[sflag:s14] =	ssyncadd.s32 $0xFFFFF800  }
0x47: {  	[hbm:s13], [sflag:s0] =	dma.local [spmem:s22], $0x800  }
0x48: {  	_ =	swait.ge [sflag:s14], $0x800  }
0x49: {  	[sflag:s14] =	ssyncset.done $0x0  }
0x4a: {  	s15 =	rddreg [dreg:$0x10];
	[sflag:s14] =	ssyncadd.s32 $0xFFFFF800  }
0x4b: {  	[hbm:s15], [sflag:s0] =	dma.local [spmem:s23], $0x800  }
0x4c: {  	_ =	swait.ge [sflag:s14], $0x800  }
0x4d: {  	[sflag:s14] =	ssyncset.done $0x0  }
0x4e: {  	[sflag:s14] =	ssyncadd.s32 $0xFFFFF800  }
0x4f: {  	[hbm:s16], [sflag:s0] =	dma.local [spmem:s24], $0x800  }
0x50: {  	s18 =	sadd.s32 $0x1, s18;
	_ =	swait.ge [sflag:s14], $0x800  }
0x51: {  	p1 =	sne.s32 s18, s21;
	[sflag:s14] =	ssyncset.done $0x0  }
.Ltmp1:
0x52: {  	[sflag:s14] =	ssyncadd.s32 $0xFFFFF800;
	(pc) =	sbr.rel @!p1 .LBB2_17-.Ltmp1, $4  }
0x53: {  	[hbm:s17], [sflag:s0] =	dma.local [spmem:s25], $0x800  }
0x54: {  	_ =	swait.ge [sflag:s14], $0x800  }
0x55: {  	[sflag:s14] =	ssyncset.done $0x0  }
0x56: {  	[sflag:s14] =	ssyncadd.s32 $0xFFFFF800  }
.LBB2_1:
0x57: {  	s11 =	simm.s32 $0x0;
	s0 =	simm.s32 $0x200  }
.LBB2_2:
0x58: {  	p1 =	sne.s32 s0, $0xFE00;
	[tilespmem:s11+$0x16070] =	vst v0  }
0x59: {  	[tilespmem:s11+$0x16000] =	vst v0  }
0x5a: {  	[tilespmem:s11+$0x16010] =	vst v0  }
.Ltmp2:
0x5b: {  	[tilespmem:s11+$0x16020] =	vst v0;
	(pc) =	sbr.rel @p1 .LBB2_2-.Ltmp2, $4  }
0x5c: {  	[tilespmem:s11+$0x16030] =	vst v0  }
0x5d: {  	[tilespmem:s11+$0x16040] =	vst v0  }
0x5e: {  	[tilespmem:s11+$0x16050] =	vst v0  }
0x5f: {  	[tilespmem:s11+$0x16060] =	vst v0;
	s11 =	sshra.s32 s0, $0x2;
	s0 =	sadd.s32 $0x200, s0  }
0x60: {  	[tilespmem:s11+$0x16070] =	vst v0  }
0x61: {  	[tilespmem:s11+$0x16000] =	vst v0  }
0x62: {  	[tilespmem:s11+$0x16010] =	vst v0  }
0x63: {  	[tilespmem:s11+$0x16020] =	vst v0  }
0x64: {  	[tilespmem:s11+$0x16030] =	vst v0  }
0x65: {  	[tilespmem:s11+$0x16040] =	vst v0  }
0x66: {  	[tilespmem:s11+$0x16050] =	vst v0  }
0x67: {  	[tilespmem:s11+$0x16060] =	vst v0  }
0x68: {  	[spmem:s20] =	stream.linear.scatter [tilespmem:s31], [sflag:$0x3], $0x4000, $0x38;
	[tilespmem:$0x1E000] =	vst v63  }
0x69: {  	_ =	swait.ge [sflag:s14], $0x4000  }
0x6a: {  	[sflag:s14] =	ssyncset.done $0x0  }
0x6b: {  	[sflag:s14] =	ssyncadd.s32 $0xFFFFC000  }
0x6c: {  	[spmem:s26] =	stream.linear.scatter [tilespmem:s31], [sflag:$0x3], $0x4000, $0x38;
	[tilespmem:$0x1E000] =	vst v63  }
0x6d: {  	_ =	swait.ge [sflag:s14], $0x4000  }
0x6e: {  	[sflag:s14] =	ssyncset.done $0x0  }
0x6f: {  	[sflag:s14] =	ssyncadd.s32 $0xFFFFC000  }
0x70: {  	[spmem:s28] =	stream.linear.scatter [tilespmem:s31], [sflag:$0x3], $0x4000, $0x38;
	[tilespmem:$0x1E000] =	vst v63  }
0x71: {  	_ =	swait.ge [sflag:s14], $0x4000  }
0x72: {  	[sflag:s14] =	ssyncset.done $0x0  }
0x73: {  	[sflag:s14] =	ssyncadd.s32 $0xFFFFC000  }
0x74: {  	[spmem:s29] =	stream.linear.scatter [tilespmem:s31], [sflag:$0x3], $0x4000, $0x38;
	[tilespmem:$0x1E000] =	vst v63  }
0x75: {  	_ =	swait.ge [sflag:s14], $0x4000  }
0x76: {  	[sflag:s14] =	ssyncset.done $0x0  }
0x77: {  	[sflag:s14] =	ssyncadd.s32 $0xFFFFC000  }
0x78: {  	[spmem:s30] =	stream.linear.scatter [tilespmem:s31], [sflag:$0x3], $0x4000, $0x38;
	[tilespmem:$0x1E000] =	vst v63  }
.Ltmp3:
0x79: {  	_ =	swait.ge [sflag:s14], $0x4000;
	(pc) =	sbr.rel @p0 .LBB2_13-.Ltmp3, $4  }
0x7a: {  	[sflag:s14] =	ssyncset.done $0x0  }
0x7b: {  	[sflag:s14] =	ssyncadd.s32 $0xFFFFC000  }
0x7c: {  	[bflag:$0x0] =	sbarrier.arrive $0xFFFF  }
0x7d: {  	s0 =	simm.s32 $0x0  }
0x7e: {  	s11 =	rddreg [dreg:$0x6]  }
0x7f: {  	[tilespmem:s2], [sflag:$0x3] =	stream.linear.gather [hbm4b:s11+s0], $0x1000, $0x38;
	[tilespmem:$0x1E000] =	vst v63  }
0x80: {  	_ =	swait.ge [sflag:s14], $0x1000  }
0x81: {  	[sflag:s14] =	ssyncset.done $0x0  }
0x82: {  	s15 =	rddreg [dreg:$0x7];
	[sflag:s14] =	ssyncadd.s32 $0xFFFFF000  }
0x83: {  	[tilespmem:s3], [sflag:$0x3] =	stream.linear.gather [hbm4b:s15+s0], $0x1000, $0x38;
	[tilespmem:$0x1E000] =	vst v63  }
0x84: {  	_ =	swait.ge [sflag:s14], $0x1000  }
0x85: {  	[sflag:s14] =	ssyncset.done $0x0  }
0x86: {  	[sflag:s14] =	ssyncadd.s32 $0xFFFFF000  }
0x87: {  	[tilespmem:s31], [sflag:$0x1] =	stream.indirect.gather [hbm4b:s19+s4], $0x80, s2, s4, $0xb8;
	[tilespmem:$0x1E000] =	vst v63  }
0x88: {  	s11 =	simm.s32 $0x14080  }
0x89: {  	[tilespmem:s5], [sflag:$0x2] =	stream.indirect.gather [hbm4b:s19+s4], $0x80, s11, s4, $0xb8;
	[tilespmem:$0x1E000] =	vst v63  }
0x8a: {  	_ =	swait.ge [sflag:s6], $0x4000  }
0x8b: {  	[sflag:s6] =	ssyncset.done $0x0  }
0x8c: {  	s12 =	simm.s32 $0x15000;
	[sflag:s6] =	ssyncadd.s32 $0xFFFFC000  }
0x8d: {  	[spmem:s1] =	stream.indirect.scatter.add.f32 [tilespmem:s31], [sflag:$0x3], $0x80, s12, s4, $0xb8;
	[tilespmem:$0x1E000] =	vst v63  }
0x8e: {  	_ =	swait.ge [sflag:s14], $0x4000  }
0x8f: {  	[sflag:s14] =	ssyncset.done $0x0  }
0x90: {  	s13 =	simm.s32 $0x14100;
	[sflag:s14] =	ssyncadd.s32 $0xFFFFC000  }
0x91: {  	[tilespmem:s31], [sflag:$0x1] =	stream.indirect.gather [hbm4b:s19+s4], $0x80, s13, s4, $0xb8;
	[tilespmem:$0x1E000] =	vst v63  }
0x92: {  	_ =	swait.ge [sflag:s7], $0x4000  }
0x93: {  	[sflag:s7] =	ssyncset.done $0x0  }
0x94: {  	s15 =	simm.s32 $0x15080;
	[sflag:s7] =	ssyncadd.s32 $0xFFFFC000  }
0x95: {  	[spmem:s1] =	stream.indirect.scatter.add.f32 [tilespmem:s5], [sflag:$0x3], $0x80, s15, s4, $0xb8;
	[tilespmem:$0x1E000] =	vst v63  }
0x96: {  	_ =	swait.ge [sflag:s14], $0x4000  }
0x97: {  	s0 =	simm.s32 $0x800;
	s11 =	simm.s32 $0x100;
	[sflag:s14] =	ssyncset.done $0x0  }
.LBB2_5:
0x98: {  	s12 =	sadd.s32 $0x14080, s11  }
0x99: {  	[sflag:s14] =	ssyncadd.s32 $0xFFFFC000;
	s13 =	smov.u32 s0;
	s15 =	sadd.s32 $0x400, s0  }
0x9a: {  	[tilespmem:s5], [sflag:$0x2] =	stream.indirect.gather [hbm4b:s19+s4], $0x80, s12, s4, $0xb8;
	[tilespmem:$0x1E000] =	vst v63  }
0x9b: {  	p1 =	sne.s32 s0, $0x3800;
	_ =	swait.ge [sflag:s6], $0x4000  }
0x9c: {  	[sflag:s6] =	ssyncset.done $0x0  }
0x9d: {  	s0 =	sadd.s32 $0x15000, s11;
	[sflag:s6] =	ssyncadd.s32 $0xFFFFC000  }
0x9e: {  	[spmem:s1] =	stream.indirect.scatter.add.f32 [tilespmem:s31], [sflag:$0x3], $0x80, s0, s4, $0xb8;
	[tilespmem:$0x1E000] =	vst v63  }
0x9f: {  	_ =	swait.ge [sflag:s14], $0x4000  }
0xa0: {  	[sflag:s14] =	ssyncset.done $0x0  }
0xa1: {  	s0 =	sadd.s32 $0x14100, s11;
	[sflag:s14] =	ssyncadd.s32 $0xFFFFC000  }
0xa2: {  	[tilespmem:s31], [sflag:$0x1] =	stream.indirect.gather [hbm4b:s19+s4], $0x80, s0, s4, $0xb8;
	[tilespmem:$0x1E000] =	vst v63  }
0xa3: {  	_ =	swait.ge [sflag:s7], $0x4000  }
.Ltmp4:
0xa4: {  	[sflag:s7] =	ssyncset.done $0x0;
	(pc) =	sbr.rel @p1 .LBB2_5-.Ltmp4, $4  }
0xa5: {  	s0 =	sadd.s32 $0x15080, s11;
	[sflag:s7] =	ssyncadd.s32 $0xFFFFC000  }
0xa6: {  	[spmem:s1] =	stream.indirect.scatter.add.f32 [tilespmem:s5], [sflag:$0x3], $0x80, s0, s4, $0xb8;
	[tilespmem:$0x1E000] =	vst v63  }
0xa7: {  	_ =	swait.ge [sflag:s14], $0x4000  }
0xa8: {  	s11 =	sshra.s32 s13, $0x2;
	s0 =	smov.u32 s15;
	[sflag:s14] =	ssyncset.done $0x0  }
0xa9: {  	s0 =	sadd.s32 $0x14080, s11;
	[sflag:s14] =	ssyncadd.s32 $0xFFFFC000  }
0xaa: {  	[tilespmem:s5], [sflag:$0x2] =	stream.indirect.gather [hbm4b:s19+s4], $0x80, s0, s4, $0xb8;
	[tilespmem:$0x1E000] =	vst v63  }
0xab: {  	_ =	swait.ge [sflag:s6], $0x4000  }
0xac: {  	[sflag:s6] =	ssyncset.done $0x0  }
0xad: {  	s13 =	sadd.s32 $0x15000, s11;
	[sflag:s6] =	ssyncadd.s32 $0xFFFFC000  }
0xae: {  	[spmem:s1] =	stream.indirect.scatter.add.f32 [tilespmem:s31], [sflag:$0x3], $0x80, s13, s4, $0xb8;
	[tilespmem:$0x1E000] =	vst v63  }
0xaf: {  	_ =	swait.ge [sflag:s14], $0x4000  }
0xb0: {  	[sflag:s14] =	ssyncset.done $0x0  }
0xb1: {  	s15 =	sadd.s32 $0x14100, s11;
	[sflag:s14] =	ssyncadd.s32 $0xFFFFC000  }
0xb2: {  	[tilespmem:s31], [sflag:$0x1] =	stream.indirect.gather [hbm4b:s19+s4], $0x80, s15, s4, $0xb8;
	[tilespmem:$0x1E000] =	vst v63  }
0xb3: {  	_ =	swait.ge [sflag:s7], $0x4000  }
0xb4: {  	[sflag:s7] =	ssyncset.done $0x0  }
0xb5: {  	s11 =	sadd.s32 $0x15080, s11;
	[sflag:s7] =	ssyncadd.s32 $0xFFFFC000  }
0xb6: {  	[spmem:s1] =	stream.indirect.scatter.add.f32 [tilespmem:s5], [sflag:$0x3], $0x80, s11, s4, $0xb8;
	[tilespmem:$0x1E000] =	vst v63  }
0xb7: {  	_ =	swait.ge [sflag:s14], $0x4000  }
0xb8: {  	[sflag:s14] =	ssyncset.done $0x0  }
0xb9: {  	[sflag:s14] =	ssyncadd.s32 $0xFFFFC000  }
0xba: {  	[tilespmem:s5], [sflag:$0x2] =	stream.indirect.gather [hbm4b:s19+s4], $0x80, s8, s4, $0xb8;
	[tilespmem:$0x1E000] =	vst v63  }
0xbb: {  	_ =	swait.ge [sflag:s6], $0x4000  }
0xbc: {  	[sflag:s6] =	ssyncset.done $0x0  }
0xbd: {  	[sflag:s6] =	ssyncadd.s32 $0xFFFFC000  }
0xbe: {  	[spmem:s1] =	stream.indirect.scatter.add.f32 [tilespmem:s31], [sflag:$0x3], $0x80, s9, s4, $0xb8;
	[tilespmem:$0x1E000] =	vst v63  }
0xbf: {  	_ =	swait.ge [sflag:s14], $0x4000  }
0xc0: {  	[sflag:s14] =	ssyncset.done $0x0  }
0xc1: {  	[sflag:s14] =	ssyncadd.s32 $0xFFFFC000  }
0xc2: {  	_ =	swait.ge [sflag:s7], $0x4000  }
0xc3: {  	[sflag:s7] =	ssyncset.done $0x0  }
0xc4: {  	[sflag:s7] =	ssyncadd.s32 $0xFFFFC000  }
0xc5: {  	[spmem:s1] =	stream.indirect.scatter.add.f32 [tilespmem:s5], [sflag:$0x3], $0x80, s10, s4, $0xb8;
	[tilespmem:$0x1E000] =	vst v63  }
0xc6: {  	_ =	swait.ge [sflag:s14], $0x4000  }
0xc7: {  	[sflag:s14] =	ssyncset.done $0x0  }
0xc8: {  	s12 =	simm.s32 $0x0;
	s13 =	rddreg [dreg:$0x8];
	[sflag:s14] =	ssyncadd.s32 $0xFFFFC000  }
0xc9: {  	[tilespmem:s2], [sflag:$0x3] =	stream.linear.gather [hbm4b:s13+s12], $0x1000, $0x38;
	[tilespmem:$0x1E000] =	vst v63  }
0xca: {  	_ =	swait.ge [sflag:s14], $0x1000  }
0xcb: {  	[sflag:s14] =	ssyncset.done $0x0  }
0xcc: {  	s15 =	rddreg [dreg:$0x9];
	[sflag:s14] =	ssyncadd.s32 $0xFFFFF000  }
0xcd: {  	[tilespmem:s3], [sflag:$0x3] =	stream.linear.gather [hbm4b:s15+s12], $0x1000, $0x38;
	[tilespmem:$0x1E000] =	vst v63  }
0xce: {  	_ =	swait.ge [sflag:s14], $0x1000  }
0xcf: {  	[sflag:s14] =	ssyncset.done $0x0  }
0xd0: {  	[sflag:s14] =	ssyncadd.s32 $0xFFFFF000  }
0xd1: {  	[tilespmem:s31], [sflag:$0x1] =	stream.indirect.gather [hbm4b:s19+s4], $0x80, s2, s4, $0xb8;
	[tilespmem:$0x1E000] =	vst v63  }
0xd2: {  	s11 =	simm.s32 $0x14080  }
0xd3: {  	[tilespmem:s5], [sflag:$0x2] =	stream.indirect.gather [hbm4b:s19+s4], $0x80, s11, s4, $0xb8;
	[tilespmem:$0x1E000] =	vst v63  }
0xd4: {  	_ =	swait.ge [sflag:s6], $0x4000  }
0xd5: {  	[sflag:s6] =	ssyncset.done $0x0  }
0xd6: {  	s12 =	simm.s32 $0x15000;
	[sflag:s6] =	ssyncadd.s32 $0xFFFFC000  }
0xd7: {  	[spmem:s1] =	stream.indirect.scatter.add.f32 [tilespmem:s31], [sflag:$0x3], $0x80, s12, s4, $0xb8;
	[tilespmem:$0x1E000] =	vst v63  }
0xd8: {  	_ =	swait.ge [sflag:s14], $0x4000  }
0xd9: {  	[sflag:s14] =	ssyncset.done $0x0  }
0xda: {  	s13 =	simm.s32 $0x14100;
	[sflag:s14] =	ssyncadd.s32 $0xFFFFC000  }
0xdb: {  	[tilespmem:s31], [sflag:$0x1] =	stream.indirect.gather [hbm4b:s19+s4], $0x80, s13, s4, $0xb8;
	[tilespmem:$0x1E000] =	vst v63  }
0xdc: {  	_ =	swait.ge [sflag:s7], $0x4000  }
0xdd: {  	[sflag:s7] =	ssyncset.done $0x0  }
0xde: {  	s15 =	simm.s32 $0x15080;
	[sflag:s7] =	ssyncadd.s32 $0xFFFFC000  }
0xdf: {  	[spmem:s1] =	stream.indirect.scatter.add.f32 [tilespmem:s5], [sflag:$0x3], $0x80, s15, s4, $0xb8;
	[tilespmem:$0x1E000] =	vst v63  }
0xe0: {  	_ =	swait.ge [sflag:s14], $0x4000  }
0xe1: {  	s0 =	simm.s32 $0x800;
	s11 =	simm.s32 $0x100;
	[sflag:s14] =	ssyncset.done $0x0  }
.LBB2_7:
0xe2: {  	s12 =	sadd.s32 $0x14080, s11  }
0xe3: {  	[sflag:s14] =	ssyncadd.s32 $0xFFFFC000;
	s13 =	smov.u32 s0;
	s15 =	sadd.s32 $0x400, s0  }
0xe4: {  	[tilespmem:s5], [sflag:$0x2] =	stream.indirect.gather [hbm4b:s19+s4], $0x80, s12, s4, $0xb8;
	[tilespmem:$0x1E000] =	vst v63  }
0xe5: {  	p1 =	sne.s32 s0, $0x3800;
	_ =	swait.ge [sflag:s6], $0x4000  }
0xe6: {  	[sflag:s6] =	ssyncset.done $0x0  }
0xe7: {  	s0 =	sadd.s32 $0x15000, s11;
	[sflag:s6] =	ssyncadd.s32 $0xFFFFC000  }
0xe8: {  	[spmem:s1] =	stream.indirect.scatter.add.f32 [tilespmem:s31], [sflag:$0x3], $0x80, s0, s4, $0xb8;
	[tilespmem:$0x1E000] =	vst v63  }
0xe9: {  	_ =	swait.ge [sflag:s14], $0x4000  }
0xea: {  	[sflag:s14] =	ssyncset.done $0x0  }
0xeb: {  	s0 =	sadd.s32 $0x14100, s11;
	[sflag:s14] =	ssyncadd.s32 $0xFFFFC000  }
0xec: {  	[tilespmem:s31], [sflag:$0x1] =	stream.indirect.gather [hbm4b:s19+s4], $0x80, s0, s4, $0xb8;
	[tilespmem:$0x1E000] =	vst v63  }
0xed: {  	_ =	swait.ge [sflag:s7], $0x4000  }
.Ltmp5:
0xee: {  	[sflag:s7] =	ssyncset.done $0x0;
	(pc) =	sbr.rel @p1 .LBB2_7-.Ltmp5, $4  }
0xef: {  	s0 =	sadd.s32 $0x15080, s11;
	[sflag:s7] =	ssyncadd.s32 $0xFFFFC000  }
0xf0: {  	[spmem:s1] =	stream.indirect.scatter.add.f32 [tilespmem:s5], [sflag:$0x3], $0x80, s0, s4, $0xb8;
	[tilespmem:$0x1E000] =	vst v63  }
0xf1: {  	_ =	swait.ge [sflag:s14], $0x4000  }
0xf2: {  	s11 =	sshra.s32 s13, $0x2;
	s0 =	smov.u32 s15;
	[sflag:s14] =	ssyncset.done $0x0  }
0xf3: {  	s0 =	sadd.s32 $0x14080, s11;
	[sflag:s14] =	ssyncadd.s32 $0xFFFFC000  }
0xf4: {  	[tilespmem:s5], [sflag:$0x2] =	stream.indirect.gather [hbm4b:s19+s4], $0x80, s0, s4, $0xb8;
	[tilespmem:$0x1E000] =	vst v63  }
0xf5: {  	_ =	swait.ge [sflag:s6], $0x4000  }
0xf6: {  	[sflag:s6] =	ssyncset.done $0x0  }
0xf7: {  	s13 =	sadd.s32 $0x15000, s11;
	[sflag:s6] =	ssyncadd.s32 $0xFFFFC000  }
0xf8: {  	[spmem:s1] =	stream.indirect.scatter.add.f32 [tilespmem:s31], [sflag:$0x3], $0x80, s13, s4, $0xb8;
	[tilespmem:$0x1E000] =	vst v63  }
0xf9: {  	_ =	swait.ge [sflag:s14], $0x4000  }
0xfa: {  	[sflag:s14] =	ssyncset.done $0x0  }
0xfb: {  	s15 =	sadd.s32 $0x14100, s11;
	[sflag:s14] =	ssyncadd.s32 $0xFFFFC000  }
0xfc: {  	[tilespmem:s31], [sflag:$0x1] =	stream.indirect.gather [hbm4b:s19+s4], $0x80, s15, s4, $0xb8;
	[tilespmem:$0x1E000] =	vst v63  }
0xfd: {  	_ =	swait.ge [sflag:s7], $0x4000  }
0xfe: {  	[sflag:s7] =	ssyncset.done $0x0  }
0xff: {  	s11 =	sadd.s32 $0x15080, s11;
	[sflag:s7] =	ssyncadd.s32 $0xFFFFC000  }
0x100: {  	[spmem:s1] =	stream.indirect.scatter.add.f32 [tilespmem:s5], [sflag:$0x3], $0x80, s11, s4, $0xb8;
	[tilespmem:$0x1E000] =	vst v63  }
0x101: {  	_ =	swait.ge [sflag:s14], $0x4000  }
0x102: {  	[sflag:s14] =	ssyncset.done $0x0  }
0x103: {  	[sflag:s14] =	ssyncadd.s32 $0xFFFFC000  }
0x104: {  	[tilespmem:s5], [sflag:$0x2] =	stream.indirect.gather [hbm4b:s19+s4], $0x80, s8, s4, $0xb8;
	[tilespmem:$0x1E000] =	vst v63  }
0x105: {  	_ =	swait.ge [sflag:s6], $0x4000  }
0x106: {  	[sflag:s6] =	ssyncset.done $0x0  }
0x107: {  	[sflag:s6] =	ssyncadd.s32 $0xFFFFC000  }
0x108: {  	[spmem:s1] =	stream.indirect.scatter.add.f32 [tilespmem:s31], [sflag:$0x3], $0x80, s9, s4, $0xb8;
	[tilespmem:$0x1E000] =	vst v63  }
0x109: {  	_ =	swait.ge [sflag:s14], $0x4000  }
0x10a: {  	[sflag:s14] =	ssyncset.done $0x0  }
0x10b: {  	[sflag:s14] =	ssyncadd.s32 $0xFFFFC000  }
0x10c: {  	_ =	swait.ge [sflag:s7], $0x4000  }
0x10d: {  	[sflag:s7] =	ssyncset.done $0x0  }
0x10e: {  	[sflag:s7] =	ssyncadd.s32 $0xFFFFC000  }
0x10f: {  	[spmem:s1] =	stream.indirect.scatter.add.f32 [tilespmem:s5], [sflag:$0x3], $0x80, s10, s4, $0xb8;
	[tilespmem:$0x1E000] =	vst v63  }
0x110: {  	_ =	swait.ge [sflag:s14], $0x4000  }
0x111: {  	[sflag:s14] =	ssyncset.done $0x0  }
0x112: {  	s12 =	simm.s32 $0x0;
	s13 =	rddreg [dreg:$0xa];
	[sflag:s14] =	ssyncadd.s32 $0xFFFFC000  }
0x113: {  	[tilespmem:s2], [sflag:$0x3] =	stream.linear.gather [hbm4b:s13+s12], $0x1000, $0x38;
	[tilespmem:$0x1E000] =	vst v63  }
0x114: {  	_ =	swait.ge [sflag:s14], $0x1000  }
0x115: {  	[sflag:s14] =	ssyncset.done $0x0  }
0x116: {  	s15 =	rddreg [dreg:$0xb];
	[sflag:s14] =	ssyncadd.s32 $0xFFFFF000  }
0x117: {  	[tilespmem:s3], [sflag:$0x3] =	stream.linear.gather [hbm4b:s15+s12], $0x1000, $0x38;
	[tilespmem:$0x1E000] =	vst v63  }
0x118: {  	_ =	swait.ge [sflag:s14], $0x1000  }
0x119: {  	[sflag:s14] =	ssyncset.done $0x0  }
0x11a: {  	[sflag:s14] =	ssyncadd.s32 $0xFFFFF000  }
0x11b: {  	[tilespmem:s31], [sflag:$0x1] =	stream.indirect.gather [hbm4b:s19+s4], $0x80, s2, s4, $0xb8;
	[tilespmem:$0x1E000] =	vst v63  }
0x11c: {  	s11 =	simm.s32 $0x14080  }
0x11d: {  	[tilespmem:s5], [sflag:$0x2] =	stream.indirect.gather [hbm4b:s19+s4], $0x80, s11, s4, $0xb8;
	[tilespmem:$0x1E000] =	vst v63  }
0x11e: {  	_ =	swait.ge [sflag:s6], $0x4000  }
0x11f: {  	[sflag:s6] =	ssyncset.done $0x0  }
0x120: {  	s12 =	simm.s32 $0x15000;
	[sflag:s6] =	ssyncadd.s32 $0xFFFFC000  }
0x121: {  	[spmem:s1] =	stream.indirect.scatter.add.f32 [tilespmem:s31], [sflag:$0x3], $0x80, s12, s4, $0xb8;
	[tilespmem:$0x1E000] =	vst v63  }
0x122: {  	_ =	swait.ge [sflag:s14], $0x4000  }
0x123: {  	[sflag:s14] =	ssyncset.done $0x0  }
0x124: {  	s13 =	simm.s32 $0x14100;
	[sflag:s14] =	ssyncadd.s32 $0xFFFFC000  }
0x125: {  	[tilespmem:s31], [sflag:$0x1] =	stream.indirect.gather [hbm4b:s19+s4], $0x80, s13, s4, $0xb8;
	[tilespmem:$0x1E000] =	vst v63  }
0x126: {  	_ =	swait.ge [sflag:s7], $0x4000  }
0x127: {  	[sflag:s7] =	ssyncset.done $0x0  }
0x128: {  	s15 =	simm.s32 $0x15080;
	[sflag:s7] =	ssyncadd.s32 $0xFFFFC000  }
0x129: {  	[spmem:s1] =	stream.indirect.scatter.add.f32 [tilespmem:s5], [sflag:$0x3], $0x80, s15, s4, $0xb8;
	[tilespmem:$0x1E000] =	vst v63  }
0x12a: {  	_ =	swait.ge [sflag:s14], $0x4000  }
0x12b: {  	s0 =	simm.s32 $0x800;
	s11 =	simm.s32 $0x100;
	[sflag:s14] =	ssyncset.done $0x0  }
.LBB2_9:
0x12c: {  	s12 =	sadd.s32 $0x14080, s11  }
0x12d: {  	[sflag:s14] =	ssyncadd.s32 $0xFFFFC000;
	s13 =	smov.u32 s0;
	s15 =	sadd.s32 $0x400, s0  }
0x12e: {  	[tilespmem:s5], [sflag:$0x2] =	stream.indirect.gather [hbm4b:s19+s4], $0x80, s12, s4, $0xb8;
	[tilespmem:$0x1E000] =	vst v63  }
0x12f: {  	p1 =	sne.s32 s0, $0x3800;
	_ =	swait.ge [sflag:s6], $0x4000  }
0x130: {  	[sflag:s6] =	ssyncset.done $0x0  }
0x131: {  	s0 =	sadd.s32 $0x15000, s11;
	[sflag:s6] =	ssyncadd.s32 $0xFFFFC000  }
0x132: {  	[spmem:s1] =	stream.indirect.scatter.add.f32 [tilespmem:s31], [sflag:$0x3], $0x80, s0, s4, $0xb8;
	[tilespmem:$0x1E000] =	vst v63  }
0x133: {  	_ =	swait.ge [sflag:s14], $0x4000  }
0x134: {  	[sflag:s14] =	ssyncset.done $0x0  }
0x135: {  	s0 =	sadd.s32 $0x14100, s11;
	[sflag:s14] =	ssyncadd.s32 $0xFFFFC000  }
0x136: {  	[tilespmem:s31], [sflag:$0x1] =	stream.indirect.gather [hbm4b:s19+s4], $0x80, s0, s4, $0xb8;
	[tilespmem:$0x1E000] =	vst v63  }
0x137: {  	_ =	swait.ge [sflag:s7], $0x4000  }
.Ltmp6:
0x138: {  	[sflag:s7] =	ssyncset.done $0x0;
	(pc) =	sbr.rel @p1 .LBB2_9-.Ltmp6, $4  }
0x139: {  	s0 =	sadd.s32 $0x15080, s11;
	[sflag:s7] =	ssyncadd.s32 $0xFFFFC000  }
0x13a: {  	[spmem:s1] =	stream.indirect.scatter.add.f32 [tilespmem:s5], [sflag:$0x3], $0x80, s0, s4, $0xb8;
	[tilespmem:$0x1E000] =	vst v63  }
0x13b: {  	_ =	swait.ge [sflag:s14], $0x4000  }
0x13c: {  	s11 =	sshra.s32 s13, $0x2;
	s0 =	smov.u32 s15;
	[sflag:s14] =	ssyncset.done $0x0  }
0x13d: {  	s0 =	sadd.s32 $0x14080, s11;
	[sflag:s14] =	ssyncadd.s32 $0xFFFFC000  }
0x13e: {  	[tilespmem:s5], [sflag:$0x2] =	stream.indirect.gather [hbm4b:s19+s4], $0x80, s0, s4, $0xb8;
	[tilespmem:$0x1E000] =	vst v63  }
0x13f: {  	_ =	swait.ge [sflag:s6], $0x4000  }
0x140: {  	[sflag:s6] =	ssyncset.done $0x0  }
0x141: {  	s13 =	sadd.s32 $0x15000, s11;
	[sflag:s6] =	ssyncadd.s32 $0xFFFFC000  }
0x142: {  	[spmem:s1] =	stream.indirect.scatter.add.f32 [tilespmem:s31], [sflag:$0x3], $0x80, s13, s4, $0xb8;
	[tilespmem:$0x1E000] =	vst v63  }
0x143: {  	_ =	swait.ge [sflag:s14], $0x4000  }
0x144: {  	[sflag:s14] =	ssyncset.done $0x0  }
0x145: {  	s15 =	sadd.s32 $0x14100, s11;
	[sflag:s14] =	ssyncadd.s32 $0xFFFFC000  }
0x146: {  	[tilespmem:s31], [sflag:$0x1] =	stream.indirect.gather [hbm4b:s19+s4], $0x80, s15, s4, $0xb8;
	[tilespmem:$0x1E000] =	vst v63  }
0x147: {  	_ =	swait.ge [sflag:s7], $0x4000  }
0x148: {  	[sflag:s7] =	ssyncset.done $0x0  }
0x149: {  	s11 =	sadd.s32 $0x15080, s11;
	[sflag:s7] =	ssyncadd.s32 $0xFFFFC000  }
0x14a: {  	[spmem:s1] =	stream.indirect.scatter.add.f32 [tilespmem:s5], [sflag:$0x3], $0x80, s11, s4, $0xb8;
	[tilespmem:$0x1E000] =	vst v63  }
0x14b: {  	_ =	swait.ge [sflag:s14], $0x4000  }
0x14c: {  	[sflag:s14] =	ssyncset.done $0x0  }
0x14d: {  	[sflag:s14] =	ssyncadd.s32 $0xFFFFC000  }
0x14e: {  	[tilespmem:s5], [sflag:$0x2] =	stream.indirect.gather [hbm4b:s19+s4], $0x80, s8, s4, $0xb8;
	[tilespmem:$0x1E000] =	vst v63  }
0x14f: {  	_ =	swait.ge [sflag:s6], $0x4000  }
0x150: {  	[sflag:s6] =	ssyncset.done $0x0  }
0x151: {  	[sflag:s6] =	ssyncadd.s32 $0xFFFFC000  }
0x152: {  	[spmem:s1] =	stream.indirect.scatter.add.f32 [tilespmem:s31], [sflag:$0x3], $0x80, s9, s4, $0xb8;
	[tilespmem:$0x1E000] =	vst v63  }
0x153: {  	_ =	swait.ge [sflag:s14], $0x4000  }
0x154: {  	[sflag:s14] =	ssyncset.done $0x0  }
0x155: {  	[sflag:s14] =	ssyncadd.s32 $0xFFFFC000  }
0x156: {  	_ =	swait.ge [sflag:s7], $0x4000  }
0x157: {  	[sflag:s7] =	ssyncset.done $0x0  }
0x158: {  	[sflag:s7] =	ssyncadd.s32 $0xFFFFC000  }
0x159: {  	[spmem:s1] =	stream.indirect.scatter.add.f32 [tilespmem:s5], [sflag:$0x3], $0x80, s10, s4, $0xb8;
	[tilespmem:$0x1E000] =	vst v63  }
0x15a: {  	_ =	swait.ge [sflag:s14], $0x4000  }
0x15b: {  	[sflag:s14] =	ssyncset.done $0x0  }
0x15c: {  	s12 =	simm.s32 $0x0;
	s13 =	rddreg [dreg:$0xc];
	[sflag:s14] =	ssyncadd.s32 $0xFFFFC000  }
0x15d: {  	[tilespmem:s2], [sflag:$0x3] =	stream.linear.gather [hbm4b:s13+s12], $0x1000, $0x38;
	[tilespmem:$0x1E000] =	vst v63  }
0x15e: {  	_ =	swait.ge [sflag:s14], $0x1000  }
0x15f: {  	[sflag:s14] =	ssyncset.done $0x0  }
0x160: {  	s15 =	rddreg [dreg:$0xd];
	[sflag:s14] =	ssyncadd.s32 $0xFFFFF000  }
0x161: {  	[tilespmem:s3], [sflag:$0x3] =	stream.linear.gather [hbm4b:s15+s12], $0x1000, $0x38;
	[tilespmem:$0x1E000] =	vst v63  }
0x162: {  	_ =	swait.ge [sflag:s14], $0x1000  }
0x163: {  	[sflag:s14] =	ssyncset.done $0x0  }
0x164: {  	[sflag:s14] =	ssyncadd.s32 $0xFFFFF000  }
0x165: {  	[tilespmem:s31], [sflag:$0x1] =	stream.indirect.gather [hbm4b:s19+s4], $0x80, s2, s4, $0xb8;
	[tilespmem:$0x1E000] =	vst v63  }
0x166: {  	s11 =	simm.s32 $0x14080  }
0x167: {  	[tilespmem:s5], [sflag:$0x2] =	stream.indirect.gather [hbm4b:s19+s4], $0x80, s11, s4, $0xb8;
	[tilespmem:$0x1E000] =	vst v63  }
0x168: {  	_ =	swait.ge [sflag:s6], $0x4000  }
0x169: {  	[sflag:s6] =	ssyncset.done $0x0  }
0x16a: {  	s12 =	simm.s32 $0x15000;
	[sflag:s6] =	ssyncadd.s32 $0xFFFFC000  }
0x16b: {  	[spmem:s1] =	stream.indirect.scatter.add.f32 [tilespmem:s31], [sflag:$0x3], $0x80, s12, s4, $0xb8;
	[tilespmem:$0x1E000] =	vst v63  }
0x16c: {  	_ =	swait.ge [sflag:s14], $0x4000  }
0x16d: {  	[sflag:s14] =	ssyncset.done $0x0  }
0x16e: {  	s13 =	simm.s32 $0x14100;
	[sflag:s14] =	ssyncadd.s32 $0xFFFFC000  }
0x16f: {  	[tilespmem:s31], [sflag:$0x1] =	stream.indirect.gather [hbm4b:s19+s4], $0x80, s13, s4, $0xb8;
	[tilespmem:$0x1E000] =	vst v63  }
0x170: {  	_ =	swait.ge [sflag:s7], $0x4000  }
0x171: {  	[sflag:s7] =	ssyncset.done $0x0  }
0x172: {  	s15 =	simm.s32 $0x15080;
	[sflag:s7] =	ssyncadd.s32 $0xFFFFC000  }
0x173: {  	[spmem:s1] =	stream.indirect.scatter.add.f32 [tilespmem:s5], [sflag:$0x3], $0x80, s15, s4, $0xb8;
	[tilespmem:$0x1E000] =	vst v63  }
0x174: {  	_ =	swait.ge [sflag:s14], $0x4000  }
0x175: {  	s0 =	simm.s32 $0x800;
	s11 =	simm.s32 $0x100;
	[sflag:s14] =	ssyncset.done $0x0  }
.LBB2_11:
0x176: {  	s12 =	sadd.s32 $0x14080, s11  }
0x177: {  	[sflag:s14] =	ssyncadd.s32 $0xFFFFC000;
	s13 =	smov.u32 s0;
	s15 =	sadd.s32 $0x400, s0  }
0x178: {  	[tilespmem:s5], [sflag:$0x2] =	stream.indirect.gather [hbm4b:s19+s4], $0x80, s12, s4, $0xb8;
	[tilespmem:$0x1E000] =	vst v63  }
0x179: {  	p1 =	seq.s32 s0, $0x3800;
	_ =	swait.ge [sflag:s6], $0x4000  }
0x17a: {  	[sflag:s6] =	ssyncset.done $0x0  }
0x17b: {  	s0 =	sadd.s32 $0x15000, s11;
	[sflag:s6] =	ssyncadd.s32 $0xFFFFC000  }
0x17c: {  	[spmem:s1] =	stream.indirect.scatter.add.f32 [tilespmem:s31], [sflag:$0x3], $0x80, s0, s4, $0xb8;
	[tilespmem:$0x1E000] =	vst v63  }
0x17d: {  	_ =	swait.ge [sflag:s14], $0x4000  }
0x17e: {  	[sflag:s14] =	ssyncset.done $0x0  }
0x17f: {  	s0 =	sadd.s32 $0x14100, s11;
	[sflag:s14] =	ssyncadd.s32 $0xFFFFC000  }
0x180: {  	[tilespmem:s31], [sflag:$0x1] =	stream.indirect.gather [hbm4b:s19+s4], $0x80, s0, s4, $0xb8;
	[tilespmem:$0x1E000] =	vst v63  }
0x181: {  	_ =	swait.ge [sflag:s7], $0x4000  }
.Ltmp7:
0x182: {  	[sflag:s7] =	ssyncset.done $0x0;
	(pc) =	sbr.rel @!p1 .LBB2_11-.Ltmp7, $4  }
0x183: {  	s0 =	sadd.s32 $0x15080, s11;
	[sflag:s7] =	ssyncadd.s32 $0xFFFFC000  }
0x184: {  	[spmem:s1] =	stream.indirect.scatter.add.f32 [tilespmem:s5], [sflag:$0x3], $0x80, s0, s4, $0xb8;
	[tilespmem:$0x1E000] =	vst v63  }
0x185: {  	_ =	swait.ge [sflag:s14], $0x4000  }
0x186: {  	s11 =	sshra.s32 s13, $0x2;
	s0 =	smov.u32 s15;
	[sflag:s14] =	ssyncset.done $0x0  }
0x187: {  	s0 =	sadd.s32 $0x14080, s11;
	[sflag:s14] =	ssyncadd.s32 $0xFFFFC000  }
0x188: {  	[tilespmem:s5], [sflag:$0x2] =	stream.indirect.gather [hbm4b:s19+s4], $0x80, s0, s4, $0xb8;
	[tilespmem:$0x1E000] =	vst v63  }
0x189: {  	_ =	swait.ge [sflag:s6], $0x4000  }
0x18a: {  	[sflag:s6] =	ssyncset.done $0x0  }
0x18b: {  	s12 =	sadd.s32 $0x15000, s11;
	[sflag:s6] =	ssyncadd.s32 $0xFFFFC000  }
0x18c: {  	[spmem:s1] =	stream.indirect.scatter.add.f32 [tilespmem:s31], [sflag:$0x3], $0x80, s12, s4, $0xb8;
	[tilespmem:$0x1E000] =	vst v63  }
0x18d: {  	_ =	swait.ge [sflag:s14], $0x4000  }
0x18e: {  	[sflag:s14] =	ssyncset.done $0x0  }
0x18f: {  	s13 =	sadd.s32 $0x14100, s11;
	[sflag:s14] =	ssyncadd.s32 $0xFFFFC000  }
0x190: {  	[tilespmem:s31], [sflag:$0x1] =	stream.indirect.gather [hbm4b:s19+s4], $0x80, s13, s4, $0xb8;
	[tilespmem:$0x1E000] =	vst v63  }
0x191: {  	_ =	swait.ge [sflag:s7], $0x4000  }
0x192: {  	[sflag:s7] =	ssyncset.done $0x0  }
.Ltmp8:
0x193: {  	s15 =	sadd.s32 $0x15080, s11;
	[sflag:s7] =	ssyncadd.s32 $0xFFFFC000;
	(pc) =	sbr.rel .LBB2_16-.Ltmp8, $4  }
0x194: {  	[spmem:s1] =	stream.indirect.scatter.add.f32 [tilespmem:s5], [sflag:$0x3], $0x80, s15, s4, $0xb8;
	[tilespmem:$0x1E000] =	vst v63  }
0x195: {  	_ =	swait.ge [sflag:s14], $0x4000  }
0x196: {  	[sflag:s14] =	ssyncset.done $0x0  }
0x197: {  	[sflag:s14] =	ssyncadd.s32 $0xFFFFC000  }
.LBB2_13:
0x198: {  	s11 =	rddreg [dreg:$0x4]  }
0x199: {  	[tilespmem:s2], [sflag:$0x3] =	stream.linear.gather [hbm4b:s11+s0], $0x1000, $0x38;
	[tilespmem:$0x1E000] =	vst v63  }
0x19a: {  	_ =	swait.ge [sflag:s14], $0x1000  }
0x19b: {  	[sflag:s14] =	ssyncset.done $0x0  }
0x19c: {  	s15 =	rddreg [dreg:$0x5];
	[sflag:s14] =	ssyncadd.s32 $0xFFFFF000  }
0x19d: {  	[tilespmem:s3], [sflag:$0x3] =	stream.linear.gather [hbm4b:s15+s0], $0x1000, $0x38;
	[tilespmem:$0x1E000] =	vst v63  }
0x19e: {  	_ =	swait.ge [sflag:s14], $0x1000  }
0x19f: {  	[sflag:s14] =	ssyncset.done $0x0  }
0x1a0: {  	[sflag:s14] =	ssyncadd.s32 $0xFFFFF000  }
0x1a1: {  	[tilespmem:s31], [sflag:$0x1] =	stream.indirect.gather [hbm4b:s19+s4], $0x80, s2, s4, $0xb8;
	[tilespmem:$0x1E000] =	vst v63  }
0x1a2: {  	s11 =	simm.s32 $0x14080  }
0x1a3: {  	[tilespmem:s5], [sflag:$0x2] =	stream.indirect.gather [hbm4b:s19+s4], $0x80, s11, s4, $0xb8;
	[tilespmem:$0x1E000] =	vst v63  }
0x1a4: {  	_ =	swait.ge [sflag:s6], $0x4000  }
0x1a5: {  	[sflag:s6] =	ssyncset.done $0x0  }
0x1a6: {  	s12 =	simm.s32 $0x15000;
	[sflag:s6] =	ssyncadd.s32 $0xFFFFC000  }
0x1a7: {  	[spmem:s1] =	stream.indirect.scatter.add.f32 [tilespmem:s31], [sflag:$0x3], $0x80, s12, s4, $0xb8;
	[tilespmem:$0x1E000] =	vst v63  }
0x1a8: {  	_ =	swait.ge [sflag:s14], $0x4000  }
0x1a9: {  	[sflag:s14] =	ssyncset.done $0x0  }
0x1aa: {  	s13 =	simm.s32 $0x14100;
	[sflag:s14] =	ssyncadd.s32 $0xFFFFC000  }
0x1ab: {  	[tilespmem:s31], [sflag:$0x1] =	stream.indirect.gather [hbm4b:s19+s4], $0x80, s13, s4, $0xb8;
	[tilespmem:$0x1E000] =	vst v63  }
0x1ac: {  	_ =	swait.ge [sflag:s7], $0x4000  }
0x1ad: {  	[sflag:s7] =	ssyncset.done $0x0  }
0x1ae: {  	s15 =	simm.s32 $0x15080;
	[sflag:s7] =	ssyncadd.s32 $0xFFFFC000  }
0x1af: {  	[spmem:s1] =	stream.indirect.scatter.add.f32 [tilespmem:s5], [sflag:$0x3], $0x80, s15, s4, $0xb8;
	[tilespmem:$0x1E000] =	vst v63  }
0x1b0: {  	_ =	swait.ge [sflag:s14], $0x4000  }
0x1b1: {  	s0 =	simm.s32 $0x800;
	s11 =	simm.s32 $0x100;
	[sflag:s14] =	ssyncset.done $0x0  }
.LBB2_14:
0x1b2: {  	s12 =	sadd.s32 $0x14080, s11  }
0x1b3: {  	[sflag:s14] =	ssyncadd.s32 $0xFFFFC000;
	s13 =	smov.u32 s0;
	s15 =	sadd.s32 $0x400, s0  }
0x1b4: {  	[tilespmem:s5], [sflag:$0x2] =	stream.indirect.gather [hbm4b:s19+s4], $0x80, s12, s4, $0xb8;
	[tilespmem:$0x1E000] =	vst v63  }
0x1b5: {  	p1 =	sne.s32 s0, $0x3800;
	_ =	swait.ge [sflag:s6], $0x4000  }
0x1b6: {  	[sflag:s6] =	ssyncset.done $0x0  }
0x1b7: {  	s0 =	sadd.s32 $0x15000, s11;
	[sflag:s6] =	ssyncadd.s32 $0xFFFFC000  }
0x1b8: {  	[spmem:s1] =	stream.indirect.scatter.add.f32 [tilespmem:s31], [sflag:$0x3], $0x80, s0, s4, $0xb8;
	[tilespmem:$0x1E000] =	vst v63  }
0x1b9: {  	_ =	swait.ge [sflag:s14], $0x4000  }
0x1ba: {  	[sflag:s14] =	ssyncset.done $0x0  }
0x1bb: {  	s0 =	sadd.s32 $0x14100, s11;
	[sflag:s14] =	ssyncadd.s32 $0xFFFFC000  }
0x1bc: {  	[tilespmem:s31], [sflag:$0x1] =	stream.indirect.gather [hbm4b:s19+s4], $0x80, s0, s4, $0xb8;
	[tilespmem:$0x1E000] =	vst v63  }
0x1bd: {  	_ =	swait.ge [sflag:s7], $0x4000  }
.Ltmp9:
0x1be: {  	[sflag:s7] =	ssyncset.done $0x0;
	(pc) =	sbr.rel @p1 .LBB2_14-.Ltmp9, $4  }
0x1bf: {  	s0 =	sadd.s32 $0x15080, s11;
	[sflag:s7] =	ssyncadd.s32 $0xFFFFC000  }
0x1c0: {  	[spmem:s1] =	stream.indirect.scatter.add.f32 [tilespmem:s5], [sflag:$0x3], $0x80, s0, s4, $0xb8;
	[tilespmem:$0x1E000] =	vst v63  }
0x1c1: {  	_ =	swait.ge [sflag:s14], $0x4000  }
0x1c2: {  	s11 =	sshra.s32 s13, $0x2;
	s0 =	smov.u32 s15;
	[sflag:s14] =	ssyncset.done $0x0  }
.Ltmp10:
0x1c3: {  	_ = 	snop;
	(pc) =	sbr.rel .LBB2_15-.Ltmp10, $1  }
0x1c4: {  	_ =	sdelay $0x3  }
.LBB2_17:
0x1c5: {  	_ =	sfence.sel $0x180000  }
0x1c6: {  	[bflag:$0x0] =	sbarrier.arrive $0xFFFF  }
0x1c7: {  	_ =	strace $0x90000050  }
0x1c8: {  	s0 =	stileid.u32;
	[bflag:$0x2] =	sbarrier.arrive $0xFFFF  }
0x1c9: {  	p0 =	sne.s32 s0, $0x0;
	s0 =	rddreg [dreg:$0x3]  }
0x1ca: {  	s0 =	sadd.s32 @!p0 $0x100000, s0  }
0x1cb: {  	[sflag:s0] =	ssyncadd.tile.s32 @!p0 $0x1;
	_ =	shalt  }
.Lfunc_end2:
_tile_overlayer_lowered:
.L_overlay_start_2:
0x1cc: {  	(tag) =	ssettag $0x2  }
0x1cd: {  	s0 =	rddreg [dreg:$0x0];
	s2 =	stileid.u32  }
0x1ce: {  	s1 =	rddreg [dreg:$0x1];
	p0 =	sne.s32 s2, $0x0  }
0x1cf: {  	s3 =	rddreg [dreg:$0x2];
	[bflag:$0x3] =	sbarrier.arrive $0xFFFF;
	s2 =	simm.s32 @!p0 $0x1C03  }
0x1d0: {  	[timem:s3], [sflag:s2] =	dma.local @!p0 [hbm:s0], s1  }
0x1d1: {  	s0 =	simm.s32 @!p0 $0x3  }
0x1d2: {  	_ =	swait.ge @!p0 [sflag:s0], s1  }
0x1d3: {  	s1 =	ssub.s32 @!p0 $0x0, s1;
	[sflag:s0] =	ssyncset.done @!p0 $0x0  }
0x1d4: {  	[sflag:s0] =	ssyncadd.s32 @!p0 s1  }
0x1d5: {  	[bflag:$0x3] =	sbarrier.arrive $0xFFFF  }
0x1d6: {  	_ =	shalt  }

// kernel: kernel.9.cloned.1.call-start
scs
__scs_entry_jumppad:
0x0: {  	(pc) =	sbr.rel $0x88, $3  }
0x1: {  	(tag) =	ssettag $0x0;
	lr =	simm.s32 $0x1  }
0x2: {  	[smem:$0x3F95] =	sst lr;
	_ =	strace $0xD0000000  }
0x3: {  	_ = 	snop  }
0x4: {  	_ = 	snop  }
0x5: {  	_ = 	snop  }
0x6: {  	_ = 	snop  }
0x7: {  	_ = 	snop  }
__scs_overlays_trampoline_lowered:
0x8: {  	[smem:$0x3FA4] =	sst s0  }
0x9: {  	[smem:$0x3FA5] =	sst s1  }
0xa: {  	[smem:$0x3FA6] =	sst s2  }
0xb: {  	[smem:$0x3FA7] =	sst s3  }
0xc: {  	[smem:$0x3FA8] =	sst s4  }
0xd: {  	[smem:$0x3FA9] =	sst s5  }
0xe: {  	[smem:$0x3FAA] =	sst s6  }
0xf: {  	[smem:$0x3FAB] =	sst s7  }
0x10: {  	[smem:$0x3FAC] =	sst s8  }
0x11: {  	[smem:$0x3FAD] =	sst s9;
	s0 =	simm.s32 @!p0 $0x0  }
0x12: {  	s1 =	sld [smem:$0x3F93];
	s0 =	simm.s32 @p0 $0x1  }
0x13: {  	[smem:$0x3FAE] =	sst s0;
	s0 =	simm.s32 @!p1 $0x0  }
0x14: {  	s2 =	sld [smem:$0x3F92];
	s0 =	simm.s32 @p1 $0x1  }
0x15: {  	[smem:$0x3FAF] =	sst s0;
	s0 =	simm.s32 @!p2 $0x0  }
0x16: {  	s3 =	sld [smem:$0x3FDB];
	s0 =	simm.s32 @p2 $0x1  }
0x17: {  	s4 =	simm.s32 $0x1BF5;
	[smem:$0x3FB1] =	sst s0  }
0x18: {  	s0 =	sld [smem:$0x3F94];
	_ =	swait.ge [sflag:s4], $0x0  }
0x19: {  	s7 =	sld [smem:$0x3F95]  }
0x1a: {  	s8 =	sadd.s32 $0xFFFFE003, lr  }
0x1b: {  	s9 =	sadd.s32 $0xFFFFFEF7, lr;
	s5 =	simm.s32 $0xFFFFFFFF;
	p2 =	slt.u32 s8, $0xFFFFF086  }
0x1c: {  	p1 =	slt.u32 s9, $0xF7A;
	s5 =	simm.s32 @!p2 $0x0  }
0x1d: {  	s5 =	simm.s32 @p1 $0x1;
	p0 =	seq.s32 s7, s2  }
0x1e: {  	s7 =	smul.u32 @!p0 $0xF7A, s2;
	p2 =	seq.s32 @!p0 s5, $0x0  }
0x1f: {  	s9 =	smul.u32 $0xF7A, s1;
	s8 =	simm.s32 @!p0 $0x1BF5;
	p2 =	por !p2, p0  }
0x20: {  	[sflag:s8] =	ssyncset.s32 @!p0 $0xFFFFF086;
	s6 =	sadd.s32 @!p0 s3, s7;
	s7 =	simm.s32 @!p0 $0x108  }
0x21: {  	s3 =	sadd.s32 s3, s9;
	s6 =	sadd.s32 @!p0 $0x88, s6;
	s7 =	simm.s32 @p2 $0x1082  }
0x22: {  	[simem:s7], [sflag:s8] =	dma.local @!p0 [hbm:s6], $0xF7A  }
0x23: {  	s9 =	sor.u32 $0xD0000000, s2;
	s6 =	simm.s32 $0x108;
	_ =	swait.ge @!p0 [sflag:s8], $0x0  }
0x24: {  	s3 =	sadd.s32 $0x88, s3;
	s6 =	simm.s32 @!p1 $0x1082;
	[sflag:s4] =	ssyncset.s32 $0xFFFFF086  }
0x25: {  	[simem:s6], [sflag:s4] =	dma.local [hbm:s3], $0xF7A  }
0x26: {  	[smem:$0x3F95] =	sst s1;
	(tag) =	ssettag s2;
	_ =	strace s9  }
0x27: {  	s1 =	sld [smem:$0x3FA5]  }
0x28: {  	s2 =	sld [smem:$0x3FA6]  }
0x29: {  	s4 =	sld [smem:$0x3FA8]  }
0x2a: {  	p0 =	seq.s32 s5, $0x0;
	s5 =	sld [smem:$0x3FA9]  }
0x2b: {  	s6 =	sld [smem:$0x3FAA]  }
0x2c: {  	s7 =	sld [smem:$0x3FAB]  }
0x2d: {  	s3 =	simm.s32 $0x108;
	s8 =	sld [smem:$0x3FAC]  }
0x2e: {  	s3 =	simm.s32 @!p0 $0x1082;
	s9 =	sld [smem:$0x3FAD]  }
0x2f: {  	lr =	sadd.s32 s0, s3;
	s0 =	sld [smem:$0x3FA4]  }
0x30: {  	s3 =	sld [smem:$0x3FA7]  }
0x31: {  	[smem:$0x3FB0] =	sst s10  }
0x32: {  	s10 =	sld [smem:$0x3FAE];
	_ =	sdelay $0x3  }
0x33: {  	p0 =	seq.s32 s10, $0x1;
	s10 =	sld [smem:$0x3FB0];
	_ =	sdelay $0x3  }
0x34: {  	[smem:$0x3FB0] =	sst s10  }
0x35: {  	s10 =	sld [smem:$0x3FAF];
	_ =	sdelay $0x3  }
0x36: {  	p1 =	seq.s32 s10, $0x1;
	s10 =	sld [smem:$0x3FB0];
	_ =	sdelay $0x3  }
0x37: {  	[smem:$0x3FB0] =	sst s10  }
0x38: {  	s10 =	sld [smem:$0x3FB1]  }
0x39: {  	_ = 	snop;
	(pc) =	sbr.ind lr, $3  }
0x3a: {  	_ = 	snop  }
0x3b: {  	_ = 	snop  }
0x3c: {  	p2 =	seq.s32 s10, $0x1;
	s10 =	sld [smem:$0x3FB0]  }
0x3d: {  	_ =	shalt  }
0x3e: {  	_ =	shalt  }
0x3f: {  	_ =	shalt  }
0x40: {  	_ =	shalt  }
0x41: {  	_ =	shalt  }
0x42: {  	_ =	shalt  }
0x43: {  	_ =	shalt  }
0x44: {  	_ =	shalt  }
0x45: {  	_ =	shalt  }
0x46: {  	_ =	shalt  }
0x47: {  	_ =	shalt  }
0x48: {  	_ =	shalt  }
0x49: {  	_ =	shalt  }
0x4a: {  	_ =	shalt  }
0x4b: {  	_ =	shalt  }
0x4c: {  	_ =	shalt  }
0x4d: {  	_ =	shalt  }
0x4e: {  	_ =	shalt  }
0x4f: {  	_ =	shalt  }
0x50: {  	_ =	shalt  }
0x51: {  	_ =	shalt  }
0x52: {  	_ =	shalt  }
0x53: {  	_ =	shalt  }
0x54: {  	_ =	shalt  }
0x55: {  	_ =	shalt  }
0x56: {  	_ =	shalt  }
0x57: {  	_ =	shalt  }
0x58: {  	_ =	shalt  }
0x59: {  	_ =	shalt  }
0x5a: {  	_ =	shalt  }
0x5b: {  	_ =	shalt  }
0x5c: {  	_ =	shalt  }
0x5d: {  	_ =	shalt  }
0x5e: {  	_ =	shalt  }
0x5f: {  	_ =	shalt  }
0x60: {  	_ =	shalt  }
0x61: {  	_ =	shalt  }
0x62: {  	_ =	shalt  }
0x63: {  	_ =	shalt  }
0x64: {  	_ =	shalt  }
0x65: {  	_ =	shalt  }
0x66: {  	_ =	shalt  }
0x67: {  	_ =	shalt  }
0x68: {  	_ =	shalt  }
0x69: {  	_ =	shalt  }
0x6a: {  	_ =	shalt  }
0x6b: {  	_ =	shalt  }
0x6c: {  	_ =	shalt  }
0x6d: {  	_ =	shalt  }
0x6e: {  	_ =	shalt  }
0x6f: {  	_ =	shalt  }
0x70: {  	_ =	shalt  }
0x71: {  	_ =	shalt  }
0x72: {  	_ =	shalt  }
0x73: {  	_ =	shalt  }
0x74: {  	_ =	shalt  }
0x75: {  	_ =	shalt  }
0x76: {  	_ =	shalt  }
0x77: {  	_ =	shalt  }
0x78: {  	_ =	shalt  }
0x79: {  	_ =	shalt  }
0x7a: {  	_ =	shalt  }
0x7b: {  	_ =	shalt  }
0x7c: {  	_ =	shalt  }
0x7d: {  	_ =	shalt  }
0x7e: {  	_ =	shalt  }
0x7f: {  	_ =	shalt  }
0x80: {  	_ =	shalt  }
0x81: {  	_ =	shalt  }
0x82: {  	_ =	shalt  }
0x83: {  	_ =	shalt  }
0x84: {  	_ =	shalt  }
0x85: {  	_ =	shalt  }
0x86: {  	_ =	shalt  }
0x87: {  	_ =	shalt  }
.Lfunc_end0:
.L_simem_size_0:
called_computation_lowered:
.L_overlay_start_0:
0x88: {  	s2 =	sld [smem:$0x3FD9]  }
0x89: {  	s3 =	sld [smem:$0x3FFE];
	_ =	sdelay $0x1  }
0x8a: {  	s1 =	srdreg.scid  }
0x8b: {  	s0 =	sand.u32 $0x1, s1  }
0x8c: {  	s17 =	sshll.u32 s0, $0xA;
	s2 =	sadd.s32 s3, s2  }
0x8d: {  	s2 =	sadd.s32 s2, s17  }
0x8e: {  	[smem:$0x3FBC] =	sst s2  }
0x8f: {  	_ = 	snop  }
0x90: {  	s2 =	sld [smem:$0x3FC7];
	(tm) =	ssettm $0x1  }
0x91: {  	s18 =	sld [smem:$0x3FFB];
	_ =	sdelay $0x3  }
0x92: {  	_ =	strace s18  }
0x93: {  	s3 =	sld [smem:$0x3FFC];
	_ =	sdelay $0x3  }
0x94: {  	_ =	strace s3  }
0x95: {  	s3 =	sld [smem:$0x3FFD];
	_ =	sdelay $0x3  }
0x96: {  	_ =	strace s3  }
0x97: {  	_ =	strace $0x8FFFFFFF  }
0x98: {  	s19 =	sld [smem:$0x3FDB];
	_ =	sdelay $0x1  }
0x99: {  	s4 =	simm.s32 $_scs_section_size  }
0x9a: {  	s5 =	simm.s32 $_size__tile_overlayer_lowered;
	s6 =	simm.s32 $_tile_overlayer_lowered  }
0x9b: {  	s22 =	simm.s32 $0x1BFF;
	s21 =	sshll.u32 s6, $0x1;
	s3 =	sadd.s32 s4, s19  }
0x9c: {  	s7 =	simm.s32 $0x0;
	s20 =	sshll.u32 s5, $0x1;
	s5 =	sadd.s32 s21, s3  }
0x9d: {  	[timem:s7], [sflag:s22] =	dma.local [hbm:s5], s20  }
0x9e: {  	_ =	swait.ge [sflag:s22], s20  }
0x9f: {  	s4 =	ssub.s32 $0x0, s20;
	[sflag:s22] =	ssyncset.done $0x0  }
0xa0: {  	[sflag:s22] =	ssyncadd.s32 s4;
	_ =	sdelay $0x1  }
0xa1: {  	s23 =	simm.s32 $0x1B8B  }
0xa2: {  	_ =	swait.ge [sflag:s23], $0x1  }
0xa3: {  	[sflag:s23] =	ssyncset.done $0x0  }
0xa4: {  	s25 =	simm.s32 $0x1B8E;
	s24 =	sld [smem:$0x3FFE];
	[sflag:s23] =	ssyncadd.s32 $0xFFFFFFFF  }
0xa5: {  	s26 =	simm.s32 $execute0_lowered;
	[smem:$0x3FD2] =	sst s25  }
0xa6: {  	s5 =	sshll.u32 s26, $0x1;
	_ =	strace $0x80000046;
	[dreg:$0x1] =	wrdreg $0xFFFFFFFF  }
0xa7: {  	s28 =	simm.s32 $_size_execute0_lowered;
	s3 =	sadd.s32 s3, s5;
	[dreg:$0x0] =	wrdreg $0x0  }
0xa8: {  	s5 =	sshll.u32 s28, $0x1;
	[dreg:$0x2] =	wrdreg s3  }
0xa9: {  	[dreg:$0x3] =	wrdreg s5  }
0xaa: {  	[dreg:$0x4] =	wrdreg $0xC0  }
0xab: {  	_ =	task [dreg:s7], $0x5FFFF  }
0xac: {  	[dreg:$0x1] =	wrdreg $0xFFFFFFFF  }
0xad: {  	[dreg:$0x0] =	wrdreg $0x60  }
0xae: {  	[dreg:$0x2] =	wrdreg s2  }
0xaf: {  	[dreg:$0x3] =	wrdreg s24  }
0xb0: {  	[dreg:$0x4] =	wrdreg $0x9  }
0xb1: {  	_ =	task.clear_ibuf [dreg:s7], $0x5FFFF;
	_ =	strace $0x90000046  }
0xb2: {  	s29 =	simm.s32 $0x9;
	_ =	strace $0x80000048  }
0xb3: {  	_ =	swait.ge [sflag:s29], $0x1  }
0xb4: {  	[sflag:s29] =	ssyncadd.s32 $0xFFFFFFFF  }
0xb5: {  	_ =	strace $0x90000048  }
0xb6: {  	_ =	sfence  }
0xb7: {  	s30 =	sld [smem:$0x0];
	_ =	sdelay $0x2  }
0xb8: {  	s31 =	sshll.u32 s1, $0xD;
	s1 =	sshrl.u32 s1, $0x2  }
0xb9: {  	s3 =	sand.u32 $0x4000, s31;
	s1 =	sadd.s32 s1, s30  }
0xba: {  	s0 =	sor.u32 s3, s0;
	s1 =	sshll.u32 s1, $0x11  }
0xbb: {  	s0 =	sor.u32 s1, s0  }
0xbc: {  	s0 =	sadd.s32 $0x8F2B, s0  }
0xbd: {  	[sflag:s0] =	ssyncadd.remote.s32 $0x1  }
0xbe: {  	_ =	sfence.sel $0xFFFF  }
0xbf: {  	[dreg:$0x0] =	wrdreg $0xFFFFFFFF;
	(pc) =	sbr.abs _section_cstart, $3  }
0xc0: {  	[dreg:$0x1] =	wrdreg $0xFFFFFFFF  }
0xc1: {  	_ =	task.clear_ibuf [dreg:s7], $0x2FFFF;
	_ =	strace $0x9FFFFFFF  }
0xc2: {  	(tm) =	ssettm $0x7FFFFFFF  }
0xc3: {  	_ =	shalt  }
tec
execute0_lowered:
.L_overlay_start_1:
0x0: {  	(tag) =	ssettag $0x1  }
0x1: {  	s2 =	rddreg [dreg:$0x0]  }
0x2: {  	s0 =	srdreg.scid;
	s5 =	rddreg [dreg:$0x1]  }
0x3: {  	s3 =	simm.s32 $0x0;
	s13 =	simm.s32 $0x2800;
	s14 =	simm.s32 $0x2  }
0x4: {  	s15 =	simm.s32 $0x40;
	s16 =	simm.s32 $0x2980;
	s17 =	simm.s32 $0x1  }
0x5: {  	s18 =	simm.s32 $0x2840;
	s19 =	simm.s32 $0x2880;
	s20 =	simm.s32 $0x28C0  }
0x6: {  	s21 =	simm.s32 $0x2900;
	s22 =	simm.s32 $0x4980;
	s23 =	simm.s32 $0x80  }
0x7: {  	s24 =	simm.s32 $0x400;
	s25 =	simm.s32 $0x0;
	s4 =	sand.u32 $0x1, s0  }
0x8: {  	s0 =	stileid.u32;
	s1 =	sshll.u32 s4, $0x4;
	s8 =	smul.u32 $0x5000, s4  }
0x9: {  	[smem:$0x7FF] =	sst s3;
	s9 =	smul.u32 $0x500, s0;
	s6 =	sor.u32 s0, s1  }
0xa: {  	s11 =	sshll.u32 s0, $0x7;
	s4 =	ssub.s32 $0x2, s4;
	s7 =	smul.u32 $0x28, s6  }
0xb: {  	s1 =	rddreg [dreg:$0x2];
	s10 =	sshrl.u32 s6, $0x3;
	s6 =	smul.u32 $0x1400, s6  }
0xc: {  	_ =	strace $0x80000047;
	s8 =	sadd.s32 s9, s8;
	s10 =	smul.u32 $0x14000, s10  }
0xd: {  	s29 =	sand.u32 $0x380, s11;
	s31 =	sshrl.u32 s4, $0x1;
	s8 =	sadd.s32 s8, s5  }
0xe: {  	s7 =	sadd.s32 s7, s5;
	s12 =	sadd.s32 s6, s5;
	s9 =	sor.u32 s29, s10  }
0xf: {  	s10 =	sadd.s32 $0xE800, s12;
	s11 =	sadd.s32 $0xEC00, s12;
	s30 =	sshrl.u32 s9, $0x3  }
0x10: {  	s9 =	ssub.s32 s4, s31;
	s4 =	sadd.s32 $0xDA00, s7;
	s6 =	sadd.s32 s30, s5  }
0x11: {  	s5 =	sadd.s32 $0x3A00, s8;
	s7 =	smax.u32 s9, $0x1;
	s8 =	sadd.s32 $0xE000, s12  }
0x12: {  	v0 =	vimm.f32 $0.0e+00;
	v1 =	vimm.f32 $1.000000000e+00;
	s9 =	sadd.s32 $0xE400, s12;
	s12 =	sadd.s32 $0xF000, s12;
	s6 =	sadd.s32 $0x36000, s6  }
.LBB2_1:
0x13: {  	s26 =	simm.s32 $0x40;
	s28 =	simm.s32 $0x0  }
.LBB2_2:
0x14: {  	p0 =	sne.s32 s26, $0x9FC0;
	[tilespmem:s28+$0x0] =	vst v0;
	s28 =	smov.u32 s26;
	s26 =	sadd.s32 $0x40, s26  }
.Ltmp0:
0x15: {  	(pc) =	sbr.rel @p0 .LBB2_2-.Ltmp0, $2  }
0x16: {  	_ =	sdelay $0x2  }
0x17: {  	s28 =	sshra.s32 s28, $0x2  }
0x18: {  	[tilespmem:s28+$0x0] =	vst v0;
	s26 =	simm.s32 $0x0  }
0x19: {  	[tilespmem:s13], [sflag:$0x2] =	stream.linear.gather [hbm4b:s4+s26], $0x140, $0x38;
	[tilespmem:$0x7180] =	vst v63  }
0x1a: {  	_ =	swait.ge [sflag:s14], $0x140  }
0x1b: {  	[sflag:s14] =	ssyncset.done $0x0  }
0x1c: {  	[sflag:s14] =	ssyncadd.s32 $0xFFFFFEC0  }
0x1d: {  	[tilespmem:s16], [sflag:$0x1] =	stream.indirect.gather [hbm4b:s2+s15], $0x80, s13, s15, $0xb8;
	[tilespmem:$0x7180] =	vst v63  }
0x1e: {  	_ =	swait.ge [sflag:s17], $0x2000  }
0x1f: {  	[sflag:s17] =	ssyncset.done $0x0  }
0x20: {  	[sflag:s17] =	ssyncadd.s32 $0xFFFFE000  }
0x21: {  	[hbm4b:s8+s26] =	stream.linear.scatter [tilespmem:s16], [sflag:$0x2], $0x2000, $0x38;
	[tilespmem:$0x7180] =	vst v63  }
0x22: {  	_ =	swait.ge [sflag:s14], $0x2000  }
0x23: {  	[sflag:s14] =	ssyncset.done $0x0  }
0x24: {  	[sflag:s14] =	ssyncadd.s32 $0xFFFFE000  }
0x25: {  	[tilespmem:s16], [sflag:$0x1] =	stream.indirect.gather [hbm4b:s2+s15], $0x80, s18, s15, $0xb8;
	[tilespmem:$0x7180] =	vst v63  }
0x26: {  	_ =	swait.ge [sflag:s17], $0x2000  }
0x27: {  	[sflag:s17] =	ssyncset.done $0x0  }
0x28: {  	[sflag:s17] =	ssyncadd.s32 $0xFFFFE000  }
0x29: {  	[hbm4b:s9+s26] =	stream.linear.scatter [tilespmem:s16], [sflag:$0x2], $0x2000, $0x38;
	[tilespmem:$0x7180] =	vst v63  }
0x2a: {  	_ =	swait.ge [sflag:s14], $0x2000  }
0x2b: {  	[sflag:s14] =	ssyncset.done $0x0  }
0x2c: {  	[sflag:s14] =	ssyncadd.s32 $0xFFFFE000  }
0x2d: {  	[tilespmem:s16], [sflag:$0x1] =	stream.indirect.gather [hbm4b:s2+s15], $0x80, s19, s15, $0xb8;
	[tilespmem:$0x7180] =	vst v63  }
0x2e: {  	_ =	swait.ge [sflag:s17], $0x2000  }
0x2f: {  	[sflag:s17] =	ssyncset.done $0x0  }
0x30: {  	[sflag:s17] =	ssyncadd.s32 $0xFFFFE000  }
0x31: {  	[hbm4b:s10+s26] =	stream.linear.scatter [tilespmem:s16], [sflag:$0x2], $0x2000, $0x38;
	[tilespmem:$0x7180] =	vst v63  }
0x32: {  	_ =	swait.ge [sflag:s14], $0x2000  }
0x33: {  	[sflag:s14] =	ssyncset.done $0x0  }
0x34: {  	[sflag:s14] =	ssyncadd.s32 $0xFFFFE000  }
0x35: {  	[tilespmem:s16], [sflag:$0x1] =	stream.indirect.gather [hbm4b:s2+s15], $0x80, s20, s15, $0xb8;
	[tilespmem:$0x7180] =	vst v63  }
0x36: {  	_ =	swait.ge [sflag:s17], $0x2000  }
0x37: {  	[sflag:s17] =	ssyncset.done $0x0  }
0x38: {  	[sflag:s17] =	ssyncadd.s32 $0xFFFFE000  }
0x39: {  	[hbm4b:s11+s26] =	stream.linear.scatter [tilespmem:s16], [sflag:$0x2], $0x2000, $0x38;
	[tilespmem:$0x7180] =	vst v63  }
0x3a: {  	_ =	swait.ge [sflag:s14], $0x2000  }
0x3b: {  	[sflag:s14] =	ssyncset.done $0x0  }
0x3c: {  	[sflag:s14] =	ssyncadd.s32 $0xFFFFE000  }
0x3d: {  	[tilespmem:s16], [sflag:$0x1] =	stream.indirect.gather [hbm4b:s2+s15], $0x80, s21, s15, $0xb8;
	[tilespmem:$0x7180] =	vst v63  }
0x3e: {  	_ =	swait.ge [sflag:s17], $0x2000  }
0x3f: {  	[sflag:s17] =	ssyncset.done $0x0  }
0x40: {  	[sflag:s17] =	ssyncadd.s32 $0xFFFFE000  }
0x41: {  	[hbm4b:s12+s26] =	stream.linear.scatter [tilespmem:s16], [sflag:$0x2], $0x2000, $0x38;
	[tilespmem:$0x7180] =	vst v63  }
0x42: {  	_ =	swait.ge [sflag:s14], $0x2000  }
0x43: {  	[sflag:s14] =	ssyncset.done $0x0  }
0x44: {  	[sflag:s14] =	ssyncadd.s32 $0xFFFFE000  }
0x45: {  	[tilespmem:s22], [sflag:$0x2] =	stream.linear.gather [hbm4b:s5+s26], $0x2800, $0x38;
	[tilespmem:$0x7180] =	vst v63  }
0x46: {  	_ =	swait.ge [sflag:s14], $0x2800  }
0x47: {  	[sflag:s14] =	ssyncset.done $0x0  }
0x48: {  	[sflag:s14] =	ssyncadd.s32 $0xFFFFD800  }
.LBB2_4:
0x49: {  	s28 =	sshra.s32 s26, $0x2  }
0x4a: {  	v2 =	vld [tilespmem:s28+$0x4980];
	_ =	sdelay $0x7  }
0x4b: {  	[tilespmem:v2+s3+$0x0] =	vst.idx.add.f32.msk $0xffff, v1  }
0x4c: {  	v2 =	vld [tilespmem:s28+$0x4990];
	_ =	sdelay $0x7  }
0x4d: {  	[tilespmem:v2+s3+$0x0] =	vst.idx.add.f32.msk $0xffff, v1  }
0x4e: {  	v2 =	vld [tilespmem:s28+$0x49A0];
	_ =	sdelay $0x7  }
0x4f: {  	[tilespmem:v2+s3+$0x0] =	vst.idx.add.f32.msk $0xffff, v1  }
0x50: {  	v2 =	vld [tilespmem:s28+$0x49B0];
	_ =	sdelay $0x7  }
0x51: {  	[tilespmem:v2+s3+$0x0] =	vst.idx.add.f32.msk $0xffff, v1  }
0x52: {  	v2 =	vld [tilespmem:s28+$0x49C0];
	_ =	sdelay $0x7  }
0x53: {  	[tilespmem:v2+s3+$0x0] =	vst.idx.add.f32.msk $0xffff, v1  }
0x54: {  	v2 =	vld [tilespmem:s28+$0x49D0];
	_ =	sdelay $0x7  }
0x55: {  	[tilespmem:v2+s3+$0x0] =	vst.idx.add.f32.msk $0xffff, v1  }
0x56: {  	v2 =	vld [tilespmem:s28+$0x49E0];
	_ =	sdelay $0x7  }
0x57: {  	[tilespmem:v2+s3+$0x0] =	vst.idx.add.f32.msk $0xffff, v1  }
0x58: {  	v2 =	vld [tilespmem:s28+$0x49F0];
	_ =	sdelay $0x2  }
0x59: {  	p0 =	sne.s32 s26, $0x9E00  }
.Ltmp1:
0x5a: {  	_ = 	snop;
	(pc) =	sbr.rel @p0 .LBB2_4-.Ltmp1, $2  }
0x5b: {  	_ =	sdelay $0x2  }
0x5c: {  	s26 =	sadd.s32 $0x200, s26;
	[tilespmem:v2+s3+$0x0] =	vst.idx.add.f32.msk $0xffff, v1  }
0x5d: {  	s25 =	sadd.s32 $0x1, s25  }
0x5e: {  	p0 =	sne.s32 s25, s7  }
.Ltmp2:
0x5f: {  	_ = 	snop;
	(pc) =	sbr.rel @p0 .LBB2_1-.Ltmp2, $4  }
0x60: {  	[hbm4b:s6+s23] =	stream.strided.scatter [tilespmem:s3], [sflag:$0x2], $0x2800, s24, s23, $0x38;
	[tilespmem:$0x7180] =	vst v63  }
0x61: {  	_ =	swait.ge [sflag:s14], $0x2800  }
0x62: {  	[sflag:s14] =	ssyncset.done $0x0  }
0x63: {  	[sflag:s14] =	ssyncadd.s32 $0xFFFFD800  }
0x64: {  	_ =	sfence.sel $0x180000  }
0x65: {  	[bflag:$0x0] =	sbarrier.arrive $0xFFFF  }
0x66: {  	p0 =	sne.s32 s0, $0x0;
	_ =	strace $0x90000047  }
0x67: {  	s0 =	sadd.s32 @!p0 $0x100000, s1;
	[bflag:$0x2] =	sbarrier.arrive $0xFFFF  }
0x68: {  	[sflag:s0] =	ssyncadd.tile.s32 @!p0 $0x1;
	_ =	shalt  }
.Lfunc_end2:
_tile_overlayer_lowered:
.L_overlay_start_2:
0x69: {  	(tag) =	ssettag $0x2  }
0x6a: {  	s0 =	rddreg [dreg:$0x0];
	s2 =	stileid.u32  }
0x6b: {  	s1 =	rddreg [dreg:$0x1];
	p0 =	sne.s32 s2, $0x0  }
0x6c: {  	s3 =	rddreg [dreg:$0x2];
	[bflag:$0x3] =	sbarrier.arrive $0xFFFF;
	s2 =	simm.s32 @!p0 $0x1C02  }
0x6d: {  	[timem:s3], [sflag:s2] =	dma.local @!p0 [hbm:s0], s1  }
0x6e: {  	s0 =	simm.s32 @!p0 $0x2  }
0x6f: {  	_ =	swait.ge @!p0 [sflag:s0], s1  }
0x70: {  	s1 =	ssub.s32 @!p0 $0x0, s1;
	[sflag:s0] =	ssyncset.done @!p0 $0x0  }
0x71: {  	[sflag:s0] =	ssyncadd.s32 @!p0 s1  }
0x72: {  	[bflag:$0x3] =	sbarrier.arrive $0xFFFF  }
0x73: {  	_ =	shalt  }

</sc_bundles>
